<compile_context>
chip_gen: v7x
topology: tpu7x:2x2x1
jax: 0.10.2.dev20260603
libtpu: 0.0.44.dev20260713+nightly
codegen_flags: <defaults>
</compile_context>

<pallas_src>
import functools

import numpy as np
import jax
import jax.numpy as jnp
from jax import lax
from jax.experimental import pallas as pl
from jax.experimental.pallas import tpu as pltpu
from jax.experimental.pallas import tpu_sc as plsc

B = 16384
N_COL = 26
VOCAB = 100000
D = 64
ROWS = N_COL * D

HALF = N_COL // 2

NC = 2
NS = 16
L = 16
NW = NC * NS
D_PER_W = D // NW

OCHUNK = 4096
NCH = B // OCHUNK
UNROLL = 16
G_PER_CH = OCHUNK // (UNROLL * L)


def _make_pe(max_len, d):
    position = np.arange(max_len, dtype=np.float64)[:, None]
    div_term = np.exp(np.arange(0, d, 2, dtype=np.float64) * (-np.log(10000.0) / d))
    pe = np.zeros((max_len, d), dtype=np.float32)
    pe[:, 0::2] = np.sin(position * div_term).astype(np.float32)
    pe[:, 1::2] = np.cos(position * div_term).astype(np.float32)
    return pe


_PE26 = _make_pe(N_COL, D)

_MESH = plsc.VectorSubcoreMesh(core_axis_name="c", subcore_axis_name="s")


def _make_sc(c0, ncols):
    @functools.partial(
        pl.kernel,
        mesh=_MESH,
        out_type=jax.ShapeDtypeStruct((ncols * D, B), jnp.float32),
        scratch_types=[
            pltpu.VMEM((B,), jnp.int32),
            pltpu.VMEM((VOCAB,), jnp.float32),
            pltpu.VMEM((OCHUNK,), jnp.float32),
            pltpu.VMEM((OCHUNK,), jnp.float32),
            pltpu.SemaphoreType.DMA,
            pltpu.SemaphoreType.DMA,
            pltpu.SemaphoreType.DMA,
        ],
        compiler_params=pltpu.CompilerParams(needs_layout_passes=False),
    )
    def _sc_gather(idx_hbm, tab_hbm, out_hbm, idx_v, vocab_v, ob0, ob1,
                   sv, so0, so1):
        wid = lax.axis_index("s") * NC + lax.axis_index("c")
        ob = [ob0, ob1]
        so = [so0, so1]
        woff = wid * D_PER_W

        pltpu.async_copy(ob0, out_hbm.at[woff, pl.ds(0, OCHUNK)], so0)
        pltpu.async_copy(ob1, out_hbm.at[woff, pl.ds(OCHUNK, OCHUNK)], so1)
        pltpu.async_copy(tab_hbm.at[c0 * D + woff], vocab_v, sv)

        def column(ci, carry):
            c = c0 + ci
            pltpu.sync_copy(idx_hbm.at[c], idx_v)
            ci_n = jnp.minimum(ci + 1, ncols - 1)

            for rb in range(D_PER_W):
                grow = c * D + woff + rb
                lrow = ci * D + woff + rb
                pltpu.make_async_copy(tab_hbm.at[grow], vocab_v, sv).wait()
                for j in range(NCH):
                    cb = j % 2
                    base = j * OCHUNK
                    pltpu.make_async_copy(
                        ob[cb], out_hbm.at[lrow, pl.ds(base, OCHUNK)], so[cb]
                    ).wait()

                    def chunk_body(gg, carry2, cb=cb, base=base):
                        offs = [gg * (UNROLL * L) + u * L for u in range(UNROLL)]
                        ivs = [idx_v[pl.ds(base + o, L)] for o in offs]
                        vals = [plsc.load_gather(vocab_v, [iv]) for iv in ivs]
                        for o, v in zip(offs, vals):
                            ob[cb][pl.ds(o, L)] = v
                        return carry2

                    lax.fori_loop(0, G_PER_CH, chunk_body, 0)
                    pltpu.async_copy(
                        ob[cb], out_hbm.at[lrow, pl.ds(base, OCHUNK)], so[cb]
                    )
                ngrow = grow + 1 if rb < D_PER_W - 1 else (c0 + ci_n) * D + woff
                pltpu.async_copy(tab_hbm.at[ngrow], vocab_v, sv)
            return carry

        lax.fori_loop(0, ncols, column, 0)

        pltpu.make_async_copy(tab_hbm.at[0], vocab_v, sv).wait()
        pltpu.make_async_copy(ob0, out_hbm.at[0, pl.ds(0, OCHUNK)], so0).wait()
        pltpu.make_async_copy(ob1, out_hbm.at[0, pl.ds(0, OCHUNK)], so1).wait()

    return _sc_gather


_SC_A = _make_sc(0, HALF)
_SC_B = _make_sc(HALF, N_COL - HALF)


BC = 16384
NBC = B // BC


def _tc_body_first(emb_ref, w_ref, add_ref, out_ref):
    h = jnp.maximum(emb_ref[0], 0.0)
    out_ref[0] = (
        jnp.dot(w_ref[...], h, preferred_element_type=jnp.float32) + add_ref[0]
    )


def _tc_body_second(emb_ref, w_ref, add_ref, prev_ref, out_ref):
    del prev_ref
    h = jnp.maximum(emb_ref[0], 0.0)
    out_ref[0] = (
        jnp.dot(w_ref[...], h, preferred_element_type=jnp.float32) + add_ref[0]
    )


def _tc_dense_first(emb_half, w, add_half):
    return pl.pallas_call(
        _tc_body_first,
        grid=(HALF, NBC),
        in_specs=[
            pl.BlockSpec((1, D, BC), lambda c, j: (c, 0, j)),
            pl.BlockSpec((D, D), lambda c, j: (0, 0)),
            pl.BlockSpec((1, D, 1), lambda c, j: (c, 0, 0)),
        ],
        out_specs=pl.BlockSpec((1, D, BC), lambda c, j: (c, 0, j)),
        out_shape=jax.ShapeDtypeStruct((N_COL, D, B), jnp.float32),
    )(emb_half, w, add_half)


def _tc_dense_second(emb_half, w, add_half, prev):
    return pl.pallas_call(
        _tc_body_second,
        grid=(N_COL - HALF, NBC),
        in_specs=[
            pl.BlockSpec((1, D, BC), lambda c, j: (c, 0, j)),
            pl.BlockSpec((D, D), lambda c, j: (0, 0)),
            pl.BlockSpec((1, D, 1), lambda c, j: (c, 0, 0)),
            pl.BlockSpec(memory_space=pl.ANY),
        ],
        out_specs=pl.BlockSpec((1, D, BC), lambda c, j: (c + HALF, 0, j)),
        out_shape=jax.ShapeDtypeStruct((N_COL, D, B), jnp.float32),
        input_output_aliases={3: 0},
    )(emb_half, w, add_half, prev)


def kernel(x, tables, W, b):
    idx_t = x.T.astype(jnp.int32)
    tab_t = tables.transpose(0, 2, 1).reshape(ROWS, VOCAB)
    add3 = (jnp.asarray(_PE26) + b[None, :])[:, :, None]

    emb_a = _SC_A(idx_t, tab_t)
    emb_b = _SC_B(idx_t, tab_t)
    out1 = _tc_dense_first(
        emb_a.reshape(HALF, D, B), W, add3[:HALF]
    )
    out2 = _tc_dense_second(
        emb_b.reshape(N_COL - HALF, D, B), W, add3[HALF:], out1
    )
    return out2.transpose(2, 0, 1)

# --- scband reference (transcript-rebuilt; emitter-appended) ---
"""Pipeline reference for scband-discriminator-embeddings-81509889343851 (READ-ONLY COPY).

The authoritative reference and input builder live on the scoring server;
editing this copy changes nothing except your own understanding.
"""

import jax, jax.numpy as jnp
import numpy as np

B = 16384
N_COL = 26
VOCAB = 100000
D = 64
MAX_WIN = 1000


def make_pe(max_len, d):
    position = np.arange(max_len, dtype=np.float64)[:, None]
    div_term = np.exp(np.arange(0, d, 2, dtype=np.float64) * (-np.log(10000.0) / d))
    pe = np.zeros((max_len, d), dtype=np.float32)
    pe[:, 0::2] = np.sin(position * div_term).astype(np.float32)
    pe[:, 1::2] = np.cos(position * div_term).astype(np.float32)
    return jnp.asarray(pe)


def setup_inputs(seed: int = 0) -> dict:
    key = jax.random.key(seed)
    k1, k2, k3 = jax.random.split(key, 3)
    # x holds integer category ids stored as float32 (the torch module casts .long())
    x = jax.random.randint(k1, (B, N_COL), 0, VOCAB).astype(jnp.float32)
    # 26 embedding tables stacked: [n_col, vocab, d], nn.Embedding default init N(0,1)
    tables = jax.random.normal(k2, (N_COL, VOCAB, D), dtype=jnp.float32)
    # nn.Linear(output_dim, output_dim)
    bound = 1.0 / np.sqrt(D)
    kW, kb = jax.random.split(k3)
    W = jax.random.uniform(kW, (D, D), minval=-bound, maxval=bound, dtype=jnp.float32)
    b = jax.random.uniform(kb, (D,), minval=-bound, maxval=bound, dtype=jnp.float32)
    return {"x": x, "tables": tables, "W": W, "b": b}


def reference(x, tables, W, b):
    # Per-column embedding lookup. x[:, s:e].long() with output_dimensions=1 -> width-1 slice,
    # so em_output is [B, 1, D]; concatenation over columns gives [B, n_col, D].
    idx = x.astype(jnp.int32)  # [B, n_col]
    col_ids = jnp.arange(N_COL, dtype=jnp.int32)[None, :]  # [1, n_col]
    emb = tables[col_ids, idx]  # gather -> [B, n_col, D]
    # linear(relu(outputs)); torch Linear: h @ W.T + b
    h = jnp.maximum(emb, 0.0)
    out = jnp.einsum('bnd,ed->bne', h, W) + b
    # positional encoding add; dropout p=0.0 -> identity
    pe = make_pe(MAX_WIN, D)
    out = out + pe[None, :out.shape[1], :]
    return out

if __name__ == "__main__":
    import jax
    _d = setup_inputs()
    print(jax.jit(kernel)(*tuple(_d.values())))

</pallas_src>

<mosaic_0001>
#map = affine_map<(d0, d1) -> (0, 0)>
module attributes {stable_mosaic.version = 14 : i64} {
  func.func @_sc_gather(%arg0: i32, %arg1: i32, %arg2: memref<26x16384xi32, #tpu.memory_space<hbm>>, %arg3: memref<1664x100000xf32, #tpu.memory_space<hbm>>, %arg4: memref<832x16384xf32, #tpu.memory_space<hbm>>, %arg5: memref<16384xi32, #tpu.memory_space<vmem>>, %arg6: memref<100000xf32, #tpu.memory_space<vmem>>, %arg7: memref<4096xf32, #tpu.memory_space<vmem>>, %arg8: memref<4096xf32, #tpu.memory_space<vmem>>, %arg9: memref<!tpu.dma_semaphore, #tpu.memory_space<semaphore_mem>>, %arg10: memref<!tpu.dma_semaphore, #tpu.memory_space<semaphore_mem>>, %arg11: memref<!tpu.dma_semaphore, #tpu.memory_space<semaphore_mem>>) attributes {dimension_semantics = [#tpu.dimension_semantics<core_parallel>, #tpu.dimension_semantics<subcore_parallel>], iteration_bounds = array<i64: 2, 16>, scalar_prefetch = 0 : i64, scratch_operands = 7 : i64, tpu.core_type = #tpu.core_type<sc_vector_subcore>, window_params = [{transform_indices = #map}, {transform_indices = #map}, {transform_indices = #map}]} {
    %mul3A = arith.constant 2 : i32
    %mul3A_0 = arith.muli %arg1, %mul3A : i32
    %add3A = arith.addi %mul3A_0, %arg0 : i32
    %mul3A_1 = arith.constant 2 : i32
    %mul3A_2 = arith.muli %add3A, %mul3A_1 : i32
    %dma_start3A = arith.constant 0 : i32
    %dma_start3A_3 = tpu.memref_slice %arg4[%mul3A_2, %dma_start3A] : memref<832x16384xf32, #tpu.memory_space<hbm>> -> memref<1x4096xf32, #tpu.memory_space<hbm>>
    %dma_start3A_4 = tpu.memref_squeeze %dma_start3A_3 : memref<1x4096xf32, #tpu.memory_space<hbm>> -> memref<4096xf32, #tpu.memory_space<hbm>>
    %dma_start3A_5 = arith.constant 0 : i32
    %dma_start3A_6 = tpu.memref_slice %arg4[%mul3A_2, %dma_start3A_5] : memref<832x16384xf32, #tpu.memory_space<hbm>> -> memref<1x4096xf32, #tpu.memory_space<hbm>>
    %dma_start3A_7 = tpu.memref_squeeze %dma_start3A_6 : memref<1x4096xf32, #tpu.memory_space<hbm>> -> memref<4096xf32, #tpu.memory_space<hbm>>
    tpu.enqueue_dma source(%arg7 : memref<4096xf32, #tpu.memory_space<vmem>>) target(%dma_start3A_7 : memref<4096xf32, #tpu.memory_space<hbm>>) target_semaphore(%arg10 : memref<!tpu.dma_semaphore, #tpu.memory_space<semaphore_mem>>)
    %dma_start3A_8 = arith.constant 4096 : i32
    %dma_start3A_9 = tpu.memref_slice %arg4[%mul3A_2, %dma_start3A_8] : memref<832x16384xf32, #tpu.memory_space<hbm>> -> memref<1x4096xf32, #tpu.memory_space<hbm>>
    %dma_start3A_10 = tpu.memref_squeeze %dma_start3A_9 : memref<1x4096xf32, #tpu.memory_space<hbm>> -> memref<4096xf32, #tpu.memory_space<hbm>>
    %dma_start3A_11 = arith.constant 4096 : i32
    %dma_start3A_12 = tpu.memref_slice %arg4[%mul3A_2, %dma_start3A_11] : memref<832x16384xf32, #tpu.memory_space<hbm>> -> memref<1x4096xf32, #tpu.memory_space<hbm>>
    %dma_start3A_13 = tpu.memref_squeeze %dma_start3A_12 : memref<1x4096xf32, #tpu.memory_space<hbm>> -> memref<4096xf32, #tpu.memory_space<hbm>>
    tpu.enqueue_dma source(%arg8 : memref<4096xf32, #tpu.memory_space<vmem>>) target(%dma_start3A_13 : memref<4096xf32, #tpu.memory_space<hbm>>) target_semaphore(%arg11 : memref<!tpu.dma_semaphore, #tpu.memory_space<semaphore_mem>>)
    %add3A_14 = arith.constant 0 : i32
    %add3A_15 = arith.addi %add3A_14, %mul3A_2 : i32
    %dma_start3A_16 = arith.constant 0 : i32
    %dma_start3A_17 = tpu.memref_slice %arg3[%add3A_15, %dma_start3A_16] : memref<1664x100000xf32, #tpu.memory_space<hbm>> -> memref<1x100000xf32, #tpu.memory_space<hbm>>
    %dma_start3A_18 = tpu.memref_squeeze %dma_start3A_17 : memref<1x100000xf32, #tpu.memory_space<hbm>> -> memref<100000xf32, #tpu.memory_space<hbm>>
    %dma_start3A_19 = arith.constant 0 : i32
    %dma_start3A_20 = tpu.memref_slice %arg3[%add3A_15, %dma_start3A_19] : memref<1664x100000xf32, #tpu.memory_space<hbm>> -> memref<1x100000xf32, #tpu.memory_space<hbm>>
    %dma_start3A_21 = tpu.memref_squeeze %dma_start3A_20 : memref<1x100000xf32, #tpu.memory_space<hbm>> -> memref<100000xf32, #tpu.memory_space<hbm>>
    tpu.enqueue_dma source(%dma_start3A_21 : memref<100000xf32, #tpu.memory_space<hbm>>) target(%arg6 : memref<100000xf32, #tpu.memory_space<vmem>>) target_semaphore(%arg9 : memref<!tpu.dma_semaphore, #tpu.memory_space<semaphore_mem>>)
    %scan3A = arith.constant 0 : i32
    %scan3A_22 = arith.constant 0 : i32
    %scan3A_23 = arith.constant 13 : i32
    %scan3A_24 = arith.addi %scan3A_22, %scan3A_23 : i32
    %scan3A_25 = arith.constant 1 : i32
    scf.for %scan3A_47 = %scan3A_22 to %scan3A_24 step %scan3A_25  : i32 {
      %add3A_48 = arith.constant 0 : i32
      %add3A_49 = arith.addi %add3A_48, %scan3A_47 : i32
      "tpu.region"() ({
        %run_scoped3A = tpu.sem_alloc : memref<!tpu.dma_semaphore, #tpu.memory_space<semaphore_mem>>
        %dma_start3A_248 = arith.constant 0 : i32
        %dma_start3A_249 = tpu.memref_slice %arg2[%add3A_49, %dma_start3A_248] : memref<26x16384xi32, #tpu.memory_space<hbm>> -> memref<1x16384xi32, #tpu.memory_space<hbm>>
        %dma_start3A_250 = tpu.memref_squeeze %dma_start3A_249 : memref<1x16384xi32, #tpu.memory_space<hbm>> -> memref<16384xi32, #tpu.memory_space<hbm>>
        %dma_start3A_251 = arith.constant 0 : i32
        %dma_start3A_252 = tpu.memref_slice %arg2[%add3A_49, %dma_start3A_251] : memref<26x16384xi32, #tpu.memory_space<hbm>> -> memref<1x16384xi32, #tpu.memory_space<hbm>>
        %dma_start3A_253 = tpu.memref_squeeze %dma_start3A_252 : memref<1x16384xi32, #tpu.memory_space<hbm>> -> memref<16384xi32, #tpu.memory_space<hbm>>
        tpu.enqueue_dma source(%dma_start3A_253 : memref<16384xi32, #tpu.memory_space<hbm>>) target(%arg5 : memref<16384xi32, #tpu.memory_space<vmem>>) target_semaphore(%run_scoped3A : memref<!tpu.dma_semaphore, #tpu.memory_space<semaphore_mem>>)
        %dma_wait3A_254 = arith.constant 0 : i32
        %dma_wait3A_255 = tpu.memref_slice %arg2[%add3A_49, %dma_wait3A_254] : memref<26x16384xi32, #tpu.memory_space<hbm>> -> memref<1x16384xi32, #tpu.memory_space<hbm>>
        %dma_wait3A_256 = tpu.memref_squeeze %dma_wait3A_255 : memref<1x16384xi32, #tpu.memory_space<hbm>> -> memref<16384xi32, #tpu.memory_space<hbm>>
        %dma_wait3A_257 = arith.constant 0 : i32
        %dma_wait3A_258 = tpu.memref_slice %arg2[%add3A_49, %dma_wait3A_257] : memref<26x16384xi32, #tpu.memory_space<hbm>> -> memref<1x16384xi32, #tpu.memory_space<hbm>>
        %dma_wait3A_259 = tpu.memref_squeeze %dma_wait3A_258 : memref<1x16384xi32, #tpu.memory_space<hbm>> -> memref<16384xi32, #tpu.memory_space<hbm>>
        tpu.wait_dma2 semaphore(%run_scoped3A : memref<!tpu.dma_semaphore, #tpu.memory_space<semaphore_mem>>) src(%dma_wait3A_259 : memref<16384xi32, #tpu.memory_space<hbm>>) dst(%arg5 : memref<16384xi32, #tpu.memory_space<vmem>>)
        tpu.yield
      }) : () -> ()
      %add3A_50 = arith.constant 1 : i32
      %add3A_51 = arith.addi %scan3A_47, %add3A_50 : i32
      %min3A = arith.constant 12 : i32
      %min3A_52 = arith.minsi %add3A_51, %min3A : i32
      %mul3A_53 = arith.constant 64 : i32
      %mul3A_54 = arith.muli %add3A_49, %mul3A_53 : i32
      %add3A_55 = arith.addi %mul3A_54, %mul3A_2 : i32
      %add3A_56 = arith.constant 0 : i32
      %add3A_57 = arith.addi %add3A_55, %add3A_56 : i32
      %mul3A_58 = arith.constant 64 : i32
      %mul3A_59 = arith.muli %scan3A_47, %mul3A_58 : i32
      %add3A_60 = arith.addi %mul3A_59, %mul3A_2 : i32
      %add3A_61 = arith.constant 0 : i32
      %add3A_62 = arith.addi %add3A_60, %add3A_61 : i32
      %dma_wait3A_63 = arith.constant 0 : i32
      %dma_wait3A_64 = tpu.memref_slice %arg3[%add3A_57, %dma_wait3A_63] : memref<1664x100000xf32, #tpu.memory_space<hbm>> -> memref<1x100000xf32, #tpu.memory_space<hbm>>
      %dma_wait3A_65 = tpu.memref_squeeze %dma_wait3A_64 : memref<1x100000xf32, #tpu.memory_space<hbm>> -> memref<100000xf32, #tpu.memory_space<hbm>>
      %dma_wait3A_66 = arith.constant 0 : i32
      %dma_wait3A_67 = tpu.memref_slice %arg3[%add3A_57, %dma_wait3A_66] : memref<1664x100000xf32, #tpu.memory_space<hbm>> -> memref<1x100000xf32, #tpu.memory_space<hbm>>
      %dma_wait3A_68 = tpu.memref_squeeze %dma_wait3A_67 : memref<1x100000xf32, #tpu.memory_space<hbm>> -> memref<100000xf32, #tpu.memory_space<hbm>>
      tpu.wait_dma2 semaphore(%arg9 : memref<!tpu.dma_semaphore, #tpu.memory_space<semaphore_mem>>) src(%dma_wait3A_68 : memref<100000xf32, #tpu.memory_space<hbm>>) dst(%arg6 : memref<100000xf32, #tpu.memory_space<vmem>>)
      %dma_wait3A_69 = arith.constant 0 : i32
      %dma_wait3A_70 = tpu.memref_slice %arg4[%add3A_62, %dma_wait3A_69] : memref<832x16384xf32, #tpu.memory_space<hbm>> -> memref<1x4096xf32, #tpu.memory_space<hbm>>
      %dma_wait3A_71 = tpu.memref_squeeze %dma_wait3A_70 : memref<1x4096xf32, #tpu.memory_space<hbm>> -> memref<4096xf32, #tpu.memory_space<hbm>>
      %dma_wait3A_72 = arith.constant 0 : i32
      %dma_wait3A_73 = tpu.memref_slice %arg4[%add3A_62, %dma_wait3A_72] : memref<832x16384xf32, #tpu.memory_space<hbm>> -> memref<1x4096xf32, #tpu.memory_space<hbm>>
      %dma_wait3A_74 = tpu.memref_squeeze %dma_wait3A_73 : memref<1x4096xf32, #tpu.memory_space<hbm>> -> memref<4096xf32, #tpu.memory_space<hbm>>
      tpu.wait_dma2 semaphore(%arg10 : memref<!tpu.dma_semaphore, #tpu.memory_space<semaphore_mem>>) src(%arg7 : memref<4096xf32, #tpu.memory_space<vmem>>) dst(%dma_wait3A_74 : memref<4096xf32, #tpu.memory_space<hbm>>)
      %scan3A_75 = arith.constant 0 : i32
      %scan3A_76 = arith.constant 0 : i32
      %scan3A_77 = arith.constant 16 : i32
      %scan3A_78 = arith.addi %scan3A_76, %scan3A_77 : i32
      %scan3A_79 = arith.constant 1 : i32
      scf.for %scan3A_248 = %scan3A_76 to %scan3A_78 step %scan3A_79  : i32 {
        %mul3A_249 = arith.constant 256 : i32
        %mul3A_250 = arith.muli %scan3A_248, %mul3A_249 : i32
        %add3A_251 = arith.constant 0 : i32
        %add3A_252 = arith.addi %mul3A_250, %add3A_251 : i32
        %mul3A_253 = arith.constant 256 : i32
        %mul3A_254 = arith.muli %scan3A_248, %mul3A_253 : i32
        %add3A_255 = arith.constant 16 : i32
        %add3A_256 = arith.addi %mul3A_254, %add3A_255 : i32
        %mul3A_257 = arith.constant 256 : i32
        %mul3A_258 = arith.muli %scan3A_248, %mul3A_257 : i32
        %add3A_259 = arith.constant 32 : i32
        %add3A_260 = arith.addi %mul3A_258, %add3A_259 : i32
        %mul3A_261 = arith.constant 256 : i32
        %mul3A_262 = arith.muli %scan3A_248, %mul3A_261 : i32
        %add3A_263 = arith.constant 48 : i32
        %add3A_264 = arith.addi %mul3A_262, %add3A_263 : i32
        %mul3A_265 = arith.constant 256 : i32
        %mul3A_266 = arith.muli %scan3A_248, %mul3A_265 : i32
        %add3A_267 = arith.constant 64 : i32
        %add3A_268 = arith.addi %mul3A_266, %add3A_267 : i32
        %mul3A_269 = arith.constant 256 : i32
        %mul3A_270 = arith.muli %scan3A_248, %mul3A_269 : i32
        %add3A_271 = arith.constant 80 : i32
        %add3A_272 = arith.addi %mul3A_270, %add3A_271 : i32
        %mul3A_273 = arith.constant 256 : i32
        %mul3A_274 = arith.muli %scan3A_248, %mul3A_273 : i32
        %add3A_275 = arith.constant 96 : i32
        %add3A_276 = arith.addi %mul3A_274, %add3A_275 : i32
        %mul3A_277 = arith.constant 256 : i32
        %mul3A_278 = arith.muli %scan3A_248, %mul3A_277 : i32
        %add3A_279 = arith.constant 112 : i32
        %add3A_280 = arith.addi %mul3A_278, %add3A_279 : i32
        %mul3A_281 = arith.constant 256 : i32
        %mul3A_282 = arith.muli %scan3A_248, %mul3A_281 : i32
        %add3A_283 = arith.constant 128 : i32
        %add3A_284 = arith.addi %mul3A_282, %add3A_283 : i32
        %mul3A_285 = arith.constant 256 : i32
        %mul3A_286 = arith.muli %scan3A_248, %mul3A_285 : i32
        %add3A_287 = arith.constant 144 : i32
        %add3A_288 = arith.addi %mul3A_286, %add3A_287 : i32
        %mul3A_289 = arith.constant 256 : i32
        %mul3A_290 = arith.muli %scan3A_248, %mul3A_289 : i32
        %add3A_291 = arith.constant 160 : i32
        %add3A_292 = arith.addi %mul3A_290, %add3A_291 : i32
        %mul3A_293 = arith.constant 256 : i32
        %mul3A_294 = arith.muli %scan3A_248, %mul3A_293 : i32
        %add3A_295 = arith.constant 176 : i32
        %add3A_296 = arith.addi %mul3A_294, %add3A_295 : i32
        %mul3A_297 = arith.constant 256 : i32
        %mul3A_298 = arith.muli %scan3A_248, %mul3A_297 : i32
        %add3A_299 = arith.constant 192 : i32
        %add3A_300 = arith.addi %mul3A_298, %add3A_299 : i32
        %mul3A_301 = arith.constant 256 : i32
        %mul3A_302 = arith.muli %scan3A_248, %mul3A_301 : i32
        %add3A_303 = arith.constant 208 : i32
        %add3A_304 = arith.addi %mul3A_302, %add3A_303 : i32
        %mul3A_305 = arith.constant 256 : i32
        %mul3A_306 = arith.muli %scan3A_248, %mul3A_305 : i32
        %add3A_307 = arith.constant 224 : i32
        %add3A_308 = arith.addi %mul3A_306, %add3A_307 : i32
        %mul3A_309 = arith.constant 256 : i32
        %mul3A_310 = arith.muli %scan3A_248, %mul3A_309 : i32
        %add3A_311 = arith.constant 240 : i32
        %add3A_312 = arith.addi %mul3A_310, %add3A_311 : i32
        %add3A_313 = arith.constant 0 : i32
        %add3A_314 = arith.addi %add3A_313, %add3A_252 : i32
        %get3A = arith.index_cast %add3A_314 : i32 to index
        %get3A_315 = tpu.vector_load %arg5[%get3A] {strides = array<i32>} : memref<16384xi32, #tpu.memory_space<vmem>>, vector<16xi32>,
        %add3A_316 = arith.constant 0 : i32
        %add3A_317 = arith.addi %add3A_316, %add3A_256 : i32
        %get3A_318 = arith.index_cast %add3A_317 : i32 to index
        %get3A_319 = tpu.vector_load %arg5[%get3A_318] {strides = array<i32>} : memref<16384xi32, #tpu.memory_space<vmem>>, vector<16xi32>,
        %add3A_320 = arith.constant 0 : i32
        %add3A_321 = arith.addi %add3A_320, %add3A_260 : i32
        %get3A_322 = arith.index_cast %add3A_321 : i32 to index
        %get3A_323 = tpu.vector_load %arg5[%get3A_322] {strides = array<i32>} : memref<16384xi32, #tpu.memory_space<vmem>>, vector<16xi32>,
        %add3A_324 = arith.constant 0 : i32
        %add3A_325 = arith.addi %add3A_324, %add3A_264 : i32
        %get3A_326 = arith.index_cast %add3A_325 : i32 to index
        %get3A_327 = tpu.vector_load %arg5[%get3A_326] {strides = array<i32>} : memref<16384xi32, #tpu.memory_space<vmem>>, vector<16xi32>,
        %add3A_328 = arith.constant 0 : i32
        %add3A_329 = arith.addi %add3A_328, %add3A_268 : i32
        %get3A_330 = arith.index_cast %add3A_329 : i32 to index
        %get3A_331 = tpu.vector_load %arg5[%get3A_330] {strides = array<i32>} : memref<16384xi32, #tpu.memory_space<vmem>>, vector<16xi32>,
        %add3A_332 = arith.constant 0 : i32
        %add3A_333 = arith.addi %add3A_332, %add3A_272 : i32
        %get3A_334 = arith.index_cast %add3A_333 : i32 to index
        %get3A_335 = tpu.vector_load %arg5[%get3A_334] {strides = array<i32>} : memref<16384xi32, #tpu.memory_space<vmem>>, vector<16xi32>,
        %add3A_336 = arith.constant 0 : i32
        %add3A_337 = arith.addi %add3A_336, %add3A_276 : i32
        %get3A_338 = arith.index_cast %add3A_337 : i32 to index
        %get3A_339 = tpu.vector_load %arg5[%get3A_338] {strides = array<i32>} : memref<16384xi32, #tpu.memory_space<vmem>>, vector<16xi32>,
        %add3A_340 = arith.constant 0 : i32
        %add3A_341 = arith.addi %add3A_340, %add3A_280 : i32
        %get3A_342 = arith.index_cast %add3A_341 : i32 to index
        %get3A_343 = tpu.vector_load %arg5[%get3A_342] {strides = array<i32>} : memref<16384xi32, #tpu.memory_space<vmem>>, vector<16xi32>,
        %add3A_344 = arith.constant 0 : i32
        %add3A_345 = arith.addi %add3A_344, %add3A_284 : i32
        %get3A_346 = arith.index_cast %add3A_345 : i32 to index
        %get3A_347 = tpu.vector_load %arg5[%get3A_346] {strides = array<i32>} : memref<16384xi32, #tpu.memory_space<vmem>>, vector<16xi32>,
        %add3A_348 = arith.constant 0 : i32
        %add3A_349 = arith.addi %add3A_348, %add3A_288 : i32
        %get3A_350 = arith.index_cast %add3A_349 : i32 to index
        %get3A_351 = tpu.vector_load %arg5[%get3A_350] {strides = array<i32>} : memref<16384xi32, #tpu.memory_space<vmem>>, vector<16xi32>,
        %add3A_352 = arith.constant 0 : i32
        %add3A_353 = arith.addi %add3A_352, %add3A_292 : i32
        %get3A_354 = arith.index_cast %add3A_353 : i32 to index
        %get3A_355 = tpu.vector_load %arg5[%get3A_354] {strides = array<i32>} : memref<16384xi32, #tpu.memory_space<vmem>>, vector<16xi32>,
        %add3A_356 = arith.constant 0 : i32
        %add3A_357 = arith.addi %add3A_356, %add3A_296 : i32
        %get3A_358 = arith.index_cast %add3A_357 : i32 to index
        %get3A_359 = tpu.vector_load %arg5[%get3A_358] {strides = array<i32>} : memref<16384xi32, #tpu.memory_space<vmem>>, vector<16xi32>,
        %add3A_360 = arith.constant 0 : i32
        %add3A_361 = arith.addi %add3A_360, %add3A_300 : i32
        %get3A_362 = arith.index_cast %add3A_361 : i32 to index
        %get3A_363 = tpu.vector_load %arg5[%get3A_362] {strides = array<i32>} : memref<16384xi32, #tpu.memory_space<vmem>>, vector<16xi32>,
        %add3A_364 = arith.constant 0 : i32
        %add3A_365 = arith.addi %add3A_364, %add3A_304 : i32
        %get3A_366 = arith.index_cast %add3A_365 : i32 to index
        %get3A_367 = tpu.vector_load %arg5[%get3A_366] {strides = array<i32>} : memref<16384xi32, #tpu.memory_space<vmem>>, vector<16xi32>,
        %add3A_368 = arith.constant 0 : i32
        %add3A_369 = arith.addi %add3A_368, %add3A_308 : i32
        %get3A_370 = arith.index_cast %add3A_369 : i32 to index
        %get3A_371 = tpu.vector_load %arg5[%get3A_370] {strides = array<i32>} : memref<16384xi32, #tpu.memory_space<vmem>>, vector<16xi32>,
        %add3A_372 = arith.constant 0 : i32
        %add3A_373 = arith.addi %add3A_372, %add3A_312 : i32
        %get3A_374 = arith.index_cast %add3A_373 : i32 to index
        %get3A_375 = tpu.vector_load %arg5[%get3A_374] {strides = array<i32>} : memref<16384xi32, #tpu.memory_space<vmem>>, vector<16xi32>,
        %gather3A = tpu.vector_load_idx %arg6[%get3A_315] : memref<100000xf32, #tpu.memory_space<vmem>>[vector<16xi32>], vector<16xf32>,
        %gather3A_376 = tpu.vector_load_idx %arg6[%get3A_319] : memref<100000xf32, #tpu.memory_space<vmem>>[vector<16xi32>], vector<16xf32>,
        %gather3A_377 = tpu.vector_load_idx %arg6[%get3A_323] : memref<100000xf32, #tpu.memory_space<vmem>>[vector<16xi32>], vector<16xf32>,
        %gather3A_378 = tpu.vector_load_idx %arg6[%get3A_327] : memref<100000xf32, #tpu.memory_space<vmem>>[vector<16xi32>], vector<16xf32>,
        %gather3A_379 = tpu.vector_load_idx %arg6[%get3A_331] : memref<100000xf32, #tpu.memory_space<vmem>>[vector<16xi32>], vector<16xf32>,
        %gather3A_380 = tpu.vector_load_idx %arg6[%get3A_335] : memref<100000xf32, #tpu.memory_space<vmem>>[vector<16xi32>], vector<16xf32>,
        %gather3A_381 = tpu.vector_load_idx %arg6[%get3A_339] : memref<100000xf32, #tpu.memory_space<vmem>>[vector<16xi32>], vector<16xf32>,
        %gather3A_382 = tpu.vector_load_idx %arg6[%get3A_343] : memref<100000xf32, #tpu.memory_space<vmem>>[vector<16xi32>], vector<16xf32>,
        %gather3A_383 = tpu.vector_load_idx %arg6[%get3A_347] : memref<100000xf32, #tpu.memory_space<vmem>>[vector<16xi32>], vector<16xf32>,
        %gather3A_384 = tpu.vector_load_idx %arg6[%get3A_351] : memref<100000xf32, #tpu.memory_space<vmem>>[vector<16xi32>], vector<16xf32>,
        %gather3A_385 = tpu.vector_load_idx %arg6[%get3A_355] : memref<100000xf32, #tpu.memory_space<vmem>>[vector<16xi32>], vector<16xf32>,
        %gather3A_386 = tpu.vector_load_idx %arg6[%get3A_359] : memref<100000xf32, #tpu.memory_space<vmem>>[vector<16xi32>], vector<16xf32>,
        %gather3A_387 = tpu.vector_load_idx %arg6[%get3A_363] : memref<100000xf32, #tpu.memory_space<vmem>>[vector<16xi32>], vector<16xf32>,
        %gather3A_388 = tpu.vector_load_idx %arg6[%get3A_367] : memref<100000xf32, #tpu.memory_space<vmem>>[vector<16xi32>], vector<16xf32>,
        %gather3A_389 = tpu.vector_load_idx %arg6[%get3A_371] : memref<100000xf32, #tpu.memory_space<vmem>>[vector<16xi32>], vector<16xf32>,
        %gather3A_390 = tpu.vector_load_idx %arg6[%get3A_375] : memref<100000xf32, #tpu.memory_space<vmem>>[vector<16xi32>], vector<16xf32>,
        %swap3A = arith.index_cast %add3A_252 : i32 to index
        %swap3A_391 = tpu.vector_load %arg7[%swap3A] {strides = array<i32>} : memref<4096xf32, #tpu.memory_space<vmem>>, vector<16xf32>,
        tpu.vector_store %arg7[%swap3A], %gather3A {strides = array<i32>} : memref<4096xf32, #tpu.memory_space<vmem>>, vector<16xf32>,
        %swap3A_392 = arith.index_cast %add3A_256 : i32 to index
        %swap3A_393 = tpu.vector_load %arg7[%swap3A_392] {strides = array<i32>} : memref<4096xf32, #tpu.memory_space<vmem>>, vector<16xf32>,
        tpu.vector_store %arg7[%swap3A_392], %gather3A_376 {strides = array<i32>} : memref<4096xf32, #tpu.memory_space<vmem>>, vector<16xf32>,
        %swap3A_394 = arith.index_cast %add3A_260 : i32 to index
        %swap3A_395 = tpu.vector_load %arg7[%swap3A_394] {strides = array<i32>} : memref<4096xf32, #tpu.memory_space<vmem>>, vector<16xf32>,
        tpu.vector_store %arg7[%swap3A_394], %gather3A_377 {strides = array<i32>} : memref<4096xf32, #tpu.memory_space<vmem>>, vector<16xf32>,
        %swap3A_396 = arith.index_cast %add3A_264 : i32 to index
        %swap3A_397 = tpu.vector_load %arg7[%swap3A_396] {strides = array<i32>} : memref<4096xf32, #tpu.memory_space<vmem>>, vector<16xf32>,
        tpu.vector_store %arg7[%swap3A_396], %gather3A_378 {strides = array<i32>} : memref<4096xf32, #tpu.memory_space<vmem>>, vector<16xf32>,
        %swap3A_398 = arith.index_cast %add3A_268 : i32 to index
        %swap3A_399 = tpu.vector_load %arg7[%swap3A_398] {strides = array<i32>} : memref<4096xf32, #tpu.memory_space<vmem>>, vector<16xf32>,
        tpu.vector_store %arg7[%swap3A_398], %gather3A_379 {strides = array<i32>} : memref<4096xf32, #tpu.memory_space<vmem>>, vector<16xf32>,
        %swap3A_400 = arith.index_cast %add3A_272 : i32 to index
        %swap3A_401 = tpu.vector_load %arg7[%swap3A_400] {strides = array<i32>} : memref<4096xf32, #tpu.memory_space<vmem>>, vector<16xf32>,
        tpu.vector_store %arg7[%swap3A_400], %gather3A_380 {strides = array<i32>} : memref<4096xf32, #tpu.memory_space<vmem>>, vector<16xf32>,
        %swap3A_402 = arith.index_cast %add3A_276 : i32 to index
        %swap3A_403 = tpu.vector_load %arg7[%swap3A_402] {strides = array<i32>} : memref<4096xf32, #tpu.memory_space<vmem>>, vector<16xf32>,
        tpu.vector_store %arg7[%swap3A_402], %gather3A_381 {strides = array<i32>} : memref<4096xf32, #tpu.memory_space<vmem>>, vector<16xf32>,
        %swap3A_404 = arith.index_cast %add3A_280 : i32 to index
        %swap3A_405 = tpu.vector_load %arg7[%swap3A_404] {strides = array<i32>} : memref<4096xf32, #tpu.memory_space<vmem>>, vector<16xf32>,
        tpu.vector_store %arg7[%swap3A_404], %gather3A_382 {strides = array<i32>} : memref<4096xf32, #tpu.memory_space<vmem>>, vector<16xf32>,
        %swap3A_406 = arith.index_cast %add3A_284 : i32 to index
        %swap3A_407 = tpu.vector_load %arg7[%swap3A_406] {strides = array<i32>} : memref<4096xf32, #tpu.memory_space<vmem>>, vector<16xf32>,
        tpu.vector_store %arg7[%swap3A_406], %gather3A_383 {strides = array<i32>} : memref<4096xf32, #tpu.memory_space<vmem>>, vector<16xf32>,
        %swap3A_408 = arith.index_cast %add3A_288 : i32 to index
        %swap3A_409 = tpu.vector_load %arg7[%swap3A_408] {strides = array<i32>} : memref<4096xf32, #tpu.memory_space<vmem>>, vector<16xf32>,
        tpu.vector_store %arg7[%swap3A_408], %gather3A_384 {strides = array<i32>} : memref<4096xf32, #tpu.memory_space<vmem>>, vector<16xf32>,
        %swap3A_410 = arith.index_cast %add3A_292 : i32 to index
        %swap3A_411 = tpu.vector_load %arg7[%swap3A_410] {strides = array<i32>} : memref<4096xf32, #tpu.memory_space<vmem>>, vector<16xf32>,
        tpu.vector_store %arg7[%swap3A_410], %gather3A_385 {strides = array<i32>} : memref<4096xf32, #tpu.memory_space<vmem>>, vector<16xf32>,
        %swap3A_412 = arith.index_cast %add3A_296 : i32 to index
        %swap3A_413 = tpu.vector_load %arg7[%swap3A_412] {strides = array<i32>} : memref<4096xf32, #tpu.memory_space<vmem>>, vector<16xf32>,
        tpu.vector_store %arg7[%swap3A_412], %gather3A_386 {strides = array<i32>} : memref<4096xf32, #tpu.memory_space<vmem>>, vector<16xf32>,
        %swap3A_414 = arith.index_cast %add3A_300 : i32 to index
        %swap3A_415 = tpu.vector_load %arg7[%swap3A_414] {strides = array<i32>} : memref<4096xf32, #tpu.memory_space<vmem>>, vector<16xf32>,
        tpu.vector_store %arg7[%swap3A_414], %gather3A_387 {strides = array<i32>} : memref<4096xf32, #tpu.memory_space<vmem>>, vector<16xf32>,
        %swap3A_416 = arith.index_cast %add3A_304 : i32 to index
        %swap3A_417 = tpu.vector_load %arg7[%swap3A_416] {strides = array<i32>} : memref<4096xf32, #tpu.memory_space<vmem>>, vector<16xf32>,
        tpu.vector_store %arg7[%swap3A_416], %gather3A_388 {strides = array<i32>} : memref<4096xf32, #tpu.memory_space<vmem>>, vector<16xf32>,
        %swap3A_418 = arith.index_cast %add3A_308 : i32 to index
        %swap3A_419 = tpu.vector_load %arg7[%swap3A_418] {strides = array<i32>} : memref<4096xf32, #tpu.memory_space<vmem>>, vector<16xf32>,
        tpu.vector_store %arg7[%swap3A_418], %gather3A_389 {strides = array<i32>} : memref<4096xf32, #tpu.memory_space<vmem>>, vector<16xf32>,
        %swap3A_420 = arith.index_cast %add3A_312 : i32 to index
        %swap3A_421 = tpu.vector_load %arg7[%swap3A_420] {strides = array<i32>} : memref<4096xf32, #tpu.memory_space<vmem>>, vector<16xf32>,
        tpu.vector_store %arg7[%swap3A_420], %gather3A_390 {strides = array<i32>} : memref<4096xf32, #tpu.memory_space<vmem>>, vector<16xf32>,
      }
      %scan3A_80 = arith.constant 16 : i32
      %dma_start3A_81 = arith.constant 0 : i32
      %dma_start3A_82 = tpu.memref_slice %arg4[%add3A_62, %dma_start3A_81] : memref<832x16384xf32, #tpu.memory_space<hbm>> -> memref<1x4096xf32, #tpu.memory_space<hbm>>
      %dma_start3A_83 = tpu.memref_squeeze %dma_start3A_82 : memref<1x4096xf32, #tpu.memory_space<hbm>> -> memref<4096xf32, #tpu.memory_space<hbm>>
      %dma_start3A_84 = arith.constant 0 : i32
      %dma_start3A_85 = tpu.memref_slice %arg4[%add3A_62, %dma_start3A_84] : memref<832x16384xf32, #tpu.memory_space<hbm>> -> memref<1x4096xf32, #tpu.memory_space<hbm>>
      %dma_start3A_86 = tpu.memref_squeeze %dma_start3A_85 : memref<1x4096xf32, #tpu.memory_space<hbm>> -> memref<4096xf32, #tpu.memory_space<hbm>>
      tpu.enqueue_dma source(%arg7 : memref<4096xf32, #tpu.memory_space<vmem>>) target(%dma_start3A_86 : memref<4096xf32, #tpu.memory_space<hbm>>) target_semaphore(%arg10 : memref<!tpu.dma_semaphore, #tpu.memory_space<semaphore_mem>>)
      %dma_wait3A_87 = arith.constant 4096 : i32
      %dma_wait3A_88 = tpu.memref_slice %arg4[%add3A_62, %dma_wait3A_87] : memref<832x16384xf32, #tpu.memory_space<hbm>> -> memref<1x4096xf32, #tpu.memory_space<hbm>>
      %dma_wait3A_89 = tpu.memref_squeeze %dma_wait3A_88 : memref<1x4096xf32, #tpu.memory_space<hbm>> -> memref<4096xf32, #tpu.memory_space<hbm>>
      %dma_wait3A_90 = arith.constant 4096 : i32
      %dma_wait3A_91 = tpu.memref_slice %arg4[%add3A_62, %dma_wait3A_90] : memref<832x16384xf32, #tpu.memory_space<hbm>> -> memref<1x4096xf32, #tpu.memory_space<hbm>>
      %dma_wait3A_92 = tpu.memref_squeeze %dma_wait3A_91 : memref<1x4096xf32, #tpu.memory_space<hbm>> -> memref<4096xf32, #tpu.memory_space<hbm>>
      tpu.wait_dma2 semaphore(%arg11 : memref<!tpu.dma_semaphore, #tpu.memory_space<semaphore_mem>>) src(%arg8 : memref<4096xf32, #tpu.memory_space<vmem>>) dst(%dma_wait3A_92 : memref<4096xf32, #tpu.memory_space<hbm>>)
      %scan3A_93 = arith.constant 0 : i32
      %scan3A_94 = arith.constant 0 : i32
      %scan3A_95 = arith.constant 16 : i32
      %scan3A_96 = arith.addi %scan3A_94, %scan3A_95 : i32
      %scan3A_97 = arith.constant 1 : i32
      scf.for %scan3A_248 = %scan3A_94 to %scan3A_96 step %scan3A_97  : i32 {
        %mul3A_249 = arith.constant 256 : i32
        %mul3A_250 = arith.muli %scan3A_248, %mul3A_249 : i32
        %add3A_251 = arith.constant 0 : i32
        %add3A_252 = arith.addi %mul3A_250, %add3A_251 : i32
        %mul3A_253 = arith.constant 256 : i32
        %mul3A_254 = arith.muli %scan3A_248, %mul3A_253 : i32
        %add3A_255 = arith.constant 16 : i32
        %add3A_256 = arith.addi %mul3A_254, %add3A_255 : i32
        %mul3A_257 = arith.constant 256 : i32
        %mul3A_258 = arith.muli %scan3A_248, %mul3A_257 : i32
        %add3A_259 = arith.constant 32 : i32
        %add3A_260 = arith.addi %mul3A_258, %add3A_259 : i32
        %mul3A_261 = arith.constant 256 : i32
        %mul3A_262 = arith.muli %scan3A_248, %mul3A_261 : i32
        %add3A_263 = arith.constant 48 : i32
        %add3A_264 = arith.addi %mul3A_262, %add3A_263 : i32
        %mul3A_265 = arith.constant 256 : i32
        %mul3A_266 = arith.muli %scan3A_248, %mul3A_265 : i32
        %add3A_267 = arith.constant 64 : i32
        %add3A_268 = arith.addi %mul3A_266, %add3A_267 : i32
        %mul3A_269 = arith.constant 256 : i32
        %mul3A_270 = arith.muli %scan3A_248, %mul3A_269 : i32
        %add3A_271 = arith.constant 80 : i32
        %add3A_272 = arith.addi %mul3A_270, %add3A_271 : i32
        %mul3A_273 = arith.constant 256 : i32
        %mul3A_274 = arith.muli %scan3A_248, %mul3A_273 : i32
        %add3A_275 = arith.constant 96 : i32
        %add3A_276 = arith.addi %mul3A_274, %add3A_275 : i32
        %mul3A_277 = arith.constant 256 : i32
        %mul3A_278 = arith.muli %scan3A_248, %mul3A_277 : i32
        %add3A_279 = arith.constant 112 : i32
        %add3A_280 = arith.addi %mul3A_278, %add3A_279 : i32
        %mul3A_281 = arith.constant 256 : i32
        %mul3A_282 = arith.muli %scan3A_248, %mul3A_281 : i32
        %add3A_283 = arith.constant 128 : i32
        %add3A_284 = arith.addi %mul3A_282, %add3A_283 : i32
        %mul3A_285 = arith.constant 256 : i32
        %mul3A_286 = arith.muli %scan3A_248, %mul3A_285 : i32
        %add3A_287 = arith.constant 144 : i32
        %add3A_288 = arith.addi %mul3A_286, %add3A_287 : i32
        %mul3A_289 = arith.constant 256 : i32
        %mul3A_290 = arith.muli %scan3A_248, %mul3A_289 : i32
        %add3A_291 = arith.constant 160 : i32
        %add3A_292 = arith.addi %mul3A_290, %add3A_291 : i32
        %mul3A_293 = arith.constant 256 : i32
        %mul3A_294 = arith.muli %scan3A_248, %mul3A_293 : i32
        %add3A_295 = arith.constant 176 : i32
        %add3A_296 = arith.addi %mul3A_294, %add3A_295 : i32
        %mul3A_297 = arith.constant 256 : i32
        %mul3A_298 = arith.muli %scan3A_248, %mul3A_297 : i32
        %add3A_299 = arith.constant 192 : i32
        %add3A_300 = arith.addi %mul3A_298, %add3A_299 : i32
        %mul3A_301 = arith.constant 256 : i32
        %mul3A_302 = arith.muli %scan3A_248, %mul3A_301 : i32
        %add3A_303 = arith.constant 208 : i32
        %add3A_304 = arith.addi %mul3A_302, %add3A_303 : i32
        %mul3A_305 = arith.constant 256 : i32
        %mul3A_306 = arith.muli %scan3A_248, %mul3A_305 : i32
        %add3A_307 = arith.constant 224 : i32
        %add3A_308 = arith.addi %mul3A_306, %add3A_307 : i32
        %mul3A_309 = arith.constant 256 : i32
        %mul3A_310 = arith.muli %scan3A_248, %mul3A_309 : i32
        %add3A_311 = arith.constant 240 : i32
        %add3A_312 = arith.addi %mul3A_310, %add3A_311 : i32
        %add3A_313 = arith.constant 4096 : i32
        %add3A_314 = arith.addi %add3A_313, %add3A_252 : i32
        %get3A = arith.index_cast %add3A_314 : i32 to index
        %get3A_315 = tpu.vector_load %arg5[%get3A] {strides = array<i32>} : memref<16384xi32, #tpu.memory_space<vmem>>, vector<16xi32>,
        %add3A_316 = arith.constant 4096 : i32
        %add3A_317 = arith.addi %add3A_316, %add3A_256 : i32
        %get3A_318 = arith.index_cast %add3A_317 : i32 to index
        %get3A_319 = tpu.vector_load %arg5[%get3A_318] {strides = array<i32>} : memref<16384xi32, #tpu.memory_space<vmem>>, vector<16xi32>,
        %add3A_320 = arith.constant 4096 : i32
        %add3A_321 = arith.addi %add3A_320, %add3A_260 : i32
        %get3A_322 = arith.index_cast %add3A_321 : i32 to index
        %get3A_323 = tpu.vector_load %arg5[%get3A_322] {strides = array<i32>} : memref<16384xi32, #tpu.memory_space<vmem>>, vector<16xi32>,
        %add3A_324 = arith.constant 4096 : i32
        %add3A_325 = arith.addi %add3A_324, %add3A_264 : i32
        %get3A_326 = arith.index_cast %add3A_325 : i32 to index
        %get3A_327 = tpu.vector_load %arg5[%get3A_326] {strides = array<i32>} : memref<16384xi32, #tpu.memory_space<vmem>>, vector<16xi32>,
        %add3A_328 = arith.constant 4096 : i32
        %add3A_329 = arith.addi %add3A_328, %add3A_268 : i32
        %get3A_330 = arith.index_cast %add3A_329 : i32 to index
        %get3A_331 = tpu.vector_load %arg5[%get3A_330] {strides = array<i32>} : memref<16384xi32, #tpu.memory_space<vmem>>, vector<16xi32>,
        %add3A_332 = arith.constant 4096 : i32
        %add3A_333 = arith.addi %add3A_332, %add3A_272 : i32
        %get3A_334 = arith.index_cast %add3A_333 : i32 to index
        %get3A_335 = tpu.vector_load %arg5[%get3A_334] {strides = array<i32>} : memref<16384xi32, #tpu.memory_space<vmem>>, vector<16xi32>,
        %add3A_336 = arith.constant 4096 : i32
        %add3A_337 = arith.addi %add3A_336, %add3A_276 : i32
        %get3A_338 = arith.index_cast %add3A_337 : i32 to index
        %get3A_339 = tpu.vector_load %arg5[%get3A_338] {strides = array<i32>} : memref<16384xi32, #tpu.memory_space<vmem>>, vector<16xi32>,
        %add3A_340 = arith.constant 4096 : i32
        %add3A_341 = arith.addi %add3A_340, %add3A_280 : i32
        %get3A_342 = arith.index_cast %add3A_341 : i32 to index
        %get3A_343 = tpu.vector_load %arg5[%get3A_342] {strides = array<i32>} : memref<16384xi32, #tpu.memory_space<vmem>>, vector<16xi32>,
        %add3A_344 = arith.constant 4096 : i32
        %add3A_345 = arith.addi %add3A_344, %add3A_284 : i32
        %get3A_346 = arith.index_cast %add3A_345 : i32 to index
        %get3A_347 = tpu.vector_load %arg5[%get3A_346] {strides = array<i32>} : memref<16384xi32, #tpu.memory_space<vmem>>, vector<16xi32>,
        %add3A_348 = arith.constant 4096 : i32
        %add3A_349 = arith.addi %add3A_348, %add3A_288 : i32
        %get3A_350 = arith.index_cast %add3A_349 : i32 to index
        %get3A_351 = tpu.vector_load %arg5[%get3A_350] {strides = array<i32>} : memref<16384xi32, #tpu.memory_space<vmem>>, vector<16xi32>,
        %add3A_352 = arith.constant 4096 : i32
        %add3A_353 = arith.addi %add3A_352, %add3A_292 : i32
        %get3A_354 = arith.index_cast %add3A_353 : i32 to index
        %get3A_355 = tpu.vector_load %arg5[%get3A_354] {strides = array<i32>} : memref<16384xi32, #tpu.memory_space<vmem>>, vector<16xi32>,
        %add3A_356 = arith.constant 4096 : i32
        %add3A_357 = arith.addi %add3A_356, %add3A_296 : i32
        %get3A_358 = arith.index_cast %add3A_357 : i32 to index
        %get3A_359 = tpu.vector_load %arg5[%get3A_358] {strides = array<i32>} : memref<16384xi32, #tpu.memory_space<vmem>>, vector<16xi32>,
        %add3A_360 = arith.constant 4096 : i32
        %add3A_361 = arith.addi %add3A_360, %add3A_300 : i32
        %get3A_362 = arith.index_cast %add3A_361 : i32 to index
        %get3A_363 = tpu.vector_load %arg5[%get3A_362] {strides = array<i32>} : memref<16384xi32, #tpu.memory_space<vmem>>, vector<16xi32>,
        %add3A_364 = arith.constant 4096 : i32
        %add3A_365 = arith.addi %add3A_364, %add3A_304 : i32
        %get3A_366 = arith.index_cast %add3A_365 : i32 to index
        %get3A_367 = tpu.vector_load %arg5[%get3A_366] {strides = array<i32>} : memref<16384xi32, #tpu.memory_space<vmem>>, vector<16xi32>,
        %add3A_368 = arith.constant 4096 : i32
        %add3A_369 = arith.addi %add3A_368, %add3A_308 : i32
        %get3A_370 = arith.index_cast %add3A_369 : i32 to index
        %get3A_371 = tpu.vector_load %arg5[%get3A_370] {strides = array<i32>} : memref<16384xi32, #tpu.memory_space<vmem>>, vector<16xi32>,
        %add3A_372 = arith.constant 4096 : i32
        %add3A_373 = arith.addi %add3A_372, %add3A_312 : i32
        %get3A_374 = arith.index_cast %add3A_373 : i32 to index
        %get3A_375 = tpu.vector_load %arg5[%get3A_374] {strides = array<i32>} : memref<16384xi32, #tpu.memory_space<vmem>>, vector<16xi32>,
        %gather3A = tpu.vector_load_idx %arg6[%get3A_315] : memref<100000xf32, #tpu.memory_space<vmem>>[vector<16xi32>], vector<16xf32>,
        %gather3A_376 = tpu.vector_load_idx %arg6[%get3A_319] : memref<100000xf32, #tpu.memory_space<vmem>>[vector<16xi32>], vector<16xf32>,
        %gather3A_377 = tpu.vector_load_idx %arg6[%get3A_323] : memref<100000xf32, #tpu.memory_space<vmem>>[vector<16xi32>], vector<16xf32>,
        %gather3A_378 = tpu.vector_load_idx %arg6[%get3A_327] : memref<100000xf32, #tpu.memory_space<vmem>>[vector<16xi32>], vector<16xf32>,
        %gather3A_379 = tpu.vector_load_idx %arg6[%get3A_331] : memref<100000xf32, #tpu.memory_space<vmem>>[vector<16xi32>], vector<16xf32>,
        %gather3A_380 = tpu.vector_load_idx %arg6[%get3A_335] : memref<100000xf32, #tpu.memory_space<vmem>>[vector<16xi32>], vector<16xf32>,
        %gather3A_381 = tpu.vector_load_idx %arg6[%get3A_339] : memref<100000xf32, #tpu.memory_space<vmem>>[vector<16xi32>], vector<16xf32>,
        %gather3A_382 = tpu.vector_load_idx %arg6[%get3A_343] : memref<100000xf32, #tpu.memory_space<vmem>>[vector<16xi32>], vector<16xf32>,
        %gather3A_383 = tpu.vector_load_idx %arg6[%get3A_347] : memref<100000xf32, #tpu.memory_space<vmem>>[vector<16xi32>], vector<16xf32>,
        %gather3A_384 = tpu.vector_load_idx %arg6[%get3A_351] : memref<100000xf32, #tpu.memory_space<vmem>>[vector<16xi32>], vector<16xf32>,
        %gather3A_385 = tpu.vector_load_idx %arg6[%get3A_355] : memref<100000xf32, #tpu.memory_space<vmem>>[vector<16xi32>], vector<16xf32>,
        %gather3A_386 = tpu.vector_load_idx %arg6[%get3A_359] : memref<100000xf32, #tpu.memory_space<vmem>>[vector<16xi32>], vector<16xf32>,
        %gather3A_387 = tpu.vector_load_idx %arg6[%get3A_363] : memref<100000xf32, #tpu.memory_space<vmem>>[vector<16xi32>], vector<16xf32>,
        %gather3A_388 = tpu.vector_load_idx %arg6[%get3A_367] : memref<100000xf32, #tpu.memory_space<vmem>>[vector<16xi32>], vector<16xf32>,
        %gather3A_389 = tpu.vector_load_idx %arg6[%get3A_371] : memref<100000xf32, #tpu.memory_space<vmem>>[vector<16xi32>], vector<16xf32>,
        %gather3A_390 = tpu.vector_load_idx %arg6[%get3A_375] : memref<100000xf32, #tpu.memory_space<vmem>>[vector<16xi32>], vector<16xf32>,
        %swap3A = arith.index_cast %add3A_252 : i32 to index
        %swap3A_391 = tpu.vector_load %arg8[%swap3A] {strides = array<i32>} : memref<4096xf32, #tpu.memory_space<vmem>>, vector<16xf32>,
        tpu.vector_store %arg8[%swap3A], %gather3A {strides = array<i32>} : memref<4096xf32, #tpu.memory_space<vmem>>, vector<16xf32>,
        %swap3A_392 = arith.index_cast %add3A_256 : i32 to index
        %swap3A_393 = tpu.vector_load %arg8[%swap3A_392] {strides = array<i32>} : memref<4096xf32, #tpu.memory_space<vmem>>, vector<16xf32>,
        tpu.vector_store %arg8[%swap3A_392], %gather3A_376 {strides = array<i32>} : memref<4096xf32, #tpu.memory_space<vmem>>, vector<16xf32>,
        %swap3A_394 = arith.index_cast %add3A_260 : i32 to index
        %swap3A_395 = tpu.vector_load %arg8[%swap3A_394] {strides = array<i32>} : memref<4096xf32, #tpu.memory_space<vmem>>, vector<16xf32>,
        tpu.vector_store %arg8[%swap3A_394], %gather3A_377 {strides = array<i32>} : memref<4096xf32, #tpu.memory_space<vmem>>, vector<16xf32>,
        %swap3A_396 = arith.index_cast %add3A_264 : i32 to index
        %swap3A_397 = tpu.vector_load %arg8[%swap3A_396] {strides = array<i32>} : memref<4096xf32, #tpu.memory_space<vmem>>, vector<16xf32>,
        tpu.vector_store %arg8[%swap3A_396], %gather3A_378 {strides = array<i32>} : memref<4096xf32, #tpu.memory_space<vmem>>, vector<16xf32>,
        %swap3A_398 = arith.index_cast %add3A_268 : i32 to index
        %swap3A_399 = tpu.vector_load %arg8[%swap3A_398] {strides = array<i32>} : memref<4096xf32, #tpu.memory_space<vmem>>, vector<16xf32>,
        tpu.vector_store %arg8[%swap3A_398], %gather3A_379 {strides = array<i32>} : memref<4096xf32, #tpu.memory_space<vmem>>, vector<16xf32>,
        %swap3A_400 = arith.index_cast %add3A_272 : i32 to index
        %swap3A_401 = tpu.vector_load %arg8[%swap3A_400] {strides = array<i32>} : memref<4096xf32, #tpu.memory_space<vmem>>, vector<16xf32>,
        tpu.vector_store %arg8[%swap3A_400], %gather3A_380 {strides = array<i32>} : memref<4096xf32, #tpu.memory_space<vmem>>, vector<16xf32>,
        %swap3A_402 = arith.index_cast %add3A_276 : i32 to index
        %swap3A_403 = tpu.vector_load %arg8[%swap3A_402] {strides = array<i32>} : memref<4096xf32, #tpu.memory_space<vmem>>, vector<16xf32>,
        tpu.vector_store %arg8[%swap3A_402], %gather3A_381 {strides = array<i32>} : memref<4096xf32, #tpu.memory_space<vmem>>, vector<16xf32>,
        %swap3A_404 = arith.index_cast %add3A_280 : i32 to index
        %swap3A_405 = tpu.vector_load %arg8[%swap3A_404] {strides = array<i32>} : memref<4096xf32, #tpu.memory_space<vmem>>, vector<16xf32>,
        tpu.vector_store %arg8[%swap3A_404], %gather3A_382 {strides = array<i32>} : memref<4096xf32, #tpu.memory_space<vmem>>, vector<16xf32>,
        %swap3A_406 = arith.index_cast %add3A_284 : i32 to index
        %swap3A_407 = tpu.vector_load %arg8[%swap3A_406] {strides = array<i32>} : memref<4096xf32, #tpu.memory_space<vmem>>, vector<16xf32>,
        tpu.vector_store %arg8[%swap3A_406], %gather3A_383 {strides = array<i32>} : memref<4096xf32, #tpu.memory_space<vmem>>, vector<16xf32>,
        %swap3A_408 = arith.index_cast %add3A_288 : i32 to index
        %swap3A_409 = tpu.vector_load %arg8[%swap3A_408] {strides = array<i32>} : memref<4096xf32, #tpu.memory_space<vmem>>, vector<16xf32>,
        tpu.vector_store %arg8[%swap3A_408], %gather3A_384 {strides = array<i32>} : memref<4096xf32, #tpu.memory_space<vmem>>, vector<16xf32>,
        %swap3A_410 = arith.index_cast %add3A_292 : i32 to index
        %swap3A_411 = tpu.vector_load %arg8[%swap3A_410] {strides = array<i32>} : memref<4096xf32, #tpu.memory_space<vmem>>, vector<16xf32>,
        tpu.vector_store %arg8[%swap3A_410], %gather3A_385 {strides = array<i32>} : memref<4096xf32, #tpu.memory_space<vmem>>, vector<16xf32>,
        %swap3A_412 = arith.index_cast %add3A_296 : i32 to index
        %swap3A_413 = tpu.vector_load %arg8[%swap3A_412] {strides = array<i32>} : memref<4096xf32, #tpu.memory_space<vmem>>, vector<16xf32>,
        tpu.vector_store %arg8[%swap3A_412], %gather3A_386 {strides = array<i32>} : memref<4096xf32, #tpu.memory_space<vmem>>, vector<16xf32>,
        %swap3A_414 = arith.index_cast %add3A_300 : i32 to index
        %swap3A_415 = tpu.vector_load %arg8[%swap3A_414] {strides = array<i32>} : memref<4096xf32, #tpu.memory_space<vmem>>, vector<16xf32>,
        tpu.vector_store %arg8[%swap3A_414], %gather3A_387 {strides = array<i32>} : memref<4096xf32, #tpu.memory_space<vmem>>, vector<16xf32>,
        %swap3A_416 = arith.index_cast %add3A_304 : i32 to index
        %swap3A_417 = tpu.vector_load %arg8[%swap3A_416] {strides = array<i32>} : memref<4096xf32, #tpu.memory_space<vmem>>, vector<16xf32>,
        tpu.vector_store %arg8[%swap3A_416], %gather3A_388 {strides = array<i32>} : memref<4096xf32, #tpu.memory_space<vmem>>, vector<16xf32>,
        %swap3A_418 = arith.index_cast %add3A_308 : i32 to index
        %swap3A_419 = tpu.vector_load %arg8[%swap3A_418] {strides = array<i32>} : memref<4096xf32, #tpu.memory_space<vmem>>, vector<16xf32>,
        tpu.vector_store %arg8[%swap3A_418], %gather3A_389 {strides = array<i32>} : memref<4096xf32, #tpu.memory_space<vmem>>, vector<16xf32>,
        %swap3A_420 = arith.index_cast %add3A_312 : i32 to index
        %swap3A_421 = tpu.vector_load %arg8[%swap3A_420] {strides = array<i32>} : memref<4096xf32, #tpu.memory_space<vmem>>, vector<16xf32>,
        tpu.vector_store %arg8[%swap3A_420], %gather3A_390 {strides = array<i32>} : memref<4096xf32, #tpu.memory_space<vmem>>, vector<16xf32>,
      }
      %scan3A_98 = arith.constant 16 : i32
      %dma_start3A_99 = arith.constant 4096 : i32
      %dma_start3A_100 = tpu.memref_slice %arg4[%add3A_62, %dma_start3A_99] : memref<832x16384xf32, #tpu.memory_space<hbm>> -> memref<1x4096xf32, #tpu.memory_space<hbm>>
      %dma_start3A_101 = tpu.memref_squeeze %dma_start3A_100 : memref<1x4096xf32, #tpu.memory_space<hbm>> -> memref<4096xf32, #tpu.memory_space<hbm>>
      %dma_start3A_102 = arith.constant 4096 : i32
      %dma_start3A_103 = tpu.memref_slice %arg4[%add3A_62, %dma_start3A_102] : memref<832x16384xf32, #tpu.memory_space<hbm>> -> memref<1x4096xf32, #tpu.memory_space<hbm>>
      %dma_start3A_104 = tpu.memref_squeeze %dma_start3A_103 : memref<1x4096xf32, #tpu.memory_space<hbm>> -> memref<4096xf32, #tpu.memory_space<hbm>>
      tpu.enqueue_dma source(%arg8 : memref<4096xf32, #tpu.memory_space<vmem>>) target(%dma_start3A_104 : memref<4096xf32, #tpu.memory_space<hbm>>) target_semaphore(%arg11 : memref<!tpu.dma_semaphore, #tpu.memory_space<semaphore_mem>>)
      %dma_wait3A_105 = arith.constant 8192 : i32
      %dma_wait3A_106 = tpu.memref_slice %arg4[%add3A_62, %dma_wait3A_105] : memref<832x16384xf32, #tpu.memory_space<hbm>> -> memref<1x4096xf32, #tpu.memory_space<hbm>>
      %dma_wait3A_107 = tpu.memref_squeeze %dma_wait3A_106 : memref<1x4096xf32, #tpu.memory_space<hbm>> -> memref<4096xf32, #tpu.memory_space<hbm>>
      %dma_wait3A_108 = arith.constant 8192 : i32
      %dma_wait3A_109 = tpu.memref_slice %arg4[%add3A_62, %dma_wait3A_108] : memref<832x16384xf32, #tpu.memory_space<hbm>> -> memref<1x4096xf32, #tpu.memory_space<hbm>>
      %dma_wait3A_110 = tpu.memref_squeeze %dma_wait3A_109 : memref<1x4096xf32, #tpu.memory_space<hbm>> -> memref<4096xf32, #tpu.memory_space<hbm>>
      tpu.wait_dma2 semaphore(%arg10 : memref<!tpu.dma_semaphore, #tpu.memory_space<semaphore_mem>>) src(%arg7 : memref<4096xf32, #tpu.memory_space<vmem>>) dst(%dma_wait3A_110 : memref<4096xf32, #tpu.memory_space<hbm>>)
      %scan3A_111 = arith.constant 0 : i32
      %scan3A_112 = arith.constant 0 : i32
      %scan3A_113 = arith.constant 16 : i32
      %scan3A_114 = arith.addi %scan3A_112, %scan3A_113 : i32
      %scan3A_115 = arith.constant 1 : i32
      scf.for %scan3A_248 = %scan3A_112 to %scan3A_114 step %scan3A_115  : i32 {
        %mul3A_249 = arith.constant 256 : i32
        %mul3A_250 = arith.muli %scan3A_248, %mul3A_249 : i32
        %add3A_251 = arith.constant 0 : i32
        %add3A_252 = arith.addi %mul3A_250, %add3A_251 : i32
        %mul3A_253 = arith.constant 256 : i32
        %mul3A_254 = arith.muli %scan3A_248, %mul3A_253 : i32
        %add3A_255 = arith.constant 16 : i32
        %add3A_256 = arith.addi %mul3A_254, %add3A_255 : i32
        %mul3A_257 = arith.constant 256 : i32
        %mul3A_258 = arith.muli %scan3A_248, %mul3A_257 : i32
        %add3A_259 = arith.constant 32 : i32
        %add3A_260 = arith.addi %mul3A_258, %add3A_259 : i32
        %mul3A_261 = arith.constant 256 : i32
        %mul3A_262 = arith.muli %scan3A_248, %mul3A_261 : i32
        %add3A_263 = arith.constant 48 : i32
        %add3A_264 = arith.addi %mul3A_262, %add3A_263 : i32
        %mul3A_265 = arith.constant 256 : i32
        %mul3A_266 = arith.muli %scan3A_248, %mul3A_265 : i32
        %add3A_267 = arith.constant 64 : i32
        %add3A_268 = arith.addi %mul3A_266, %add3A_267 : i32
        %mul3A_269 = arith.constant 256 : i32
        %mul3A_270 = arith.muli %scan3A_248, %mul3A_269 : i32
        %add3A_271 = arith.constant 80 : i32
        %add3A_272 = arith.addi %mul3A_270, %add3A_271 : i32
        %mul3A_273 = arith.constant 256 : i32
        %mul3A_274 = arith.muli %scan3A_248, %mul3A_273 : i32
        %add3A_275 = arith.constant 96 : i32
        %add3A_276 = arith.addi %mul3A_274, %add3A_275 : i32
        %mul3A_277 = arith.constant 256 : i32
        %mul3A_278 = arith.muli %scan3A_248, %mul3A_277 : i32
        %add3A_279 = arith.constant 112 : i32
        %add3A_280 = arith.addi %mul3A_278, %add3A_279 : i32
        %mul3A_281 = arith.constant 256 : i32
        %mul3A_282 = arith.muli %scan3A_248, %mul3A_281 : i32
        %add3A_283 = arith.constant 128 : i32
        %add3A_284 = arith.addi %mul3A_282, %add3A_283 : i32
        %mul3A_285 = arith.constant 256 : i32
        %mul3A_286 = arith.muli %scan3A_248, %mul3A_285 : i32
        %add3A_287 = arith.constant 144 : i32
        %add3A_288 = arith.addi %mul3A_286, %add3A_287 : i32
        %mul3A_289 = arith.constant 256 : i32
        %mul3A_290 = arith.muli %scan3A_248, %mul3A_289 : i32
        %add3A_291 = arith.constant 160 : i32
        %add3A_292 = arith.addi %mul3A_290, %add3A_291 : i32
        %mul3A_293 = arith.constant 256 : i32
        %mul3A_294 = arith.muli %scan3A_248, %mul3A_293 : i32
        %add3A_295 = arith.constant 176 : i32
        %add3A_296 = arith.addi %mul3A_294, %add3A_295 : i32
        %mul3A_297 = arith.constant 256 : i32
        %mul3A_298 = arith.muli %scan3A_248, %mul3A_297 : i32
        %add3A_299 = arith.constant 192 : i32
        %add3A_300 = arith.addi %mul3A_298, %add3A_299 : i32
        %mul3A_301 = arith.constant 256 : i32
        %mul3A_302 = arith.muli %scan3A_248, %mul3A_301 : i32
        %add3A_303 = arith.constant 208 : i32
        %add3A_304 = arith.addi %mul3A_302, %add3A_303 : i32
        %mul3A_305 = arith.constant 256 : i32
        %mul3A_306 = arith.muli %scan3A_248, %mul3A_305 : i32
        %add3A_307 = arith.constant 224 : i32
        %add3A_308 = arith.addi %mul3A_306, %add3A_307 : i32
        %mul3A_309 = arith.constant 256 : i32
        %mul3A_310 = arith.muli %scan3A_248, %mul3A_309 : i32
        %add3A_311 = arith.constant 240 : i32
        %add3A_312 = arith.addi %mul3A_310, %add3A_311 : i32
        %add3A_313 = arith.constant 8192 : i32
        %add3A_314 = arith.addi %add3A_313, %add3A_252 : i32
        %get3A = arith.index_cast %add3A_314 : i32 to index
        %get3A_315 = tpu.vector_load %arg5[%get3A] {strides = array<i32>} : memref<16384xi32, #tpu.memory_space<vmem>>, vector<16xi32>,
        %add3A_316 = arith.constant 8192 : i32
        %add3A_317 = arith.addi %add3A_316, %add3A_256 : i32
        %get3A_318 = arith.index_cast %add3A_317 : i32 to index
        %get3A_319 = tpu.vector_load %arg5[%get3A_318] {strides = array<i32>} : memref<16384xi32, #tpu.memory_space<vmem>>, vector<16xi32>,
        %add3A_320 = arith.constant 8192 : i32
        %add3A_321 = arith.addi %add3A_320, %add3A_260 : i32
        %get3A_322 = arith.index_cast %add3A_321 : i32 to index
        %get3A_323 = tpu.vector_load %arg5[%get3A_322] {strides = array<i32>} : memref<16384xi32, #tpu.memory_space<vmem>>, vector<16xi32>,
        %add3A_324 = arith.constant 8192 : i32
        %add3A_325 = arith.addi %add3A_324, %add3A_264 : i32
        %get3A_326 = arith.index_cast %add3A_325 : i32 to index
        %get3A_327 = tpu.vector_load %arg5[%get3A_326] {strides = array<i32>} : memref<16384xi32, #tpu.memory_space<vmem>>, vector<16xi32>,
        %add3A_328 = arith.constant 8192 : i32
        %add3A_329 = arith.addi %add3A_328, %add3A_268 : i32
        %get3A_330 = arith.index_cast %add3A_329 : i32 to index
        %get3A_331 = tpu.vector_load %arg5[%get3A_330] {strides = array<i32>} : memref<16384xi32, #tpu.memory_space<vmem>>, vector<16xi32>,
        %add3A_332 = arith.constant 8192 : i32
        %add3A_333 = arith.addi %add3A_332, %add3A_272 : i32
        %get3A_334 = arith.index_cast %add3A_333 : i32 to index
        %get3A_335 = tpu.vector_load %arg5[%get3A_334] {strides = array<i32>} : memref<16384xi32, #tpu.memory_space<vmem>>, vector<16xi32>,
        %add3A_336 = arith.constant 8192 : i32
        %add3A_337 = arith.addi %add3A_336, %add3A_276 : i32
        %get3A_338 = arith.index_cast %add3A_337 : i32 to index
        %get3A_339 = tpu.vector_load %arg5[%get3A_338] {strides = array<i32>} : memref<16384xi32, #tpu.memory_space<vmem>>, vector<16xi32>,
        %add3A_340 = arith.constant 8192 : i32
        %add3A_341 = arith.addi %add3A_340, %add3A_280 : i32
        %get3A_342 = arith.index_cast %add3A_341 : i32 to index
        %get3A_343 = tpu.vector_load %arg5[%get3A_342] {strides = array<i32>} : memref<16384xi32, #tpu.memory_space<vmem>>, vector<16xi32>,
        %add3A_344 = arith.constant 8192 : i32
        %add3A_345 = arith.addi %add3A_344, %add3A_284 : i32
        %get3A_346 = arith.index_cast %add3A_345 : i32 to index
        %get3A_347 = tpu.vector_load %arg5[%get3A_346] {strides = array<i32>} : memref<16384xi32, #tpu.memory_space<vmem>>, vector<16xi32>,
        %add3A_348 = arith.constant 8192 : i32
        %add3A_349 = arith.addi %add3A_348, %add3A_288 : i32
        %get3A_350 = arith.index_cast %add3A_349 : i32 to index
        %get3A_351 = tpu.vector_load %arg5[%get3A_350] {strides = array<i32>} : memref<16384xi32, #tpu.memory_space<vmem>>, vector<16xi32>,
        %add3A_352 = arith.constant 8192 : i32
        %add3A_353 = arith.addi %add3A_352, %add3A_292 : i32
        %get3A_354 = arith.index_cast %add3A_353 : i32 to index
        %get3A_355 = tpu.vector_load %arg5[%get3A_354] {strides = array<i32>} : memref<16384xi32, #tpu.memory_space<vmem>>, vector<16xi32>,
        %add3A_356 = arith.constant 8192 : i32
        %add3A_357 = arith.addi %add3A_356, %add3A_296 : i32
        %get3A_358 = arith.index_cast %add3A_357 : i32 to index
        %get3A_359 = tpu.vector_load %arg5[%get3A_358] {strides = array<i32>} : memref<16384xi32, #tpu.memory_space<vmem>>, vector<16xi32>,
        %add3A_360 = arith.constant 8192 : i32
        %add3A_361 = arith.addi %add3A_360, %add3A_300 : i32
        %get3A_362 = arith.index_cast %add3A_361 : i32 to index
        %get3A_363 = tpu.vector_load %arg5[%get3A_362] {strides = array<i32>} : memref<16384xi32, #tpu.memory_space<vmem>>, vector<16xi32>,
        %add3A_364 = arith.constant 8192 : i32
        %add3A_365 = arith.addi %add3A_364, %add3A_304 : i32
        %get3A_366 = arith.index_cast %add3A_365 : i32 to index
        %get3A_367 = tpu.vector_load %arg5[%get3A_366] {strides = array<i32>} : memref<16384xi32, #tpu.memory_space<vmem>>, vector<16xi32>,
        %add3A_368 = arith.constant 8192 : i32
        %add3A_369 = arith.addi %add3A_368, %add3A_308 : i32
        %get3A_370 = arith.index_cast %add3A_369 : i32 to index
        %get3A_371 = tpu.vector_load %arg5[%get3A_370] {strides = array<i32>} : memref<16384xi32, #tpu.memory_space<vmem>>, vector<16xi32>,
        %add3A_372 = arith.constant 8192 : i32
        %add3A_373 = arith.addi %add3A_372, %add3A_312 : i32
        %get3A_374 = arith.index_cast %add3A_373 : i32 to index
        %get3A_375 = tpu.vector_load %arg5[%get3A_374] {strides = array<i32>} : memref<16384xi32, #tpu.memory_space<vmem>>, vector<16xi32>,
        %gather3A = tpu.vector_load_idx %arg6[%get3A_315] : memref<100000xf32, #tpu.memory_space<vmem>>[vector<16xi32>], vector<16xf32>,
        %gather3A_376 = tpu.vector_load_idx %arg6[%get3A_319] : memref<100000xf32, #tpu.memory_space<vmem>>[vector<16xi32>], vector<16xf32>,
        %gather3A_377 = tpu.vector_load_idx %arg6[%get3A_323] : memref<100000xf32, #tpu.memory_space<vmem>>[vector<16xi32>], vector<16xf32>,
        %gather3A_378 = tpu.vector_load_idx %arg6[%get3A_327] : memref<100000xf32, #tpu.memory_space<vmem>>[vector<16xi32>], vector<16xf32>,
        %gather3A_379 = tpu.vector_load_idx %arg6[%get3A_331] : memref<100000xf32, #tpu.memory_space<vmem>>[vector<16xi32>], vector<16xf32>,
        %gather3A_380 = tpu.vector_load_idx %arg6[%get3A_335] : memref<100000xf32, #tpu.memory_space<vmem>>[vector<16xi32>], vector<16xf32>,
        %gather3A_381 = tpu.vector_load_idx %arg6[%get3A_339] : memref<100000xf32, #tpu.memory_space<vmem>>[vector<16xi32>], vector<16xf32>,
        %gather3A_382 = tpu.vector_load_idx %arg6[%get3A_343] : memref<100000xf32, #tpu.memory_space<vmem>>[vector<16xi32>], vector<16xf32>,
        %gather3A_383 = tpu.vector_load_idx %arg6[%get3A_347] : memref<100000xf32, #tpu.memory_space<vmem>>[vector<16xi32>], vector<16xf32>,
        %gather3A_384 = tpu.vector_load_idx %arg6[%get3A_351] : memref<100000xf32, #tpu.memory_space<vmem>>[vector<16xi32>], vector<16xf32>,
        %gather3A_385 = tpu.vector_load_idx %arg6[%get3A_355] : memref<100000xf32, #tpu.memory_space<vmem>>[vector<16xi32>], vector<16xf32>,
        %gather3A_386 = tpu.vector_load_idx %arg6[%get3A_359] : memref<100000xf32, #tpu.memory_space<vmem>>[vector<16xi32>], vector<16xf32>,
        %gather3A_387 = tpu.vector_load_idx %arg6[%get3A_363] : memref<100000xf32, #tpu.memory_space<vmem>>[vector<16xi32>], vector<16xf32>,
        %gather3A_388 = tpu.vector_load_idx %arg6[%get3A_367] : memref<100000xf32, #tpu.memory_space<vmem>>[vector<16xi32>], vector<16xf32>,
        %gather3A_389 = tpu.vector_load_idx %arg6[%get3A_371] : memref<100000xf32, #tpu.memory_space<vmem>>[vector<16xi32>], vector<16xf32>,
        %gather3A_390 = tpu.vector_load_idx %arg6[%get3A_375] : memref<100000xf32, #tpu.memory_space<vmem>>[vector<16xi32>], vector<16xf32>,
        %swap3A = arith.index_cast %add3A_252 : i32 to index
        %swap3A_391 = tpu.vector_load %arg7[%swap3A] {strides = array<i32>} : memref<4096xf32, #tpu.memory_space<vmem>>, vector<16xf32>,
        tpu.vector_store %arg7[%swap3A], %gather3A {strides = array<i32>} : memref<4096xf32, #tpu.memory_space<vmem>>, vector<16xf32>,
        %swap3A_392 = arith.index_cast %add3A_256 : i32 to index
        %swap3A_393 = tpu.vector_load %arg7[%swap3A_392] {strides = array<i32>} : memref<4096xf32, #tpu.memory_space<vmem>>, vector<16xf32>,
        tpu.vector_store %arg7[%swap3A_392], %gather3A_376 {strides = array<i32>} : memref<4096xf32, #tpu.memory_space<vmem>>, vector<16xf32>,
        %swap3A_394 = arith.index_cast %add3A_260 : i32 to index
        %swap3A_395 = tpu.vector_load %arg7[%swap3A_394] {strides = array<i32>} : memref<4096xf32, #tpu.memory_space<vmem>>, vector<16xf32>,
        tpu.vector_store %arg7[%swap3A_394], %gather3A_377 {strides = array<i32>} : memref<4096xf32, #tpu.memory_space<vmem>>, vector<16xf32>,
        %swap3A_396 = arith.index_cast %add3A_264 : i32 to index
        %swap3A_397 = tpu.vector_load %arg7[%swap3A_396] {strides = array<i32>} : memref<4096xf32, #tpu.memory_space<vmem>>, vector<16xf32>,
        tpu.vector_store %arg7[%swap3A_396], %gather3A_378 {strides = array<i32>} : memref<4096xf32, #tpu.memory_space<vmem>>, vector<16xf32>,
        %swap3A_398 = arith.index_cast %add3A_268 : i32 to index
        %swap3A_399 = tpu.vector_load %arg7[%swap3A_398] {strides = array<i32>} : memref<4096xf32, #tpu.memory_space<vmem>>, vector<16xf32>,
        tpu.vector_store %arg7[%swap3A_398], %gather3A_379 {strides = array<i32>} : memref<4096xf32, #tpu.memory_space<vmem>>, vector<16xf32>,
        %swap3A_400 = arith.index_cast %add3A_272 : i32 to index
        %swap3A_401 = tpu.vector_load %arg7[%swap3A_400] {strides = array<i32>} : memref<4096xf32, #tpu.memory_space<vmem>>, vector<16xf32>,
        tpu.vector_store %arg7[%swap3A_400], %gather3A_380 {strides = array<i32>} : memref<4096xf32, #tpu.memory_space<vmem>>, vector<16xf32>,
        %swap3A_402 = arith.index_cast %add3A_276 : i32 to index
        %swap3A_403 = tpu.vector_load %arg7[%swap3A_402] {strides = array<i32>} : memref<4096xf32, #tpu.memory_space<vmem>>, vector<16xf32>,
        tpu.vector_store %arg7[%swap3A_402], %gather3A_381 {strides = array<i32>} : memref<4096xf32, #tpu.memory_space<vmem>>, vector<16xf32>,
        %swap3A_404 = arith.index_cast %add3A_280 : i32 to index
        %swap3A_405 = tpu.vector_load %arg7[%swap3A_404] {strides = array<i32>} : memref<4096xf32, #tpu.memory_space<vmem>>, vector<16xf32>,
        tpu.vector_store %arg7[%swap3A_404], %gather3A_382 {strides = array<i32>} : memref<4096xf32, #tpu.memory_space<vmem>>, vector<16xf32>,
        %swap3A_406 = arith.index_cast %add3A_284 : i32 to index
        %swap3A_407 = tpu.vector_load %arg7[%swap3A_406] {strides = array<i32>} : memref<4096xf32, #tpu.memory_space<vmem>>, vector<16xf32>,
        tpu.vector_store %arg7[%swap3A_406], %gather3A_383 {strides = array<i32>} : memref<4096xf32, #tpu.memory_space<vmem>>, vector<16xf32>,
        %swap3A_408 = arith.index_cast %add3A_288 : i32 to index
        %swap3A_409 = tpu.vector_load %arg7[%swap3A_408] {strides = array<i32>} : memref<4096xf32, #tpu.memory_space<vmem>>, vector<16xf32>,
        tpu.vector_store %arg7[%swap3A_408], %gather3A_384 {strides = array<i32>} : memref<4096xf32, #tpu.memory_space<vmem>>, vector<16xf32>,
        %swap3A_410 = arith.index_cast %add3A_292 : i32 to index
        %swap3A_411 = tpu.vector_load %arg7[%swap3A_410] {strides = array<i32>} : memref<4096xf32, #tpu.memory_space<vmem>>, vector<16xf32>,
        tpu.vector_store %arg7[%swap3A_410], %gather3A_385 {strides = array<i32>} : memref<4096xf32, #tpu.memory_space<vmem>>, vector<16xf32>,
        %swap3A_412 = arith.index_cast %add3A_296 : i32 to index
        %swap3A_413 = tpu.vector_load %arg7[%swap3A_412] {strides = array<i32>} : memref<4096xf32, #tpu.memory_space<vmem>>, vector<16xf32>,
        tpu.vector_store %arg7[%swap3A_412], %gather3A_386 {strides = array<i32>} : memref<4096xf32, #tpu.memory_space<vmem>>, vector<16xf32>,
        %swap3A_414 = arith.index_cast %add3A_300 : i32 to index
        %swap3A_415 = tpu.vector_load %arg7[%swap3A_414] {strides = array<i32>} : memref<4096xf32, #tpu.memory_space<vmem>>, vector<16xf32>,
        tpu.vector_store %arg7[%swap3A_414], %gather3A_387 {strides = array<i32>} : memref<4096xf32, #tpu.memory_space<vmem>>, vector<16xf32>,
        %swap3A_416 = arith.index_cast %add3A_304 : i32 to index
        %swap3A_417 = tpu.vector_load %arg7[%swap3A_416] {strides = array<i32>} : memref<4096xf32, #tpu.memory_space<vmem>>, vector<16xf32>,
        tpu.vector_store %arg7[%swap3A_416], %gather3A_388 {strides = array<i32>} : memref<4096xf32, #tpu.memory_space<vmem>>, vector<16xf32>,
        %swap3A_418 = arith.index_cast %add3A_308 : i32 to index
        %swap3A_419 = tpu.vector_load %arg7[%swap3A_418] {strides = array<i32>} : memref<4096xf32, #tpu.memory_space<vmem>>, vector<16xf32>,
        tpu.vector_store %arg7[%swap3A_418], %gather3A_389 {strides = array<i32>} : memref<4096xf32, #tpu.memory_space<vmem>>, vector<16xf32>,
        %swap3A_420 = arith.index_cast %add3A_312 : i32 to index
        %swap3A_421 = tpu.vector_load %arg7[%swap3A_420] {strides = array<i32>} : memref<4096xf32, #tpu.memory_space<vmem>>, vector<16xf32>,
        tpu.vector_store %arg7[%swap3A_420], %gather3A_390 {strides = array<i32>} : memref<4096xf32, #tpu.memory_space<vmem>>, vector<16xf32>,
      }
      %scan3A_116 = arith.constant 16 : i32
      %dma_start3A_117 = arith.constant 8192 : i32
      %dma_start3A_118 = tpu.memref_slice %arg4[%add3A_62, %dma_start3A_117] : memref<832x16384xf32, #tpu.memory_space<hbm>> -> memref<1x4096xf32, #tpu.memory_space<hbm>>
      %dma_start3A_119 = tpu.memref_squeeze %dma_start3A_118 : memref<1x4096xf32, #tpu.memory_space<hbm>> -> memref<4096xf32, #tpu.memory_space<hbm>>
      %dma_start3A_120 = arith.constant 8192 : i32
      %dma_start3A_121 = tpu.memref_slice %arg4[%add3A_62, %dma_start3A_120] : memref<832x16384xf32, #tpu.memory_space<hbm>> -> memref<1x4096xf32, #tpu.memory_space<hbm>>
      %dma_start3A_122 = tpu.memref_squeeze %dma_start3A_121 : memref<1x4096xf32, #tpu.memory_space<hbm>> -> memref<4096xf32, #tpu.memory_space<hbm>>
      tpu.enqueue_dma source(%arg7 : memref<4096xf32, #tpu.memory_space<vmem>>) target(%dma_start3A_122 : memref<4096xf32, #tpu.memory_space<hbm>>) target_semaphore(%arg10 : memref<!tpu.dma_semaphore, #tpu.memory_space<semaphore_mem>>)
      %dma_wait3A_123 = arith.constant 12288 : i32
      %dma_wait3A_124 = tpu.memref_slice %arg4[%add3A_62, %dma_wait3A_123] : memref<832x16384xf32, #tpu.memory_space<hbm>> -> memref<1x4096xf32, #tpu.memory_space<hbm>>
      %dma_wait3A_125 = tpu.memref_squeeze %dma_wait3A_124 : memref<1x4096xf32, #tpu.memory_space<hbm>> -> memref<4096xf32, #tpu.memory_space<hbm>>
      %dma_wait3A_126 = arith.constant 12288 : i32
      %dma_wait3A_127 = tpu.memref_slice %arg4[%add3A_62, %dma_wait3A_126] : memref<832x16384xf32, #tpu.memory_space<hbm>> -> memref<1x4096xf32, #tpu.memory_space<hbm>>
      %dma_wait3A_128 = tpu.memref_squeeze %dma_wait3A_127 : memref<1x4096xf32, #tpu.memory_space<hbm>> -> memref<4096xf32, #tpu.memory_space<hbm>>
      tpu.wait_dma2 semaphore(%arg11 : memref<!tpu.dma_semaphore, #tpu.memory_space<semaphore_mem>>) src(%arg8 : memref<4096xf32, #tpu.memory_space<vmem>>) dst(%dma_wait3A_128 : memref<4096xf32, #tpu.memory_space<hbm>>)
      %scan3A_129 = arith.constant 0 : i32
      %scan3A_130 = arith.constant 0 : i32
      %scan3A_131 = arith.constant 16 : i32
      %scan3A_132 = arith.addi %scan3A_130, %scan3A_131 : i32
      %scan3A_133 = arith.constant 1 : i32
      scf.for %scan3A_248 = %scan3A_130 to %scan3A_132 step %scan3A_133  : i32 {
        %mul3A_249 = arith.constant 256 : i32
        %mul3A_250 = arith.muli %scan3A_248, %mul3A_249 : i32
        %add3A_251 = arith.constant 0 : i32
        %add3A_252 = arith.addi %mul3A_250, %add3A_251 : i32
        %mul3A_253 = arith.constant 256 : i32
        %mul3A_254 = arith.muli %scan3A_248, %mul3A_253 : i32
        %add3A_255 = arith.constant 16 : i32
        %add3A_256 = arith.addi %mul3A_254, %add3A_255 : i32
        %mul3A_257 = arith.constant 256 : i32
        %mul3A_258 = arith.muli %scan3A_248, %mul3A_257 : i32
        %add3A_259 = arith.constant 32 : i32
        %add3A_260 = arith.addi %mul3A_258, %add3A_259 : i32
        %mul3A_261 = arith.constant 256 : i32
        %mul3A_262 = arith.muli %scan3A_248, %mul3A_261 : i32
        %add3A_263 = arith.constant 48 : i32
        %add3A_264 = arith.addi %mul3A_262, %add3A_263 : i32
        %mul3A_265 = arith.constant 256 : i32
        %mul3A_266 = arith.muli %scan3A_248, %mul3A_265 : i32
        %add3A_267 = arith.constant 64 : i32
        %add3A_268 = arith.addi %mul3A_266, %add3A_267 : i32
        %mul3A_269 = arith.constant 256 : i32
        %mul3A_270 = arith.muli %scan3A_248, %mul3A_269 : i32
        %add3A_271 = arith.constant 80 : i32
        %add3A_272 = arith.addi %mul3A_270, %add3A_271 : i32
        %mul3A_273 = arith.constant 256 : i32
        %mul3A_274 = arith.muli %scan3A_248, %mul3A_273 : i32
        %add3A_275 = arith.constant 96 : i32
        %add3A_276 = arith.addi %mul3A_274, %add3A_275 : i32
        %mul3A_277 = arith.constant 256 : i32
        %mul3A_278 = arith.muli %scan3A_248, %mul3A_277 : i32
        %add3A_279 = arith.constant 112 : i32
        %add3A_280 = arith.addi %mul3A_278, %add3A_279 : i32
        %mul3A_281 = arith.constant 256 : i32
        %mul3A_282 = arith.muli %scan3A_248, %mul3A_281 : i32
        %add3A_283 = arith.constant 128 : i32
        %add3A_284 = arith.addi %mul3A_282, %add3A_283 : i32
        %mul3A_285 = arith.constant 256 : i32
        %mul3A_286 = arith.muli %scan3A_248, %mul3A_285 : i32
        %add3A_287 = arith.constant 144 : i32
        %add3A_288 = arith.addi %mul3A_286, %add3A_287 : i32
        %mul3A_289 = arith.constant 256 : i32
        %mul3A_290 = arith.muli %scan3A_248, %mul3A_289 : i32
        %add3A_291 = arith.constant 160 : i32
        %add3A_292 = arith.addi %mul3A_290, %add3A_291 : i32
        %mul3A_293 = arith.constant 256 : i32
        %mul3A_294 = arith.muli %scan3A_248, %mul3A_293 : i32
        %add3A_295 = arith.constant 176 : i32
        %add3A_296 = arith.addi %mul3A_294, %add3A_295 : i32
        %mul3A_297 = arith.constant 256 : i32
        %mul3A_298 = arith.muli %scan3A_248, %mul3A_297 : i32
        %add3A_299 = arith.constant 192 : i32
        %add3A_300 = arith.addi %mul3A_298, %add3A_299 : i32
        %mul3A_301 = arith.constant 256 : i32
        %mul3A_302 = arith.muli %scan3A_248, %mul3A_301 : i32
        %add3A_303 = arith.constant 208 : i32
        %add3A_304 = arith.addi %mul3A_302, %add3A_303 : i32
        %mul3A_305 = arith.constant 256 : i32
        %mul3A_306 = arith.muli %scan3A_248, %mul3A_305 : i32
        %add3A_307 = arith.constant 224 : i32
        %add3A_308 = arith.addi %mul3A_306, %add3A_307 : i32
        %mul3A_309 = arith.constant 256 : i32
        %mul3A_310 = arith.muli %scan3A_248, %mul3A_309 : i32
        %add3A_311 = arith.constant 240 : i32
        %add3A_312 = arith.addi %mul3A_310, %add3A_311 : i32
        %add3A_313 = arith.constant 12288 : i32
        %add3A_314 = arith.addi %add3A_313, %add3A_252 : i32
        %get3A = arith.index_cast %add3A_314 : i32 to index
        %get3A_315 = tpu.vector_load %arg5[%get3A] {strides = array<i32>} : memref<16384xi32, #tpu.memory_space<vmem>>, vector<16xi32>,
        %add3A_316 = arith.constant 12288 : i32
        %add3A_317 = arith.addi %add3A_316, %add3A_256 : i32
        %get3A_318 = arith.index_cast %add3A_317 : i32 to index
        %get3A_319 = tpu.vector_load %arg5[%get3A_318] {strides = array<i32>} : memref<16384xi32, #tpu.memory_space<vmem>>, vector<16xi32>,
        %add3A_320 = arith.constant 12288 : i32
        %add3A_321 = arith.addi %add3A_320, %add3A_260 : i32
        %get3A_322 = arith.index_cast %add3A_321 : i32 to index
        %get3A_323 = tpu.vector_load %arg5[%get3A_322] {strides = array<i32>} : memref<16384xi32, #tpu.memory_space<vmem>>, vector<16xi32>,
        %add3A_324 = arith.constant 12288 : i32
        %add3A_325 = arith.addi %add3A_324, %add3A_264 : i32
        %get3A_326 = arith.index_cast %add3A_325 : i32 to index
        %get3A_327 = tpu.vector_load %arg5[%get3A_326] {strides = array<i32>} : memref<16384xi32, #tpu.memory_space<vmem>>, vector<16xi32>,
        %add3A_328 = arith.constant 12288 : i32
        %add3A_329 = arith.addi %add3A_328, %add3A_268 : i32
        %get3A_330 = arith.index_cast %add3A_329 : i32 to index
        %get3A_331 = tpu.vector_load %arg5[%get3A_330] {strides = array<i32>} : memref<16384xi32, #tpu.memory_space<vmem>>, vector<16xi32>,
        %add3A_332 = arith.constant 12288 : i32
        %add3A_333 = arith.addi %add3A_332, %add3A_272 : i32
        %get3A_334 = arith.index_cast %add3A_333 : i32 to index
        %get3A_335 = tpu.vector_load %arg5[%get3A_334] {strides = array<i32>} : memref<16384xi32, #tpu.memory_space<vmem>>, vector<16xi32>,
        %add3A_336 = arith.constant 12288 : i32
        %add3A_337 = arith.addi %add3A_336, %add3A_276 : i32
        %get3A_338 = arith.index_cast %add3A_337 : i32 to index
        %get3A_339 = tpu.vector_load %arg5[%get3A_338] {strides = array<i32>} : memref<16384xi32, #tpu.memory_space<vmem>>, vector<16xi32>,
        %add3A_340 = arith.constant 12288 : i32
        %add3A_341 = arith.addi %add3A_340, %add3A_280 : i32
        %get3A_342 = arith.index_cast %add3A_341 : i32 to index
        %get3A_343 = tpu.vector_load %arg5[%get3A_342] {strides = array<i32>} : memref<16384xi32, #tpu.memory_space<vmem>>, vector<16xi32>,
        %add3A_344 = arith.constant 12288 : i32
        %add3A_345 = arith.addi %add3A_344, %add3A_284 : i32
        %get3A_346 = arith.index_cast %add3A_345 : i32 to index
        %get3A_347 = tpu.vector_load %arg5[%get3A_346] {strides = array<i32>} : memref<16384xi32, #tpu.memory_space<vmem>>, vector<16xi32>,
        %add3A_348 = arith.constant 12288 : i32
        %add3A_349 = arith.addi %add3A_348, %add3A_288 : i32
        %get3A_350 = arith.index_cast %add3A_349 : i32 to index
        %get3A_351 = tpu.vector_load %arg5[%get3A_350] {strides = array<i32>} : memref<16384xi32, #tpu.memory_space<vmem>>, vector<16xi32>,
        %add3A_352 = arith.constant 12288 : i32
        %add3A_353 = arith.addi %add3A_352, %add3A_292 : i32
        %get3A_354 = arith.index_cast %add3A_353 : i32 to index
        %get3A_355 = tpu.vector_load %arg5[%get3A_354] {strides = array<i32>} : memref<16384xi32, #tpu.memory_space<vmem>>, vector<16xi32>,
        %add3A_356 = arith.constant 12288 : i32
        %add3A_357 = arith.addi %add3A_356, %add3A_296 : i32
        %get3A_358 = arith.index_cast %add3A_357 : i32 to index
        %get3A_359 = tpu.vector_load %arg5[%get3A_358] {strides = array<i32>} : memref<16384xi32, #tpu.memory_space<vmem>>, vector<16xi32>,
        %add3A_360 = arith.constant 12288 : i32
        %add3A_361 = arith.addi %add3A_360, %add3A_300 : i32
        %get3A_362 = arith.index_cast %add3A_361 : i32 to index
        %get3A_363 = tpu.vector_load %arg5[%get3A_362] {strides = array<i32>} : memref<16384xi32, #tpu.memory_space<vmem>>, vector<16xi32>,
        %add3A_364 = arith.constant 12288 : i32
        %add3A_365 = arith.addi %add3A_364, %add3A_304 : i32
        %get3A_366 = arith.index_cast %add3A_365 : i32 to index
        %get3A_367 = tpu.vector_load %arg5[%get3A_366] {strides = array<i32>} : memref<16384xi32, #tpu.memory_space<vmem>>, vector<16xi32>,
        %add3A_368 = arith.constant 12288 : i32
        %add3A_369 = arith.addi %add3A_368, %add3A_308 : i32
        %get3A_370 = arith.index_cast %add3A_369 : i32 to index
        %get3A_371 = tpu.vector_load %arg5[%get3A_370] {strides = array<i32>} : memref<16384xi32, #tpu.memory_space<vmem>>, vector<16xi32>,
        %add3A_372 = arith.constant 12288 : i32
        %add3A_373 = arith.addi %add3A_372, %add3A_312 : i32
        %get3A_374 = arith.index_cast %add3A_373 : i32 to index
        %get3A_375 = tpu.vector_load %arg5[%get3A_374] {strides = array<i32>} : memref<16384xi32, #tpu.memory_space<vmem>>, vector<16xi32>,
        %gather3A = tpu.vector_load_idx %arg6[%get3A_315] : memref<100000xf32, #tpu.memory_space<vmem>>[vector<16xi32>], vector<16xf32>,
        %gather3A_376 = tpu.vector_load_idx %arg6[%get3A_319] : memref<100000xf32, #tpu.memory_space<vmem>>[vector<16xi32>], vector<16xf32>,
        %gather3A_377 = tpu.vector_load_idx %arg6[%get3A_323] : memref<100000xf32, #tpu.memory_space<vmem>>[vector<16xi32>], vector<16xf32>,
        %gather3A_378 = tpu.vector_load_idx %arg6[%get3A_327] : memref<100000xf32, #tpu.memory_space<vmem>>[vector<16xi32>], vector<16xf32>,
        %gather3A_379 = tpu.vector_load_idx %arg6[%get3A_331] : memref<100000xf32, #tpu.memory_space<vmem>>[vector<16xi32>], vector<16xf32>,
        %gather3A_380 = tpu.vector_load_idx %arg6[%get3A_335] : memref<100000xf32, #tpu.memory_space<vmem>>[vector<16xi32>], vector<16xf32>,
        %gather3A_381 = tpu.vector_load_idx %arg6[%get3A_339] : memref<100000xf32, #tpu.memory_space<vmem>>[vector<16xi32>], vector<16xf32>,
        %gather3A_382 = tpu.vector_load_idx %arg6[%get3A_343] : memref<100000xf32, #tpu.memory_space<vmem>>[vector<16xi32>], vector<16xf32>,
        %gather3A_383 = tpu.vector_load_idx %arg6[%get3A_347] : memref<100000xf32, #tpu.memory_space<vmem>>[vector<16xi32>], vector<16xf32>,
        %gather3A_384 = tpu.vector_load_idx %arg6[%get3A_351] : memref<100000xf32, #tpu.memory_space<vmem>>[vector<16xi32>], vector<16xf32>,
        %gather3A_385 = tpu.vector_load_idx %arg6[%get3A_355] : memref<100000xf32, #tpu.memory_space<vmem>>[vector<16xi32>], vector<16xf32>,
        %gather3A_386 = tpu.vector_load_idx %arg6[%get3A_359] : memref<100000xf32, #tpu.memory_space<vmem>>[vector<16xi32>], vector<16xf32>,
        %gather3A_387 = tpu.vector_load_idx %arg6[%get3A_363] : memref<100000xf32, #tpu.memory_space<vmem>>[vector<16xi32>], vector<16xf32>,
        %gather3A_388 = tpu.vector_load_idx %arg6[%get3A_367] : memref<100000xf32, #tpu.memory_space<vmem>>[vector<16xi32>], vector<16xf32>,
        %gather3A_389 = tpu.vector_load_idx %arg6[%get3A_371] : memref<100000xf32, #tpu.memory_space<vmem>>[vector<16xi32>], vector<16xf32>,
        %gather3A_390 = tpu.vector_load_idx %arg6[%get3A_375] : memref<100000xf32, #tpu.memory_space<vmem>>[vector<16xi32>], vector<16xf32>,
        %swap3A = arith.index_cast %add3A_252 : i32 to index
        %swap3A_391 = tpu.vector_load %arg8[%swap3A] {strides = array<i32>} : memref<4096xf32, #tpu.memory_space<vmem>>, vector<16xf32>,
        tpu.vector_store %arg8[%swap3A], %gather3A {strides = array<i32>} : memref<4096xf32, #tpu.memory_space<vmem>>, vector<16xf32>,
        %swap3A_392 = arith.index_cast %add3A_256 : i32 to index
        %swap3A_393 = tpu.vector_load %arg8[%swap3A_392] {strides = array<i32>} : memref<4096xf32, #tpu.memory_space<vmem>>, vector<16xf32>,
        tpu.vector_store %arg8[%swap3A_392], %gather3A_376 {strides = array<i32>} : memref<4096xf32, #tpu.memory_space<vmem>>, vector<16xf32>,
        %swap3A_394 = arith.index_cast %add3A_260 : i32 to index
        %swap3A_395 = tpu.vector_load %arg8[%swap3A_394] {strides = array<i32>} : memref<4096xf32, #tpu.memory_space<vmem>>, vector<16xf32>,
        tpu.vector_store %arg8[%swap3A_394], %gather3A_377 {strides = array<i32>} : memref<4096xf32, #tpu.memory_space<vmem>>, vector<16xf32>,
        %swap3A_396 = arith.index_cast %add3A_264 : i32 to index
        %swap3A_397 = tpu.vector_load %arg8[%swap3A_396] {strides = array<i32>} : memref<4096xf32, #tpu.memory_space<vmem>>, vector<16xf32>,
        tpu.vector_store %arg8[%swap3A_396], %gather3A_378 {strides = array<i32>} : memref<4096xf32, #tpu.memory_space<vmem>>, vector<16xf32>,
        %swap3A_398 = arith.index_cast %add3A_268 : i32 to index
        %swap3A_399 = tpu.vector_load %arg8[%swap3A_398] {strides = array<i32>} : memref<4096xf32, #tpu.memory_space<vmem>>, vector<16xf32>,
        tpu.vector_store %arg8[%swap3A_398], %gather3A_379 {strides = array<i32>} : memref<4096xf32, #tpu.memory_space<vmem>>, vector<16xf32>,
        %swap3A_400 = arith.index_cast %add3A_272 : i32 to index
        %swap3A_401 = tpu.vector_load %arg8[%swap3A_400] {strides = array<i32>} : memref<4096xf32, #tpu.memory_space<vmem>>, vector<16xf32>,
        tpu.vector_store %arg8[%swap3A_400], %gather3A_380 {strides = array<i32>} : memref<4096xf32, #tpu.memory_space<vmem>>, vector<16xf32>,
        %swap3A_402 = arith.index_cast %add3A_276 : i32 to index
        %swap3A_403 = tpu.vector_load %arg8[%swap3A_402] {strides = array<i32>} : memref<4096xf32, #tpu.memory_space<vmem>>, vector<16xf32>,
        tpu.vector_store %arg8[%swap3A_402], %gather3A_381 {strides = array<i32>} : memref<4096xf32, #tpu.memory_space<vmem>>, vector<16xf32>,
        %swap3A_404 = arith.index_cast %add3A_280 : i32 to index
        %swap3A_405 = tpu.vector_load %arg8[%swap3A_404] {strides = array<i32>} : memref<4096xf32, #tpu.memory_space<vmem>>, vector<16xf32>,
        tpu.vector_store %arg8[%swap3A_404], %gather3A_382 {strides = array<i32>} : memref<4096xf32, #tpu.memory_space<vmem>>, vector<16xf32>,
        %swap3A_406 = arith.index_cast %add3A_284 : i32 to index
        %swap3A_407 = tpu.vector_load %arg8[%swap3A_406] {strides = array<i32>} : memref<4096xf32, #tpu.memory_space<vmem>>, vector<16xf32>,
        tpu.vector_store %arg8[%swap3A_406], %gather3A_383 {strides = array<i32>} : memref<4096xf32, #tpu.memory_space<vmem>>, vector<16xf32>,
        %swap3A_408 = arith.index_cast %add3A_288 : i32 to index
        %swap3A_409 = tpu.vector_load %arg8[%swap3A_408] {strides = array<i32>} : memref<4096xf32, #tpu.memory_space<vmem>>, vector<16xf32>,
        tpu.vector_store %arg8[%swap3A_408], %gather3A_384 {strides = array<i32>} : memref<4096xf32, #tpu.memory_space<vmem>>, vector<16xf32>,
        %swap3A_410 = arith.index_cast %add3A_292 : i32 to index
        %swap3A_411 = tpu.vector_load %arg8[%swap3A_410] {strides = array<i32>} : memref<4096xf32, #tpu.memory_space<vmem>>, vector<16xf32>,
        tpu.vector_store %arg8[%swap3A_410], %gather3A_385 {strides = array<i32>} : memref<4096xf32, #tpu.memory_space<vmem>>, vector<16xf32>,
        %swap3A_412 = arith.index_cast %add3A_296 : i32 to index
        %swap3A_413 = tpu.vector_load %arg8[%swap3A_412] {strides = array<i32>} : memref<4096xf32, #tpu.memory_space<vmem>>, vector<16xf32>,
        tpu.vector_store %arg8[%swap3A_412], %gather3A_386 {strides = array<i32>} : memref<4096xf32, #tpu.memory_space<vmem>>, vector<16xf32>,
        %swap3A_414 = arith.index_cast %add3A_300 : i32 to index
        %swap3A_415 = tpu.vector_load %arg8[%swap3A_414] {strides = array<i32>} : memref<4096xf32, #tpu.memory_space<vmem>>, vector<16xf32>,
        tpu.vector_store %arg8[%swap3A_414], %gather3A_387 {strides = array<i32>} : memref<4096xf32, #tpu.memory_space<vmem>>, vector<16xf32>,
        %swap3A_416 = arith.index_cast %add3A_304 : i32 to index
        %swap3A_417 = tpu.vector_load %arg8[%swap3A_416] {strides = array<i32>} : memref<4096xf32, #tpu.memory_space<vmem>>, vector<16xf32>,
        tpu.vector_store %arg8[%swap3A_416], %gather3A_388 {strides = array<i32>} : memref<4096xf32, #tpu.memory_space<vmem>>, vector<16xf32>,
        %swap3A_418 = arith.index_cast %add3A_308 : i32 to index
        %swap3A_419 = tpu.vector_load %arg8[%swap3A_418] {strides = array<i32>} : memref<4096xf32, #tpu.memory_space<vmem>>, vector<16xf32>,
        tpu.vector_store %arg8[%swap3A_418], %gather3A_389 {strides = array<i32>} : memref<4096xf32, #tpu.memory_space<vmem>>, vector<16xf32>,
        %swap3A_420 = arith.index_cast %add3A_312 : i32 to index
        %swap3A_421 = tpu.vector_load %arg8[%swap3A_420] {strides = array<i32>} : memref<4096xf32, #tpu.memory_space<vmem>>, vector<16xf32>,
        tpu.vector_store %arg8[%swap3A_420], %gather3A_390 {strides = array<i32>} : memref<4096xf32, #tpu.memory_space<vmem>>, vector<16xf32>,
      }
      %scan3A_134 = arith.constant 16 : i32
      %dma_start3A_135 = arith.constant 12288 : i32
      %dma_start3A_136 = tpu.memref_slice %arg4[%add3A_62, %dma_start3A_135] : memref<832x16384xf32, #tpu.memory_space<hbm>> -> memref<1x4096xf32, #tpu.memory_space<hbm>>
      %dma_start3A_137 = tpu.memref_squeeze %dma_start3A_136 : memref<1x4096xf32, #tpu.memory_space<hbm>> -> memref<4096xf32, #tpu.memory_space<hbm>>
      %dma_start3A_138 = arith.constant 12288 : i32
      %dma_start3A_139 = tpu.memref_slice %arg4[%add3A_62, %dma_start3A_138] : memref<832x16384xf32, #tpu.memory_space<hbm>> -> memref<1x4096xf32, #tpu.memory_space<hbm>>
      %dma_start3A_140 = tpu.memref_squeeze %dma_start3A_139 : memref<1x4096xf32, #tpu.memory_space<hbm>> -> memref<4096xf32, #tpu.memory_space<hbm>>
      tpu.enqueue_dma source(%arg8 : memref<4096xf32, #tpu.memory_space<vmem>>) target(%dma_start3A_140 : memref<4096xf32, #tpu.memory_space<hbm>>) target_semaphore(%arg11 : memref<!tpu.dma_semaphore, #tpu.memory_space<semaphore_mem>>)
      %add3A_141 = arith.constant 1 : i32
      %add3A_142 = arith.addi %add3A_57, %add3A_141 : i32
      %dma_start3A_143 = arith.constant 0 : i32
      %dma_start3A_144 = tpu.memref_slice %arg3[%add3A_142, %dma_start3A_143] : memref<1664x100000xf32, #tpu.memory_space<hbm>> -> memref<1x100000xf32, #tpu.memory_space<hbm>>
      %dma_start3A_145 = tpu.memref_squeeze %dma_start3A_144 : memref<1x100000xf32, #tpu.memory_space<hbm>> -> memref<100000xf32, #tpu.memory_space<hbm>>
      %dma_start3A_146 = arith.constant 0 : i32
      %dma_start3A_147 = tpu.memref_slice %arg3[%add3A_142, %dma_start3A_146] : memref<1664x100000xf32, #tpu.memory_space<hbm>> -> memref<1x100000xf32, #tpu.memory_space<hbm>>
      %dma_start3A_148 = tpu.memref_squeeze %dma_start3A_147 : memref<1x100000xf32, #tpu.memory_space<hbm>> -> memref<100000xf32, #tpu.memory_space<hbm>>
      tpu.enqueue_dma source(%dma_start3A_148 : memref<100000xf32, #tpu.memory_space<hbm>>) target(%arg6 : memref<100000xf32, #tpu.memory_space<vmem>>) target_semaphore(%arg9 : memref<!tpu.dma_semaphore, #tpu.memory_space<semaphore_mem>>)
      %mul3A_149 = arith.constant 64 : i32
      %mul3A_150 = arith.muli %add3A_49, %mul3A_149 : i32
      %add3A_151 = arith.addi %mul3A_150, %mul3A_2 : i32
      %add3A_152 = arith.constant 1 : i32
      %add3A_153 = arith.addi %add3A_151, %add3A_152 : i32
      %mul3A_154 = arith.constant 64 : i32
      %mul3A_155 = arith.muli %scan3A_47, %mul3A_154 : i32
      %add3A_156 = arith.addi %mul3A_155, %mul3A_2 : i32
      %add3A_157 = arith.constant 1 : i32
      %add3A_158 = arith.addi %add3A_156, %add3A_157 : i32
      %dma_wait3A_159 = arith.constant 0 : i32
      %dma_wait3A_160 = tpu.memref_slice %arg3[%add3A_153, %dma_wait3A_159] : memref<1664x100000xf32, #tpu.memory_space<hbm>> -> memref<1x100000xf32, #tpu.memory_space<hbm>>
      %dma_wait3A_161 = tpu.memref_squeeze %dma_wait3A_160 : memref<1x100000xf32, #tpu.memory_space<hbm>> -> memref<100000xf32, #tpu.memory_space<hbm>>
      %dma_wait3A_162 = arith.constant 0 : i32
      %dma_wait3A_163 = tpu.memref_slice %arg3[%add3A_153, %dma_wait3A_162] : memref<1664x100000xf32, #tpu.memory_space<hbm>> -> memref<1x100000xf32, #tpu.memory_space<hbm>>
      %dma_wait3A_164 = tpu.memref_squeeze %dma_wait3A_163 : memref<1x100000xf32, #tpu.memory_space<hbm>> -> memref<100000xf32, #tpu.memory_space<hbm>>
      tpu.wait_dma2 semaphore(%arg9 : memref<!tpu.dma_semaphore, #tpu.memory_space<semaphore_mem>>) src(%dma_wait3A_164 : memref<100000xf32, #tpu.memory_space<hbm>>) dst(%arg6 : memref<100000xf32, #tpu.memory_space<vmem>>)
      %dma_wait3A_165 = arith.constant 0 : i32
      %dma_wait3A_166 = tpu.memref_slice %arg4[%add3A_158, %dma_wait3A_165] : memref<832x16384xf32, #tpu.memory_space<hbm>> -> memref<1x4096xf32, #tpu.memory_space<hbm>>
      %dma_wait3A_167 = tpu.memref_squeeze %dma_wait3A_166 : memref<1x4096xf32, #tpu.memory_space<hbm>> -> memref<4096xf32, #tpu.memory_space<hbm>>
      %dma_wait3A_168 = arith.constant 0 : i32
      %dma_wait3A_169 = tpu.memref_slice %arg4[%add3A_158, %dma_wait3A_168] : memref<832x16384xf32, #tpu.memory_space<hbm>> -> memref<1x4096xf32, #tpu.memory_space<hbm>>
      %dma_wait3A_170 = tpu.memref_squeeze %dma_wait3A_169 : memref<1x4096xf32, #tpu.memory_space<hbm>> -> memref<4096xf32, #tpu.memory_space<hbm>>
      tpu.wait_dma2 semaphore(%arg10 : memref<!tpu.dma_semaphore, #tpu.memory_space<semaphore_mem>>) src(%arg7 : memref<4096xf32, #tpu.memory_space<vmem>>) dst(%dma_wait3A_170 : memref<4096xf32, #tpu.memory_space<hbm>>)
      %scan3A_171 = arith.constant 0 : i32
      %scan3A_172 = arith.constant 0 : i32
      %scan3A_173 = arith.constant 16 : i32
      %scan3A_174 = arith.addi %scan3A_172, %scan3A_173 : i32
      %scan3A_175 = arith.constant 1 : i32
      scf.for %scan3A_248 = %scan3A_172 to %scan3A_174 step %scan3A_175  : i32 {
        %mul3A_249 = arith.constant 256 : i32
        %mul3A_250 = arith.muli %scan3A_248, %mul3A_249 : i32
        %add3A_251 = arith.constant 0 : i32
        %add3A_252 = arith.addi %mul3A_250, %add3A_251 : i32
        %mul3A_253 = arith.constant 256 : i32
        %mul3A_254 = arith.muli %scan3A_248, %mul3A_253 : i32
        %add3A_255 = arith.constant 16 : i32
        %add3A_256 = arith.addi %mul3A_254, %add3A_255 : i32
        %mul3A_257 = arith.constant 256 : i32
        %mul3A_258 = arith.muli %scan3A_248, %mul3A_257 : i32
        %add3A_259 = arith.constant 32 : i32
        %add3A_260 = arith.addi %mul3A_258, %add3A_259 : i32
        %mul3A_261 = arith.constant 256 : i32
        %mul3A_262 = arith.muli %scan3A_248, %mul3A_261 : i32
        %add3A_263 = arith.constant 48 : i32
        %add3A_264 = arith.addi %mul3A_262, %add3A_263 : i32
        %mul3A_265 = arith.constant 256 : i32
        %mul3A_266 = arith.muli %scan3A_248, %mul3A_265 : i32
        %add3A_267 = arith.constant 64 : i32
        %add3A_268 = arith.addi %mul3A_266, %add3A_267 : i32
        %mul3A_269 = arith.constant 256 : i32
        %mul3A_270 = arith.muli %scan3A_248, %mul3A_269 : i32
        %add3A_271 = arith.constant 80 : i32
        %add3A_272 = arith.addi %mul3A_270, %add3A_271 : i32
        %mul3A_273 = arith.constant 256 : i32
        %mul3A_274 = arith.muli %scan3A_248, %mul3A_273 : i32
        %add3A_275 = arith.constant 96 : i32
        %add3A_276 = arith.addi %mul3A_274, %add3A_275 : i32
        %mul3A_277 = arith.constant 256 : i32
        %mul3A_278 = arith.muli %scan3A_248, %mul3A_277 : i32
        %add3A_279 = arith.constant 112 : i32
        %add3A_280 = arith.addi %mul3A_278, %add3A_279 : i32
        %mul3A_281 = arith.constant 256 : i32
        %mul3A_282 = arith.muli %scan3A_248, %mul3A_281 : i32
        %add3A_283 = arith.constant 128 : i32
        %add3A_284 = arith.addi %mul3A_282, %add3A_283 : i32
        %mul3A_285 = arith.constant 256 : i32
        %mul3A_286 = arith.muli %scan3A_248, %mul3A_285 : i32
        %add3A_287 = arith.constant 144 : i32
        %add3A_288 = arith.addi %mul3A_286, %add3A_287 : i32
        %mul3A_289 = arith.constant 256 : i32
        %mul3A_290 = arith.muli %scan3A_248, %mul3A_289 : i32
        %add3A_291 = arith.constant 160 : i32
        %add3A_292 = arith.addi %mul3A_290, %add3A_291 : i32
        %mul3A_293 = arith.constant 256 : i32
        %mul3A_294 = arith.muli %scan3A_248, %mul3A_293 : i32
        %add3A_295 = arith.constant 176 : i32
        %add3A_296 = arith.addi %mul3A_294, %add3A_295 : i32
        %mul3A_297 = arith.constant 256 : i32
        %mul3A_298 = arith.muli %scan3A_248, %mul3A_297 : i32
        %add3A_299 = arith.constant 192 : i32
        %add3A_300 = arith.addi %mul3A_298, %add3A_299 : i32
        %mul3A_301 = arith.constant 256 : i32
        %mul3A_302 = arith.muli %scan3A_248, %mul3A_301 : i32
        %add3A_303 = arith.constant 208 : i32
        %add3A_304 = arith.addi %mul3A_302, %add3A_303 : i32
        %mul3A_305 = arith.constant 256 : i32
        %mul3A_306 = arith.muli %scan3A_248, %mul3A_305 : i32
        %add3A_307 = arith.constant 224 : i32
        %add3A_308 = arith.addi %mul3A_306, %add3A_307 : i32
        %mul3A_309 = arith.constant 256 : i32
        %mul3A_310 = arith.muli %scan3A_248, %mul3A_309 : i32
        %add3A_311 = arith.constant 240 : i32
        %add3A_312 = arith.addi %mul3A_310, %add3A_311 : i32
        %add3A_313 = arith.constant 0 : i32
        %add3A_314 = arith.addi %add3A_313, %add3A_252 : i32
        %get3A = arith.index_cast %add3A_314 : i32 to index
        %get3A_315 = tpu.vector_load %arg5[%get3A] {strides = array<i32>} : memref<16384xi32, #tpu.memory_space<vmem>>, vector<16xi32>,
        %add3A_316 = arith.constant 0 : i32
        %add3A_317 = arith.addi %add3A_316, %add3A_256 : i32
        %get3A_318 = arith.index_cast %add3A_317 : i32 to index
        %get3A_319 = tpu.vector_load %arg5[%get3A_318] {strides = array<i32>} : memref<16384xi32, #tpu.memory_space<vmem>>, vector<16xi32>,
        %add3A_320 = arith.constant 0 : i32
        %add3A_321 = arith.addi %add3A_320, %add3A_260 : i32
        %get3A_322 = arith.index_cast %add3A_321 : i32 to index
        %get3A_323 = tpu.vector_load %arg5[%get3A_322] {strides = array<i32>} : memref<16384xi32, #tpu.memory_space<vmem>>, vector<16xi32>,
        %add3A_324 = arith.constant 0 : i32
        %add3A_325 = arith.addi %add3A_324, %add3A_264 : i32
        %get3A_326 = arith.index_cast %add3A_325 : i32 to index
        %get3A_327 = tpu.vector_load %arg5[%get3A_326] {strides = array<i32>} : memref<16384xi32, #tpu.memory_space<vmem>>, vector<16xi32>,
        %add3A_328 = arith.constant 0 : i32
        %add3A_329 = arith.addi %add3A_328, %add3A_268 : i32
        %get3A_330 = arith.index_cast %add3A_329 : i32 to index
        %get3A_331 = tpu.vector_load %arg5[%get3A_330] {strides = array<i32>} : memref<16384xi32, #tpu.memory_space<vmem>>, vector<16xi32>,
        %add3A_332 = arith.constant 0 : i32
        %add3A_333 = arith.addi %add3A_332, %add3A_272 : i32
        %get3A_334 = arith.index_cast %add3A_333 : i32 to index
        %get3A_335 = tpu.vector_load %arg5[%get3A_334] {strides = array<i32>} : memref<16384xi32, #tpu.memory_space<vmem>>, vector<16xi32>,
        %add3A_336 = arith.constant 0 : i32
        %add3A_337 = arith.addi %add3A_336, %add3A_276 : i32
        %get3A_338 = arith.index_cast %add3A_337 : i32 to index
        %get3A_339 = tpu.vector_load %arg5[%get3A_338] {strides = array<i32>} : memref<16384xi32, #tpu.memory_space<vmem>>, vector<16xi32>,
        %add3A_340 = arith.constant 0 : i32
        %add3A_341 = arith.addi %add3A_340, %add3A_280 : i32
        %get3A_342 = arith.index_cast %add3A_341 : i32 to index
        %get3A_343 = tpu.vector_load %arg5[%get3A_342] {strides = array<i32>} : memref<16384xi32, #tpu.memory_space<vmem>>, vector<16xi32>,
        %add3A_344 = arith.constant 0 : i32
        %add3A_345 = arith.addi %add3A_344, %add3A_284 : i32
        %get3A_346 = arith.index_cast %add3A_345 : i32 to index
        %get3A_347 = tpu.vector_load %arg5[%get3A_346] {strides = array<i32>} : memref<16384xi32, #tpu.memory_space<vmem>>, vector<16xi32>,
        %add3A_348 = arith.constant 0 : i32
        %add3A_349 = arith.addi %add3A_348, %add3A_288 : i32
        %get3A_350 = arith.index_cast %add3A_349 : i32 to index
        %get3A_351 = tpu.vector_load %arg5[%get3A_350] {strides = array<i32>} : memref<16384xi32, #tpu.memory_space<vmem>>, vector<16xi32>,
        %add3A_352 = arith.constant 0 : i32
        %add3A_353 = arith.addi %add3A_352, %add3A_292 : i32
        %get3A_354 = arith.index_cast %add3A_353 : i32 to index
        %get3A_355 = tpu.vector_load %arg5[%get3A_354] {strides = array<i32>} : memref<16384xi32, #tpu.memory_space<vmem>>, vector<16xi32>,
        %add3A_356 = arith.constant 0 : i32
        %add3A_357 = arith.addi %add3A_356, %add3A_296 : i32
        %get3A_358 = arith.index_cast %add3A_357 : i32 to index
        %get3A_359 = tpu.vector_load %arg5[%get3A_358] {strides = array<i32>} : memref<16384xi32, #tpu.memory_space<vmem>>, vector<16xi32>,
        %add3A_360 = arith.constant 0 : i32
        %add3A_361 = arith.addi %add3A_360, %add3A_300 : i32
        %get3A_362 = arith.index_cast %add3A_361 : i32 to index
        %get3A_363 = tpu.vector_load %arg5[%get3A_362] {strides = array<i32>} : memref<16384xi32, #tpu.memory_space<vmem>>, vector<16xi32>,
        %add3A_364 = arith.constant 0 : i32
        %add3A_365 = arith.addi %add3A_364, %add3A_304 : i32
        %get3A_366 = arith.index_cast %add3A_365 : i32 to index
        %get3A_367 = tpu.vector_load %arg5[%get3A_366] {strides = array<i32>} : memref<16384xi32, #tpu.memory_space<vmem>>, vector<16xi32>,
        %add3A_368 = arith.constant 0 : i32
        %add3A_369 = arith.addi %add3A_368, %add3A_308 : i32
        %get3A_370 = arith.index_cast %add3A_369 : i32 to index
        %get3A_371 = tpu.vector_load %arg5[%get3A_370] {strides = array<i32>} : memref<16384xi32, #tpu.memory_space<vmem>>, vector<16xi32>,
        %add3A_372 = arith.constant 0 : i32
        %add3A_373 = arith.addi %add3A_372, %add3A_312 : i32
        %get3A_374 = arith.index_cast %add3A_373 : i32 to index
        %get3A_375 = tpu.vector_load %arg5[%get3A_374] {strides = array<i32>} : memref<16384xi32, #tpu.memory_space<vmem>>, vector<16xi32>,
        %gather3A = tpu.vector_load_idx %arg6[%get3A_315] : memref<100000xf32, #tpu.memory_space<vmem>>[vector<16xi32>], vector<16xf32>,
        %gather3A_376 = tpu.vector_load_idx %arg6[%get3A_319] : memref<100000xf32, #tpu.memory_space<vmem>>[vector<16xi32>], vector<16xf32>,
        %gather3A_377 = tpu.vector_load_idx %arg6[%get3A_323] : memref<100000xf32, #tpu.memory_space<vmem>>[vector<16xi32>], vector<16xf32>,
        %gather3A_378 = tpu.vector_load_idx %arg6[%get3A_327] : memref<100000xf32, #tpu.memory_space<vmem>>[vector<16xi32>], vector<16xf32>,
        %gather3A_379 = tpu.vector_load_idx %arg6[%get3A_331] : memref<100000xf32, #tpu.memory_space<vmem>>[vector<16xi32>], vector<16xf32>,
        %gather3A_380 = tpu.vector_load_idx %arg6[%get3A_335] : memref<100000xf32, #tpu.memory_space<vmem>>[vector<16xi32>], vector<16xf32>,
        %gather3A_381 = tpu.vector_load_idx %arg6[%get3A_339] : memref<100000xf32, #tpu.memory_space<vmem>>[vector<16xi32>], vector<16xf32>,
        %gather3A_382 = tpu.vector_load_idx %arg6[%get3A_343] : memref<100000xf32, #tpu.memory_space<vmem>>[vector<16xi32>], vector<16xf32>,
        %gather3A_383 = tpu.vector_load_idx %arg6[%get3A_347] : memref<100000xf32, #tpu.memory_space<vmem>>[vector<16xi32>], vector<16xf32>,
        %gather3A_384 = tpu.vector_load_idx %arg6[%get3A_351] : memref<100000xf32, #tpu.memory_space<vmem>>[vector<16xi32>], vector<16xf32>,
        %gather3A_385 = tpu.vector_load_idx %arg6[%get3A_355] : memref<100000xf32, #tpu.memory_space<vmem>>[vector<16xi32>], vector<16xf32>,
        %gather3A_386 = tpu.vector_load_idx %arg6[%get3A_359] : memref<100000xf32, #tpu.memory_space<vmem>>[vector<16xi32>], vector<16xf32>,
        %gather3A_387 = tpu.vector_load_idx %arg6[%get3A_363] : memref<100000xf32, #tpu.memory_space<vmem>>[vector<16xi32>], vector<16xf32>,
        %gather3A_388 = tpu.vector_load_idx %arg6[%get3A_367] : memref<100000xf32, #tpu.memory_space<vmem>>[vector<16xi32>], vector<16xf32>,
        %gather3A_389 = tpu.vector_load_idx %arg6[%get3A_371] : memref<100000xf32, #tpu.memory_space<vmem>>[vector<16xi32>], vector<16xf32>,
        %gather3A_390 = tpu.vector_load_idx %arg6[%get3A_375] : memref<100000xf32, #tpu.memory_space<vmem>>[vector<16xi32>], vector<16xf32>,
        %swap3A = arith.index_cast %add3A_252 : i32 to index
        %swap3A_391 = tpu.vector_load %arg7[%swap3A] {strides = array<i32>} : memref<4096xf32, #tpu.memory_space<vmem>>, vector<16xf32>,
        tpu.vector_store %arg7[%swap3A], %gather3A {strides = array<i32>} : memref<4096xf32, #tpu.memory_space<vmem>>, vector<16xf32>,
        %swap3A_392 = arith.index_cast %add3A_256 : i32 to index
        %swap3A_393 = tpu.vector_load %arg7[%swap3A_392] {strides = array<i32>} : memref<4096xf32, #tpu.memory_space<vmem>>, vector<16xf32>,
        tpu.vector_store %arg7[%swap3A_392], %gather3A_376 {strides = array<i32>} : memref<4096xf32, #tpu.memory_space<vmem>>, vector<16xf32>,
        %swap3A_394 = arith.index_cast %add3A_260 : i32 to index
        %swap3A_395 = tpu.vector_load %arg7[%swap3A_394] {strides = array<i32>} : memref<4096xf32, #tpu.memory_space<vmem>>, vector<16xf32>,
        tpu.vector_store %arg7[%swap3A_394], %gather3A_377 {strides = array<i32>} : memref<4096xf32, #tpu.memory_space<vmem>>, vector<16xf32>,
        %swap3A_396 = arith.index_cast %add3A_264 : i32 to index
        %swap3A_397 = tpu.vector_load %arg7[%swap3A_396] {strides = array<i32>} : memref<4096xf32, #tpu.memory_space<vmem>>, vector<16xf32>,
        tpu.vector_store %arg7[%swap3A_396], %gather3A_378 {strides = array<i32>} : memref<4096xf32, #tpu.memory_space<vmem>>, vector<16xf32>,
        %swap3A_398 = arith.index_cast %add3A_268 : i32 to index
        %swap3A_399 = tpu.vector_load %arg7[%swap3A_398] {strides = array<i32>} : memref<4096xf32, #tpu.memory_space<vmem>>, vector<16xf32>,
        tpu.vector_store %arg7[%swap3A_398], %gather3A_379 {strides = array<i32>} : memref<4096xf32, #tpu.memory_space<vmem>>, vector<16xf32>,
        %swap3A_400 = arith.index_cast %add3A_272 : i32 to index
        %swap3A_401 = tpu.vector_load %arg7[%swap3A_400] {strides = array<i32>} : memref<4096xf32, #tpu.memory_space<vmem>>, vector<16xf32>,
        tpu.vector_store %arg7[%swap3A_400], %gather3A_380 {strides = array<i32>} : memref<4096xf32, #tpu.memory_space<vmem>>, vector<16xf32>,
        %swap3A_402 = arith.index_cast %add3A_276 : i32 to index
        %swap3A_403 = tpu.vector_load %arg7[%swap3A_402] {strides = array<i32>} : memref<4096xf32, #tpu.memory_space<vmem>>, vector<16xf32>,
        tpu.vector_store %arg7[%swap3A_402], %gather3A_381 {strides = array<i32>} : memref<4096xf32, #tpu.memory_space<vmem>>, vector<16xf32>,
        %swap3A_404 = arith.index_cast %add3A_280 : i32 to index
        %swap3A_405 = tpu.vector_load %arg7[%swap3A_404] {strides = array<i32>} : memref<4096xf32, #tpu.memory_space<vmem>>, vector<16xf32>,
        tpu.vector_store %arg7[%swap3A_404], %gather3A_382 {strides = array<i32>} : memref<4096xf32, #tpu.memory_space<vmem>>, vector<16xf32>,
        %swap3A_406 = arith.index_cast %add3A_284 : i32 to index
        %swap3A_407 = tpu.vector_load %arg7[%swap3A_406] {strides = array<i32>} : memref<4096xf32, #tpu.memory_space<vmem>>, vector<16xf32>,
        tpu.vector_store %arg7[%swap3A_406], %gather3A_383 {strides = array<i32>} : memref<4096xf32, #tpu.memory_space<vmem>>, vector<16xf32>,
        %swap3A_408 = arith.index_cast %add3A_288 : i32 to index
        %swap3A_409 = tpu.vector_load %arg7[%swap3A_408] {strides = array<i32>} : memref<4096xf32, #tpu.memory_space<vmem>>, vector<16xf32>,
        tpu.vector_store %arg7[%swap3A_408], %gather3A_384 {strides = array<i32>} : memref<4096xf32, #tpu.memory_space<vmem>>, vector<16xf32>,
        %swap3A_410 = arith.index_cast %add3A_292 : i32 to index
        %swap3A_411 = tpu.vector_load %arg7[%swap3A_410] {strides = array<i32>} : memref<4096xf32, #tpu.memory_space<vmem>>, vector<16xf32>,
        tpu.vector_store %arg7[%swap3A_410], %gather3A_385 {strides = array<i32>} : memref<4096xf32, #tpu.memory_space<vmem>>, vector<16xf32>,
        %swap3A_412 = arith.index_cast %add3A_296 : i32 to index
        %swap3A_413 = tpu.vector_load %arg7[%swap3A_412] {strides = array<i32>} : memref<4096xf32, #tpu.memory_space<vmem>>, vector<16xf32>,
        tpu.vector_store %arg7[%swap3A_412], %gather3A_386 {strides = array<i32>} : memref<4096xf32, #tpu.memory_space<vmem>>, vector<16xf32>,
        %swap3A_414 = arith.index_cast %add3A_300 : i32 to index
        %swap3A_415 = tpu.vector_load %arg7[%swap3A_414] {strides = array<i32>} : memref<4096xf32, #tpu.memory_space<vmem>>, vector<16xf32>,
        tpu.vector_store %arg7[%swap3A_414], %gather3A_387 {strides = array<i32>} : memref<4096xf32, #tpu.memory_space<vmem>>, vector<16xf32>,
        %swap3A_416 = arith.index_cast %add3A_304 : i32 to index
        %swap3A_417 = tpu.vector_load %arg7[%swap3A_416] {strides = array<i32>} : memref<4096xf32, #tpu.memory_space<vmem>>, vector<16xf32>,
        tpu.vector_store %arg7[%swap3A_416], %gather3A_388 {strides = array<i32>} : memref<4096xf32, #tpu.memory_space<vmem>>, vector<16xf32>,
        %swap3A_418 = arith.index_cast %add3A_308 : i32 to index
        %swap3A_419 = tpu.vector_load %arg7[%swap3A_418] {strides = array<i32>} : memref<4096xf32, #tpu.memory_space<vmem>>, vector<16xf32>,
        tpu.vector_store %arg7[%swap3A_418], %gather3A_389 {strides = array<i32>} : memref<4096xf32, #tpu.memory_space<vmem>>, vector<16xf32>,
        %swap3A_420 = arith.index_cast %add3A_312 : i32 to index
        %swap3A_421 = tpu.vector_load %arg7[%swap3A_420] {strides = array<i32>} : memref<4096xf32, #tpu.memory_space<vmem>>, vector<16xf32>,
        tpu.vector_store %arg7[%swap3A_420], %gather3A_390 {strides = array<i32>} : memref<4096xf32, #tpu.memory_space<vmem>>, vector<16xf32>,
      }
      %scan3A_176 = arith.constant 16 : i32
      %dma_start3A_177 = arith.constant 0 : i32
      %dma_start3A_178 = tpu.memref_slice %arg4[%add3A_158, %dma_start3A_177] : memref<832x16384xf32, #tpu.memory_space<hbm>> -> memref<1x4096xf32, #tpu.memory_space<hbm>>
      %dma_start3A_179 = tpu.memref_squeeze %dma_start3A_178 : memref<1x4096xf32, #tpu.memory_space<hbm>> -> memref<4096xf32, #tpu.memory_space<hbm>>
      %dma_start3A_180 = arith.constant 0 : i32
      %dma_start3A_181 = tpu.memref_slice %arg4[%add3A_158, %dma_start3A_180] : memref<832x16384xf32, #tpu.memory_space<hbm>> -> memref<1x4096xf32, #tpu.memory_space<hbm>>
      %dma_start3A_182 = tpu.memref_squeeze %dma_start3A_181 : memref<1x4096xf32, #tpu.memory_space<hbm>> -> memref<4096xf32, #tpu.memory_space<hbm>>
      tpu.enqueue_dma source(%arg7 : memref<4096xf32, #tpu.memory_space<vmem>>) target(%dma_start3A_182 : memref<4096xf32, #tpu.memory_space<hbm>>) target_semaphore(%arg10 : memref<!tpu.dma_semaphore, #tpu.memory_space<semaphore_mem>>)
      %dma_wait3A_183 = arith.constant 4096 : i32
      %dma_wait3A_184 = tpu.memref_slice %arg4[%add3A_158, %dma_wait3A_183] : memref<832x16384xf32, #tpu.memory_space<hbm>> -> memref<1x4096xf32, #tpu.memory_space<hbm>>
      %dma_wait3A_185 = tpu.memref_squeeze %dma_wait3A_184 : memref<1x4096xf32, #tpu.memory_space<hbm>> -> memref<4096xf32, #tpu.memory_space<hbm>>
      %dma_wait3A_186 = arith.constant 4096 : i32
      %dma_wait3A_187 = tpu.memref_slice %arg4[%add3A_158, %dma_wait3A_186] : memref<832x16384xf32, #tpu.memory_space<hbm>> -> memref<1x4096xf32, #tpu.memory_space<hbm>>
      %dma_wait3A_188 = tpu.memref_squeeze %dma_wait3A_187 : memref<1x4096xf32, #tpu.memory_space<hbm>> -> memref<4096xf32, #tpu.memory_space<hbm>>
      tpu.wait_dma2 semaphore(%arg11 : memref<!tpu.dma_semaphore, #tpu.memory_space<semaphore_mem>>) src(%arg8 : memref<4096xf32, #tpu.memory_space<vmem>>) dst(%dma_wait3A_188 : memref<4096xf32, #tpu.memory_space<hbm>>)
      %scan3A_189 = arith.constant 0 : i32
      %scan3A_190 = arith.constant 0 : i32
      %scan3A_191 = arith.constant 16 : i32
      %scan3A_192 = arith.addi %scan3A_190, %scan3A_191 : i32
      %scan3A_193 = arith.constant 1 : i32
      scf.for %scan3A_248 = %scan3A_190 to %scan3A_192 step %scan3A_193  : i32 {
        %mul3A_249 = arith.constant 256 : i32
        %mul3A_250 = arith.muli %scan3A_248, %mul3A_249 : i32
        %add3A_251 = arith.constant 0 : i32
        %add3A_252 = arith.addi %mul3A_250, %add3A_251 : i32
        %mul3A_253 = arith.constant 256 : i32
        %mul3A_254 = arith.muli %scan3A_248, %mul3A_253 : i32
        %add3A_255 = arith.constant 16 : i32
        %add3A_256 = arith.addi %mul3A_254, %add3A_255 : i32
        %mul3A_257 = arith.constant 256 : i32
        %mul3A_258 = arith.muli %scan3A_248, %mul3A_257 : i32
        %add3A_259 = arith.constant 32 : i32
        %add3A_260 = arith.addi %mul3A_258, %add3A_259 : i32
        %mul3A_261 = arith.constant 256 : i32
        %mul3A_262 = arith.muli %scan3A_248, %mul3A_261 : i32
        %add3A_263 = arith.constant 48 : i32
        %add3A_264 = arith.addi %mul3A_262, %add3A_263 : i32
        %mul3A_265 = arith.constant 256 : i32
        %mul3A_266 = arith.muli %scan3A_248, %mul3A_265 : i32
        %add3A_267 = arith.constant 64 : i32
        %add3A_268 = arith.addi %mul3A_266, %add3A_267 : i32
        %mul3A_269 = arith.constant 256 : i32
        %mul3A_270 = arith.muli %scan3A_248, %mul3A_269 : i32
        %add3A_271 = arith.constant 80 : i32
        %add3A_272 = arith.addi %mul3A_270, %add3A_271 : i32
        %mul3A_273 = arith.constant 256 : i32
        %mul3A_274 = arith.muli %scan3A_248, %mul3A_273 : i32
        %add3A_275 = arith.constant 96 : i32
        %add3A_276 = arith.addi %mul3A_274, %add3A_275 : i32
        %mul3A_277 = arith.constant 256 : i32
        %mul3A_278 = arith.muli %scan3A_248, %mul3A_277 : i32
        %add3A_279 = arith.constant 112 : i32
        %add3A_280 = arith.addi %mul3A_278, %add3A_279 : i32
        %mul3A_281 = arith.constant 256 : i32
        %mul3A_282 = arith.muli %scan3A_248, %mul3A_281 : i32
        %add3A_283 = arith.constant 128 : i32
        %add3A_284 = arith.addi %mul3A_282, %add3A_283 : i32
        %mul3A_285 = arith.constant 256 : i32
        %mul3A_286 = arith.muli %scan3A_248, %mul3A_285 : i32
        %add3A_287 = arith.constant 144 : i32
        %add3A_288 = arith.addi %mul3A_286, %add3A_287 : i32
        %mul3A_289 = arith.constant 256 : i32
        %mul3A_290 = arith.muli %scan3A_248, %mul3A_289 : i32
        %add3A_291 = arith.constant 160 : i32
        %add3A_292 = arith.addi %mul3A_290, %add3A_291 : i32
        %mul3A_293 = arith.constant 256 : i32
        %mul3A_294 = arith.muli %scan3A_248, %mul3A_293 : i32
        %add3A_295 = arith.constant 176 : i32
        %add3A_296 = arith.addi %mul3A_294, %add3A_295 : i32
        %mul3A_297 = arith.constant 256 : i32
        %mul3A_298 = arith.muli %scan3A_248, %mul3A_297 : i32
        %add3A_299 = arith.constant 192 : i32
        %add3A_300 = arith.addi %mul3A_298, %add3A_299 : i32
        %mul3A_301 = arith.constant 256 : i32
        %mul3A_302 = arith.muli %scan3A_248, %mul3A_301 : i32
        %add3A_303 = arith.constant 208 : i32
        %add3A_304 = arith.addi %mul3A_302, %add3A_303 : i32
        %mul3A_305 = arith.constant 256 : i32
        %mul3A_306 = arith.muli %scan3A_248, %mul3A_305 : i32
        %add3A_307 = arith.constant 224 : i32
        %add3A_308 = arith.addi %mul3A_306, %add3A_307 : i32
        %mul3A_309 = arith.constant 256 : i32
        %mul3A_310 = arith.muli %scan3A_248, %mul3A_309 : i32
        %add3A_311 = arith.constant 240 : i32
        %add3A_312 = arith.addi %mul3A_310, %add3A_311 : i32
        %add3A_313 = arith.constant 4096 : i32
        %add3A_314 = arith.addi %add3A_313, %add3A_252 : i32
        %get3A = arith.index_cast %add3A_314 : i32 to index
        %get3A_315 = tpu.vector_load %arg5[%get3A] {strides = array<i32>} : memref<16384xi32, #tpu.memory_space<vmem>>, vector<16xi32>,
        %add3A_316 = arith.constant 4096 : i32
        %add3A_317 = arith.addi %add3A_316, %add3A_256 : i32
        %get3A_318 = arith.index_cast %add3A_317 : i32 to index
        %get3A_319 = tpu.vector_load %arg5[%get3A_318] {strides = array<i32>} : memref<16384xi32, #tpu.memory_space<vmem>>, vector<16xi32>,
        %add3A_320 = arith.constant 4096 : i32
        %add3A_321 = arith.addi %add3A_320, %add3A_260 : i32
        %get3A_322 = arith.index_cast %add3A_321 : i32 to index
        %get3A_323 = tpu.vector_load %arg5[%get3A_322] {strides = array<i32>} : memref<16384xi32, #tpu.memory_space<vmem>>, vector<16xi32>,
        %add3A_324 = arith.constant 4096 : i32
        %add3A_325 = arith.addi %add3A_324, %add3A_264 : i32
        %get3A_326 = arith.index_cast %add3A_325 : i32 to index
        %get3A_327 = tpu.vector_load %arg5[%get3A_326] {strides = array<i32>} : memref<16384xi32, #tpu.memory_space<vmem>>, vector<16xi32>,
        %add3A_328 = arith.constant 4096 : i32
        %add3A_329 = arith.addi %add3A_328, %add3A_268 : i32
        %get3A_330 = arith.index_cast %add3A_329 : i32 to index
        %get3A_331 = tpu.vector_load %arg5[%get3A_330] {strides = array<i32>} : memref<16384xi32, #tpu.memory_space<vmem>>, vector<16xi32>,
        %add3A_332 = arith.constant 4096 : i32
        %add3A_333 = arith.addi %add3A_332, %add3A_272 : i32
        %get3A_334 = arith.index_cast %add3A_333 : i32 to index
        %get3A_335 = tpu.vector_load %arg5[%get3A_334] {strides = array<i32>} : memref<16384xi32, #tpu.memory_space<vmem>>, vector<16xi32>,
        %add3A_336 = arith.constant 4096 : i32
        %add3A_337 = arith.addi %add3A_336, %add3A_276 : i32
        %get3A_338 = arith.index_cast %add3A_337 : i32 to index
        %get3A_339 = tpu.vector_load %arg5[%get3A_338] {strides = array<i32>} : memref<16384xi32, #tpu.memory_space<vmem>>, vector<16xi32>,
        %add3A_340 = arith.constant 4096 : i32
        %add3A_341 = arith.addi %add3A_340, %add3A_280 : i32
        %get3A_342 = arith.index_cast %add3A_341 : i32 to index
        %get3A_343 = tpu.vector_load %arg5[%get3A_342] {strides = array<i32>} : memref<16384xi32, #tpu.memory_space<vmem>>, vector<16xi32>,
        %add3A_344 = arith.constant 4096 : i32
        %add3A_345 = arith.addi %add3A_344, %add3A_284 : i32
        %get3A_346 = arith.index_cast %add3A_345 : i32 to index
        %get3A_347 = tpu.vector_load %arg5[%get3A_346] {strides = array<i32>} : memref<16384xi32, #tpu.memory_space<vmem>>, vector<16xi32>,
        %add3A_348 = arith.constant 4096 : i32
        %add3A_349 = arith.addi %add3A_348, %add3A_288 : i32
        %get3A_350 = arith.index_cast %add3A_349 : i32 to index
        %get3A_351 = tpu.vector_load %arg5[%get3A_350] {strides = array<i32>} : memref<16384xi32, #tpu.memory_space<vmem>>, vector<16xi32>,
        %add3A_352 = arith.constant 4096 : i32
        %add3A_353 = arith.addi %add3A_352, %add3A_292 : i32
        %get3A_354 = arith.index_cast %add3A_353 : i32 to index
        %get3A_355 = tpu.vector_load %arg5[%get3A_354] {strides = array<i32>} : memref<16384xi32, #tpu.memory_space<vmem>>, vector<16xi32>,
        %add3A_356 = arith.constant 4096 : i32
        %add3A_357 = arith.addi %add3A_356, %add3A_296 : i32
        %get3A_358 = arith.index_cast %add3A_357 : i32 to index
        %get3A_359 = tpu.vector_load %arg5[%get3A_358] {strides = array<i32>} : memref<16384xi32, #tpu.memory_space<vmem>>, vector<16xi32>,
        %add3A_360 = arith.constant 4096 : i32
        %add3A_361 = arith.addi %add3A_360, %add3A_300 : i32
        %get3A_362 = arith.index_cast %add3A_361 : i32 to index
        %get3A_363 = tpu.vector_load %arg5[%get3A_362] {strides = array<i32>} : memref<16384xi32, #tpu.memory_space<vmem>>, vector<16xi32>,
        %add3A_364 = arith.constant 4096 : i32
        %add3A_365 = arith.addi %add3A_364, %add3A_304 : i32
        %get3A_366 = arith.index_cast %add3A_365 : i32 to index
        %get3A_367 = tpu.vector_load %arg5[%get3A_366] {strides = array<i32>} : memref<16384xi32, #tpu.memory_space<vmem>>, vector<16xi32>,
        %add3A_368 = arith.constant 4096 : i32
        %add3A_369 = arith.addi %add3A_368, %add3A_308 : i32
        %get3A_370 = arith.index_cast %add3A_369 : i32 to index
        %get3A_371 = tpu.vector_load %arg5[%get3A_370] {strides = array<i32>} : memref<16384xi32, #tpu.memory_space<vmem>>, vector<16xi32>,
        %add3A_372 = arith.constant 4096 : i32
        %add3A_373 = arith.addi %add3A_372, %add3A_312 : i32
        %get3A_374 = arith.index_cast %add3A_373 : i32 to index
        %get3A_375 = tpu.vector_load %arg5[%get3A_374] {strides = array<i32>} : memref<16384xi32, #tpu.memory_space<vmem>>, vector<16xi32>,
        %gather3A = tpu.vector_load_idx %arg6[%get3A_315] : memref<100000xf32, #tpu.memory_space<vmem>>[vector<16xi32>], vector<16xf32>,
        %gather3A_376 = tpu.vector_load_idx %arg6[%get3A_319] : memref<100000xf32, #tpu.memory_space<vmem>>[vector<16xi32>], vector<16xf32>,
        %gather3A_377 = tpu.vector_load_idx %arg6[%get3A_323] : memref<100000xf32, #tpu.memory_space<vmem>>[vector<16xi32>], vector<16xf32>,
        %gather3A_378 = tpu.vector_load_idx %arg6[%get3A_327] : memref<100000xf32, #tpu.memory_space<vmem>>[vector<16xi32>], vector<16xf32>,
        %gather3A_379 = tpu.vector_load_idx %arg6[%get3A_331] : memref<100000xf32, #tpu.memory_space<vmem>>[vector<16xi32>], vector<16xf32>,
        %gather3A_380 = tpu.vector_load_idx %arg6[%get3A_335] : memref<100000xf32, #tpu.memory_space<vmem>>[vector<16xi32>], vector<16xf32>,
        %gather3A_381 = tpu.vector_load_idx %arg6[%get3A_339] : memref<100000xf32, #tpu.memory_space<vmem>>[vector<16xi32>], vector<16xf32>,
        %gather3A_382 = tpu.vector_load_idx %arg6[%get3A_343] : memref<100000xf32, #tpu.memory_space<vmem>>[vector<16xi32>], vector<16xf32>,
        %gather3A_383 = tpu.vector_load_idx %arg6[%get3A_347] : memref<100000xf32, #tpu.memory_space<vmem>>[vector<16xi32>], vector<16xf32>,
        %gather3A_384 = tpu.vector_load_idx %arg6[%get3A_351] : memref<100000xf32, #tpu.memory_space<vmem>>[vector<16xi32>], vector<16xf32>,
        %gather3A_385 = tpu.vector_load_idx %arg6[%get3A_355] : memref<100000xf32, #tpu.memory_space<vmem>>[vector<16xi32>], vector<16xf32>,
        %gather3A_386 = tpu.vector_load_idx %arg6[%get3A_359] : memref<100000xf32, #tpu.memory_space<vmem>>[vector<16xi32>], vector<16xf32>,
        %gather3A_387 = tpu.vector_load_idx %arg6[%get3A_363] : memref<100000xf32, #tpu.memory_space<vmem>>[vector<16xi32>], vector<16xf32>,
        %gather3A_388 = tpu.vector_load_idx %arg6[%get3A_367] : memref<100000xf32, #tpu.memory_space<vmem>>[vector<16xi32>], vector<16xf32>,
        %gather3A_389 = tpu.vector_load_idx %arg6[%get3A_371] : memref<100000xf32, #tpu.memory_space<vmem>>[vector<16xi32>], vector<16xf32>,
        %gather3A_390 = tpu.vector_load_idx %arg6[%get3A_375] : memref<100000xf32, #tpu.memory_space<vmem>>[vector<16xi32>], vector<16xf32>,
        %swap3A = arith.index_cast %add3A_252 : i32 to index
        %swap3A_391 = tpu.vector_load %arg8[%swap3A] {strides = array<i32>} : memref<4096xf32, #tpu.memory_space<vmem>>, vector<16xf32>,
        tpu.vector_store %arg8[%swap3A], %gather3A {strides = array<i32>} : memref<4096xf32, #tpu.memory_space<vmem>>, vector<16xf32>,
        %swap3A_392 = arith.index_cast %add3A_256 : i32 to index
        %swap3A_393 = tpu.vector_load %arg8[%swap3A_392] {strides = array<i32>} : memref<4096xf32, #tpu.memory_space<vmem>>, vector<16xf32>,
        tpu.vector_store %arg8[%swap3A_392], %gather3A_376 {strides = array<i32>} : memref<4096xf32, #tpu.memory_space<vmem>>, vector<16xf32>,
        %swap3A_394 = arith.index_cast %add3A_260 : i32 to index
        %swap3A_395 = tpu.vector_load %arg8[%swap3A_394] {strides = array<i32>} : memref<4096xf32, #tpu.memory_space<vmem>>, vector<16xf32>,
        tpu.vector_store %arg8[%swap3A_394], %gather3A_377 {strides = array<i32>} : memref<4096xf32, #tpu.memory_space<vmem>>, vector<16xf32>,
        %swap3A_396 = arith.index_cast %add3A_264 : i32 to index
        %swap3A_397 = tpu.vector_load %arg8[%swap3A_396] {strides = array<i32>} : memref<4096xf32, #tpu.memory_space<vmem>>, vector<16xf32>,
        tpu.vector_store %arg8[%swap3A_396], %gather3A_378 {strides = array<i32>} : memref<4096xf32, #tpu.memory_space<vmem>>, vector<16xf32>,
        %swap3A_398 = arith.index_cast %add3A_268 : i32 to index
        %swap3A_399 = tpu.vector_load %arg8[%swap3A_398] {strides = array<i32>} : memref<4096xf32, #tpu.memory_space<vmem>>, vector<16xf32>,
        tpu.vector_store %arg8[%swap3A_398], %gather3A_379 {strides = array<i32>} : memref<4096xf32, #tpu.memory_space<vmem>>, vector<16xf32>,
        %swap3A_400 = arith.index_cast %add3A_272 : i32 to index
        %swap3A_401 = tpu.vector_load %arg8[%swap3A_400] {strides = array<i32>} : memref<4096xf32, #tpu.memory_space<vmem>>, vector<16xf32>,
        tpu.vector_store %arg8[%swap3A_400], %gather3A_380 {strides = array<i32>} : memref<4096xf32, #tpu.memory_space<vmem>>, vector<16xf32>,
        %swap3A_402 = arith.index_cast %add3A_276 : i32 to index
        %swap3A_403 = tpu.vector_load %arg8[%swap3A_402] {strides = array<i32>} : memref<4096xf32, #tpu.memory_space<vmem>>, vector<16xf32>,
        tpu.vector_store %arg8[%swap3A_402], %gather3A_381 {strides = array<i32>} : memref<4096xf32, #tpu.memory_space<vmem>>, vector<16xf32>,
        %swap3A_404 = arith.index_cast %add3A_280 : i32 to index
        %swap3A_405 = tpu.vector_load %arg8[%swap3A_404] {strides = array<i32>} : memref<4096xf32, #tpu.memory_space<vmem>>, vector<16xf32>,
        tpu.vector_store %arg8[%swap3A_404], %gather3A_382 {strides = array<i32>} : memref<4096xf32, #tpu.memory_space<vmem>>, vector<16xf32>,
        %swap3A_406 = arith.index_cast %add3A_284 : i32 to index
        %swap3A_407 = tpu.vector_load %arg8[%swap3A_406] {strides = array<i32>} : memref<4096xf32, #tpu.memory_space<vmem>>, vector<16xf32>,
        tpu.vector_store %arg8[%swap3A_406], %gather3A_383 {strides = array<i32>} : memref<4096xf32, #tpu.memory_space<vmem>>, vector<16xf32>,
        %swap3A_408 = arith.index_cast %add3A_288 : i32 to index
        %swap3A_409 = tpu.vector_load %arg8[%swap3A_408] {strides = array<i32>} : memref<4096xf32, #tpu.memory_space<vmem>>, vector<16xf32>,
        tpu.vector_store %arg8[%swap3A_408], %gather3A_384 {strides = array<i32>} : memref<4096xf32, #tpu.memory_space<vmem>>, vector<16xf32>,
        %swap3A_410 = arith.index_cast %add3A_292 : i32 to index
        %swap3A_411 = tpu.vector_load %arg8[%swap3A_410] {strides = array<i32>} : memref<4096xf32, #tpu.memory_space<vmem>>, vector<16xf32>,
        tpu.vector_store %arg8[%swap3A_410], %gather3A_385 {strides = array<i32>} : memref<4096xf32, #tpu.memory_space<vmem>>, vector<16xf32>,
        %swap3A_412 = arith.index_cast %add3A_296 : i32 to index
        %swap3A_413 = tpu.vector_load %arg8[%swap3A_412] {strides = array<i32>} : memref<4096xf32, #tpu.memory_space<vmem>>, vector<16xf32>,
        tpu.vector_store %arg8[%swap3A_412], %gather3A_386 {strides = array<i32>} : memref<4096xf32, #tpu.memory_space<vmem>>, vector<16xf32>,
        %swap3A_414 = arith.index_cast %add3A_300 : i32 to index
        %swap3A_415 = tpu.vector_load %arg8[%swap3A_414] {strides = array<i32>} : memref<4096xf32, #tpu.memory_space<vmem>>, vector<16xf32>,
        tpu.vector_store %arg8[%swap3A_414], %gather3A_387 {strides = array<i32>} : memref<4096xf32, #tpu.memory_space<vmem>>, vector<16xf32>,
        %swap3A_416 = arith.index_cast %add3A_304 : i32 to index
        %swap3A_417 = tpu.vector_load %arg8[%swap3A_416] {strides = array<i32>} : memref<4096xf32, #tpu.memory_space<vmem>>, vector<16xf32>,
        tpu.vector_store %arg8[%swap3A_416], %gather3A_388 {strides = array<i32>} : memref<4096xf32, #tpu.memory_space<vmem>>, vector<16xf32>,
        %swap3A_418 = arith.index_cast %add3A_308 : i32 to index
        %swap3A_419 = tpu.vector_load %arg8[%swap3A_418] {strides = array<i32>} : memref<4096xf32, #tpu.memory_space<vmem>>, vector<16xf32>,
        tpu.vector_store %arg8[%swap3A_418], %gather3A_389 {strides = array<i32>} : memref<4096xf32, #tpu.memory_space<vmem>>, vector<16xf32>,
        %swap3A_420 = arith.index_cast %add3A_312 : i32 to index
        %swap3A_421 = tpu.vector_load %arg8[%swap3A_420] {strides = array<i32>} : memref<4096xf32, #tpu.memory_space<vmem>>, vector<16xf32>,
        tpu.vector_store %arg8[%swap3A_420], %gather3A_390 {strides = array<i32>} : memref<4096xf32, #tpu.memory_space<vmem>>, vector<16xf32>,
      }
      %scan3A_194 = arith.constant 16 : i32
      %dma_start3A_195 = arith.constant 4096 : i32
      %dma_start3A_196 = tpu.memref_slice %arg4[%add3A_158, %dma_start3A_195] : memref<832x16384xf32, #tpu.memory_space<hbm>> -> memref<1x4096xf32, #tpu.memory_space<hbm>>
      %dma_start3A_197 = tpu.memref_squeeze %dma_start3A_196 : memref<1x4096xf32, #tpu.memory_space<hbm>> -> memref<4096xf32, #tpu.memory_space<hbm>>
      %dma_start3A_198 = arith.constant 4096 : i32
      %dma_start3A_199 = tpu.memref_slice %arg4[%add3A_158, %dma_start3A_198] : memref<832x16384xf32, #tpu.memory_space<hbm>> -> memref<1x4096xf32, #tpu.memory_space<hbm>>
      %dma_start3A_200 = tpu.memref_squeeze %dma_start3A_199 : memref<1x4096xf32, #tpu.memory_space<hbm>> -> memref<4096xf32, #tpu.memory_space<hbm>>
      tpu.enqueue_dma source(%arg8 : memref<4096xf32, #tpu.memory_space<vmem>>) target(%dma_start3A_200 : memref<4096xf32, #tpu.memory_space<hbm>>) target_semaphore(%arg11 : memref<!tpu.dma_semaphore, #tpu.memory_space<semaphore_mem>>)
      %dma_wait3A_201 = arith.constant 8192 : i32
      %dma_wait3A_202 = tpu.memref_slice %arg4[%add3A_158, %dma_wait3A_201] : memref<832x16384xf32, #tpu.memory_space<hbm>> -> memref<1x4096xf32, #tpu.memory_space<hbm>>
      %dma_wait3A_203 = tpu.memref_squeeze %dma_wait3A_202 : memref<1x4096xf32, #tpu.memory_space<hbm>> -> memref<4096xf32, #tpu.memory_space<hbm>>
      %dma_wait3A_204 = arith.constant 8192 : i32
      %dma_wait3A_205 = tpu.memref_slice %arg4[%add3A_158, %dma_wait3A_204] : memref<832x16384xf32, #tpu.memory_space<hbm>> -> memref<1x4096xf32, #tpu.memory_space<hbm>>
      %dma_wait3A_206 = tpu.memref_squeeze %dma_wait3A_205 : memref<1x4096xf32, #tpu.memory_space<hbm>> -> memref<4096xf32, #tpu.memory_space<hbm>>
      tpu.wait_dma2 semaphore(%arg10 : memref<!tpu.dma_semaphore, #tpu.memory_space<semaphore_mem>>) src(%arg7 : memref<4096xf32, #tpu.memory_space<vmem>>) dst(%dma_wait3A_206 : memref<4096xf32, #tpu.memory_space<hbm>>)
      %scan3A_207 = arith.constant 0 : i32
      %scan3A_208 = arith.constant 0 : i32
      %scan3A_209 = arith.constant 16 : i32
      %scan3A_210 = arith.addi %scan3A_208, %scan3A_209 : i32
      %scan3A_211 = arith.constant 1 : i32
      scf.for %scan3A_248 = %scan3A_208 to %scan3A_210 step %scan3A_211  : i32 {
        %mul3A_249 = arith.constant 256 : i32
        %mul3A_250 = arith.muli %scan3A_248, %mul3A_249 : i32
        %add3A_251 = arith.constant 0 : i32
        %add3A_252 = arith.addi %mul3A_250, %add3A_251 : i32
        %mul3A_253 = arith.constant 256 : i32
        %mul3A_254 = arith.muli %scan3A_248, %mul3A_253 : i32
        %add3A_255 = arith.constant 16 : i32
        %add3A_256 = arith.addi %mul3A_254, %add3A_255 : i32
        %mul3A_257 = arith.constant 256 : i32
        %mul3A_258 = arith.muli %scan3A_248, %mul3A_257 : i32
        %add3A_259 = arith.constant 32 : i32
        %add3A_260 = arith.addi %mul3A_258, %add3A_259 : i32
        %mul3A_261 = arith.constant 256 : i32
        %mul3A_262 = arith.muli %scan3A_248, %mul3A_261 : i32
        %add3A_263 = arith.constant 48 : i32
        %add3A_264 = arith.addi %mul3A_262, %add3A_263 : i32
        %mul3A_265 = arith.constant 256 : i32
        %mul3A_266 = arith.muli %scan3A_248, %mul3A_265 : i32
        %add3A_267 = arith.constant 64 : i32
        %add3A_268 = arith.addi %mul3A_266, %add3A_267 : i32
        %mul3A_269 = arith.constant 256 : i32
        %mul3A_270 = arith.muli %scan3A_248, %mul3A_269 : i32
        %add3A_271 = arith.constant 80 : i32
        %add3A_272 = arith.addi %mul3A_270, %add3A_271 : i32
        %mul3A_273 = arith.constant 256 : i32
        %mul3A_274 = arith.muli %scan3A_248, %mul3A_273 : i32
        %add3A_275 = arith.constant 96 : i32
        %add3A_276 = arith.addi %mul3A_274, %add3A_275 : i32
        %mul3A_277 = arith.constant 256 : i32
        %mul3A_278 = arith.muli %scan3A_248, %mul3A_277 : i32
        %add3A_279 = arith.constant 112 : i32
        %add3A_280 = arith.addi %mul3A_278, %add3A_279 : i32
        %mul3A_281 = arith.constant 256 : i32
        %mul3A_282 = arith.muli %scan3A_248, %mul3A_281 : i32
        %add3A_283 = arith.constant 128 : i32
        %add3A_284 = arith.addi %mul3A_282, %add3A_283 : i32
        %mul3A_285 = arith.constant 256 : i32
        %mul3A_286 = arith.muli %scan3A_248, %mul3A_285 : i32
        %add3A_287 = arith.constant 144 : i32
        %add3A_288 = arith.addi %mul3A_286, %add3A_287 : i32
        %mul3A_289 = arith.constant 256 : i32
        %mul3A_290 = arith.muli %scan3A_248, %mul3A_289 : i32
        %add3A_291 = arith.constant 160 : i32
        %add3A_292 = arith.addi %mul3A_290, %add3A_291 : i32
        %mul3A_293 = arith.constant 256 : i32
        %mul3A_294 = arith.muli %scan3A_248, %mul3A_293 : i32
        %add3A_295 = arith.constant 176 : i32
        %add3A_296 = arith.addi %mul3A_294, %add3A_295 : i32
        %mul3A_297 = arith.constant 256 : i32
        %mul3A_298 = arith.muli %scan3A_248, %mul3A_297 : i32
        %add3A_299 = arith.constant 192 : i32
        %add3A_300 = arith.addi %mul3A_298, %add3A_299 : i32
        %mul3A_301 = arith.constant 256 : i32
        %mul3A_302 = arith.muli %scan3A_248, %mul3A_301 : i32
        %add3A_303 = arith.constant 208 : i32
        %add3A_304 = arith.addi %mul3A_302, %add3A_303 : i32
        %mul3A_305 = arith.constant 256 : i32
        %mul3A_306 = arith.muli %scan3A_248, %mul3A_305 : i32
        %add3A_307 = arith.constant 224 : i32
        %add3A_308 = arith.addi %mul3A_306, %add3A_307 : i32
        %mul3A_309 = arith.constant 256 : i32
        %mul3A_310 = arith.muli %scan3A_248, %mul3A_309 : i32
        %add3A_311 = arith.constant 240 : i32
        %add3A_312 = arith.addi %mul3A_310, %add3A_311 : i32
        %add3A_313 = arith.constant 8192 : i32
        %add3A_314 = arith.addi %add3A_313, %add3A_252 : i32
        %get3A = arith.index_cast %add3A_314 : i32 to index
        %get3A_315 = tpu.vector_load %arg5[%get3A] {strides = array<i32>} : memref<16384xi32, #tpu.memory_space<vmem>>, vector<16xi32>,
        %add3A_316 = arith.constant 8192 : i32
        %add3A_317 = arith.addi %add3A_316, %add3A_256 : i32
        %get3A_318 = arith.index_cast %add3A_317 : i32 to index
        %get3A_319 = tpu.vector_load %arg5[%get3A_318] {strides = array<i32>} : memref<16384xi32, #tpu.memory_space<vmem>>, vector<16xi32>,
        %add3A_320 = arith.constant 8192 : i32
        %add3A_321 = arith.addi %add3A_320, %add3A_260 : i32
        %get3A_322 = arith.index_cast %add3A_321 : i32 to index
        %get3A_323 = tpu.vector_load %arg5[%get3A_322] {strides = array<i32>} : memref<16384xi32, #tpu.memory_space<vmem>>, vector<16xi32>,
        %add3A_324 = arith.constant 8192 : i32
        %add3A_325 = arith.addi %add3A_324, %add3A_264 : i32
        %get3A_326 = arith.index_cast %add3A_325 : i32 to index
        %get3A_327 = tpu.vector_load %arg5[%get3A_326] {strides = array<i32>} : memref<16384xi32, #tpu.memory_space<vmem>>, vector<16xi32>,
        %add3A_328 = arith.constant 8192 : i32
        %add3A_329 = arith.addi %add3A_328, %add3A_268 : i32
        %get3A_330 = arith.index_cast %add3A_329 : i32 to index
        %get3A_331 = tpu.vector_load %arg5[%get3A_330] {strides = array<i32>} : memref<16384xi32, #tpu.memory_space<vmem>>, vector<16xi32>,
        %add3A_332 = arith.constant 8192 : i32
        %add3A_333 = arith.addi %add3A_332, %add3A_272 : i32
        %get3A_334 = arith.index_cast %add3A_333 : i32 to index
        %get3A_335 = tpu.vector_load %arg5[%get3A_334] {strides = array<i32>} : memref<16384xi32, #tpu.memory_space<vmem>>, vector<16xi32>,
        %add3A_336 = arith.constant 8192 : i32
        %add3A_337 = arith.addi %add3A_336, %add3A_276 : i32
        %get3A_338 = arith.index_cast %add3A_337 : i32 to index
        %get3A_339 = tpu.vector_load %arg5[%get3A_338] {strides = array<i32>} : memref<16384xi32, #tpu.memory_space<vmem>>, vector<16xi32>,
        %add3A_340 = arith.constant 8192 : i32
        %add3A_341 = arith.addi %add3A_340, %add3A_280 : i32
        %get3A_342 = arith.index_cast %add3A_341 : i32 to index
        %get3A_343 = tpu.vector_load %arg5[%get3A_342] {strides = array<i32>} : memref<16384xi32, #tpu.memory_space<vmem>>, vector<16xi32>,
        %add3A_344 = arith.constant 8192 : i32
        %add3A_345 = arith.addi %add3A_344, %add3A_284 : i32
        %get3A_346 = arith.index_cast %add3A_345 : i32 to index
        %get3A_347 = tpu.vector_load %arg5[%get3A_346] {strides = array<i32>} : memref<16384xi32, #tpu.memory_space<vmem>>, vector<16xi32>,
        %add3A_348 = arith.constant 8192 : i32
        %add3A_349 = arith.addi %add3A_348, %add3A_288 : i32
        %get3A_350 = arith.index_cast %add3A_349 : i32 to index
        %get3A_351 = tpu.vector_load %arg5[%get3A_350] {strides = array<i32>} : memref<16384xi32, #tpu.memory_space<vmem>>, vector<16xi32>,
        %add3A_352 = arith.constant 8192 : i32
        %add3A_353 = arith.addi %add3A_352, %add3A_292 : i32
        %get3A_354 = arith.index_cast %add3A_353 : i32 to index
        %get3A_355 = tpu.vector_load %arg5[%get3A_354] {strides = array<i32>} : memref<16384xi32, #tpu.memory_space<vmem>>, vector<16xi32>,
        %add3A_356 = arith.constant 8192 : i32
        %add3A_357 = arith.addi %add3A_356, %add3A_296 : i32
        %get3A_358 = arith.index_cast %add3A_357 : i32 to index
        %get3A_359 = tpu.vector_load %arg5[%get3A_358] {strides = array<i32>} : memref<16384xi32, #tpu.memory_space<vmem>>, vector<16xi32>,
        %add3A_360 = arith.constant 8192 : i32
        %add3A_361 = arith.addi %add3A_360, %add3A_300 : i32
        %get3A_362 = arith.index_cast %add3A_361 : i32 to index
        %get3A_363 = tpu.vector_load %arg5[%get3A_362] {strides = array<i32>} : memref<16384xi32, #tpu.memory_space<vmem>>, vector<16xi32>,
        %add3A_364 = arith.constant 8192 : i32
        %add3A_365 = arith.addi %add3A_364, %add3A_304 : i32
        %get3A_366 = arith.index_cast %add3A_365 : i32 to index
        %get3A_367 = tpu.vector_load %arg5[%get3A_366] {strides = array<i32>} : memref<16384xi32, #tpu.memory_space<vmem>>, vector<16xi32>,
        %add3A_368 = arith.constant 8192 : i32
        %add3A_369 = arith.addi %add3A_368, %add3A_308 : i32
        %get3A_370 = arith.index_cast %add3A_369 : i32 to index
        %get3A_371 = tpu.vector_load %arg5[%get3A_370] {strides = array<i32>} : memref<16384xi32, #tpu.memory_space<vmem>>, vector<16xi32>,
        %add3A_372 = arith.constant 8192 : i32
        %add3A_373 = arith.addi %add3A_372, %add3A_312 : i32
        %get3A_374 = arith.index_cast %add3A_373 : i32 to index
        %get3A_375 = tpu.vector_load %arg5[%get3A_374] {strides = array<i32>} : memref<16384xi32, #tpu.memory_space<vmem>>, vector<16xi32>,
        %gather3A = tpu.vector_load_idx %arg6[%get3A_315] : memref<100000xf32, #tpu.memory_space<vmem>>[vector<16xi32>], vector<16xf32>,
        %gather3A_376 = tpu.vector_load_idx %arg6[%get3A_319] : memref<100000xf32, #tpu.memory_space<vmem>>[vector<16xi32>], vector<16xf32>,
        %gather3A_377 = tpu.vector_load_idx %arg6[%get3A_323] : memref<100000xf32, #tpu.memory_space<vmem>>[vector<16xi32>], vector<16xf32>,
        %gather3A_378 = tpu.vector_load_idx %arg6[%get3A_327] : memref<100000xf32, #tpu.memory_space<vmem>>[vector<16xi32>], vector<16xf32>,
        %gather3A_379 = tpu.vector_load_idx %arg6[%get3A_331] : memref<100000xf32, #tpu.memory_space<vmem>>[vector<16xi32>], vector<16xf32>,
        %gather3A_380 = tpu.vector_load_idx %arg6[%get3A_335] : memref<100000xf32, #tpu.memory_space<vmem>>[vector<16xi32>], vector<16xf32>,
        %gather3A_381 = tpu.vector_load_idx %arg6[%get3A_339] : memref<100000xf32, #tpu.memory_space<vmem>>[vector<16xi32>], vector<16xf32>,
        %gather3A_382 = tpu.vector_load_idx %arg6[%get3A_343] : memref<100000xf32, #tpu.memory_space<vmem>>[vector<16xi32>], vector<16xf32>,
        %gather3A_383 = tpu.vector_load_idx %arg6[%get3A_347] : memref<100000xf32, #tpu.memory_space<vmem>>[vector<16xi32>], vector<16xf32>,
        %gather3A_384 = tpu.vector_load_idx %arg6[%get3A_351] : memref<100000xf32, #tpu.memory_space<vmem>>[vector<16xi32>], vector<16xf32>,
        %gather3A_385 = tpu.vector_load_idx %arg6[%get3A_355] : memref<100000xf32, #tpu.memory_space<vmem>>[vector<16xi32>], vector<16xf32>,
        %gather3A_386 = tpu.vector_load_idx %arg6[%get3A_359] : memref<100000xf32, #tpu.memory_space<vmem>>[vector<16xi32>], vector<16xf32>,
        %gather3A_387 = tpu.vector_load_idx %arg6[%get3A_363] : memref<100000xf32, #tpu.memory_space<vmem>>[vector<16xi32>], vector<16xf32>,
        %gather3A_388 = tpu.vector_load_idx %arg6[%get3A_367] : memref<100000xf32, #tpu.memory_space<vmem>>[vector<16xi32>], vector<16xf32>,
        %gather3A_389 = tpu.vector_load_idx %arg6[%get3A_371] : memref<100000xf32, #tpu.memory_space<vmem>>[vector<16xi32>], vector<16xf32>,
        %gather3A_390 = tpu.vector_load_idx %arg6[%get3A_375] : memref<100000xf32, #tpu.memory_space<vmem>>[vector<16xi32>], vector<16xf32>,
        %swap3A = arith.index_cast %add3A_252 : i32 to index
        %swap3A_391 = tpu.vector_load %arg7[%swap3A] {strides = array<i32>} : memref<4096xf32, #tpu.memory_space<vmem>>, vector<16xf32>,
        tpu.vector_store %arg7[%swap3A], %gather3A {strides = array<i32>} : memref<4096xf32, #tpu.memory_space<vmem>>, vector<16xf32>,
        %swap3A_392 = arith.index_cast %add3A_256 : i32 to index
        %swap3A_393 = tpu.vector_load %arg7[%swap3A_392] {strides = array<i32>} : memref<4096xf32, #tpu.memory_space<vmem>>, vector<16xf32>,
        tpu.vector_store %arg7[%swap3A_392], %gather3A_376 {strides = array<i32>} : memref<4096xf32, #tpu.memory_space<vmem>>, vector<16xf32>,
        %swap3A_394 = arith.index_cast %add3A_260 : i32 to index
        %swap3A_395 = tpu.vector_load %arg7[%swap3A_394] {strides = array<i32>} : memref<4096xf32, #tpu.memory_space<vmem>>, vector<16xf32>,
        tpu.vector_store %arg7[%swap3A_394], %gather3A_377 {strides = array<i32>} : memref<4096xf32, #tpu.memory_space<vmem>>, vector<16xf32>,
        %swap3A_396 = arith.index_cast %add3A_264 : i32 to index
        %swap3A_397 = tpu.vector_load %arg7[%swap3A_396] {strides = array<i32>} : memref<4096xf32, #tpu.memory_space<vmem>>, vector<16xf32>,
        tpu.vector_store %arg7[%swap3A_396], %gather3A_378 {strides = array<i32>} : memref<4096xf32, #tpu.memory_space<vmem>>, vector<16xf32>,
        %swap3A_398 = arith.index_cast %add3A_268 : i32 to index
        %swap3A_399 = tpu.vector_load %arg7[%swap3A_398] {strides = array<i32>} : memref<4096xf32, #tpu.memory_space<vmem>>, vector<16xf32>,
        tpu.vector_store %arg7[%swap3A_398], %gather3A_379 {strides = array<i32>} : memref<4096xf32, #tpu.memory_space<vmem>>, vector<16xf32>,
        %swap3A_400 = arith.index_cast %add3A_272 : i32 to index
        %swap3A_401 = tpu.vector_load %arg7[%swap3A_400] {strides = array<i32>} : memref<4096xf32, #tpu.memory_space<vmem>>, vector<16xf32>,
        tpu.vector_store %arg7[%swap3A_400], %gather3A_380 {strides = array<i32>} : memref<4096xf32, #tpu.memory_space<vmem>>, vector<16xf32>,
        %swap3A_402 = arith.index_cast %add3A_276 : i32 to index
        %swap3A_403 = tpu.vector_load %arg7[%swap3A_402] {strides = array<i32>} : memref<4096xf32, #tpu.memory_space<vmem>>, vector<16xf32>,
        tpu.vector_store %arg7[%swap3A_402], %gather3A_381 {strides = array<i32>} : memref<4096xf32, #tpu.memory_space<vmem>>, vector<16xf32>,
        %swap3A_404 = arith.index_cast %add3A_280 : i32 to index
        %swap3A_405 = tpu.vector_load %arg7[%swap3A_404] {strides = array<i32>} : memref<4096xf32, #tpu.memory_space<vmem>>, vector<16xf32>,
        tpu.vector_store %arg7[%swap3A_404], %gather3A_382 {strides = array<i32>} : memref<4096xf32, #tpu.memory_space<vmem>>, vector<16xf32>,
        %swap3A_406 = arith.index_cast %add3A_284 : i32 to index
        %swap3A_407 = tpu.vector_load %arg7[%swap3A_406] {strides = array<i32>} : memref<4096xf32, #tpu.memory_space<vmem>>, vector<16xf32>,
        tpu.vector_store %arg7[%swap3A_406], %gather3A_383 {strides = array<i32>} : memref<4096xf32, #tpu.memory_space<vmem>>, vector<16xf32>,
        %swap3A_408 = arith.index_cast %add3A_288 : i32 to index
        %swap3A_409 = tpu.vector_load %arg7[%swap3A_408] {strides = array<i32>} : memref<4096xf32, #tpu.memory_space<vmem>>, vector<16xf32>,
        tpu.vector_store %arg7[%swap3A_408], %gather3A_384 {strides = array<i32>} : memref<4096xf32, #tpu.memory_space<vmem>>, vector<16xf32>,
        %swap3A_410 = arith.index_cast %add3A_292 : i32 to index
        %swap3A_411 = tpu.vector_load %arg7[%swap3A_410] {strides = array<i32>} : memref<4096xf32, #tpu.memory_space<vmem>>, vector<16xf32>,
        tpu.vector_store %arg7[%swap3A_410], %gather3A_385 {strides = array<i32>} : memref<4096xf32, #tpu.memory_space<vmem>>, vector<16xf32>,
        %swap3A_412 = arith.index_cast %add3A_296 : i32 to index
        %swap3A_413 = tpu.vector_load %arg7[%swap3A_412] {strides = array<i32>} : memref<4096xf32, #tpu.memory_space<vmem>>, vector<16xf32>,
        tpu.vector_store %arg7[%swap3A_412], %gather3A_386 {strides = array<i32>} : memref<4096xf32, #tpu.memory_space<vmem>>, vector<16xf32>,
        %swap3A_414 = arith.index_cast %add3A_300 : i32 to index
        %swap3A_415 = tpu.vector_load %arg7[%swap3A_414] {strides = array<i32>} : memref<4096xf32, #tpu.memory_space<vmem>>, vector<16xf32>,
        tpu.vector_store %arg7[%swap3A_414], %gather3A_387 {strides = array<i32>} : memref<4096xf32, #tpu.memory_space<vmem>>, vector<16xf32>,
        %swap3A_416 = arith.index_cast %add3A_304 : i32 to index
        %swap3A_417 = tpu.vector_load %arg7[%swap3A_416] {strides = array<i32>} : memref<4096xf32, #tpu.memory_space<vmem>>, vector<16xf32>,
        tpu.vector_store %arg7[%swap3A_416], %gather3A_388 {strides = array<i32>} : memref<4096xf32, #tpu.memory_space<vmem>>, vector<16xf32>,
        %swap3A_418 = arith.index_cast %add3A_308 : i32 to index
        %swap3A_419 = tpu.vector_load %arg7[%swap3A_418] {strides = array<i32>} : memref<4096xf32, #tpu.memory_space<vmem>>, vector<16xf32>,
        tpu.vector_store %arg7[%swap3A_418], %gather3A_389 {strides = array<i32>} : memref<4096xf32, #tpu.memory_space<vmem>>, vector<16xf32>,
        %swap3A_420 = arith.index_cast %add3A_312 : i32 to index
        %swap3A_421 = tpu.vector_load %arg7[%swap3A_420] {strides = array<i32>} : memref<4096xf32, #tpu.memory_space<vmem>>, vector<16xf32>,
        tpu.vector_store %arg7[%swap3A_420], %gather3A_390 {strides = array<i32>} : memref<4096xf32, #tpu.memory_space<vmem>>, vector<16xf32>,
      }
      %scan3A_212 = arith.constant 16 : i32
      %dma_start3A_213 = arith.constant 8192 : i32
      %dma_start3A_214 = tpu.memref_slice %arg4[%add3A_158, %dma_start3A_213] : memref<832x16384xf32, #tpu.memory_space<hbm>> -> memref<1x4096xf32, #tpu.memory_space<hbm>>
      %dma_start3A_215 = tpu.memref_squeeze %dma_start3A_214 : memref<1x4096xf32, #tpu.memory_space<hbm>> -> memref<4096xf32, #tpu.memory_space<hbm>>
      %dma_start3A_216 = arith.constant 8192 : i32
      %dma_start3A_217 = tpu.memref_slice %arg4[%add3A_158, %dma_start3A_216] : memref<832x16384xf32, #tpu.memory_space<hbm>> -> memref<1x4096xf32, #tpu.memory_space<hbm>>
      %dma_start3A_218 = tpu.memref_squeeze %dma_start3A_217 : memref<1x4096xf32, #tpu.memory_space<hbm>> -> memref<4096xf32, #tpu.memory_space<hbm>>
      tpu.enqueue_dma source(%arg7 : memref<4096xf32, #tpu.memory_space<vmem>>) target(%dma_start3A_218 : memref<4096xf32, #tpu.memory_space<hbm>>) target_semaphore(%arg10 : memref<!tpu.dma_semaphore, #tpu.memory_space<semaphore_mem>>)
      %dma_wait3A_219 = arith.constant 12288 : i32
      %dma_wait3A_220 = tpu.memref_slice %arg4[%add3A_158, %dma_wait3A_219] : memref<832x16384xf32, #tpu.memory_space<hbm>> -> memref<1x4096xf32, #tpu.memory_space<hbm>>
      %dma_wait3A_221 = tpu.memref_squeeze %dma_wait3A_220 : memref<1x4096xf32, #tpu.memory_space<hbm>> -> memref<4096xf32, #tpu.memory_space<hbm>>
      %dma_wait3A_222 = arith.constant 12288 : i32
      %dma_wait3A_223 = tpu.memref_slice %arg4[%add3A_158, %dma_wait3A_222] : memref<832x16384xf32, #tpu.memory_space<hbm>> -> memref<1x4096xf32, #tpu.memory_space<hbm>>
      %dma_wait3A_224 = tpu.memref_squeeze %dma_wait3A_223 : memref<1x4096xf32, #tpu.memory_space<hbm>> -> memref<4096xf32, #tpu.memory_space<hbm>>
      tpu.wait_dma2 semaphore(%arg11 : memref<!tpu.dma_semaphore, #tpu.memory_space<semaphore_mem>>) src(%arg8 : memref<4096xf32, #tpu.memory_space<vmem>>) dst(%dma_wait3A_224 : memref<4096xf32, #tpu.memory_space<hbm>>)
      %scan3A_225 = arith.constant 0 : i32
      %scan3A_226 = arith.constant 0 : i32
      %scan3A_227 = arith.constant 16 : i32
      %scan3A_228 = arith.addi %scan3A_226, %scan3A_227 : i32
      %scan3A_229 = arith.constant 1 : i32
      scf.for %scan3A_248 = %scan3A_226 to %scan3A_228 step %scan3A_229  : i32 {
        %mul3A_249 = arith.constant 256 : i32
        %mul3A_250 = arith.muli %scan3A_248, %mul3A_249 : i32
        %add3A_251 = arith.constant 0 : i32
        %add3A_252 = arith.addi %mul3A_250, %add3A_251 : i32
        %mul3A_253 = arith.constant 256 : i32
        %mul3A_254 = arith.muli %scan3A_248, %mul3A_253 : i32
        %add3A_255 = arith.constant 16 : i32
        %add3A_256 = arith.addi %mul3A_254, %add3A_255 : i32
        %mul3A_257 = arith.constant 256 : i32
        %mul3A_258 = arith.muli %scan3A_248, %mul3A_257 : i32
        %add3A_259 = arith.constant 32 : i32
        %add3A_260 = arith.addi %mul3A_258, %add3A_259 : i32
        %mul3A_261 = arith.constant 256 : i32
        %mul3A_262 = arith.muli %scan3A_248, %mul3A_261 : i32
        %add3A_263 = arith.constant 48 : i32
        %add3A_264 = arith.addi %mul3A_262, %add3A_263 : i32
        %mul3A_265 = arith.constant 256 : i32
        %mul3A_266 = arith.muli %scan3A_248, %mul3A_265 : i32
        %add3A_267 = arith.constant 64 : i32
        %add3A_268 = arith.addi %mul3A_266, %add3A_267 : i32
        %mul3A_269 = arith.constant 256 : i32
        %mul3A_270 = arith.muli %scan3A_248, %mul3A_269 : i32
        %add3A_271 = arith.constant 80 : i32
        %add3A_272 = arith.addi %mul3A_270, %add3A_271 : i32
        %mul3A_273 = arith.constant 256 : i32
        %mul3A_274 = arith.muli %scan3A_248, %mul3A_273 : i32
        %add3A_275 = arith.constant 96 : i32
        %add3A_276 = arith.addi %mul3A_274, %add3A_275 : i32
        %mul3A_277 = arith.constant 256 : i32
        %mul3A_278 = arith.muli %scan3A_248, %mul3A_277 : i32
        %add3A_279 = arith.constant 112 : i32
        %add3A_280 = arith.addi %mul3A_278, %add3A_279 : i32
        %mul3A_281 = arith.constant 256 : i32
        %mul3A_282 = arith.muli %scan3A_248, %mul3A_281 : i32
        %add3A_283 = arith.constant 128 : i32
        %add3A_284 = arith.addi %mul3A_282, %add3A_283 : i32
        %mul3A_285 = arith.constant 256 : i32
        %mul3A_286 = arith.muli %scan3A_248, %mul3A_285 : i32
        %add3A_287 = arith.constant 144 : i32
        %add3A_288 = arith.addi %mul3A_286, %add3A_287 : i32
        %mul3A_289 = arith.constant 256 : i32
        %mul3A_290 = arith.muli %scan3A_248, %mul3A_289 : i32
        %add3A_291 = arith.constant 160 : i32
        %add3A_292 = arith.addi %mul3A_290, %add3A_291 : i32
        %mul3A_293 = arith.constant 256 : i32
        %mul3A_294 = arith.muli %scan3A_248, %mul3A_293 : i32
        %add3A_295 = arith.constant 176 : i32
        %add3A_296 = arith.addi %mul3A_294, %add3A_295 : i32
        %mul3A_297 = arith.constant 256 : i32
        %mul3A_298 = arith.muli %scan3A_248, %mul3A_297 : i32
        %add3A_299 = arith.constant 192 : i32
        %add3A_300 = arith.addi %mul3A_298, %add3A_299 : i32
        %mul3A_301 = arith.constant 256 : i32
        %mul3A_302 = arith.muli %scan3A_248, %mul3A_301 : i32
        %add3A_303 = arith.constant 208 : i32
        %add3A_304 = arith.addi %mul3A_302, %add3A_303 : i32
        %mul3A_305 = arith.constant 256 : i32
        %mul3A_306 = arith.muli %scan3A_248, %mul3A_305 : i32
        %add3A_307 = arith.constant 224 : i32
        %add3A_308 = arith.addi %mul3A_306, %add3A_307 : i32
        %mul3A_309 = arith.constant 256 : i32
        %mul3A_310 = arith.muli %scan3A_248, %mul3A_309 : i32
        %add3A_311 = arith.constant 240 : i32
        %add3A_312 = arith.addi %mul3A_310, %add3A_311 : i32
        %add3A_313 = arith.constant 12288 : i32
        %add3A_314 = arith.addi %add3A_313, %add3A_252 : i32
        %get3A = arith.index_cast %add3A_314 : i32 to index
        %get3A_315 = tpu.vector_load %arg5[%get3A] {strides = array<i32>} : memref<16384xi32, #tpu.memory_space<vmem>>, vector<16xi32>,
        %add3A_316 = arith.constant 12288 : i32
        %add3A_317 = arith.addi %add3A_316, %add3A_256 : i32
        %get3A_318 = arith.index_cast %add3A_317 : i32 to index
        %get3A_319 = tpu.vector_load %arg5[%get3A_318] {strides = array<i32>} : memref<16384xi32, #tpu.memory_space<vmem>>, vector<16xi32>,
        %add3A_320 = arith.constant 12288 : i32
        %add3A_321 = arith.addi %add3A_320, %add3A_260 : i32
        %get3A_322 = arith.index_cast %add3A_321 : i32 to index
        %get3A_323 = tpu.vector_load %arg5[%get3A_322] {strides = array<i32>} : memref<16384xi32, #tpu.memory_space<vmem>>, vector<16xi32>,
        %add3A_324 = arith.constant 12288 : i32
        %add3A_325 = arith.addi %add3A_324, %add3A_264 : i32
        %get3A_326 = arith.index_cast %add3A_325 : i32 to index
        %get3A_327 = tpu.vector_load %arg5[%get3A_326] {strides = array<i32>} : memref<16384xi32, #tpu.memory_space<vmem>>, vector<16xi32>,
        %add3A_328 = arith.constant 12288 : i32
        %add3A_329 = arith.addi %add3A_328, %add3A_268 : i32
        %get3A_330 = arith.index_cast %add3A_329 : i32 to index
        %get3A_331 = tpu.vector_load %arg5[%get3A_330] {strides = array<i32>} : memref<16384xi32, #tpu.memory_space<vmem>>, vector<16xi32>,
        %add3A_332 = arith.constant 12288 : i32
        %add3A_333 = arith.addi %add3A_332, %add3A_272 : i32
        %get3A_334 = arith.index_cast %add3A_333 : i32 to index
        %get3A_335 = tpu.vector_load %arg5[%get3A_334] {strides = array<i32>} : memref<16384xi32, #tpu.memory_space<vmem>>, vector<16xi32>,
        %add3A_336 = arith.constant 12288 : i32
        %add3A_337 = arith.addi %add3A_336, %add3A_276 : i32
        %get3A_338 = arith.index_cast %add3A_337 : i32 to index
        %get3A_339 = tpu.vector_load %arg5[%get3A_338] {strides = array<i32>} : memref<16384xi32, #tpu.memory_space<vmem>>, vector<16xi32>,
        %add3A_340 = arith.constant 12288 : i32
        %add3A_341 = arith.addi %add3A_340, %add3A_280 : i32
        %get3A_342 = arith.index_cast %add3A_341 : i32 to index
        %get3A_343 = tpu.vector_load %arg5[%get3A_342] {strides = array<i32>} : memref<16384xi32, #tpu.memory_space<vmem>>, vector<16xi32>,
        %add3A_344 = arith.constant 12288 : i32
        %add3A_345 = arith.addi %add3A_344, %add3A_284 : i32
        %get3A_346 = arith.index_cast %add3A_345 : i32 to index
        %get3A_347 = tpu.vector_load %arg5[%get3A_346] {strides = array<i32>} : memref<16384xi32, #tpu.memory_space<vmem>>, vector<16xi32>,
        %add3A_348 = arith.constant 12288 : i32
        %add3A_349 = arith.addi %add3A_348, %add3A_288 : i32
        %get3A_350 = arith.index_cast %add3A_349 : i32 to index
        %get3A_351 = tpu.vector_load %arg5[%get3A_350] {strides = array<i32>} : memref<16384xi32, #tpu.memory_space<vmem>>, vector<16xi32>,
        %add3A_352 = arith.constant 12288 : i32
        %add3A_353 = arith.addi %add3A_352, %add3A_292 : i32
        %get3A_354 = arith.index_cast %add3A_353 : i32 to index
        %get3A_355 = tpu.vector_load %arg5[%get3A_354] {strides = array<i32>} : memref<16384xi32, #tpu.memory_space<vmem>>, vector<16xi32>,
        %add3A_356 = arith.constant 12288 : i32
        %add3A_357 = arith.addi %add3A_356, %add3A_296 : i32
        %get3A_358 = arith.index_cast %add3A_357 : i32 to index
        %get3A_359 = tpu.vector_load %arg5[%get3A_358] {strides = array<i32>} : memref<16384xi32, #tpu.memory_space<vmem>>, vector<16xi32>,
        %add3A_360 = arith.constant 12288 : i32
        %add3A_361 = arith.addi %add3A_360, %add3A_300 : i32
        %get3A_362 = arith.index_cast %add3A_361 : i32 to index
        %get3A_363 = tpu.vector_load %arg5[%get3A_362] {strides = array<i32>} : memref<16384xi32, #tpu.memory_space<vmem>>, vector<16xi32>,
        %add3A_364 = arith.constant 12288 : i32
        %add3A_365 = arith.addi %add3A_364, %add3A_304 : i32
        %get3A_366 = arith.index_cast %add3A_365 : i32 to index
        %get3A_367 = tpu.vector_load %arg5[%get3A_366] {strides = array<i32>} : memref<16384xi32, #tpu.memory_space<vmem>>, vector<16xi32>,
        %add3A_368 = arith.constant 12288 : i32
        %add3A_369 = arith.addi %add3A_368, %add3A_308 : i32
        %get3A_370 = arith.index_cast %add3A_369 : i32 to index
        %get3A_371 = tpu.vector_load %arg5[%get3A_370] {strides = array<i32>} : memref<16384xi32, #tpu.memory_space<vmem>>, vector<16xi32>,
        %add3A_372 = arith.constant 12288 : i32
        %add3A_373 = arith.addi %add3A_372, %add3A_312 : i32
        %get3A_374 = arith.index_cast %add3A_373 : i32 to index
        %get3A_375 = tpu.vector_load %arg5[%get3A_374] {strides = array<i32>} : memref<16384xi32, #tpu.memory_space<vmem>>, vector<16xi32>,
        %gather3A = tpu.vector_load_idx %arg6[%get3A_315] : memref<100000xf32, #tpu.memory_space<vmem>>[vector<16xi32>], vector<16xf32>,
        %gather3A_376 = tpu.vector_load_idx %arg6[%get3A_319] : memref<100000xf32, #tpu.memory_space<vmem>>[vector<16xi32>], vector<16xf32>,
        %gather3A_377 = tpu.vector_load_idx %arg6[%get3A_323] : memref<100000xf32, #tpu.memory_space<vmem>>[vector<16xi32>], vector<16xf32>,
        %gather3A_378 = tpu.vector_load_idx %arg6[%get3A_327] : memref<100000xf32, #tpu.memory_space<vmem>>[vector<16xi32>], vector<16xf32>,
        %gather3A_379 = tpu.vector_load_idx %arg6[%get3A_331] : memref<100000xf32, #tpu.memory_space<vmem>>[vector<16xi32>], vector<16xf32>,
        %gather3A_380 = tpu.vector_load_idx %arg6[%get3A_335] : memref<100000xf32, #tpu.memory_space<vmem>>[vector<16xi32>], vector<16xf32>,
        %gather3A_381 = tpu.vector_load_idx %arg6[%get3A_339] : memref<100000xf32, #tpu.memory_space<vmem>>[vector<16xi32>], vector<16xf32>,
        %gather3A_382 = tpu.vector_load_idx %arg6[%get3A_343] : memref<100000xf32, #tpu.memory_space<vmem>>[vector<16xi32>], vector<16xf32>,
        %gather3A_383 = tpu.vector_load_idx %arg6[%get3A_347] : memref<100000xf32, #tpu.memory_space<vmem>>[vector<16xi32>], vector<16xf32>,
        %gather3A_384 = tpu.vector_load_idx %arg6[%get3A_351] : memref<100000xf32, #tpu.memory_space<vmem>>[vector<16xi32>], vector<16xf32>,
        %gather3A_385 = tpu.vector_load_idx %arg6[%get3A_355] : memref<100000xf32, #tpu.memory_space<vmem>>[vector<16xi32>], vector<16xf32>,
        %gather3A_386 = tpu.vector_load_idx %arg6[%get3A_359] : memref<100000xf32, #tpu.memory_space<vmem>>[vector<16xi32>], vector<16xf32>,
        %gather3A_387 = tpu.vector_load_idx %arg6[%get3A_363] : memref<100000xf32, #tpu.memory_space<vmem>>[vector<16xi32>], vector<16xf32>,
        %gather3A_388 = tpu.vector_load_idx %arg6[%get3A_367] : memref<100000xf32, #tpu.memory_space<vmem>>[vector<16xi32>], vector<16xf32>,
        %gather3A_389 = tpu.vector_load_idx %arg6[%get3A_371] : memref<100000xf32, #tpu.memory_space<vmem>>[vector<16xi32>], vector<16xf32>,
        %gather3A_390 = tpu.vector_load_idx %arg6[%get3A_375] : memref<100000xf32, #tpu.memory_space<vmem>>[vector<16xi32>], vector<16xf32>,
        %swap3A = arith.index_cast %add3A_252 : i32 to index
        %swap3A_391 = tpu.vector_load %arg8[%swap3A] {strides = array<i32>} : memref<4096xf32, #tpu.memory_space<vmem>>, vector<16xf32>,
        tpu.vector_store %arg8[%swap3A], %gather3A {strides = array<i32>} : memref<4096xf32, #tpu.memory_space<vmem>>, vector<16xf32>,
        %swap3A_392 = arith.index_cast %add3A_256 : i32 to index
        %swap3A_393 = tpu.vector_load %arg8[%swap3A_392] {strides = array<i32>} : memref<4096xf32, #tpu.memory_space<vmem>>, vector<16xf32>,
        tpu.vector_store %arg8[%swap3A_392], %gather3A_376 {strides = array<i32>} : memref<4096xf32, #tpu.memory_space<vmem>>, vector<16xf32>,
        %swap3A_394 = arith.index_cast %add3A_260 : i32 to index
        %swap3A_395 = tpu.vector_load %arg8[%swap3A_394] {strides = array<i32>} : memref<4096xf32, #tpu.memory_space<vmem>>, vector<16xf32>,
        tpu.vector_store %arg8[%swap3A_394], %gather3A_377 {strides = array<i32>} : memref<4096xf32, #tpu.memory_space<vmem>>, vector<16xf32>,
        %swap3A_396 = arith.index_cast %add3A_264 : i32 to index
        %swap3A_397 = tpu.vector_load %arg8[%swap3A_396] {strides = array<i32>} : memref<4096xf32, #tpu.memory_space<vmem>>, vector<16xf32>,
        tpu.vector_store %arg8[%swap3A_396], %gather3A_378 {strides = array<i32>} : memref<4096xf32, #tpu.memory_space<vmem>>, vector<16xf32>,
        %swap3A_398 = arith.index_cast %add3A_268 : i32 to index
        %swap3A_399 = tpu.vector_load %arg8[%swap3A_398] {strides = array<i32>} : memref<4096xf32, #tpu.memory_space<vmem>>, vector<16xf32>,
        tpu.vector_store %arg8[%swap3A_398], %gather3A_379 {strides = array<i32>} : memref<4096xf32, #tpu.memory_space<vmem>>, vector<16xf32>,
        %swap3A_400 = arith.index_cast %add3A_272 : i32 to index
        %swap3A_401 = tpu.vector_load %arg8[%swap3A_400] {strides = array<i32>} : memref<4096xf32, #tpu.memory_space<vmem>>, vector<16xf32>,
        tpu.vector_store %arg8[%swap3A_400], %gather3A_380 {strides = array<i32>} : memref<4096xf32, #tpu.memory_space<vmem>>, vector<16xf32>,
        %swap3A_402 = arith.index_cast %add3A_276 : i32 to index
        %swap3A_403 = tpu.vector_load %arg8[%swap3A_402] {strides = array<i32>} : memref<4096xf32, #tpu.memory_space<vmem>>, vector<16xf32>,
        tpu.vector_store %arg8[%swap3A_402], %gather3A_381 {strides = array<i32>} : memref<4096xf32, #tpu.memory_space<vmem>>, vector<16xf32>,
        %swap3A_404 = arith.index_cast %add3A_280 : i32 to index
        %swap3A_405 = tpu.vector_load %arg8[%swap3A_404] {strides = array<i32>} : memref<4096xf32, #tpu.memory_space<vmem>>, vector<16xf32>,
        tpu.vector_store %arg8[%swap3A_404], %gather3A_382 {strides = array<i32>} : memref<4096xf32, #tpu.memory_space<vmem>>, vector<16xf32>,
        %swap3A_406 = arith.index_cast %add3A_284 : i32 to index
        %swap3A_407 = tpu.vector_load %arg8[%swap3A_406] {strides = array<i32>} : memref<4096xf32, #tpu.memory_space<vmem>>, vector<16xf32>,
        tpu.vector_store %arg8[%swap3A_406], %gather3A_383 {strides = array<i32>} : memref<4096xf32, #tpu.memory_space<vmem>>, vector<16xf32>,
        %swap3A_408 = arith.index_cast %add3A_288 : i32 to index
        %swap3A_409 = tpu.vector_load %arg8[%swap3A_408] {strides = array<i32>} : memref<4096xf32, #tpu.memory_space<vmem>>, vector<16xf32>,
        tpu.vector_store %arg8[%swap3A_408], %gather3A_384 {strides = array<i32>} : memref<4096xf32, #tpu.memory_space<vmem>>, vector<16xf32>,
        %swap3A_410 = arith.index_cast %add3A_292 : i32 to index
        %swap3A_411 = tpu.vector_load %arg8[%swap3A_410] {strides = array<i32>} : memref<4096xf32, #tpu.memory_space<vmem>>, vector<16xf32>,
        tpu.vector_store %arg8[%swap3A_410], %gather3A_385 {strides = array<i32>} : memref<4096xf32, #tpu.memory_space<vmem>>, vector<16xf32>,
        %swap3A_412 = arith.index_cast %add3A_296 : i32 to index
        %swap3A_413 = tpu.vector_load %arg8[%swap3A_412] {strides = array<i32>} : memref<4096xf32, #tpu.memory_space<vmem>>, vector<16xf32>,
        tpu.vector_store %arg8[%swap3A_412], %gather3A_386 {strides = array<i32>} : memref<4096xf32, #tpu.memory_space<vmem>>, vector<16xf32>,
        %swap3A_414 = arith.index_cast %add3A_300 : i32 to index
        %swap3A_415 = tpu.vector_load %arg8[%swap3A_414] {strides = array<i32>} : memref<4096xf32, #tpu.memory_space<vmem>>, vector<16xf32>,
        tpu.vector_store %arg8[%swap3A_414], %gather3A_387 {strides = array<i32>} : memref<4096xf32, #tpu.memory_space<vmem>>, vector<16xf32>,
        %swap3A_416 = arith.index_cast %add3A_304 : i32 to index
        %swap3A_417 = tpu.vector_load %arg8[%swap3A_416] {strides = array<i32>} : memref<4096xf32, #tpu.memory_space<vmem>>, vector<16xf32>,
        tpu.vector_store %arg8[%swap3A_416], %gather3A_388 {strides = array<i32>} : memref<4096xf32, #tpu.memory_space<vmem>>, vector<16xf32>,
        %swap3A_418 = arith.index_cast %add3A_308 : i32 to index
        %swap3A_419 = tpu.vector_load %arg8[%swap3A_418] {strides = array<i32>} : memref<4096xf32, #tpu.memory_space<vmem>>, vector<16xf32>,
        tpu.vector_store %arg8[%swap3A_418], %gather3A_389 {strides = array<i32>} : memref<4096xf32, #tpu.memory_space<vmem>>, vector<16xf32>,
        %swap3A_420 = arith.index_cast %add3A_312 : i32 to index
        %swap3A_421 = tpu.vector_load %arg8[%swap3A_420] {strides = array<i32>} : memref<4096xf32, #tpu.memory_space<vmem>>, vector<16xf32>,
        tpu.vector_store %arg8[%swap3A_420], %gather3A_390 {strides = array<i32>} : memref<4096xf32, #tpu.memory_space<vmem>>, vector<16xf32>,
      }
      %scan3A_230 = arith.constant 16 : i32
      %dma_start3A_231 = arith.constant 12288 : i32
      %dma_start3A_232 = tpu.memref_slice %arg4[%add3A_158, %dma_start3A_231] : memref<832x16384xf32, #tpu.memory_space<hbm>> -> memref<1x4096xf32, #tpu.memory_space<hbm>>
      %dma_start3A_233 = tpu.memref_squeeze %dma_start3A_232 : memref<1x4096xf32, #tpu.memory_space<hbm>> -> memref<4096xf32, #tpu.memory_space<hbm>>
      %dma_start3A_234 = arith.constant 12288 : i32
      %dma_start3A_235 = tpu.memref_slice %arg4[%add3A_158, %dma_start3A_234] : memref<832x16384xf32, #tpu.memory_space<hbm>> -> memref<1x4096xf32, #tpu.memory_space<hbm>>
      %dma_start3A_236 = tpu.memref_squeeze %dma_start3A_235 : memref<1x4096xf32, #tpu.memory_space<hbm>> -> memref<4096xf32, #tpu.memory_space<hbm>>
      tpu.enqueue_dma source(%arg8 : memref<4096xf32, #tpu.memory_space<vmem>>) target(%dma_start3A_236 : memref<4096xf32, #tpu.memory_space<hbm>>) target_semaphore(%arg11 : memref<!tpu.dma_semaphore, #tpu.memory_space<semaphore_mem>>)
      %add3A_237 = arith.constant 0 : i32
      %add3A_238 = arith.addi %add3A_237, %min3A_52 : i32
      %mul3A_239 = arith.constant 64 : i32
      %mul3A_240 = arith.muli %add3A_238, %mul3A_239 : i32
      %add3A_241 = arith.addi %mul3A_240, %mul3A_2 : i32
      %dma_start3A_242 = arith.constant 0 : i32
      %dma_start3A_243 = tpu.memref_slice %arg3[%add3A_241, %dma_start3A_242] : memref<1664x100000xf32, #tpu.memory_space<hbm>> -> memref<1x100000xf32, #tpu.memory_space<hbm>>
      %dma_start3A_244 = tpu.memref_squeeze %dma_start3A_243 : memref<1x100000xf32, #tpu.memory_space<hbm>> -> memref<100000xf32, #tpu.memory_space<hbm>>
      %dma_start3A_245 = arith.constant 0 : i32
      %dma_start3A_246 = tpu.memref_slice %arg3[%add3A_241, %dma_start3A_245] : memref<1664x100000xf32, #tpu.memory_space<hbm>> -> memref<1x100000xf32, #tpu.memory_space<hbm>>
      %dma_start3A_247 = tpu.memref_squeeze %dma_start3A_246 : memref<1x100000xf32, #tpu.memory_space<hbm>> -> memref<100000xf32, #tpu.memory_space<hbm>>
      tpu.enqueue_dma source(%dma_start3A_247 : memref<100000xf32, #tpu.memory_space<hbm>>) target(%arg6 : memref<100000xf32, #tpu.memory_space<vmem>>) target_semaphore(%arg9 : memref<!tpu.dma_semaphore, #tpu.memory_space<semaphore_mem>>)
    }
    %scan3A_26 = arith.constant 13 : i32
    %dma_wait3A = arith.constant 0 : i32
    %dma_wait3A_27 = arith.constant 0 : i32
    %dma_wait3A_28 = tpu.memref_slice %arg3[%dma_wait3A, %dma_wait3A_27] : memref<1664x100000xf32, #tpu.memory_space<hbm>> -> memref<1x100000xf32, #tpu.memory_space<hbm>>
    %dma_wait3A_29 = tpu.memref_squeeze %dma_wait3A_28 : memref<1x100000xf32, #tpu.memory_space<hbm>> -> memref<100000xf32, #tpu.memory_space<hbm>>
    %dma_wait3A_30 = arith.constant 0 : i32
    %dma_wait3A_31 = tpu.memref_slice %arg3[%dma_wait3A, %dma_wait3A_30] : memref<1664x100000xf32, #tpu.memory_space<hbm>> -> memref<1x100000xf32, #tpu.memory_space<hbm>>
    %dma_wait3A_32 = tpu.memref_squeeze %dma_wait3A_31 : memref<1x100000xf32, #tpu.memory_space<hbm>> -> memref<100000xf32, #tpu.memory_space<hbm>>
    tpu.wait_dma2 semaphore(%arg9 : memref<!tpu.dma_semaphore, #tpu.memory_space<semaphore_mem>>) src(%dma_wait3A_32 : memref<100000xf32, #tpu.memory_space<hbm>>) dst(%arg6 : memref<100000xf32, #tpu.memory_space<vmem>>)
    %dma_wait3A_33 = arith.constant 0 : i32
    %dma_wait3A_34 = arith.constant 0 : i32
    %dma_wait3A_35 = tpu.memref_slice %arg4[%dma_wait3A_33, %dma_wait3A_34] : memref<832x16384xf32, #tpu.memory_space<hbm>> -> memref<1x4096xf32, #tpu.memory_space<hbm>>
    %dma_wait3A_36 = tpu.memref_squeeze %dma_wait3A_35 : memref<1x4096xf32, #tpu.memory_space<hbm>> -> memref<4096xf32, #tpu.memory_space<hbm>>
    %dma_wait3A_37 = arith.constant 0 : i32
    %dma_wait3A_38 = tpu.memref_slice %arg4[%dma_wait3A_33, %dma_wait3A_37] : memref<832x16384xf32, #tpu.memory_space<hbm>> -> memref<1x4096xf32, #tpu.memory_space<hbm>>
    %dma_wait3A_39 = tpu.memref_squeeze %dma_wait3A_38 : memref<1x4096xf32, #tpu.memory_space<hbm>> -> memref<4096xf32, #tpu.memory_space<hbm>>
    tpu.wait_dma2 semaphore(%arg10 : memref<!tpu.dma_semaphore, #tpu.memory_space<semaphore_mem>>) src(%arg7 : memref<4096xf32, #tpu.memory_space<vmem>>) dst(%dma_wait3A_39 : memref<4096xf32, #tpu.memory_space<hbm>>)
    %dma_wait3A_40 = arith.constant 0 : i32
    %dma_wait3A_41 = arith.constant 0 : i32
    %dma_wait3A_42 = tpu.memref_slice %arg4[%dma_wait3A_40, %dma_wait3A_41] : memref<832x16384xf32, #tpu.memory_space<hbm>> -> memref<1x4096xf32, #tpu.memory_space<hbm>>
    %dma_wait3A_43 = tpu.memref_squeeze %dma_wait3A_42 : memref<1x4096xf32, #tpu.memory_space<hbm>> -> memref<4096xf32, #tpu.memory_space<hbm>>
    %dma_wait3A_44 = arith.constant 0 : i32
    %dma_wait3A_45 = tpu.memref_slice %arg4[%dma_wait3A_40, %dma_wait3A_44] : memref<832x16384xf32, #tpu.memory_space<hbm>> -> memref<1x4096xf32, #tpu.memory_space<hbm>>
    %dma_wait3A_46 = tpu.memref_squeeze %dma_wait3A_45 : memref<1x4096xf32, #tpu.memory_space<hbm>> -> memref<4096xf32, #tpu.memory_space<hbm>>
    tpu.wait_dma2 semaphore(%arg11 : memref<!tpu.dma_semaphore, #tpu.memory_space<semaphore_mem>>) src(%arg8 : memref<4096xf32, #tpu.memory_space<vmem>>) dst(%dma_wait3A_46 : memref<4096xf32, #tpu.memory_space<hbm>>)
    return
  }
}

#map = affine_map<(d0, d1) -> (0, 0)>
module attributes {stable_mosaic.version = 14 : i64} {
  func.func @_sc_gather(%arg0: i32, %arg1: i32, %arg2: memref<26x16384xi32, #tpu.memory_space<hbm>>, %arg3: memref<1664x100000xf32, #tpu.memory_space<hbm>>, %arg4: memref<832x16384xf32, #tpu.memory_space<hbm>>, %arg5: memref<16384xi32, #tpu.memory_space<vmem>>, %arg6: memref<100000xf32, #tpu.memory_space<vmem>>, %arg7: memref<4096xf32, #tpu.memory_space<vmem>>, %arg8: memref<4096xf32, #tpu.memory_space<vmem>>, %arg9: memref<!tpu.dma_semaphore, #tpu.memory_space<semaphore_mem>>, %arg10: memref<!tpu.dma_semaphore, #tpu.memory_space<semaphore_mem>>, %arg11: memref<!tpu.dma_semaphore, #tpu.memory_space<semaphore_mem>>) attributes {dimension_semantics = [#tpu.dimension_semantics<core_parallel>, #tpu.dimension_semantics<subcore_parallel>], iteration_bounds = array<i64: 2, 16>, scalar_prefetch = 0 : i64, scratch_operands = 7 : i64, tpu.core_type = #tpu.core_type<sc_vector_subcore>, window_params = [{transform_indices = #map}, {transform_indices = #map}, {transform_indices = #map}]} {
    %mul3A = arith.constant 2 : i32
    %mul3A_0 = arith.muli %arg1, %mul3A : i32
    %add3A = arith.addi %mul3A_0, %arg0 : i32
    %mul3A_1 = arith.constant 2 : i32
    %mul3A_2 = arith.muli %add3A, %mul3A_1 : i32
    %dma_start3A = arith.constant 0 : i32
    %dma_start3A_3 = tpu.memref_slice %arg4[%mul3A_2, %dma_start3A] : memref<832x16384xf32, #tpu.memory_space<hbm>> -> memref<1x4096xf32, #tpu.memory_space<hbm>>
    %dma_start3A_4 = tpu.memref_squeeze %dma_start3A_3 : memref<1x4096xf32, #tpu.memory_space<hbm>> -> memref<4096xf32, #tpu.memory_space<hbm>>
    %dma_start3A_5 = arith.constant 0 : i32
    %dma_start3A_6 = tpu.memref_slice %arg4[%mul3A_2, %dma_start3A_5] : memref<832x16384xf32, #tpu.memory_space<hbm>> -> memref<1x4096xf32, #tpu.memory_space<hbm>>
    %dma_start3A_7 = tpu.memref_squeeze %dma_start3A_6 : memref<1x4096xf32, #tpu.memory_space<hbm>> -> memref<4096xf32, #tpu.memory_space<hbm>>
    tpu.enqueue_dma source(%arg7 : memref<4096xf32, #tpu.memory_space<vmem>>) target(%dma_start3A_7 : memref<4096xf32, #tpu.memory_space<hbm>>) target_semaphore(%arg10 : memref<!tpu.dma_semaphore, #tpu.memory_space<semaphore_mem>>)
    %dma_start3A_8 = arith.constant 4096 : i32
    %dma_start3A_9 = tpu.memref_slice %arg4[%mul3A_2, %dma_start3A_8] : memref<832x16384xf32, #tpu.memory_space<hbm>> -> memref<1x4096xf32, #tpu.memory_space<hbm>>
    %dma_start3A_10 = tpu.memref_squeeze %dma_start3A_9 : memref<1x4096xf32, #tpu.memory_space<hbm>> -> memref<4096xf32, #tpu.memory_space<hbm>>
    %dma_start3A_11 = arith.constant 4096 : i32
    %dma_start3A_12 = tpu.memref_slice %arg4[%mul3A_2, %dma_start3A_11] : memref<832x16384xf32, #tpu.memory_space<hbm>> -> memref<1x4096xf32, #tpu.memory_space<hbm>>
    %dma_start3A_13 = tpu.memref_squeeze %dma_start3A_12 : memref<1x4096xf32, #tpu.memory_space<hbm>> -> memref<4096xf32, #tpu.memory_space<hbm>>
    tpu.enqueue_dma source(%arg8 : memref<4096xf32, #tpu.memory_space<vmem>>) target(%dma_start3A_13 : memref<4096xf32, #tpu.memory_space<hbm>>) target_semaphore(%arg11 : memref<!tpu.dma_semaphore, #tpu.memory_space<semaphore_mem>>)
    %add3A_14 = arith.constant 832 : i32
    %add3A_15 = arith.addi %add3A_14, %mul3A_2 : i32
    %dma_start3A_16 = arith.constant 0 : i32
    %dma_start3A_17 = tpu.memref_slice %arg3[%add3A_15, %dma_start3A_16] : memref<1664x100000xf32, #tpu.memory_space<hbm>> -> memref<1x100000xf32, #tpu.memory_space<hbm>>
    %dma_start3A_18 = tpu.memref_squeeze %dma_start3A_17 : memref<1x100000xf32, #tpu.memory_space<hbm>> -> memref<100000xf32, #tpu.memory_space<hbm>>
    %dma_start3A_19 = arith.constant 0 : i32
    %dma_start3A_20 = tpu.memref_slice %arg3[%add3A_15, %dma_start3A_19] : memref<1664x100000xf32, #tpu.memory_space<hbm>> -> memref<1x100000xf32, #tpu.memory_space<hbm>>
    %dma_start3A_21 = tpu.memref_squeeze %dma_start3A_20 : memref<1x100000xf32, #tpu.memory_space<hbm>> -> memref<100000xf32, #tpu.memory_space<hbm>>
    tpu.enqueue_dma source(%dma_start3A_21 : memref<100000xf32, #tpu.memory_space<hbm>>) target(%arg6 : memref<100000xf32, #tpu.memory_space<vmem>>) target_semaphore(%arg9 : memref<!tpu.dma_semaphore, #tpu.memory_space<semaphore_mem>>)
    %scan3A = arith.constant 0 : i32
    %scan3A_22 = arith.constant 0 : i32
    %scan3A_23 = arith.constant 13 : i32
    %scan3A_24 = arith.addi %scan3A_22, %scan3A_23 : i32
    %scan3A_25 = arith.constant 1 : i32
    scf.for %scan3A_47 = %scan3A_22 to %scan3A_24 step %scan3A_25  : i32 {
      %add3A_48 = arith.constant 13 : i32
      %add3A_49 = arith.addi %add3A_48, %scan3A_47 : i32
      "tpu.region"() ({
        %run_scoped3A = tpu.sem_alloc : memref<!tpu.dma_semaphore, #tpu.memory_space<semaphore_mem>>
        %dma_start3A_248 = arith.constant 0 : i32
        %dma_start3A_249 = tpu.memref_slice %arg2[%add3A_49, %dma_start3A_248] : memref<26x16384xi32, #tpu.memory_space<hbm>> -> memref<1x16384xi32, #tpu.memory_space<hbm>>
        %dma_start3A_250 = tpu.memref_squeeze %dma_start3A_249 : memref<1x16384xi32, #tpu.memory_space<hbm>> -> memref<16384xi32, #tpu.memory_space<hbm>>
        %dma_start3A_251 = arith.constant 0 : i32
        %dma_start3A_252 = tpu.memref_slice %arg2[%add3A_49, %dma_start3A_251] : memref<26x16384xi32, #tpu.memory_space<hbm>> -> memref<1x16384xi32, #tpu.memory_space<hbm>>
        %dma_start3A_253 = tpu.memref_squeeze %dma_start3A_252 : memref<1x16384xi32, #tpu.memory_space<hbm>> -> memref<16384xi32, #tpu.memory_space<hbm>>
        tpu.enqueue_dma source(%dma_start3A_253 : memref<16384xi32, #tpu.memory_space<hbm>>) target(%arg5 : memref<16384xi32, #tpu.memory_space<vmem>>) target_semaphore(%run_scoped3A : memref<!tpu.dma_semaphore, #tpu.memory_space<semaphore_mem>>)
        %dma_wait3A_254 = arith.constant 0 : i32
        %dma_wait3A_255 = tpu.memref_slice %arg2[%add3A_49, %dma_wait3A_254] : memref<26x16384xi32, #tpu.memory_space<hbm>> -> memref<1x16384xi32, #tpu.memory_space<hbm>>
        %dma_wait3A_256 = tpu.memref_squeeze %dma_wait3A_255 : memref<1x16384xi32, #tpu.memory_space<hbm>> -> memref<16384xi32, #tpu.memory_space<hbm>>
        %dma_wait3A_257 = arith.constant 0 : i32
        %dma_wait3A_258 = tpu.memref_slice %arg2[%add3A_49, %dma_wait3A_257] : memref<26x16384xi32, #tpu.memory_space<hbm>> -> memref<1x16384xi32, #tpu.memory_space<hbm>>
        %dma_wait3A_259 = tpu.memref_squeeze %dma_wait3A_258 : memref<1x16384xi32, #tpu.memory_space<hbm>> -> memref<16384xi32, #tpu.memory_space<hbm>>
        tpu.wait_dma2 semaphore(%run_scoped3A : memref<!tpu.dma_semaphore, #tpu.memory_space<semaphore_mem>>) src(%dma_wait3A_259 : memref<16384xi32, #tpu.memory_space<hbm>>) dst(%arg5 : memref<16384xi32, #tpu.memory_space<vmem>>)
        tpu.yield
      }) : () -> ()
      %add3A_50 = arith.constant 1 : i32
      %add3A_51 = arith.addi %scan3A_47, %add3A_50 : i32
      %min3A = arith.constant 12 : i32
      %min3A_52 = arith.minsi %add3A_51, %min3A : i32
      %mul3A_53 = arith.constant 64 : i32
      %mul3A_54 = arith.muli %add3A_49, %mul3A_53 : i32
      %add3A_55 = arith.addi %mul3A_54, %mul3A_2 : i32
      %add3A_56 = arith.constant 0 : i32
      %add3A_57 = arith.addi %add3A_55, %add3A_56 : i32
      %mul3A_58 = arith.constant 64 : i32
      %mul3A_59 = arith.muli %scan3A_47, %mul3A_58 : i32
      %add3A_60 = arith.addi %mul3A_59, %mul3A_2 : i32
      %add3A_61 = arith.constant 0 : i32
      %add3A_62 = arith.addi %add3A_60, %add3A_61 : i32
      %dma_wait3A_63 = arith.constant 0 : i32
      %dma_wait3A_64 = tpu.memref_slice %arg3[%add3A_57, %dma_wait3A_63] : memref<1664x100000xf32, #tpu.memory_space<hbm>> -> memref<1x100000xf32, #tpu.memory_space<hbm>>
      %dma_wait3A_65 = tpu.memref_squeeze %dma_wait3A_64 : memref<1x100000xf32, #tpu.memory_space<hbm>> -> memref<100000xf32, #tpu.memory_space<hbm>>
      %dma_wait3A_66 = arith.constant 0 : i32
      %dma_wait3A_67 = tpu.memref_slice %arg3[%add3A_57, %dma_wait3A_66] : memref<1664x100000xf32, #tpu.memory_space<hbm>> -> memref<1x100000xf32, #tpu.memory_space<hbm>>
      %dma_wait3A_68 = tpu.memref_squeeze %dma_wait3A_67 : memref<1x100000xf32, #tpu.memory_space<hbm>> -> memref<100000xf32, #tpu.memory_space<hbm>>
      tpu.wait_dma2 semaphore(%arg9 : memref<!tpu.dma_semaphore, #tpu.memory_space<semaphore_mem>>) src(%dma_wait3A_68 : memref<100000xf32, #tpu.memory_space<hbm>>) dst(%arg6 : memref<100000xf32, #tpu.memory_space<vmem>>)
      %dma_wait3A_69 = arith.constant 0 : i32
      %dma_wait3A_70 = tpu.memref_slice %arg4[%add3A_62, %dma_wait3A_69] : memref<832x16384xf32, #tpu.memory_space<hbm>> -> memref<1x4096xf32, #tpu.memory_space<hbm>>
      %dma_wait3A_71 = tpu.memref_squeeze %dma_wait3A_70 : memref<1x4096xf32, #tpu.memory_space<hbm>> -> memref<4096xf32, #tpu.memory_space<hbm>>
      %dma_wait3A_72 = arith.constant 0 : i32
      %dma_wait3A_73 = tpu.memref_slice %arg4[%add3A_62, %dma_wait3A_72] : memref<832x16384xf32, #tpu.memory_space<hbm>> -> memref<1x4096xf32, #tpu.memory_space<hbm>>
      %dma_wait3A_74 = tpu.memref_squeeze %dma_wait3A_73 : memref<1x4096xf32, #tpu.memory_space<hbm>> -> memref<4096xf32, #tpu.memory_space<hbm>>
      tpu.wait_dma2 semaphore(%arg10 : memref<!tpu.dma_semaphore, #tpu.memory_space<semaphore_mem>>) src(%arg7 : memref<4096xf32, #tpu.memory_space<vmem>>) dst(%dma_wait3A_74 : memref<4096xf32, #tpu.memory_space<hbm>>)
      %scan3A_75 = arith.constant 0 : i32
      %scan3A_76 = arith.constant 0 : i32
      %scan3A_77 = arith.constant 16 : i32
      %scan3A_78 = arith.addi %scan3A_76, %scan3A_77 : i32
      %scan3A_79 = arith.constant 1 : i32
      scf.for %scan3A_248 = %scan3A_76 to %scan3A_78 step %scan3A_79  : i32 {
        %mul3A_249 = arith.constant 256 : i32
        %mul3A_250 = arith.muli %scan3A_248, %mul3A_249 : i32
        %add3A_251 = arith.constant 0 : i32
        %add3A_252 = arith.addi %mul3A_250, %add3A_251 : i32
        %mul3A_253 = arith.constant 256 : i32
        %mul3A_254 = arith.muli %scan3A_248, %mul3A_253 : i32
        %add3A_255 = arith.constant 16 : i32
        %add3A_256 = arith.addi %mul3A_254, %add3A_255 : i32
        %mul3A_257 = arith.constant 256 : i32
        %mul3A_258 = arith.muli %scan3A_248, %mul3A_257 : i32
        %add3A_259 = arith.constant 32 : i32
        %add3A_260 = arith.addi %mul3A_258, %add3A_259 : i32
        %mul3A_261 = arith.constant 256 : i32
        %mul3A_262 = arith.muli %scan3A_248, %mul3A_261 : i32
        %add3A_263 = arith.constant 48 : i32
        %add3A_264 = arith.addi %mul3A_262, %add3A_263 : i32
        %mul3A_265 = arith.constant 256 : i32
        %mul3A_266 = arith.muli %scan3A_248, %mul3A_265 : i32
        %add3A_267 = arith.constant 64 : i32
        %add3A_268 = arith.addi %mul3A_266, %add3A_267 : i32
        %mul3A_269 = arith.constant 256 : i32
        %mul3A_270 = arith.muli %scan3A_248, %mul3A_269 : i32
        %add3A_271 = arith.constant 80 : i32
        %add3A_272 = arith.addi %mul3A_270, %add3A_271 : i32
        %mul3A_273 = arith.constant 256 : i32
        %mul3A_274 = arith.muli %scan3A_248, %mul3A_273 : i32
        %add3A_275 = arith.constant 96 : i32
        %add3A_276 = arith.addi %mul3A_274, %add3A_275 : i32
        %mul3A_277 = arith.constant 256 : i32
        %mul3A_278 = arith.muli %scan3A_248, %mul3A_277 : i32
        %add3A_279 = arith.constant 112 : i32
        %add3A_280 = arith.addi %mul3A_278, %add3A_279 : i32
        %mul3A_281 = arith.constant 256 : i32
        %mul3A_282 = arith.muli %scan3A_248, %mul3A_281 : i32
        %add3A_283 = arith.constant 128 : i32
        %add3A_284 = arith.addi %mul3A_282, %add3A_283 : i32
        %mul3A_285 = arith.constant 256 : i32
        %mul3A_286 = arith.muli %scan3A_248, %mul3A_285 : i32
        %add3A_287 = arith.constant 144 : i32
        %add3A_288 = arith.addi %mul3A_286, %add3A_287 : i32
        %mul3A_289 = arith.constant 256 : i32
        %mul3A_290 = arith.muli %scan3A_248, %mul3A_289 : i32
        %add3A_291 = arith.constant 160 : i32
        %add3A_292 = arith.addi %mul3A_290, %add3A_291 : i32
        %mul3A_293 = arith.constant 256 : i32
        %mul3A_294 = arith.muli %scan3A_248, %mul3A_293 : i32
        %add3A_295 = arith.constant 176 : i32
        %add3A_296 = arith.addi %mul3A_294, %add3A_295 : i32
        %mul3A_297 = arith.constant 256 : i32
        %mul3A_298 = arith.muli %scan3A_248, %mul3A_297 : i32
        %add3A_299 = arith.constant 192 : i32
        %add3A_300 = arith.addi %mul3A_298, %add3A_299 : i32
        %mul3A_301 = arith.constant 256 : i32
        %mul3A_302 = arith.muli %scan3A_248, %mul3A_301 : i32
        %add3A_303 = arith.constant 208 : i32
        %add3A_304 = arith.addi %mul3A_302, %add3A_303 : i32
        %mul3A_305 = arith.constant 256 : i32
        %mul3A_306 = arith.muli %scan3A_248, %mul3A_305 : i32
        %add3A_307 = arith.constant 224 : i32
        %add3A_308 = arith.addi %mul3A_306, %add3A_307 : i32
        %mul3A_309 = arith.constant 256 : i32
        %mul3A_310 = arith.muli %scan3A_248, %mul3A_309 : i32
        %add3A_311 = arith.constant 240 : i32
        %add3A_312 = arith.addi %mul3A_310, %add3A_311 : i32
        %add3A_313 = arith.constant 0 : i32
        %add3A_314 = arith.addi %add3A_313, %add3A_252 : i32
        %get3A = arith.index_cast %add3A_314 : i32 to index
        %get3A_315 = tpu.vector_load %arg5[%get3A] {strides = array<i32>} : memref<16384xi32, #tpu.memory_space<vmem>>, vector<16xi32>,
        %add3A_316 = arith.constant 0 : i32
        %add3A_317 = arith.addi %add3A_316, %add3A_256 : i32
        %get3A_318 = arith.index_cast %add3A_317 : i32 to index
        %get3A_319 = tpu.vector_load %arg5[%get3A_318] {strides = array<i32>} : memref<16384xi32, #tpu.memory_space<vmem>>, vector<16xi32>,
        %add3A_320 = arith.constant 0 : i32
        %add3A_321 = arith.addi %add3A_320, %add3A_260 : i32
        %get3A_322 = arith.index_cast %add3A_321 : i32 to index
        %get3A_323 = tpu.vector_load %arg5[%get3A_322] {strides = array<i32>} : memref<16384xi32, #tpu.memory_space<vmem>>, vector<16xi32>,
        %add3A_324 = arith.constant 0 : i32
        %add3A_325 = arith.addi %add3A_324, %add3A_264 : i32
        %get3A_326 = arith.index_cast %add3A_325 : i32 to index
        %get3A_327 = tpu.vector_load %arg5[%get3A_326] {strides = array<i32>} : memref<16384xi32, #tpu.memory_space<vmem>>, vector<16xi32>,
        %add3A_328 = arith.constant 0 : i32
        %add3A_329 = arith.addi %add3A_328, %add3A_268 : i32
        %get3A_330 = arith.index_cast %add3A_329 : i32 to index
        %get3A_331 = tpu.vector_load %arg5[%get3A_330] {strides = array<i32>} : memref<16384xi32, #tpu.memory_space<vmem>>, vector<16xi32>,
        %add3A_332 = arith.constant 0 : i32
        %add3A_333 = arith.addi %add3A_332, %add3A_272 : i32
        %get3A_334 = arith.index_cast %add3A_333 : i32 to index
        %get3A_335 = tpu.vector_load %arg5[%get3A_334] {strides = array<i32>} : memref<16384xi32, #tpu.memory_space<vmem>>, vector<16xi32>,
        %add3A_336 = arith.constant 0 : i32
        %add3A_337 = arith.addi %add3A_336, %add3A_276 : i32
        %get3A_338 = arith.index_cast %add3A_337 : i32 to index
        %get3A_339 = tpu.vector_load %arg5[%get3A_338] {strides = array<i32>} : memref<16384xi32, #tpu.memory_space<vmem>>, vector<16xi32>,
        %add3A_340 = arith.constant 0 : i32
        %add3A_341 = arith.addi %add3A_340, %add3A_280 : i32
        %get3A_342 = arith.index_cast %add3A_341 : i32 to index
        %get3A_343 = tpu.vector_load %arg5[%get3A_342] {strides = array<i32>} : memref<16384xi32, #tpu.memory_space<vmem>>, vector<16xi32>,
        %add3A_344 = arith.constant 0 : i32
        %add3A_345 = arith.addi %add3A_344, %add3A_284 : i32
        %get3A_346 = arith.index_cast %add3A_345 : i32 to index
        %get3A_347 = tpu.vector_load %arg5[%get3A_346] {strides = array<i32>} : memref<16384xi32, #tpu.memory_space<vmem>>, vector<16xi32>,
        %add3A_348 = arith.constant 0 : i32
        %add3A_349 = arith.addi %add3A_348, %add3A_288 : i32
        %get3A_350 = arith.index_cast %add3A_349 : i32 to index
        %get3A_351 = tpu.vector_load %arg5[%get3A_350] {strides = array<i32>} : memref<16384xi32, #tpu.memory_space<vmem>>, vector<16xi32>,
        %add3A_352 = arith.constant 0 : i32
        %add3A_353 = arith.addi %add3A_352, %add3A_292 : i32
        %get3A_354 = arith.index_cast %add3A_353 : i32 to index
        %get3A_355 = tpu.vector_load %arg5[%get3A_354] {strides = array<i32>} : memref<16384xi32, #tpu.memory_space<vmem>>, vector<16xi32>,
        %add3A_356 = arith.constant 0 : i32
        %add3A_357 = arith.addi %add3A_356, %add3A_296 : i32
        %get3A_358 = arith.index_cast %add3A_357 : i32 to index
        %get3A_359 = tpu.vector_load %arg5[%get3A_358] {strides = array<i32>} : memref<16384xi32, #tpu.memory_space<vmem>>, vector<16xi32>,
        %add3A_360 = arith.constant 0 : i32
        %add3A_361 = arith.addi %add3A_360, %add3A_300 : i32
        %get3A_362 = arith.index_cast %add3A_361 : i32 to index
        %get3A_363 = tpu.vector_load %arg5[%get3A_362] {strides = array<i32>} : memref<16384xi32, #tpu.memory_space<vmem>>, vector<16xi32>,
        %add3A_364 = arith.constant 0 : i32
        %add3A_365 = arith.addi %add3A_364, %add3A_304 : i32
        %get3A_366 = arith.index_cast %add3A_365 : i32 to index
        %get3A_367 = tpu.vector_load %arg5[%get3A_366] {strides = array<i32>} : memref<16384xi32, #tpu.memory_space<vmem>>, vector<16xi32>,
        %add3A_368 = arith.constant 0 : i32
        %add3A_369 = arith.addi %add3A_368, %add3A_308 : i32
        %get3A_370 = arith.index_cast %add3A_369 : i32 to index
        %get3A_371 = tpu.vector_load %arg5[%get3A_370] {strides = array<i32>} : memref<16384xi32, #tpu.memory_space<vmem>>, vector<16xi32>,
        %add3A_372 = arith.constant 0 : i32
        %add3A_373 = arith.addi %add3A_372, %add3A_312 : i32
        %get3A_374 = arith.index_cast %add3A_373 : i32 to index
        %get3A_375 = tpu.vector_load %arg5[%get3A_374] {strides = array<i32>} : memref<16384xi32, #tpu.memory_space<vmem>>, vector<16xi32>,
        %gather3A = tpu.vector_load_idx %arg6[%get3A_315] : memref<100000xf32, #tpu.memory_space<vmem>>[vector<16xi32>], vector<16xf32>,
        %gather3A_376 = tpu.vector_load_idx %arg6[%get3A_319] : memref<100000xf32, #tpu.memory_space<vmem>>[vector<16xi32>], vector<16xf32>,
        %gather3A_377 = tpu.vector_load_idx %arg6[%get3A_323] : memref<100000xf32, #tpu.memory_space<vmem>>[vector<16xi32>], vector<16xf32>,
        %gather3A_378 = tpu.vector_load_idx %arg6[%get3A_327] : memref<100000xf32, #tpu.memory_space<vmem>>[vector<16xi32>], vector<16xf32>,
        %gather3A_379 = tpu.vector_load_idx %arg6[%get3A_331] : memref<100000xf32, #tpu.memory_space<vmem>>[vector<16xi32>], vector<16xf32>,
        %gather3A_380 = tpu.vector_load_idx %arg6[%get3A_335] : memref<100000xf32, #tpu.memory_space<vmem>>[vector<16xi32>], vector<16xf32>,
        %gather3A_381 = tpu.vector_load_idx %arg6[%get3A_339] : memref<100000xf32, #tpu.memory_space<vmem>>[vector<16xi32>], vector<16xf32>,
        %gather3A_382 = tpu.vector_load_idx %arg6[%get3A_343] : memref<100000xf32, #tpu.memory_space<vmem>>[vector<16xi32>], vector<16xf32>,
        %gather3A_383 = tpu.vector_load_idx %arg6[%get3A_347] : memref<100000xf32, #tpu.memory_space<vmem>>[vector<16xi32>], vector<16xf32>,
        %gather3A_384 = tpu.vector_load_idx %arg6[%get3A_351] : memref<100000xf32, #tpu.memory_space<vmem>>[vector<16xi32>], vector<16xf32>,
        %gather3A_385 = tpu.vector_load_idx %arg6[%get3A_355] : memref<100000xf32, #tpu.memory_space<vmem>>[vector<16xi32>], vector<16xf32>,
        %gather3A_386 = tpu.vector_load_idx %arg6[%get3A_359] : memref<100000xf32, #tpu.memory_space<vmem>>[vector<16xi32>], vector<16xf32>,
        %gather3A_387 = tpu.vector_load_idx %arg6[%get3A_363] : memref<100000xf32, #tpu.memory_space<vmem>>[vector<16xi32>], vector<16xf32>,
        %gather3A_388 = tpu.vector_load_idx %arg6[%get3A_367] : memref<100000xf32, #tpu.memory_space<vmem>>[vector<16xi32>], vector<16xf32>,
        %gather3A_389 = tpu.vector_load_idx %arg6[%get3A_371] : memref<100000xf32, #tpu.memory_space<vmem>>[vector<16xi32>], vector<16xf32>,
        %gather3A_390 = tpu.vector_load_idx %arg6[%get3A_375] : memref<100000xf32, #tpu.memory_space<vmem>>[vector<16xi32>], vector<16xf32>,
        %swap3A = arith.index_cast %add3A_252 : i32 to index
        %swap3A_391 = tpu.vector_load %arg7[%swap3A] {strides = array<i32>} : memref<4096xf32, #tpu.memory_space<vmem>>, vector<16xf32>,
        tpu.vector_store %arg7[%swap3A], %gather3A {strides = array<i32>} : memref<4096xf32, #tpu.memory_space<vmem>>, vector<16xf32>,
        %swap3A_392 = arith.index_cast %add3A_256 : i32 to index
        %swap3A_393 = tpu.vector_load %arg7[%swap3A_392] {strides = array<i32>} : memref<4096xf32, #tpu.memory_space<vmem>>, vector<16xf32>,
        tpu.vector_store %arg7[%swap3A_392], %gather3A_376 {strides = array<i32>} : memref<4096xf32, #tpu.memory_space<vmem>>, vector<16xf32>,
        %swap3A_394 = arith.index_cast %add3A_260 : i32 to index
        %swap3A_395 = tpu.vector_load %arg7[%swap3A_394] {strides = array<i32>} : memref<4096xf32, #tpu.memory_space<vmem>>, vector<16xf32>,
        tpu.vector_store %arg7[%swap3A_394], %gather3A_377 {strides = array<i32>} : memref<4096xf32, #tpu.memory_space<vmem>>, vector<16xf32>,
        %swap3A_396 = arith.index_cast %add3A_264 : i32 to index
        %swap3A_397 = tpu.vector_load %arg7[%swap3A_396] {strides = array<i32>} : memref<4096xf32, #tpu.memory_space<vmem>>, vector<16xf32>,
        tpu.vector_store %arg7[%swap3A_396], %gather3A_378 {strides = array<i32>} : memref<4096xf32, #tpu.memory_space<vmem>>, vector<16xf32>,
        %swap3A_398 = arith.index_cast %add3A_268 : i32 to index
        %swap3A_399 = tpu.vector_load %arg7[%swap3A_398] {strides = array<i32>} : memref<4096xf32, #tpu.memory_space<vmem>>, vector<16xf32>,
        tpu.vector_store %arg7[%swap3A_398], %gather3A_379 {strides = array<i32>} : memref<4096xf32, #tpu.memory_space<vmem>>, vector<16xf32>,
        %swap3A_400 = arith.index_cast %add3A_272 : i32 to index
        %swap3A_401 = tpu.vector_load %arg7[%swap3A_400] {strides = array<i32>} : memref<4096xf32, #tpu.memory_space<vmem>>, vector<16xf32>,
        tpu.vector_store %arg7[%swap3A_400], %gather3A_380 {strides = array<i32>} : memref<4096xf32, #tpu.memory_space<vmem>>, vector<16xf32>,
        %swap3A_402 = arith.index_cast %add3A_276 : i32 to index
        %swap3A_403 = tpu.vector_load %arg7[%swap3A_402] {strides = array<i32>} : memref<4096xf32, #tpu.memory_space<vmem>>, vector<16xf32>,
        tpu.vector_store %arg7[%swap3A_402], %gather3A_381 {strides = array<i32>} : memref<4096xf32, #tpu.memory_space<vmem>>, vector<16xf32>,
        %swap3A_404 = arith.index_cast %add3A_280 : i32 to index
        %swap3A_405 = tpu.vector_load %arg7[%swap3A_404] {strides = array<i32>} : memref<4096xf32, #tpu.memory_space<vmem>>, vector<16xf32>,
        tpu.vector_store %arg7[%swap3A_404], %gather3A_382 {strides = array<i32>} : memref<4096xf32, #tpu.memory_space<vmem>>, vector<16xf32>,
        %swap3A_406 = arith.index_cast %add3A_284 : i32 to index
        %swap3A_407 = tpu.vector_load %arg7[%swap3A_406] {strides = array<i32>} : memref<4096xf32, #tpu.memory_space<vmem>>, vector<16xf32>,
        tpu.vector_store %arg7[%swap3A_406], %gather3A_383 {strides = array<i32>} : memref<4096xf32, #tpu.memory_space<vmem>>, vector<16xf32>,
        %swap3A_408 = arith.index_cast %add3A_288 : i32 to index
        %swap3A_409 = tpu.vector_load %arg7[%swap3A_408] {strides = array<i32>} : memref<4096xf32, #tpu.memory_space<vmem>>, vector<16xf32>,
        tpu.vector_store %arg7[%swap3A_408], %gather3A_384 {strides = array<i32>} : memref<4096xf32, #tpu.memory_space<vmem>>, vector<16xf32>,
        %swap3A_410 = arith.index_cast %add3A_292 : i32 to index
        %swap3A_411 = tpu.vector_load %arg7[%swap3A_410] {strides = array<i32>} : memref<4096xf32, #tpu.memory_space<vmem>>, vector<16xf32>,
        tpu.vector_store %arg7[%swap3A_410], %gather3A_385 {strides = array<i32>} : memref<4096xf32, #tpu.memory_space<vmem>>, vector<16xf32>,
        %swap3A_412 = arith.index_cast %add3A_296 : i32 to index
        %swap3A_413 = tpu.vector_load %arg7[%swap3A_412] {strides = array<i32>} : memref<4096xf32, #tpu.memory_space<vmem>>, vector<16xf32>,
        tpu.vector_store %arg7[%swap3A_412], %gather3A_386 {strides = array<i32>} : memref<4096xf32, #tpu.memory_space<vmem>>, vector<16xf32>,
        %swap3A_414 = arith.index_cast %add3A_300 : i32 to index
        %swap3A_415 = tpu.vector_load %arg7[%swap3A_414] {strides = array<i32>} : memref<4096xf32, #tpu.memory_space<vmem>>, vector<16xf32>,
        tpu.vector_store %arg7[%swap3A_414], %gather3A_387 {strides = array<i32>} : memref<4096xf32, #tpu.memory_space<vmem>>, vector<16xf32>,
        %swap3A_416 = arith.index_cast %add3A_304 : i32 to index
        %swap3A_417 = tpu.vector_load %arg7[%swap3A_416] {strides = array<i32>} : memref<4096xf32, #tpu.memory_space<vmem>>, vector<16xf32>,
        tpu.vector_store %arg7[%swap3A_416], %gather3A_388 {strides = array<i32>} : memref<4096xf32, #tpu.memory_space<vmem>>, vector<16xf32>,
        %swap3A_418 = arith.index_cast %add3A_308 : i32 to index
        %swap3A_419 = tpu.vector_load %arg7[%swap3A_418] {strides = array<i32>} : memref<4096xf32, #tpu.memory_space<vmem>>, vector<16xf32>,
        tpu.vector_store %arg7[%swap3A_418], %gather3A_389 {strides = array<i32>} : memref<4096xf32, #tpu.memory_space<vmem>>, vector<16xf32>,
        %swap3A_420 = arith.index_cast %add3A_312 : i32 to index
        %swap3A_421 = tpu.vector_load %arg7[%swap3A_420] {strides = array<i32>} : memref<4096xf32, #tpu.memory_space<vmem>>, vector<16xf32>,
        tpu.vector_store %arg7[%swap3A_420], %gather3A_390 {strides = array<i32>} : memref<4096xf32, #tpu.memory_space<vmem>>, vector<16xf32>,
      }
      %scan3A_80 = arith.constant 16 : i32
      %dma_start3A_81 = arith.constant 0 : i32
      %dma_start3A_82 = tpu.memref_slice %arg4[%add3A_62, %dma_start3A_81] : memref<832x16384xf32, #tpu.memory_space<hbm>> -> memref<1x4096xf32, #tpu.memory_space<hbm>>
      %dma_start3A_83 = tpu.memref_squeeze %dma_start3A_82 : memref<1x4096xf32, #tpu.memory_space<hbm>> -> memref<4096xf32, #tpu.memory_space<hbm>>
      %dma_start3A_84 = arith.constant 0 : i32
      %dma_start3A_85 = tpu.memref_slice %arg4[%add3A_62, %dma_start3A_84] : memref<832x16384xf32, #tpu.memory_space<hbm>> -> memref<1x4096xf32, #tpu.memory_space<hbm>>
      %dma_start3A_86 = tpu.memref_squeeze %dma_start3A_85 : memref<1x4096xf32, #tpu.memory_space<hbm>> -> memref<4096xf32, #tpu.memory_space<hbm>>
      tpu.enqueue_dma source(%arg7 : memref<4096xf32, #tpu.memory_space<vmem>>) target(%dma_start3A_86 : memref<4096xf32, #tpu.memory_space<hbm>>) target_semaphore(%arg10 : memref<!tpu.dma_semaphore, #tpu.memory_space<semaphore_mem>>)
      %dma_wait3A_87 = arith.constant 4096 : i32
      %dma_wait3A_88 = tpu.memref_slice %arg4[%add3A_62, %dma_wait3A_87] : memref<832x16384xf32, #tpu.memory_space<hbm>> -> memref<1x4096xf32, #tpu.memory_space<hbm>>
      %dma_wait3A_89 = tpu.memref_squeeze %dma_wait3A_88 : memref<1x4096xf32, #tpu.memory_space<hbm>> -> memref<4096xf32, #tpu.memory_space<hbm>>
      %dma_wait3A_90 = arith.constant 4096 : i32
      %dma_wait3A_91 = tpu.memref_slice %arg4[%add3A_62, %dma_wait3A_90] : memref<832x16384xf32, #tpu.memory_space<hbm>> -> memref<1x4096xf32, #tpu.memory_space<hbm>>
      %dma_wait3A_92 = tpu.memref_squeeze %dma_wait3A_91 : memref<1x4096xf32, #tpu.memory_space<hbm>> -> memref<4096xf32, #tpu.memory_space<hbm>>
      tpu.wait_dma2 semaphore(%arg11 : memref<!tpu.dma_semaphore, #tpu.memory_space<semaphore_mem>>) src(%arg8 : memref<4096xf32, #tpu.memory_space<vmem>>) dst(%dma_wait3A_92 : memref<4096xf32, #tpu.memory_space<hbm>>)
      %scan3A_93 = arith.constant 0 : i32
      %scan3A_94 = arith.constant 0 : i32
      %scan3A_95 = arith.constant 16 : i32
      %scan3A_96 = arith.addi %scan3A_94, %scan3A_95 : i32
      %scan3A_97 = arith.constant 1 : i32
      scf.for %scan3A_248 = %scan3A_94 to %scan3A_96 step %scan3A_97  : i32 {
        %mul3A_249 = arith.constant 256 : i32
        %mul3A_250 = arith.muli %scan3A_248, %mul3A_249 : i32
        %add3A_251 = arith.constant 0 : i32
        %add3A_252 = arith.addi %mul3A_250, %add3A_251 : i32
        %mul3A_253 = arith.constant 256 : i32
        %mul3A_254 = arith.muli %scan3A_248, %mul3A_253 : i32
        %add3A_255 = arith.constant 16 : i32
        %add3A_256 = arith.addi %mul3A_254, %add3A_255 : i32
        %mul3A_257 = arith.constant 256 : i32
        %mul3A_258 = arith.muli %scan3A_248, %mul3A_257 : i32
        %add3A_259 = arith.constant 32 : i32
        %add3A_260 = arith.addi %mul3A_258, %add3A_259 : i32
        %mul3A_261 = arith.constant 256 : i32
        %mul3A_262 = arith.muli %scan3A_248, %mul3A_261 : i32
        %add3A_263 = arith.constant 48 : i32
        %add3A_264 = arith.addi %mul3A_262, %add3A_263 : i32
        %mul3A_265 = arith.constant 256 : i32
        %mul3A_266 = arith.muli %scan3A_248, %mul3A_265 : i32
        %add3A_267 = arith.constant 64 : i32
        %add3A_268 = arith.addi %mul3A_266, %add3A_267 : i32
        %mul3A_269 = arith.constant 256 : i32
        %mul3A_270 = arith.muli %scan3A_248, %mul3A_269 : i32
        %add3A_271 = arith.constant 80 : i32
        %add3A_272 = arith.addi %mul3A_270, %add3A_271 : i32
        %mul3A_273 = arith.constant 256 : i32
        %mul3A_274 = arith.muli %scan3A_248, %mul3A_273 : i32
        %add3A_275 = arith.constant 96 : i32
        %add3A_276 = arith.addi %mul3A_274, %add3A_275 : i32
        %mul3A_277 = arith.constant 256 : i32
        %mul3A_278 = arith.muli %scan3A_248, %mul3A_277 : i32
        %add3A_279 = arith.constant 112 : i32
        %add3A_280 = arith.addi %mul3A_278, %add3A_279 : i32
        %mul3A_281 = arith.constant 256 : i32
        %mul3A_282 = arith.muli %scan3A_248, %mul3A_281 : i32
        %add3A_283 = arith.constant 128 : i32
        %add3A_284 = arith.addi %mul3A_282, %add3A_283 : i32
        %mul3A_285 = arith.constant 256 : i32
        %mul3A_286 = arith.muli %scan3A_248, %mul3A_285 : i32
        %add3A_287 = arith.constant 144 : i32
        %add3A_288 = arith.addi %mul3A_286, %add3A_287 : i32
        %mul3A_289 = arith.constant 256 : i32
        %mul3A_290 = arith.muli %scan3A_248, %mul3A_289 : i32
        %add3A_291 = arith.constant 160 : i32
        %add3A_292 = arith.addi %mul3A_290, %add3A_291 : i32
        %mul3A_293 = arith.constant 256 : i32
        %mul3A_294 = arith.muli %scan3A_248, %mul3A_293 : i32
        %add3A_295 = arith.constant 176 : i32
        %add3A_296 = arith.addi %mul3A_294, %add3A_295 : i32
        %mul3A_297 = arith.constant 256 : i32
        %mul3A_298 = arith.muli %scan3A_248, %mul3A_297 : i32
        %add3A_299 = arith.constant 192 : i32
        %add3A_300 = arith.addi %mul3A_298, %add3A_299 : i32
        %mul3A_301 = arith.constant 256 : i32
        %mul3A_302 = arith.muli %scan3A_248, %mul3A_301 : i32
        %add3A_303 = arith.constant 208 : i32
        %add3A_304 = arith.addi %mul3A_302, %add3A_303 : i32
        %mul3A_305 = arith.constant 256 : i32
        %mul3A_306 = arith.muli %scan3A_248, %mul3A_305 : i32
        %add3A_307 = arith.constant 224 : i32
        %add3A_308 = arith.addi %mul3A_306, %add3A_307 : i32
        %mul3A_309 = arith.constant 256 : i32
        %mul3A_310 = arith.muli %scan3A_248, %mul3A_309 : i32
        %add3A_311 = arith.constant 240 : i32
        %add3A_312 = arith.addi %mul3A_310, %add3A_311 : i32
        %add3A_313 = arith.constant 4096 : i32
        %add3A_314 = arith.addi %add3A_313, %add3A_252 : i32
        %get3A = arith.index_cast %add3A_314 : i32 to index
        %get3A_315 = tpu.vector_load %arg5[%get3A] {strides = array<i32>} : memref<16384xi32, #tpu.memory_space<vmem>>, vector<16xi32>,
        %add3A_316 = arith.constant 4096 : i32
        %add3A_317 = arith.addi %add3A_316, %add3A_256 : i32
        %get3A_318 = arith.index_cast %add3A_317 : i32 to index
        %get3A_319 = tpu.vector_load %arg5[%get3A_318] {strides = array<i32>} : memref<16384xi32, #tpu.memory_space<vmem>>, vector<16xi32>,
        %add3A_320 = arith.constant 4096 : i32
        %add3A_321 = arith.addi %add3A_320, %add3A_260 : i32
        %get3A_322 = arith.index_cast %add3A_321 : i32 to index
        %get3A_323 = tpu.vector_load %arg5[%get3A_322] {strides = array<i32>} : memref<16384xi32, #tpu.memory_space<vmem>>, vector<16xi32>,
        %add3A_324 = arith.constant 4096 : i32
        %add3A_325 = arith.addi %add3A_324, %add3A_264 : i32
        %get3A_326 = arith.index_cast %add3A_325 : i32 to index
        %get3A_327 = tpu.vector_load %arg5[%get3A_326] {strides = array<i32>} : memref<16384xi32, #tpu.memory_space<vmem>>, vector<16xi32>,
        %add3A_328 = arith.constant 4096 : i32
        %add3A_329 = arith.addi %add3A_328, %add3A_268 : i32
        %get3A_330 = arith.index_cast %add3A_329 : i32 to index
        %get3A_331 = tpu.vector_load %arg5[%get3A_330] {strides = array<i32>} : memref<16384xi32, #tpu.memory_space<vmem>>, vector<16xi32>,
        %add3A_332 = arith.constant 4096 : i32
        %add3A_333 = arith.addi %add3A_332, %add3A_272 : i32
        %get3A_334 = arith.index_cast %add3A_333 : i32 to index
        %get3A_335 = tpu.vector_load %arg5[%get3A_334] {strides = array<i32>} : memref<16384xi32, #tpu.memory_space<vmem>>, vector<16xi32>,
        %add3A_336 = arith.constant 4096 : i32
        %add3A_337 = arith.addi %add3A_336, %add3A_276 : i32
        %get3A_338 = arith.index_cast %add3A_337 : i32 to index
        %get3A_339 = tpu.vector_load %arg5[%get3A_338] {strides = array<i32>} : memref<16384xi32, #tpu.memory_space<vmem>>, vector<16xi32>,
        %add3A_340 = arith.constant 4096 : i32
        %add3A_341 = arith.addi %add3A_340, %add3A_280 : i32
        %get3A_342 = arith.index_cast %add3A_341 : i32 to index
        %get3A_343 = tpu.vector_load %arg5[%get3A_342] {strides = array<i32>} : memref<16384xi32, #tpu.memory_space<vmem>>, vector<16xi32>,
        %add3A_344 = arith.constant 4096 : i32
        %add3A_345 = arith.addi %add3A_344, %add3A_284 : i32
        %get3A_346 = arith.index_cast %add3A_345 : i32 to index
        %get3A_347 = tpu.vector_load %arg5[%get3A_346] {strides = array<i32>} : memref<16384xi32, #tpu.memory_space<vmem>>, vector<16xi32>,
        %add3A_348 = arith.constant 4096 : i32
        %add3A_349 = arith.addi %add3A_348, %add3A_288 : i32
        %get3A_350 = arith.index_cast %add3A_349 : i32 to index
        %get3A_351 = tpu.vector_load %arg5[%get3A_350] {strides = array<i32>} : memref<16384xi32, #tpu.memory_space<vmem>>, vector<16xi32>,
        %add3A_352 = arith.constant 4096 : i32
        %add3A_353 = arith.addi %add3A_352, %add3A_292 : i32
        %get3A_354 = arith.index_cast %add3A_353 : i32 to index
        %get3A_355 = tpu.vector_load %arg5[%get3A_354] {strides = array<i32>} : memref<16384xi32, #tpu.memory_space<vmem>>, vector<16xi32>,
        %add3A_356 = arith.constant 4096 : i32
        %add3A_357 = arith.addi %add3A_356, %add3A_296 : i32
        %get3A_358 = arith.index_cast %add3A_357 : i32 to index
        %get3A_359 = tpu.vector_load %arg5[%get3A_358] {strides = array<i32>} : memref<16384xi32, #tpu.memory_space<vmem>>, vector<16xi32>,
        %add3A_360 = arith.constant 4096 : i32
        %add3A_361 = arith.addi %add3A_360, %add3A_300 : i32
        %get3A_362 = arith.index_cast %add3A_361 : i32 to index
        %get3A_363 = tpu.vector_load %arg5[%get3A_362] {strides = array<i32>} : memref<16384xi32, #tpu.memory_space<vmem>>, vector<16xi32>,
        %add3A_364 = arith.constant 4096 : i32
        %add3A_365 = arith.addi %add3A_364, %add3A_304 : i32
        %get3A_366 = arith.index_cast %add3A_365 : i32 to index
        %get3A_367 = tpu.vector_load %arg5[%get3A_366] {strides = array<i32>} : memref<16384xi32, #tpu.memory_space<vmem>>, vector<16xi32>,
        %add3A_368 = arith.constant 4096 : i32
        %add3A_369 = arith.addi %add3A_368, %add3A_308 : i32
        %get3A_370 = arith.index_cast %add3A_369 : i32 to index
        %get3A_371 = tpu.vector_load %arg5[%get3A_370] {strides = array<i32>} : memref<16384xi32, #tpu.memory_space<vmem>>, vector<16xi32>,
        %add3A_372 = arith.constant 4096 : i32
        %add3A_373 = arith.addi %add3A_372, %add3A_312 : i32
        %get3A_374 = arith.index_cast %add3A_373 : i32 to index
        %get3A_375 = tpu.vector_load %arg5[%get3A_374] {strides = array<i32>} : memref<16384xi32, #tpu.memory_space<vmem>>, vector<16xi32>,
        %gather3A = tpu.vector_load_idx %arg6[%get3A_315] : memref<100000xf32, #tpu.memory_space<vmem>>[vector<16xi32>], vector<16xf32>,
        %gather3A_376 = tpu.vector_load_idx %arg6[%get3A_319] : memref<100000xf32, #tpu.memory_space<vmem>>[vector<16xi32>], vector<16xf32>,
        %gather3A_377 = tpu.vector_load_idx %arg6[%get3A_323] : memref<100000xf32, #tpu.memory_space<vmem>>[vector<16xi32>], vector<16xf32>,
        %gather3A_378 = tpu.vector_load_idx %arg6[%get3A_327] : memref<100000xf32, #tpu.memory_space<vmem>>[vector<16xi32>], vector<16xf32>,
        %gather3A_379 = tpu.vector_load_idx %arg6[%get3A_331] : memref<100000xf32, #tpu.memory_space<vmem>>[vector<16xi32>], vector<16xf32>,
        %gather3A_380 = tpu.vector_load_idx %arg6[%get3A_335] : memref<100000xf32, #tpu.memory_space<vmem>>[vector<16xi32>], vector<16xf32>,
        %gather3A_381 = tpu.vector_load_idx %arg6[%get3A_339] : memref<100000xf32, #tpu.memory_space<vmem>>[vector<16xi32>], vector<16xf32>,
        %gather3A_382 = tpu.vector_load_idx %arg6[%get3A_343] : memref<100000xf32, #tpu.memory_space<vmem>>[vector<16xi32>], vector<16xf32>,
        %gather3A_383 = tpu.vector_load_idx %arg6[%get3A_347] : memref<100000xf32, #tpu.memory_space<vmem>>[vector<16xi32>], vector<16xf32>,
        %gather3A_384 = tpu.vector_load_idx %arg6[%get3A_351] : memref<100000xf32, #tpu.memory_space<vmem>>[vector<16xi32>], vector<16xf32>,
        %gather3A_385 = tpu.vector_load_idx %arg6[%get3A_355] : memref<100000xf32, #tpu.memory_space<vmem>>[vector<16xi32>], vector<16xf32>,
        %gather3A_386 = tpu.vector_load_idx %arg6[%get3A_359] : memref<100000xf32, #tpu.memory_space<vmem>>[vector<16xi32>], vector<16xf32>,
        %gather3A_387 = tpu.vector_load_idx %arg6[%get3A_363] : memref<100000xf32, #tpu.memory_space<vmem>>[vector<16xi32>], vector<16xf32>,
        %gather3A_388 = tpu.vector_load_idx %arg6[%get3A_367] : memref<100000xf32, #tpu.memory_space<vmem>>[vector<16xi32>], vector<16xf32>,
        %gather3A_389 = tpu.vector_load_idx %arg6[%get3A_371] : memref<100000xf32, #tpu.memory_space<vmem>>[vector<16xi32>], vector<16xf32>,
        %gather3A_390 = tpu.vector_load_idx %arg6[%get3A_375] : memref<100000xf32, #tpu.memory_space<vmem>>[vector<16xi32>], vector<16xf32>,
        %swap3A = arith.index_cast %add3A_252 : i32 to index
        %swap3A_391 = tpu.vector_load %arg8[%swap3A] {strides = array<i32>} : memref<4096xf32, #tpu.memory_space<vmem>>, vector<16xf32>,
        tpu.vector_store %arg8[%swap3A], %gather3A {strides = array<i32>} : memref<4096xf32, #tpu.memory_space<vmem>>, vector<16xf32>,
        %swap3A_392 = arith.index_cast %add3A_256 : i32 to index
        %swap3A_393 = tpu.vector_load %arg8[%swap3A_392] {strides = array<i32>} : memref<4096xf32, #tpu.memory_space<vmem>>, vector<16xf32>,
        tpu.vector_store %arg8[%swap3A_392], %gather3A_376 {strides = array<i32>} : memref<4096xf32, #tpu.memory_space<vmem>>, vector<16xf32>,
        %swap3A_394 = arith.index_cast %add3A_260 : i32 to index
        %swap3A_395 = tpu.vector_load %arg8[%swap3A_394] {strides = array<i32>} : memref<4096xf32, #tpu.memory_space<vmem>>, vector<16xf32>,
        tpu.vector_store %arg8[%swap3A_394], %gather3A_377 {strides = array<i32>} : memref<4096xf32, #tpu.memory_space<vmem>>, vector<16xf32>,
        %swap3A_396 = arith.index_cast %add3A_264 : i32 to index
        %swap3A_397 = tpu.vector_load %arg8[%swap3A_396] {strides = array<i32>} : memref<4096xf32, #tpu.memory_space<vmem>>, vector<16xf32>,
        tpu.vector_store %arg8[%swap3A_396], %gather3A_378 {strides = array<i32>} : memref<4096xf32, #tpu.memory_space<vmem>>, vector<16xf32>,
        %swap3A_398 = arith.index_cast %add3A_268 : i32 to index
        %swap3A_399 = tpu.vector_load %arg8[%swap3A_398] {strides = array<i32>} : memref<4096xf32, #tpu.memory_space<vmem>>, vector<16xf32>,
        tpu.vector_store %arg8[%swap3A_398], %gather3A_379 {strides = array<i32>} : memref<4096xf32, #tpu.memory_space<vmem>>, vector<16xf32>,
        %swap3A_400 = arith.index_cast %add3A_272 : i32 to index
        %swap3A_401 = tpu.vector_load %arg8[%swap3A_400] {strides = array<i32>} : memref<4096xf32, #tpu.memory_space<vmem>>, vector<16xf32>,
        tpu.vector_store %arg8[%swap3A_400], %gather3A_380 {strides = array<i32>} : memref<4096xf32, #tpu.memory_space<vmem>>, vector<16xf32>,
        %swap3A_402 = arith.index_cast %add3A_276 : i32 to index
        %swap3A_403 = tpu.vector_load %arg8[%swap3A_402] {strides = array<i32>} : memref<4096xf32, #tpu.memory_space<vmem>>, vector<16xf32>,
        tpu.vector_store %arg8[%swap3A_402], %gather3A_381 {strides = array<i32>} : memref<4096xf32, #tpu.memory_space<vmem>>, vector<16xf32>,
        %swap3A_404 = arith.index_cast %add3A_280 : i32 to index
        %swap3A_405 = tpu.vector_load %arg8[%swap3A_404] {strides = array<i32>} : memref<4096xf32, #tpu.memory_space<vmem>>, vector<16xf32>,
        tpu.vector_store %arg8[%swap3A_404], %gather3A_382 {strides = array<i32>} : memref<4096xf32, #tpu.memory_space<vmem>>, vector<16xf32>,
        %swap3A_406 = arith.index_cast %add3A_284 : i32 to index
        %swap3A_407 = tpu.vector_load %arg8[%swap3A_406] {strides = array<i32>} : memref<4096xf32, #tpu.memory_space<vmem>>, vector<16xf32>,
        tpu.vector_store %arg8[%swap3A_406], %gather3A_383 {strides = array<i32>} : memref<4096xf32, #tpu.memory_space<vmem>>, vector<16xf32>,
        %swap3A_408 = arith.index_cast %add3A_288 : i32 to index
        %swap3A_409 = tpu.vector_load %arg8[%swap3A_408] {strides = array<i32>} : memref<4096xf32, #tpu.memory_space<vmem>>, vector<16xf32>,
        tpu.vector_store %arg8[%swap3A_408], %gather3A_384 {strides = array<i32>} : memref<4096xf32, #tpu.memory_space<vmem>>, vector<16xf32>,
        %swap3A_410 = arith.index_cast %add3A_292 : i32 to index
        %swap3A_411 = tpu.vector_load %arg8[%swap3A_410] {strides = array<i32>} : memref<4096xf32, #tpu.memory_space<vmem>>, vector<16xf32>,
        tpu.vector_store %arg8[%swap3A_410], %gather3A_385 {strides = array<i32>} : memref<4096xf32, #tpu.memory_space<vmem>>, vector<16xf32>,
        %swap3A_412 = arith.index_cast %add3A_296 : i32 to index
        %swap3A_413 = tpu.vector_load %arg8[%swap3A_412] {strides = array<i32>} : memref<4096xf32, #tpu.memory_space<vmem>>, vector<16xf32>,
        tpu.vector_store %arg8[%swap3A_412], %gather3A_386 {strides = array<i32>} : memref<4096xf32, #tpu.memory_space<vmem>>, vector<16xf32>,
        %swap3A_414 = arith.index_cast %add3A_300 : i32 to index
        %swap3A_415 = tpu.vector_load %arg8[%swap3A_414] {strides = array<i32>} : memref<4096xf32, #tpu.memory_space<vmem>>, vector<16xf32>,
        tpu.vector_store %arg8[%swap3A_414], %gather3A_387 {strides = array<i32>} : memref<4096xf32, #tpu.memory_space<vmem>>, vector<16xf32>,
        %swap3A_416 = arith.index_cast %add3A_304 : i32 to index
        %swap3A_417 = tpu.vector_load %arg8[%swap3A_416] {strides = array<i32>} : memref<4096xf32, #tpu.memory_space<vmem>>, vector<16xf32>,
        tpu.vector_store %arg8[%swap3A_416], %gather3A_388 {strides = array<i32>} : memref<4096xf32, #tpu.memory_space<vmem>>, vector<16xf32>,
        %swap3A_418 = arith.index_cast %add3A_308 : i32 to index
        %swap3A_419 = tpu.vector_load %arg8[%swap3A_418] {strides = array<i32>} : memref<4096xf32, #tpu.memory_space<vmem>>, vector<16xf32>,
        tpu.vector_store %arg8[%swap3A_418], %gather3A_389 {strides = array<i32>} : memref<4096xf32, #tpu.memory_space<vmem>>, vector<16xf32>,
        %swap3A_420 = arith.index_cast %add3A_312 : i32 to index
        %swap3A_421 = tpu.vector_load %arg8[%swap3A_420] {strides = array<i32>} : memref<4096xf32, #tpu.memory_space<vmem>>, vector<16xf32>,
        tpu.vector_store %arg8[%swap3A_420], %gather3A_390 {strides = array<i32>} : memref<4096xf32, #tpu.memory_space<vmem>>, vector<16xf32>,
      }
      %scan3A_98 = arith.constant 16 : i32
      %dma_start3A_99 = arith.constant 4096 : i32
      %dma_start3A_100 = tpu.memref_slice %arg4[%add3A_62, %dma_start3A_99] : memref<832x16384xf32, #tpu.memory_space<hbm>> -> memref<1x4096xf32, #tpu.memory_space<hbm>>
      %dma_start3A_101 = tpu.memref_squeeze %dma_start3A_100 : memref<1x4096xf32, #tpu.memory_space<hbm>> -> memref<4096xf32, #tpu.memory_space<hbm>>
      %dma_start3A_102 = arith.constant 4096 : i32
      %dma_start3A_103 = tpu.memref_slice %arg4[%add3A_62, %dma_start3A_102] : memref<832x16384xf32, #tpu.memory_space<hbm>> -> memref<1x4096xf32, #tpu.memory_space<hbm>>
      %dma_start3A_104 = tpu.memref_squeeze %dma_start3A_103 : memref<1x4096xf32, #tpu.memory_space<hbm>> -> memref<4096xf32, #tpu.memory_space<hbm>>
      tpu.enqueue_dma source(%arg8 : memref<4096xf32, #tpu.memory_space<vmem>>) target(%dma_start3A_104 : memref<4096xf32, #tpu.memory_space<hbm>>) target_semaphore(%arg11 : memref<!tpu.dma_semaphore, #tpu.memory_space<semaphore_mem>>)
      %dma_wait3A_105 = arith.constant 8192 : i32
      %dma_wait3A_106 = tpu.memref_slice %arg4[%add3A_62, %dma_wait3A_105] : memref<832x16384xf32, #tpu.memory_space<hbm>> -> memref<1x4096xf32, #tpu.memory_space<hbm>>
      %dma_wait3A_107 = tpu.memref_squeeze %dma_wait3A_106 : memref<1x4096xf32, #tpu.memory_space<hbm>> -> memref<4096xf32, #tpu.memory_space<hbm>>
      %dma_wait3A_108 = arith.constant 8192 : i32
      %dma_wait3A_109 = tpu.memref_slice %arg4[%add3A_62, %dma_wait3A_108] : memref<832x16384xf32, #tpu.memory_space<hbm>> -> memref<1x4096xf32, #tpu.memory_space<hbm>>
      %dma_wait3A_110 = tpu.memref_squeeze %dma_wait3A_109 : memref<1x4096xf32, #tpu.memory_space<hbm>> -> memref<4096xf32, #tpu.memory_space<hbm>>
      tpu.wait_dma2 semaphore(%arg10 : memref<!tpu.dma_semaphore, #tpu.memory_space<semaphore_mem>>) src(%arg7 : memref<4096xf32, #tpu.memory_space<vmem>>) dst(%dma_wait3A_110 : memref<4096xf32, #tpu.memory_space<hbm>>)
      %scan3A_111 = arith.constant 0 : i32
      %scan3A_112 = arith.constant 0 : i32
      %scan3A_113 = arith.constant 16 : i32
      %scan3A_114 = arith.addi %scan3A_112, %scan3A_113 : i32
      %scan3A_115 = arith.constant 1 : i32
      scf.for %scan3A_248 = %scan3A_112 to %scan3A_114 step %scan3A_115  : i32 {
        %mul3A_249 = arith.constant 256 : i32
        %mul3A_250 = arith.muli %scan3A_248, %mul3A_249 : i32
        %add3A_251 = arith.constant 0 : i32
        %add3A_252 = arith.addi %mul3A_250, %add3A_251 : i32
        %mul3A_253 = arith.constant 256 : i32
        %mul3A_254 = arith.muli %scan3A_248, %mul3A_253 : i32
        %add3A_255 = arith.constant 16 : i32
        %add3A_256 = arith.addi %mul3A_254, %add3A_255 : i32
        %mul3A_257 = arith.constant 256 : i32
        %mul3A_258 = arith.muli %scan3A_248, %mul3A_257 : i32
        %add3A_259 = arith.constant 32 : i32
        %add3A_260 = arith.addi %mul3A_258, %add3A_259 : i32
        %mul3A_261 = arith.constant 256 : i32
        %mul3A_262 = arith.muli %scan3A_248, %mul3A_261 : i32
        %add3A_263 = arith.constant 48 : i32
        %add3A_264 = arith.addi %mul3A_262, %add3A_263 : i32
        %mul3A_265 = arith.constant 256 : i32
        %mul3A_266 = arith.muli %scan3A_248, %mul3A_265 : i32
        %add3A_267 = arith.constant 64 : i32
        %add3A_268 = arith.addi %mul3A_266, %add3A_267 : i32
        %mul3A_269 = arith.constant 256 : i32
        %mul3A_270 = arith.muli %scan3A_248, %mul3A_269 : i32
        %add3A_271 = arith.constant 80 : i32
        %add3A_272 = arith.addi %mul3A_270, %add3A_271 : i32
        %mul3A_273 = arith.constant 256 : i32
        %mul3A_274 = arith.muli %scan3A_248, %mul3A_273 : i32
        %add3A_275 = arith.constant 96 : i32
        %add3A_276 = arith.addi %mul3A_274, %add3A_275 : i32
        %mul3A_277 = arith.constant 256 : i32
        %mul3A_278 = arith.muli %scan3A_248, %mul3A_277 : i32
        %add3A_279 = arith.constant 112 : i32
        %add3A_280 = arith.addi %mul3A_278, %add3A_279 : i32
        %mul3A_281 = arith.constant 256 : i32
        %mul3A_282 = arith.muli %scan3A_248, %mul3A_281 : i32
        %add3A_283 = arith.constant 128 : i32
        %add3A_284 = arith.addi %mul3A_282, %add3A_283 : i32
        %mul3A_285 = arith.constant 256 : i32
        %mul3A_286 = arith.muli %scan3A_248, %mul3A_285 : i32
        %add3A_287 = arith.constant 144 : i32
        %add3A_288 = arith.addi %mul3A_286, %add3A_287 : i32
        %mul3A_289 = arith.constant 256 : i32
        %mul3A_290 = arith.muli %scan3A_248, %mul3A_289 : i32
        %add3A_291 = arith.constant 160 : i32
        %add3A_292 = arith.addi %mul3A_290, %add3A_291 : i32
        %mul3A_293 = arith.constant 256 : i32
        %mul3A_294 = arith.muli %scan3A_248, %mul3A_293 : i32
        %add3A_295 = arith.constant 176 : i32
        %add3A_296 = arith.addi %mul3A_294, %add3A_295 : i32
        %mul3A_297 = arith.constant 256 : i32
        %mul3A_298 = arith.muli %scan3A_248, %mul3A_297 : i32
        %add3A_299 = arith.constant 192 : i32
        %add3A_300 = arith.addi %mul3A_298, %add3A_299 : i32
        %mul3A_301 = arith.constant 256 : i32
        %mul3A_302 = arith.muli %scan3A_248, %mul3A_301 : i32
        %add3A_303 = arith.constant 208 : i32
        %add3A_304 = arith.addi %mul3A_302, %add3A_303 : i32
        %mul3A_305 = arith.constant 256 : i32
        %mul3A_306 = arith.muli %scan3A_248, %mul3A_305 : i32
        %add3A_307 = arith.constant 224 : i32
        %add3A_308 = arith.addi %mul3A_306, %add3A_307 : i32
        %mul3A_309 = arith.constant 256 : i32
        %mul3A_310 = arith.muli %scan3A_248, %mul3A_309 : i32
        %add3A_311 = arith.constant 240 : i32
        %add3A_312 = arith.addi %mul3A_310, %add3A_311 : i32
        %add3A_313 = arith.constant 8192 : i32
        %add3A_314 = arith.addi %add3A_313, %add3A_252 : i32
        %get3A = arith.index_cast %add3A_314 : i32 to index
        %get3A_315 = tpu.vector_load %arg5[%get3A] {strides = array<i32>} : memref<16384xi32, #tpu.memory_space<vmem>>, vector<16xi32>,
        %add3A_316 = arith.constant 8192 : i32
        %add3A_317 = arith.addi %add3A_316, %add3A_256 : i32
        %get3A_318 = arith.index_cast %add3A_317 : i32 to index
        %get3A_319 = tpu.vector_load %arg5[%get3A_318] {strides = array<i32>} : memref<16384xi32, #tpu.memory_space<vmem>>, vector<16xi32>,
        %add3A_320 = arith.constant 8192 : i32
        %add3A_321 = arith.addi %add3A_320, %add3A_260 : i32
        %get3A_322 = arith.index_cast %add3A_321 : i32 to index
        %get3A_323 = tpu.vector_load %arg5[%get3A_322] {strides = array<i32>} : memref<16384xi32, #tpu.memory_space<vmem>>, vector<16xi32>,
        %add3A_324 = arith.constant 8192 : i32
        %add3A_325 = arith.addi %add3A_324, %add3A_264 : i32
        %get3A_326 = arith.index_cast %add3A_325 : i32 to index
        %get3A_327 = tpu.vector_load %arg5[%get3A_326] {strides = array<i32>} : memref<16384xi32, #tpu.memory_space<vmem>>, vector<16xi32>,
        %add3A_328 = arith.constant 8192 : i32
        %add3A_329 = arith.addi %add3A_328, %add3A_268 : i32
        %get3A_330 = arith.index_cast %add3A_329 : i32 to index
        %get3A_331 = tpu.vector_load %arg5[%get3A_330] {strides = array<i32>} : memref<16384xi32, #tpu.memory_space<vmem>>, vector<16xi32>,
        %add3A_332 = arith.constant 8192 : i32
        %add3A_333 = arith.addi %add3A_332, %add3A_272 : i32
        %get3A_334 = arith.index_cast %add3A_333 : i32 to index
        %get3A_335 = tpu.vector_load %arg5[%get3A_334] {strides = array<i32>} : memref<16384xi32, #tpu.memory_space<vmem>>, vector<16xi32>,
        %add3A_336 = arith.constant 8192 : i32
        %add3A_337 = arith.addi %add3A_336, %add3A_276 : i32
        %get3A_338 = arith.index_cast %add3A_337 : i32 to index
        %get3A_339 = tpu.vector_load %arg5[%get3A_338] {strides = array<i32>} : memref<16384xi32, #tpu.memory_space<vmem>>, vector<16xi32>,
        %add3A_340 = arith.constant 8192 : i32
        %add3A_341 = arith.addi %add3A_340, %add3A_280 : i32
        %get3A_342 = arith.index_cast %add3A_341 : i32 to index
        %get3A_343 = tpu.vector_load %arg5[%get3A_342] {strides = array<i32>} : memref<16384xi32, #tpu.memory_space<vmem>>, vector<16xi32>,
        %add3A_344 = arith.constant 8192 : i32
        %add3A_345 = arith.addi %add3A_344, %add3A_284 : i32
        %get3A_346 = arith.index_cast %add3A_345 : i32 to index
        %get3A_347 = tpu.vector_load %arg5[%get3A_346] {strides = array<i32>} : memref<16384xi32, #tpu.memory_space<vmem>>, vector<16xi32>,
        %add3A_348 = arith.constant 8192 : i32
        %add3A_349 = arith.addi %add3A_348, %add3A_288 : i32
        %get3A_350 = arith.index_cast %add3A_349 : i32 to index
        %get3A_351 = tpu.vector_load %arg5[%get3A_350] {strides = array<i32>} : memref<16384xi32, #tpu.memory_space<vmem>>, vector<16xi32>,
        %add3A_352 = arith.constant 8192 : i32
        %add3A_353 = arith.addi %add3A_352, %add3A_292 : i32
        %get3A_354 = arith.index_cast %add3A_353 : i32 to index
        %get3A_355 = tpu.vector_load %arg5[%get3A_354] {strides = array<i32>} : memref<16384xi32, #tpu.memory_space<vmem>>, vector<16xi32>,
        %add3A_356 = arith.constant 8192 : i32
        %add3A_357 = arith.addi %add3A_356, %add3A_296 : i32
        %get3A_358 = arith.index_cast %add3A_357 : i32 to index
        %get3A_359 = tpu.vector_load %arg5[%get3A_358] {strides = array<i32>} : memref<16384xi32, #tpu.memory_space<vmem>>, vector<16xi32>,
        %add3A_360 = arith.constant 8192 : i32
        %add3A_361 = arith.addi %add3A_360, %add3A_300 : i32
        %get3A_362 = arith.index_cast %add3A_361 : i32 to index
        %get3A_363 = tpu.vector_load %arg5[%get3A_362] {strides = array<i32>} : memref<16384xi32, #tpu.memory_space<vmem>>, vector<16xi32>,
        %add3A_364 = arith.constant 8192 : i32
        %add3A_365 = arith.addi %add3A_364, %add3A_304 : i32
        %get3A_366 = arith.index_cast %add3A_365 : i32 to index
        %get3A_367 = tpu.vector_load %arg5[%get3A_366] {strides = array<i32>} : memref<16384xi32, #tpu.memory_space<vmem>>, vector<16xi32>,
        %add3A_368 = arith.constant 8192 : i32
        %add3A_369 = arith.addi %add3A_368, %add3A_308 : i32
        %get3A_370 = arith.index_cast %add3A_369 : i32 to index
        %get3A_371 = tpu.vector_load %arg5[%get3A_370] {strides = array<i32>} : memref<16384xi32, #tpu.memory_space<vmem>>, vector<16xi32>,
        %add3A_372 = arith.constant 8192 : i32
        %add3A_373 = arith.addi %add3A_372, %add3A_312 : i32
        %get3A_374 = arith.index_cast %add3A_373 : i32 to index
        %get3A_375 = tpu.vector_load %arg5[%get3A_374] {strides = array<i32>} : memref<16384xi32, #tpu.memory_space<vmem>>, vector<16xi32>,
        %gather3A = tpu.vector_load_idx %arg6[%get3A_315] : memref<100000xf32, #tpu.memory_space<vmem>>[vector<16xi32>], vector<16xf32>,
        %gather3A_376 = tpu.vector_load_idx %arg6[%get3A_319] : memref<100000xf32, #tpu.memory_space<vmem>>[vector<16xi32>], vector<16xf32>,
        %gather3A_377 = tpu.vector_load_idx %arg6[%get3A_323] : memref<100000xf32, #tpu.memory_space<vmem>>[vector<16xi32>], vector<16xf32>,
        %gather3A_378 = tpu.vector_load_idx %arg6[%get3A_327] : memref<100000xf32, #tpu.memory_space<vmem>>[vector<16xi32>], vector<16xf32>,
        %gather3A_379 = tpu.vector_load_idx %arg6[%get3A_331] : memref<100000xf32, #tpu.memory_space<vmem>>[vector<16xi32>], vector<16xf32>,
        %gather3A_380 = tpu.vector_load_idx %arg6[%get3A_335] : memref<100000xf32, #tpu.memory_space<vmem>>[vector<16xi32>], vector<16xf32>,
        %gather3A_381 = tpu.vector_load_idx %arg6[%get3A_339] : memref<100000xf32, #tpu.memory_space<vmem>>[vector<16xi32>], vector<16xf32>,
        %gather3A_382 = tpu.vector_load_idx %arg6[%get3A_343] : memref<100000xf32, #tpu.memory_space<vmem>>[vector<16xi32>], vector<16xf32>,
        %gather3A_383 = tpu.vector_load_idx %arg6[%get3A_347] : memref<100000xf32, #tpu.memory_space<vmem>>[vector<16xi32>], vector<16xf32>,
        %gather3A_384 = tpu.vector_load_idx %arg6[%get3A_351] : memref<100000xf32, #tpu.memory_space<vmem>>[vector<16xi32>], vector<16xf32>,
        %gather3A_385 = tpu.vector_load_idx %arg6[%get3A_355] : memref<100000xf32, #tpu.memory_space<vmem>>[vector<16xi32>], vector<16xf32>,
        %gather3A_386 = tpu.vector_load_idx %arg6[%get3A_359] : memref<100000xf32, #tpu.memory_space<vmem>>[vector<16xi32>], vector<16xf32>,
        %gather3A_387 = tpu.vector_load_idx %arg6[%get3A_363] : memref<100000xf32, #tpu.memory_space<vmem>>[vector<16xi32>], vector<16xf32>,
        %gather3A_388 = tpu.vector_load_idx %arg6[%get3A_367] : memref<100000xf32, #tpu.memory_space<vmem>>[vector<16xi32>], vector<16xf32>,
        %gather3A_389 = tpu.vector_load_idx %arg6[%get3A_371] : memref<100000xf32, #tpu.memory_space<vmem>>[vector<16xi32>], vector<16xf32>,
        %gather3A_390 = tpu.vector_load_idx %arg6[%get3A_375] : memref<100000xf32, #tpu.memory_space<vmem>>[vector<16xi32>], vector<16xf32>,
        %swap3A = arith.index_cast %add3A_252 : i32 to index
        %swap3A_391 = tpu.vector_load %arg7[%swap3A] {strides = array<i32>} : memref<4096xf32, #tpu.memory_space<vmem>>, vector<16xf32>,
        tpu.vector_store %arg7[%swap3A], %gather3A {strides = array<i32>} : memref<4096xf32, #tpu.memory_space<vmem>>, vector<16xf32>,
        %swap3A_392 = arith.index_cast %add3A_256 : i32 to index
        %swap3A_393 = tpu.vector_load %arg7[%swap3A_392] {strides = array<i32>} : memref<4096xf32, #tpu.memory_space<vmem>>, vector<16xf32>,
        tpu.vector_store %arg7[%swap3A_392], %gather3A_376 {strides = array<i32>} : memref<4096xf32, #tpu.memory_space<vmem>>, vector<16xf32>,
        %swap3A_394 = arith.index_cast %add3A_260 : i32 to index
        %swap3A_395 = tpu.vector_load %arg7[%swap3A_394] {strides = array<i32>} : memref<4096xf32, #tpu.memory_space<vmem>>, vector<16xf32>,
        tpu.vector_store %arg7[%swap3A_394], %gather3A_377 {strides = array<i32>} : memref<4096xf32, #tpu.memory_space<vmem>>, vector<16xf32>,
        %swap3A_396 = arith.index_cast %add3A_264 : i32 to index
        %swap3A_397 = tpu.vector_load %arg7[%swap3A_396] {strides = array<i32>} : memref<4096xf32, #tpu.memory_space<vmem>>, vector<16xf32>,
        tpu.vector_store %arg7[%swap3A_396], %gather3A_378 {strides = array<i32>} : memref<4096xf32, #tpu.memory_space<vmem>>, vector<16xf32>,
        %swap3A_398 = arith.index_cast %add3A_268 : i32 to index
        %swap3A_399 = tpu.vector_load %arg7[%swap3A_398] {strides = array<i32>} : memref<4096xf32, #tpu.memory_space<vmem>>, vector<16xf32>,
        tpu.vector_store %arg7[%swap3A_398], %gather3A_379 {strides = array<i32>} : memref<4096xf32, #tpu.memory_space<vmem>>, vector<16xf32>,
        %swap3A_400 = arith.index_cast %add3A_272 : i32 to index
        %swap3A_401 = tpu.vector_load %arg7[%swap3A_400] {strides = array<i32>} : memref<4096xf32, #tpu.memory_space<vmem>>, vector<16xf32>,
        tpu.vector_store %arg7[%swap3A_400], %gather3A_380 {strides = array<i32>} : memref<4096xf32, #tpu.memory_space<vmem>>, vector<16xf32>,
        %swap3A_402 = arith.index_cast %add3A_276 : i32 to index
        %swap3A_403 = tpu.vector_load %arg7[%swap3A_402] {strides = array<i32>} : memref<4096xf32, #tpu.memory_space<vmem>>, vector<16xf32>,
        tpu.vector_store %arg7[%swap3A_402], %gather3A_381 {strides = array<i32>} : memref<4096xf32, #tpu.memory_space<vmem>>, vector<16xf32>,
        %swap3A_404 = arith.index_cast %add3A_280 : i32 to index
        %swap3A_405 = tpu.vector_load %arg7[%swap3A_404] {strides = array<i32>} : memref<4096xf32, #tpu.memory_space<vmem>>, vector<16xf32>,
        tpu.vector_store %arg7[%swap3A_404], %gather3A_382 {strides = array<i32>} : memref<4096xf32, #tpu.memory_space<vmem>>, vector<16xf32>,
        %swap3A_406 = arith.index_cast %add3A_284 : i32 to index
        %swap3A_407 = tpu.vector_load %arg7[%swap3A_406] {strides = array<i32>} : memref<4096xf32, #tpu.memory_space<vmem>>, vector<16xf32>,
        tpu.vector_store %arg7[%swap3A_406], %gather3A_383 {strides = array<i32>} : memref<4096xf32, #tpu.memory_space<vmem>>, vector<16xf32>,
        %swap3A_408 = arith.index_cast %add3A_288 : i32 to index
        %swap3A_409 = tpu.vector_load %arg7[%swap3A_408] {strides = array<i32>} : memref<4096xf32, #tpu.memory_space<vmem>>, vector<16xf32>,
        tpu.vector_store %arg7[%swap3A_408], %gather3A_384 {strides = array<i32>} : memref<4096xf32, #tpu.memory_space<vmem>>, vector<16xf32>,
        %swap3A_410 = arith.index_cast %add3A_292 : i32 to index
        %swap3A_411 = tpu.vector_load %arg7[%swap3A_410] {strides = array<i32>} : memref<4096xf32, #tpu.memory_space<vmem>>, vector<16xf32>,
        tpu.vector_store %arg7[%swap3A_410], %gather3A_385 {strides = array<i32>} : memref<4096xf32, #tpu.memory_space<vmem>>, vector<16xf32>,
        %swap3A_412 = arith.index_cast %add3A_296 : i32 to index
        %swap3A_413 = tpu.vector_load %arg7[%swap3A_412] {strides = array<i32>} : memref<4096xf32, #tpu.memory_space<vmem>>, vector<16xf32>,
        tpu.vector_store %arg7[%swap3A_412], %gather3A_386 {strides = array<i32>} : memref<4096xf32, #tpu.memory_space<vmem>>, vector<16xf32>,
        %swap3A_414 = arith.index_cast %add3A_300 : i32 to index
        %swap3A_415 = tpu.vector_load %arg7[%swap3A_414] {strides = array<i32>} : memref<4096xf32, #tpu.memory_space<vmem>>, vector<16xf32>,
        tpu.vector_store %arg7[%swap3A_414], %gather3A_387 {strides = array<i32>} : memref<4096xf32, #tpu.memory_space<vmem>>, vector<16xf32>,
        %swap3A_416 = arith.index_cast %add3A_304 : i32 to index
        %swap3A_417 = tpu.vector_load %arg7[%swap3A_416] {strides = array<i32>} : memref<4096xf32, #tpu.memory_space<vmem>>, vector<16xf32>,
        tpu.vector_store %arg7[%swap3A_416], %gather3A_388 {strides = array<i32>} : memref<4096xf32, #tpu.memory_space<vmem>>, vector<16xf32>,
        %swap3A_418 = arith.index_cast %add3A_308 : i32 to index
        %swap3A_419 = tpu.vector_load %arg7[%swap3A_418] {strides = array<i32>} : memref<4096xf32, #tpu.memory_space<vmem>>, vector<16xf32>,
        tpu.vector_store %arg7[%swap3A_418], %gather3A_389 {strides = array<i32>} : memref<4096xf32, #tpu.memory_space<vmem>>, vector<16xf32>,
        %swap3A_420 = arith.index_cast %add3A_312 : i32 to index
        %swap3A_421 = tpu.vector_load %arg7[%swap3A_420] {strides = array<i32>} : memref<4096xf32, #tpu.memory_space<vmem>>, vector<16xf32>,
        tpu.vector_store %arg7[%swap3A_420], %gather3A_390 {strides = array<i32>} : memref<4096xf32, #tpu.memory_space<vmem>>, vector<16xf32>,
      }
      %scan3A_116 = arith.constant 16 : i32
      %dma_start3A_117 = arith.constant 8192 : i32
      %dma_start3A_118 = tpu.memref_slice %arg4[%add3A_62, %dma_start3A_117] : memref<832x16384xf32, #tpu.memory_space<hbm>> -> memref<1x4096xf32, #tpu.memory_space<hbm>>
      %dma_start3A_119 = tpu.memref_squeeze %dma_start3A_118 : memref<1x4096xf32, #tpu.memory_space<hbm>> -> memref<4096xf32, #tpu.memory_space<hbm>>
      %dma_start3A_120 = arith.constant 8192 : i32
      %dma_start3A_121 = tpu.memref_slice %arg4[%add3A_62, %dma_start3A_120] : memref<832x16384xf32, #tpu.memory_space<hbm>> -> memref<1x4096xf32, #tpu.memory_space<hbm>>
      %dma_start3A_122 = tpu.memref_squeeze %dma_start3A_121 : memref<1x4096xf32, #tpu.memory_space<hbm>> -> memref<4096xf32, #tpu.memory_space<hbm>>
      tpu.enqueue_dma source(%arg7 : memref<4096xf32, #tpu.memory_space<vmem>>) target(%dma_start3A_122 : memref<4096xf32, #tpu.memory_space<hbm>>) target_semaphore(%arg10 : memref<!tpu.dma_semaphore, #tpu.memory_space<semaphore_mem>>)
      %dma_wait3A_123 = arith.constant 12288 : i32
      %dma_wait3A_124 = tpu.memref_slice %arg4[%add3A_62, %dma_wait3A_123] : memref<832x16384xf32, #tpu.memory_space<hbm>> -> memref<1x4096xf32, #tpu.memory_space<hbm>>
      %dma_wait3A_125 = tpu.memref_squeeze %dma_wait3A_124 : memref<1x4096xf32, #tpu.memory_space<hbm>> -> memref<4096xf32, #tpu.memory_space<hbm>>
      %dma_wait3A_126 = arith.constant 12288 : i32
      %dma_wait3A_127 = tpu.memref_slice %arg4[%add3A_62, %dma_wait3A_126] : memref<832x16384xf32, #tpu.memory_space<hbm>> -> memref<1x4096xf32, #tpu.memory_space<hbm>>
      %dma_wait3A_128 = tpu.memref_squeeze %dma_wait3A_127 : memref<1x4096xf32, #tpu.memory_space<hbm>> -> memref<4096xf32, #tpu.memory_space<hbm>>
      tpu.wait_dma2 semaphore(%arg11 : memref<!tpu.dma_semaphore, #tpu.memory_space<semaphore_mem>>) src(%arg8 : memref<4096xf32, #tpu.memory_space<vmem>>) dst(%dma_wait3A_128 : memref<4096xf32, #tpu.memory_space<hbm>>)
      %scan3A_129 = arith.constant 0 : i32
      %scan3A_130 = arith.constant 0 : i32
      %scan3A_131 = arith.constant 16 : i32
      %scan3A_132 = arith.addi %scan3A_130, %scan3A_131 : i32
      %scan3A_133 = arith.constant 1 : i32
      scf.for %scan3A_248 = %scan3A_130 to %scan3A_132 step %scan3A_133  : i32 {
        %mul3A_249 = arith.constant 256 : i32
        %mul3A_250 = arith.muli %scan3A_248, %mul3A_249 : i32
        %add3A_251 = arith.constant 0 : i32
        %add3A_252 = arith.addi %mul3A_250, %add3A_251 : i32
        %mul3A_253 = arith.constant 256 : i32
        %mul3A_254 = arith.muli %scan3A_248, %mul3A_253 : i32
        %add3A_255 = arith.constant 16 : i32
        %add3A_256 = arith.addi %mul3A_254, %add3A_255 : i32
        %mul3A_257 = arith.constant 256 : i32
        %mul3A_258 = arith.muli %scan3A_248, %mul3A_257 : i32
        %add3A_259 = arith.constant 32 : i32
        %add3A_260 = arith.addi %mul3A_258, %add3A_259 : i32
        %mul3A_261 = arith.constant 256 : i32
        %mul3A_262 = arith.muli %scan3A_248, %mul3A_261 : i32
        %add3A_263 = arith.constant 48 : i32
        %add3A_264 = arith.addi %mul3A_262, %add3A_263 : i32
        %mul3A_265 = arith.constant 256 : i32
        %mul3A_266 = arith.muli %scan3A_248, %mul3A_265 : i32
        %add3A_267 = arith.constant 64 : i32
        %add3A_268 = arith.addi %mul3A_266, %add3A_267 : i32
        %mul3A_269 = arith.constant 256 : i32
        %mul3A_270 = arith.muli %scan3A_248, %mul3A_269 : i32
        %add3A_271 = arith.constant 80 : i32
        %add3A_272 = arith.addi %mul3A_270, %add3A_271 : i32
        %mul3A_273 = arith.constant 256 : i32
        %mul3A_274 = arith.muli %scan3A_248, %mul3A_273 : i32
        %add3A_275 = arith.constant 96 : i32
        %add3A_276 = arith.addi %mul3A_274, %add3A_275 : i32
        %mul3A_277 = arith.constant 256 : i32
        %mul3A_278 = arith.muli %scan3A_248, %mul3A_277 : i32
        %add3A_279 = arith.constant 112 : i32
        %add3A_280 = arith.addi %mul3A_278, %add3A_279 : i32
        %mul3A_281 = arith.constant 256 : i32
        %mul3A_282 = arith.muli %scan3A_248, %mul3A_281 : i32
        %add3A_283 = arith.constant 128 : i32
        %add3A_284 = arith.addi %mul3A_282, %add3A_283 : i32
        %mul3A_285 = arith.constant 256 : i32
        %mul3A_286 = arith.muli %scan3A_248, %mul3A_285 : i32
        %add3A_287 = arith.constant 144 : i32
        %add3A_288 = arith.addi %mul3A_286, %add3A_287 : i32
        %mul3A_289 = arith.constant 256 : i32
        %mul3A_290 = arith.muli %scan3A_248, %mul3A_289 : i32
        %add3A_291 = arith.constant 160 : i32
        %add3A_292 = arith.addi %mul3A_290, %add3A_291 : i32
        %mul3A_293 = arith.constant 256 : i32
        %mul3A_294 = arith.muli %scan3A_248, %mul3A_293 : i32
        %add3A_295 = arith.constant 176 : i32
        %add3A_296 = arith.addi %mul3A_294, %add3A_295 : i32
        %mul3A_297 = arith.constant 256 : i32
        %mul3A_298 = arith.muli %scan3A_248, %mul3A_297 : i32
        %add3A_299 = arith.constant 192 : i32
        %add3A_300 = arith.addi %mul3A_298, %add3A_299 : i32
        %mul3A_301 = arith.constant 256 : i32
        %mul3A_302 = arith.muli %scan3A_248, %mul3A_301 : i32
        %add3A_303 = arith.constant 208 : i32
        %add3A_304 = arith.addi %mul3A_302, %add3A_303 : i32
        %mul3A_305 = arith.constant 256 : i32
        %mul3A_306 = arith.muli %scan3A_248, %mul3A_305 : i32
        %add3A_307 = arith.constant 224 : i32
        %add3A_308 = arith.addi %mul3A_306, %add3A_307 : i32
        %mul3A_309 = arith.constant 256 : i32
        %mul3A_310 = arith.muli %scan3A_248, %mul3A_309 : i32
        %add3A_311 = arith.constant 240 : i32
        %add3A_312 = arith.addi %mul3A_310, %add3A_311 : i32
        %add3A_313 = arith.constant 12288 : i32
        %add3A_314 = arith.addi %add3A_313, %add3A_252 : i32
        %get3A = arith.index_cast %add3A_314 : i32 to index
        %get3A_315 = tpu.vector_load %arg5[%get3A] {strides = array<i32>} : memref<16384xi32, #tpu.memory_space<vmem>>, vector<16xi32>,
        %add3A_316 = arith.constant 12288 : i32
        %add3A_317 = arith.addi %add3A_316, %add3A_256 : i32
        %get3A_318 = arith.index_cast %add3A_317 : i32 to index
        %get3A_319 = tpu.vector_load %arg5[%get3A_318] {strides = array<i32>} : memref<16384xi32, #tpu.memory_space<vmem>>, vector<16xi32>,
        %add3A_320 = arith.constant 12288 : i32
        %add3A_321 = arith.addi %add3A_320, %add3A_260 : i32
        %get3A_322 = arith.index_cast %add3A_321 : i32 to index
        %get3A_323 = tpu.vector_load %arg5[%get3A_322] {strides = array<i32>} : memref<16384xi32, #tpu.memory_space<vmem>>, vector<16xi32>,
        %add3A_324 = arith.constant 12288 : i32
        %add3A_325 = arith.addi %add3A_324, %add3A_264 : i32
        %get3A_326 = arith.index_cast %add3A_325 : i32 to index
        %get3A_327 = tpu.vector_load %arg5[%get3A_326] {strides = array<i32>} : memref<16384xi32, #tpu.memory_space<vmem>>, vector<16xi32>,
        %add3A_328 = arith.constant 12288 : i32
        %add3A_329 = arith.addi %add3A_328, %add3A_268 : i32
        %get3A_330 = arith.index_cast %add3A_329 : i32 to index
        %get3A_331 = tpu.vector_load %arg5[%get3A_330] {strides = array<i32>} : memref<16384xi32, #tpu.memory_space<vmem>>, vector<16xi32>,
        %add3A_332 = arith.constant 12288 : i32
        %add3A_333 = arith.addi %add3A_332, %add3A_272 : i32
        %get3A_334 = arith.index_cast %add3A_333 : i32 to index
        %get3A_335 = tpu.vector_load %arg5[%get3A_334] {strides = array<i32>} : memref<16384xi32, #tpu.memory_space<vmem>>, vector<16xi32>,
        %add3A_336 = arith.constant 12288 : i32
        %add3A_337 = arith.addi %add3A_336, %add3A_276 : i32
        %get3A_338 = arith.index_cast %add3A_337 : i32 to index
        %get3A_339 = tpu.vector_load %arg5[%get3A_338] {strides = array<i32>} : memref<16384xi32, #tpu.memory_space<vmem>>, vector<16xi32>,
        %add3A_340 = arith.constant 12288 : i32
        %add3A_341 = arith.addi %add3A_340, %add3A_280 : i32
        %get3A_342 = arith.index_cast %add3A_341 : i32 to index
        %get3A_343 = tpu.vector_load %arg5[%get3A_342] {strides = array<i32>} : memref<16384xi32, #tpu.memory_space<vmem>>, vector<16xi32>,
        %add3A_344 = arith.constant 12288 : i32
        %add3A_345 = arith.addi %add3A_344, %add3A_284 : i32
        %get3A_346 = arith.index_cast %add3A_345 : i32 to index
        %get3A_347 = tpu.vector_load %arg5[%get3A_346] {strides = array<i32>} : memref<16384xi32, #tpu.memory_space<vmem>>, vector<16xi32>,
        %add3A_348 = arith.constant 12288 : i32
        %add3A_349 = arith.addi %add3A_348, %add3A_288 : i32
        %get3A_350 = arith.index_cast %add3A_349 : i32 to index
        %get3A_351 = tpu.vector_load %arg5[%get3A_350] {strides = array<i32>} : memref<16384xi32, #tpu.memory_space<vmem>>, vector<16xi32>,
        %add3A_352 = arith.constant 12288 : i32
        %add3A_353 = arith.addi %add3A_352, %add3A_292 : i32
        %get3A_354 = arith.index_cast %add3A_353 : i32 to index
        %get3A_355 = tpu.vector_load %arg5[%get3A_354] {strides = array<i32>} : memref<16384xi32, #tpu.memory_space<vmem>>, vector<16xi32>,
        %add3A_356 = arith.constant 12288 : i32
        %add3A_357 = arith.addi %add3A_356, %add3A_296 : i32
        %get3A_358 = arith.index_cast %add3A_357 : i32 to index
        %get3A_359 = tpu.vector_load %arg5[%get3A_358] {strides = array<i32>} : memref<16384xi32, #tpu.memory_space<vmem>>, vector<16xi32>,
        %add3A_360 = arith.constant 12288 : i32
        %add3A_361 = arith.addi %add3A_360, %add3A_300 : i32
        %get3A_362 = arith.index_cast %add3A_361 : i32 to index
        %get3A_363 = tpu.vector_load %arg5[%get3A_362] {strides = array<i32>} : memref<16384xi32, #tpu.memory_space<vmem>>, vector<16xi32>,
        %add3A_364 = arith.constant 12288 : i32
        %add3A_365 = arith.addi %add3A_364, %add3A_304 : i32
        %get3A_366 = arith.index_cast %add3A_365 : i32 to index
        %get3A_367 = tpu.vector_load %arg5[%get3A_366] {strides = array<i32>} : memref<16384xi32, #tpu.memory_space<vmem>>, vector<16xi32>,
        %add3A_368 = arith.constant 12288 : i32
        %add3A_369 = arith.addi %add3A_368, %add3A_308 : i32
        %get3A_370 = arith.index_cast %add3A_369 : i32 to index
        %get3A_371 = tpu.vector_load %arg5[%get3A_370] {strides = array<i32>} : memref<16384xi32, #tpu.memory_space<vmem>>, vector<16xi32>,
        %add3A_372 = arith.constant 12288 : i32
        %add3A_373 = arith.addi %add3A_372, %add3A_312 : i32
        %get3A_374 = arith.index_cast %add3A_373 : i32 to index
        %get3A_375 = tpu.vector_load %arg5[%get3A_374] {strides = array<i32>} : memref<16384xi32, #tpu.memory_space<vmem>>, vector<16xi32>,
        %gather3A = tpu.vector_load_idx %arg6[%get3A_315] : memref<100000xf32, #tpu.memory_space<vmem>>[vector<16xi32>], vector<16xf32>,
        %gather3A_376 = tpu.vector_load_idx %arg6[%get3A_319] : memref<100000xf32, #tpu.memory_space<vmem>>[vector<16xi32>], vector<16xf32>,
        %gather3A_377 = tpu.vector_load_idx %arg6[%get3A_323] : memref<100000xf32, #tpu.memory_space<vmem>>[vector<16xi32>], vector<16xf32>,
        %gather3A_378 = tpu.vector_load_idx %arg6[%get3A_327] : memref<100000xf32, #tpu.memory_space<vmem>>[vector<16xi32>], vector<16xf32>,
        %gather3A_379 = tpu.vector_load_idx %arg6[%get3A_331] : memref<100000xf32, #tpu.memory_space<vmem>>[vector<16xi32>], vector<16xf32>,
        %gather3A_380 = tpu.vector_load_idx %arg6[%get3A_335] : memref<100000xf32, #tpu.memory_space<vmem>>[vector<16xi32>], vector<16xf32>,
        %gather3A_381 = tpu.vector_load_idx %arg6[%get3A_339] : memref<100000xf32, #tpu.memory_space<vmem>>[vector<16xi32>], vector<16xf32>,
        %gather3A_382 = tpu.vector_load_idx %arg6[%get3A_343] : memref<100000xf32, #tpu.memory_space<vmem>>[vector<16xi32>], vector<16xf32>,
        %gather3A_383 = tpu.vector_load_idx %arg6[%get3A_347] : memref<100000xf32, #tpu.memory_space<vmem>>[vector<16xi32>], vector<16xf32>,
        %gather3A_384 = tpu.vector_load_idx %arg6[%get3A_351] : memref<100000xf32, #tpu.memory_space<vmem>>[vector<16xi32>], vector<16xf32>,
        %gather3A_385 = tpu.vector_load_idx %arg6[%get3A_355] : memref<100000xf32, #tpu.memory_space<vmem>>[vector<16xi32>], vector<16xf32>,
        %gather3A_386 = tpu.vector_load_idx %arg6[%get3A_359] : memref<100000xf32, #tpu.memory_space<vmem>>[vector<16xi32>], vector<16xf32>,
        %gather3A_387 = tpu.vector_load_idx %arg6[%get3A_363] : memref<100000xf32, #tpu.memory_space<vmem>>[vector<16xi32>], vector<16xf32>,
        %gather3A_388 = tpu.vector_load_idx %arg6[%get3A_367] : memref<100000xf32, #tpu.memory_space<vmem>>[vector<16xi32>], vector<16xf32>,
        %gather3A_389 = tpu.vector_load_idx %arg6[%get3A_371] : memref<100000xf32, #tpu.memory_space<vmem>>[vector<16xi32>], vector<16xf32>,
        %gather3A_390 = tpu.vector_load_idx %arg6[%get3A_375] : memref<100000xf32, #tpu.memory_space<vmem>>[vector<16xi32>], vector<16xf32>,
        %swap3A = arith.index_cast %add3A_252 : i32 to index
        %swap3A_391 = tpu.vector_load %arg8[%swap3A] {strides = array<i32>} : memref<4096xf32, #tpu.memory_space<vmem>>, vector<16xf32>,
        tpu.vector_store %arg8[%swap3A], %gather3A {strides = array<i32>} : memref<4096xf32, #tpu.memory_space<vmem>>, vector<16xf32>,
        %swap3A_392 = arith.index_cast %add3A_256 : i32 to index
        %swap3A_393 = tpu.vector_load %arg8[%swap3A_392] {strides = array<i32>} : memref<4096xf32, #tpu.memory_space<vmem>>, vector<16xf32>,
        tpu.vector_store %arg8[%swap3A_392], %gather3A_376 {strides = array<i32>} : memref<4096xf32, #tpu.memory_space<vmem>>, vector<16xf32>,
        %swap3A_394 = arith.index_cast %add3A_260 : i32 to index
        %swap3A_395 = tpu.vector_load %arg8[%swap3A_394] {strides = array<i32>} : memref<4096xf32, #tpu.memory_space<vmem>>, vector<16xf32>,
        tpu.vector_store %arg8[%swap3A_394], %gather3A_377 {strides = array<i32>} : memref<4096xf32, #tpu.memory_space<vmem>>, vector<16xf32>,
        %swap3A_396 = arith.index_cast %add3A_264 : i32 to index
        %swap3A_397 = tpu.vector_load %arg8[%swap3A_396] {strides = array<i32>} : memref<4096xf32, #tpu.memory_space<vmem>>, vector<16xf32>,
        tpu.vector_store %arg8[%swap3A_396], %gather3A_378 {strides = array<i32>} : memref<4096xf32, #tpu.memory_space<vmem>>, vector<16xf32>,
        %swap3A_398 = arith.index_cast %add3A_268 : i32 to index
        %swap3A_399 = tpu.vector_load %arg8[%swap3A_398] {strides = array<i32>} : memref<4096xf32, #tpu.memory_space<vmem>>, vector<16xf32>,
        tpu.vector_store %arg8[%swap3A_398], %gather3A_379 {strides = array<i32>} : memref<4096xf32, #tpu.memory_space<vmem>>, vector<16xf32>,
        %swap3A_400 = arith.index_cast %add3A_272 : i32 to index
        %swap3A_401 = tpu.vector_load %arg8[%swap3A_400] {strides = array<i32>} : memref<4096xf32, #tpu.memory_space<vmem>>, vector<16xf32>,
        tpu.vector_store %arg8[%swap3A_400], %gather3A_380 {strides = array<i32>} : memref<4096xf32, #tpu.memory_space<vmem>>, vector<16xf32>,
        %swap3A_402 = arith.index_cast %add3A_276 : i32 to index
        %swap3A_403 = tpu.vector_load %arg8[%swap3A_402] {strides = array<i32>} : memref<4096xf32, #tpu.memory_space<vmem>>, vector<16xf32>,
        tpu.vector_store %arg8[%swap3A_402], %gather3A_381 {strides = array<i32>} : memref<4096xf32, #tpu.memory_space<vmem>>, vector<16xf32>,
        %swap3A_404 = arith.index_cast %add3A_280 : i32 to index
        %swap3A_405 = tpu.vector_load %arg8[%swap3A_404] {strides = array<i32>} : memref<4096xf32, #tpu.memory_space<vmem>>, vector<16xf32>,
        tpu.vector_store %arg8[%swap3A_404], %gather3A_382 {strides = array<i32>} : memref<4096xf32, #tpu.memory_space<vmem>>, vector<16xf32>,
        %swap3A_406 = arith.index_cast %add3A_284 : i32 to index
        %swap3A_407 = tpu.vector_load %arg8[%swap3A_406] {strides = array<i32>} : memref<4096xf32, #tpu.memory_space<vmem>>, vector<16xf32>,
        tpu.vector_store %arg8[%swap3A_406], %gather3A_383 {strides = array<i32>} : memref<4096xf32, #tpu.memory_space<vmem>>, vector<16xf32>,
        %swap3A_408 = arith.index_cast %add3A_288 : i32 to index
        %swap3A_409 = tpu.vector_load %arg8[%swap3A_408] {strides = array<i32>} : memref<4096xf32, #tpu.memory_space<vmem>>, vector<16xf32>,
        tpu.vector_store %arg8[%swap3A_408], %gather3A_384 {strides = array<i32>} : memref<4096xf32, #tpu.memory_space<vmem>>, vector<16xf32>,
        %swap3A_410 = arith.index_cast %add3A_292 : i32 to index
        %swap3A_411 = tpu.vector_load %arg8[%swap3A_410] {strides = array<i32>} : memref<4096xf32, #tpu.memory_space<vmem>>, vector<16xf32>,
        tpu.vector_store %arg8[%swap3A_410], %gather3A_385 {strides = array<i32>} : memref<4096xf32, #tpu.memory_space<vmem>>, vector<16xf32>,
        %swap3A_412 = arith.index_cast %add3A_296 : i32 to index
        %swap3A_413 = tpu.vector_load %arg8[%swap3A_412] {strides = array<i32>} : memref<4096xf32, #tpu.memory_space<vmem>>, vector<16xf32>,
        tpu.vector_store %arg8[%swap3A_412], %gather3A_386 {strides = array<i32>} : memref<4096xf32, #tpu.memory_space<vmem>>, vector<16xf32>,
        %swap3A_414 = arith.index_cast %add3A_300 : i32 to index
        %swap3A_415 = tpu.vector_load %arg8[%swap3A_414] {strides = array<i32>} : memref<4096xf32, #tpu.memory_space<vmem>>, vector<16xf32>,
        tpu.vector_store %arg8[%swap3A_414], %gather3A_387 {strides = array<i32>} : memref<4096xf32, #tpu.memory_space<vmem>>, vector<16xf32>,
        %swap3A_416 = arith.index_cast %add3A_304 : i32 to index
        %swap3A_417 = tpu.vector_load %arg8[%swap3A_416] {strides = array<i32>} : memref<4096xf32, #tpu.memory_space<vmem>>, vector<16xf32>,
        tpu.vector_store %arg8[%swap3A_416], %gather3A_388 {strides = array<i32>} : memref<4096xf32, #tpu.memory_space<vmem>>, vector<16xf32>,
        %swap3A_418 = arith.index_cast %add3A_308 : i32 to index
        %swap3A_419 = tpu.vector_load %arg8[%swap3A_418] {strides = array<i32>} : memref<4096xf32, #tpu.memory_space<vmem>>, vector<16xf32>,
        tpu.vector_store %arg8[%swap3A_418], %gather3A_389 {strides = array<i32>} : memref<4096xf32, #tpu.memory_space<vmem>>, vector<16xf32>,
        %swap3A_420 = arith.index_cast %add3A_312 : i32 to index
        %swap3A_421 = tpu.vector_load %arg8[%swap3A_420] {strides = array<i32>} : memref<4096xf32, #tpu.memory_space<vmem>>, vector<16xf32>,
        tpu.vector_store %arg8[%swap3A_420], %gather3A_390 {strides = array<i32>} : memref<4096xf32, #tpu.memory_space<vmem>>, vector<16xf32>,
      }
      %scan3A_134 = arith.constant 16 : i32
      %dma_start3A_135 = arith.constant 12288 : i32
      %dma_start3A_136 = tpu.memref_slice %arg4[%add3A_62, %dma_start3A_135] : memref<832x16384xf32, #tpu.memory_space<hbm>> -> memref<1x4096xf32, #tpu.memory_space<hbm>>
      %dma_start3A_137 = tpu.memref_squeeze %dma_start3A_136 : memref<1x4096xf32, #tpu.memory_space<hbm>> -> memref<4096xf32, #tpu.memory_space<hbm>>
      %dma_start3A_138 = arith.constant 12288 : i32
      %dma_start3A_139 = tpu.memref_slice %arg4[%add3A_62, %dma_start3A_138] : memref<832x16384xf32, #tpu.memory_space<hbm>> -> memref<1x4096xf32, #tpu.memory_space<hbm>>
      %dma_start3A_140 = tpu.memref_squeeze %dma_start3A_139 : memref<1x4096xf32, #tpu.memory_space<hbm>> -> memref<4096xf32, #tpu.memory_space<hbm>>
      tpu.enqueue_dma source(%arg8 : memref<4096xf32, #tpu.memory_space<vmem>>) target(%dma_start3A_140 : memref<4096xf32, #tpu.memory_space<hbm>>) target_semaphore(%arg11 : memref<!tpu.dma_semaphore, #tpu.memory_space<semaphore_mem>>)
      %add3A_141 = arith.constant 1 : i32
      %add3A_142 = arith.addi %add3A_57, %add3A_141 : i32
      %dma_start3A_143 = arith.constant 0 : i32
      %dma_start3A_144 = tpu.memref_slice %arg3[%add3A_142, %dma_start3A_143] : memref<1664x100000xf32, #tpu.memory_space<hbm>> -> memref<1x100000xf32, #tpu.memory_space<hbm>>
      %dma_start3A_145 = tpu.memref_squeeze %dma_start3A_144 : memref<1x100000xf32, #tpu.memory_space<hbm>> -> memref<100000xf32, #tpu.memory_space<hbm>>
      %dma_start3A_146 = arith.constant 0 : i32
      %dma_start3A_147 = tpu.memref_slice %arg3[%add3A_142, %dma_start3A_146] : memref<1664x100000xf32, #tpu.memory_space<hbm>> -> memref<1x100000xf32, #tpu.memory_space<hbm>>
      %dma_start3A_148 = tpu.memref_squeeze %dma_start3A_147 : memref<1x100000xf32, #tpu.memory_space<hbm>> -> memref<100000xf32, #tpu.memory_space<hbm>>
      tpu.enqueue_dma source(%dma_start3A_148 : memref<100000xf32, #tpu.memory_space<hbm>>) target(%arg6 : memref<100000xf32, #tpu.memory_space<vmem>>) target_semaphore(%arg9 : memref<!tpu.dma_semaphore, #tpu.memory_space<semaphore_mem>>)
      %mul3A_149 = arith.constant 64 : i32
      %mul3A_150 = arith.muli %add3A_49, %mul3A_149 : i32
      %add3A_151 = arith.addi %mul3A_150, %mul3A_2 : i32
      %add3A_152 = arith.constant 1 : i32
      %add3A_153 = arith.addi %add3A_151, %add3A_152 : i32
      %mul3A_154 = arith.constant 64 : i32
      %mul3A_155 = arith.muli %scan3A_47, %mul3A_154 : i32
      %add3A_156 = arith.addi %mul3A_155, %mul3A_2 : i32
      %add3A_157 = arith.constant 1 : i32
      %add3A_158 = arith.addi %add3A_156, %add3A_157 : i32
      %dma_wait3A_159 = arith.constant 0 : i32
      %dma_wait3A_160 = tpu.memref_slice %arg3[%add3A_153, %dma_wait3A_159] : memref<1664x100000xf32, #tpu.memory_space<hbm>> -> memref<1x100000xf32, #tpu.memory_space<hbm>>
      %dma_wait3A_161 = tpu.memref_squeeze %dma_wait3A_160 : memref<1x100000xf32, #tpu.memory_space<hbm>> -> memref<100000xf32, #tpu.memory_space<hbm>>
      %dma_wait3A_162 = arith.constant 0 : i32
      %dma_wait3A_163 = tpu.memref_slice %arg3[%add3A_153, %dma_wait3A_162] : memref<1664x100000xf32, #tpu.memory_space<hbm>> -> memref<1x100000xf32, #tpu.memory_space<hbm>>
      %dma_wait3A_164 = tpu.memref_squeeze %dma_wait3A_163 : memref<1x100000xf32, #tpu.memory_space<hbm>> -> memref<100000xf32, #tpu.memory_space<hbm>>
      tpu.wait_dma2 semaphore(%arg9 : memref<!tpu.dma_semaphore, #tpu.memory_space<semaphore_mem>>) src(%dma_wait3A_164 : memref<100000xf32, #tpu.memory_space<hbm>>) dst(%arg6 : memref<100000xf32, #tpu.memory_space<vmem>>)
      %dma_wait3A_165 = arith.constant 0 : i32
      %dma_wait3A_166 = tpu.memref_slice %arg4[%add3A_158, %dma_wait3A_165] : memref<832x16384xf32, #tpu.memory_space<hbm>> -> memref<1x4096xf32, #tpu.memory_space<hbm>>
      %dma_wait3A_167 = tpu.memref_squeeze %dma_wait3A_166 : memref<1x4096xf32, #tpu.memory_space<hbm>> -> memref<4096xf32, #tpu.memory_space<hbm>>
      %dma_wait3A_168 = arith.constant 0 : i32
      %dma_wait3A_169 = tpu.memref_slice %arg4[%add3A_158, %dma_wait3A_168] : memref<832x16384xf32, #tpu.memory_space<hbm>> -> memref<1x4096xf32, #tpu.memory_space<hbm>>
      %dma_wait3A_170 = tpu.memref_squeeze %dma_wait3A_169 : memref<1x4096xf32, #tpu.memory_space<hbm>> -> memref<4096xf32, #tpu.memory_space<hbm>>
      tpu.wait_dma2 semaphore(%arg10 : memref<!tpu.dma_semaphore, #tpu.memory_space<semaphore_mem>>) src(%arg7 : memref<4096xf32, #tpu.memory_space<vmem>>) dst(%dma_wait3A_170 : memref<4096xf32, #tpu.memory_space<hbm>>)
      %scan3A_171 = arith.constant 0 : i32
      %scan3A_172 = arith.constant 0 : i32
      %scan3A_173 = arith.constant 16 : i32
      %scan3A_174 = arith.addi %scan3A_172, %scan3A_173 : i32
      %scan3A_175 = arith.constant 1 : i32
      scf.for %scan3A_248 = %scan3A_172 to %scan3A_174 step %scan3A_175  : i32 {
        %mul3A_249 = arith.constant 256 : i32
        %mul3A_250 = arith.muli %scan3A_248, %mul3A_249 : i32
        %add3A_251 = arith.constant 0 : i32
        %add3A_252 = arith.addi %mul3A_250, %add3A_251 : i32
        %mul3A_253 = arith.constant 256 : i32
        %mul3A_254 = arith.muli %scan3A_248, %mul3A_253 : i32
        %add3A_255 = arith.constant 16 : i32
        %add3A_256 = arith.addi %mul3A_254, %add3A_255 : i32
        %mul3A_257 = arith.constant 256 : i32
        %mul3A_258 = arith.muli %scan3A_248, %mul3A_257 : i32
        %add3A_259 = arith.constant 32 : i32
        %add3A_260 = arith.addi %mul3A_258, %add3A_259 : i32
        %mul3A_261 = arith.constant 256 : i32
        %mul3A_262 = arith.muli %scan3A_248, %mul3A_261 : i32
        %add3A_263 = arith.constant 48 : i32
        %add3A_264 = arith.addi %mul3A_262, %add3A_263 : i32
        %mul3A_265 = arith.constant 256 : i32
        %mul3A_266 = arith.muli %scan3A_248, %mul3A_265 : i32
        %add3A_267 = arith.constant 64 : i32
        %add3A_268 = arith.addi %mul3A_266, %add3A_267 : i32
        %mul3A_269 = arith.constant 256 : i32
        %mul3A_270 = arith.muli %scan3A_248, %mul3A_269 : i32
        %add3A_271 = arith.constant 80 : i32
        %add3A_272 = arith.addi %mul3A_270, %add3A_271 : i32
        %mul3A_273 = arith.constant 256 : i32
        %mul3A_274 = arith.muli %scan3A_248, %mul3A_273 : i32
        %add3A_275 = arith.constant 96 : i32
        %add3A_276 = arith.addi %mul3A_274, %add3A_275 : i32
        %mul3A_277 = arith.constant 256 : i32
        %mul3A_278 = arith.muli %scan3A_248, %mul3A_277 : i32
        %add3A_279 = arith.constant 112 : i32
        %add3A_280 = arith.addi %mul3A_278, %add3A_279 : i32
        %mul3A_281 = arith.constant 256 : i32
        %mul3A_282 = arith.muli %scan3A_248, %mul3A_281 : i32
        %add3A_283 = arith.constant 128 : i32
        %add3A_284 = arith.addi %mul3A_282, %add3A_283 : i32
        %mul3A_285 = arith.constant 256 : i32
        %mul3A_286 = arith.muli %scan3A_248, %mul3A_285 : i32
        %add3A_287 = arith.constant 144 : i32
        %add3A_288 = arith.addi %mul3A_286, %add3A_287 : i32
        %mul3A_289 = arith.constant 256 : i32
        %mul3A_290 = arith.muli %scan3A_248, %mul3A_289 : i32
        %add3A_291 = arith.constant 160 : i32
        %add3A_292 = arith.addi %mul3A_290, %add3A_291 : i32
        %mul3A_293 = arith.constant 256 : i32
        %mul3A_294 = arith.muli %scan3A_248, %mul3A_293 : i32
        %add3A_295 = arith.constant 176 : i32
        %add3A_296 = arith.addi %mul3A_294, %add3A_295 : i32
        %mul3A_297 = arith.constant 256 : i32
        %mul3A_298 = arith.muli %scan3A_248, %mul3A_297 : i32
        %add3A_299 = arith.constant 192 : i32
        %add3A_300 = arith.addi %mul3A_298, %add3A_299 : i32
        %mul3A_301 = arith.constant 256 : i32
        %mul3A_302 = arith.muli %scan3A_248, %mul3A_301 : i32
        %add3A_303 = arith.constant 208 : i32
        %add3A_304 = arith.addi %mul3A_302, %add3A_303 : i32
        %mul3A_305 = arith.constant 256 : i32
        %mul3A_306 = arith.muli %scan3A_248, %mul3A_305 : i32
        %add3A_307 = arith.constant 224 : i32
        %add3A_308 = arith.addi %mul3A_306, %add3A_307 : i32
        %mul3A_309 = arith.constant 256 : i32
        %mul3A_310 = arith.muli %scan3A_248, %mul3A_309 : i32
        %add3A_311 = arith.constant 240 : i32
        %add3A_312 = arith.addi %mul3A_310, %add3A_311 : i32
        %add3A_313 = arith.constant 0 : i32
        %add3A_314 = arith.addi %add3A_313, %add3A_252 : i32
        %get3A = arith.index_cast %add3A_314 : i32 to index
        %get3A_315 = tpu.vector_load %arg5[%get3A] {strides = array<i32>} : memref<16384xi32, #tpu.memory_space<vmem>>, vector<16xi32>,
        %add3A_316 = arith.constant 0 : i32
        %add3A_317 = arith.addi %add3A_316, %add3A_256 : i32
        %get3A_318 = arith.index_cast %add3A_317 : i32 to index
        %get3A_319 = tpu.vector_load %arg5[%get3A_318] {strides = array<i32>} : memref<16384xi32, #tpu.memory_space<vmem>>, vector<16xi32>,
        %add3A_320 = arith.constant 0 : i32
        %add3A_321 = arith.addi %add3A_320, %add3A_260 : i32
        %get3A_322 = arith.index_cast %add3A_321 : i32 to index
        %get3A_323 = tpu.vector_load %arg5[%get3A_322] {strides = array<i32>} : memref<16384xi32, #tpu.memory_space<vmem>>, vector<16xi32>,
        %add3A_324 = arith.constant 0 : i32
        %add3A_325 = arith.addi %add3A_324, %add3A_264 : i32
        %get3A_326 = arith.index_cast %add3A_325 : i32 to index
        %get3A_327 = tpu.vector_load %arg5[%get3A_326] {strides = array<i32>} : memref<16384xi32, #tpu.memory_space<vmem>>, vector<16xi32>,
        %add3A_328 = arith.constant 0 : i32
        %add3A_329 = arith.addi %add3A_328, %add3A_268 : i32
        %get3A_330 = arith.index_cast %add3A_329 : i32 to index
        %get3A_331 = tpu.vector_load %arg5[%get3A_330] {strides = array<i32>} : memref<16384xi32, #tpu.memory_space<vmem>>, vector<16xi32>,
        %add3A_332 = arith.constant 0 : i32
        %add3A_333 = arith.addi %add3A_332, %add3A_272 : i32
        %get3A_334 = arith.index_cast %add3A_333 : i32 to index
        %get3A_335 = tpu.vector_load %arg5[%get3A_334] {strides = array<i32>} : memref<16384xi32, #tpu.memory_space<vmem>>, vector<16xi32>,
        %add3A_336 = arith.constant 0 : i32
        %add3A_337 = arith.addi %add3A_336, %add3A_276 : i32
        %get3A_338 = arith.index_cast %add3A_337 : i32 to index
        %get3A_339 = tpu.vector_load %arg5[%get3A_338] {strides = array<i32>} : memref<16384xi32, #tpu.memory_space<vmem>>, vector<16xi32>,
        %add3A_340 = arith.constant 0 : i32
        %add3A_341 = arith.addi %add3A_340, %add3A_280 : i32
        %get3A_342 = arith.index_cast %add3A_341 : i32 to index
        %get3A_343 = tpu.vector_load %arg5[%get3A_342] {strides = array<i32>} : memref<16384xi32, #tpu.memory_space<vmem>>, vector<16xi32>,
        %add3A_344 = arith.constant 0 : i32
        %add3A_345 = arith.addi %add3A_344, %add3A_284 : i32
        %get3A_346 = arith.index_cast %add3A_345 : i32 to index
        %get3A_347 = tpu.vector_load %arg5[%get3A_346] {strides = array<i32>} : memref<16384xi32, #tpu.memory_space<vmem>>, vector<16xi32>,
        %add3A_348 = arith.constant 0 : i32
        %add3A_349 = arith.addi %add3A_348, %add3A_288 : i32
        %get3A_350 = arith.index_cast %add3A_349 : i32 to index
        %get3A_351 = tpu.vector_load %arg5[%get3A_350] {strides = array<i32>} : memref<16384xi32, #tpu.memory_space<vmem>>, vector<16xi32>,
        %add3A_352 = arith.constant 0 : i32
        %add3A_353 = arith.addi %add3A_352, %add3A_292 : i32
        %get3A_354 = arith.index_cast %add3A_353 : i32 to index
        %get3A_355 = tpu.vector_load %arg5[%get3A_354] {strides = array<i32>} : memref<16384xi32, #tpu.memory_space<vmem>>, vector<16xi32>,
        %add3A_356 = arith.constant 0 : i32
        %add3A_357 = arith.addi %add3A_356, %add3A_296 : i32
        %get3A_358 = arith.index_cast %add3A_357 : i32 to index
        %get3A_359 = tpu.vector_load %arg5[%get3A_358] {strides = array<i32>} : memref<16384xi32, #tpu.memory_space<vmem>>, vector<16xi32>,
        %add3A_360 = arith.constant 0 : i32
        %add3A_361 = arith.addi %add3A_360, %add3A_300 : i32
        %get3A_362 = arith.index_cast %add3A_361 : i32 to index
        %get3A_363 = tpu.vector_load %arg5[%get3A_362] {strides = array<i32>} : memref<16384xi32, #tpu.memory_space<vmem>>, vector<16xi32>,
        %add3A_364 = arith.constant 0 : i32
        %add3A_365 = arith.addi %add3A_364, %add3A_304 : i32
        %get3A_366 = arith.index_cast %add3A_365 : i32 to index
        %get3A_367 = tpu.vector_load %arg5[%get3A_366] {strides = array<i32>} : memref<16384xi32, #tpu.memory_space<vmem>>, vector<16xi32>,
        %add3A_368 = arith.constant 0 : i32
        %add3A_369 = arith.addi %add3A_368, %add3A_308 : i32
        %get3A_370 = arith.index_cast %add3A_369 : i32 to index
        %get3A_371 = tpu.vector_load %arg5[%get3A_370] {strides = array<i32>} : memref<16384xi32, #tpu.memory_space<vmem>>, vector<16xi32>,
        %add3A_372 = arith.constant 0 : i32
        %add3A_373 = arith.addi %add3A_372, %add3A_312 : i32
        %get3A_374 = arith.index_cast %add3A_373 : i32 to index
        %get3A_375 = tpu.vector_load %arg5[%get3A_374] {strides = array<i32>} : memref<16384xi32, #tpu.memory_space<vmem>>, vector<16xi32>,
        %gather3A = tpu.vector_load_idx %arg6[%get3A_315] : memref<100000xf32, #tpu.memory_space<vmem>>[vector<16xi32>], vector<16xf32>,
        %gather3A_376 = tpu.vector_load_idx %arg6[%get3A_319] : memref<100000xf32, #tpu.memory_space<vmem>>[vector<16xi32>], vector<16xf32>,
        %gather3A_377 = tpu.vector_load_idx %arg6[%get3A_323] : memref<100000xf32, #tpu.memory_space<vmem>>[vector<16xi32>], vector<16xf32>,
        %gather3A_378 = tpu.vector_load_idx %arg6[%get3A_327] : memref<100000xf32, #tpu.memory_space<vmem>>[vector<16xi32>], vector<16xf32>,
        %gather3A_379 = tpu.vector_load_idx %arg6[%get3A_331] : memref<100000xf32, #tpu.memory_space<vmem>>[vector<16xi32>], vector<16xf32>,
        %gather3A_380 = tpu.vector_load_idx %arg6[%get3A_335] : memref<100000xf32, #tpu.memory_space<vmem>>[vector<16xi32>], vector<16xf32>,
        %gather3A_381 = tpu.vector_load_idx %arg6[%get3A_339] : memref<100000xf32, #tpu.memory_space<vmem>>[vector<16xi32>], vector<16xf32>,
        %gather3A_382 = tpu.vector_load_idx %arg6[%get3A_343] : memref<100000xf32, #tpu.memory_space<vmem>>[vector<16xi32>], vector<16xf32>,
        %gather3A_383 = tpu.vector_load_idx %arg6[%get3A_347] : memref<100000xf32, #tpu.memory_space<vmem>>[vector<16xi32>], vector<16xf32>,
        %gather3A_384 = tpu.vector_load_idx %arg6[%get3A_351] : memref<100000xf32, #tpu.memory_space<vmem>>[vector<16xi32>], vector<16xf32>,
        %gather3A_385 = tpu.vector_load_idx %arg6[%get3A_355] : memref<100000xf32, #tpu.memory_space<vmem>>[vector<16xi32>], vector<16xf32>,
        %gather3A_386 = tpu.vector_load_idx %arg6[%get3A_359] : memref<100000xf32, #tpu.memory_space<vmem>>[vector<16xi32>], vector<16xf32>,
        %gather3A_387 = tpu.vector_load_idx %arg6[%get3A_363] : memref<100000xf32, #tpu.memory_space<vmem>>[vector<16xi32>], vector<16xf32>,
        %gather3A_388 = tpu.vector_load_idx %arg6[%get3A_367] : memref<100000xf32, #tpu.memory_space<vmem>>[vector<16xi32>], vector<16xf32>,
        %gather3A_389 = tpu.vector_load_idx %arg6[%get3A_371] : memref<100000xf32, #tpu.memory_space<vmem>>[vector<16xi32>], vector<16xf32>,
        %gather3A_390 = tpu.vector_load_idx %arg6[%get3A_375] : memref<100000xf32, #tpu.memory_space<vmem>>[vector<16xi32>], vector<16xf32>,
        %swap3A = arith.index_cast %add3A_252 : i32 to index
        %swap3A_391 = tpu.vector_load %arg7[%swap3A] {strides = array<i32>} : memref<4096xf32, #tpu.memory_space<vmem>>, vector<16xf32>,
        tpu.vector_store %arg7[%swap3A], %gather3A {strides = array<i32>} : memref<4096xf32, #tpu.memory_space<vmem>>, vector<16xf32>,
        %swap3A_392 = arith.index_cast %add3A_256 : i32 to index
        %swap3A_393 = tpu.vector_load %arg7[%swap3A_392] {strides = array<i32>} : memref<4096xf32, #tpu.memory_space<vmem>>, vector<16xf32>,
        tpu.vector_store %arg7[%swap3A_392], %gather3A_376 {strides = array<i32>} : memref<4096xf32, #tpu.memory_space<vmem>>, vector<16xf32>,
        %swap3A_394 = arith.index_cast %add3A_260 : i32 to index
        %swap3A_395 = tpu.vector_load %arg7[%swap3A_394] {strides = array<i32>} : memref<4096xf32, #tpu.memory_space<vmem>>, vector<16xf32>,
        tpu.vector_store %arg7[%swap3A_394], %gather3A_377 {strides = array<i32>} : memref<4096xf32, #tpu.memory_space<vmem>>, vector<16xf32>,
        %swap3A_396 = arith.index_cast %add3A_264 : i32 to index
        %swap3A_397 = tpu.vector_load %arg7[%swap3A_396] {strides = array<i32>} : memref<4096xf32, #tpu.memory_space<vmem>>, vector<16xf32>,
        tpu.vector_store %arg7[%swap3A_396], %gather3A_378 {strides = array<i32>} : memref<4096xf32, #tpu.memory_space<vmem>>, vector<16xf32>,
        %swap3A_398 = arith.index_cast %add3A_268 : i32 to index
        %swap3A_399 = tpu.vector_load %arg7[%swap3A_398] {strides = array<i32>} : memref<4096xf32, #tpu.memory_space<vmem>>, vector<16xf32>,
        tpu.vector_store %arg7[%swap3A_398], %gather3A_379 {strides = array<i32>} : memref<4096xf32, #tpu.memory_space<vmem>>, vector<16xf32>,
        %swap3A_400 = arith.index_cast %add3A_272 : i32 to index
        %swap3A_401 = tpu.vector_load %arg7[%swap3A_400] {strides = array<i32>} : memref<4096xf32, #tpu.memory_space<vmem>>, vector<16xf32>,
        tpu.vector_store %arg7[%swap3A_400], %gather3A_380 {strides = array<i32>} : memref<4096xf32, #tpu.memory_space<vmem>>, vector<16xf32>,
        %swap3A_402 = arith.index_cast %add3A_276 : i32 to index
        %swap3A_403 = tpu.vector_load %arg7[%swap3A_402] {strides = array<i32>} : memref<4096xf32, #tpu.memory_space<vmem>>, vector<16xf32>,
        tpu.vector_store %arg7[%swap3A_402], %gather3A_381 {strides = array<i32>} : memref<4096xf32, #tpu.memory_space<vmem>>, vector<16xf32>,
        %swap3A_404 = arith.index_cast %add3A_280 : i32 to index
        %swap3A_405 = tpu.vector_load %arg7[%swap3A_404] {strides = array<i32>} : memref<4096xf32, #tpu.memory_space<vmem>>, vector<16xf32>,
        tpu.vector_store %arg7[%swap3A_404], %gather3A_382 {strides = array<i32>} : memref<4096xf32, #tpu.memory_space<vmem>>, vector<16xf32>,
        %swap3A_406 = arith.index_cast %add3A_284 : i32 to index
        %swap3A_407 = tpu.vector_load %arg7[%swap3A_406] {strides = array<i32>} : memref<4096xf32, #tpu.memory_space<vmem>>, vector<16xf32>,
        tpu.vector_store %arg7[%swap3A_406], %gather3A_383 {strides = array<i32>} : memref<4096xf32, #tpu.memory_space<vmem>>, vector<16xf32>,
        %swap3A_408 = arith.index_cast %add3A_288 : i32 to index
        %swap3A_409 = tpu.vector_load %arg7[%swap3A_408] {strides = array<i32>} : memref<4096xf32, #tpu.memory_space<vmem>>, vector<16xf32>,
        tpu.vector_store %arg7[%swap3A_408], %gather3A_384 {strides = array<i32>} : memref<4096xf32, #tpu.memory_space<vmem>>, vector<16xf32>,
        %swap3A_410 = arith.index_cast %add3A_292 : i32 to index
        %swap3A_411 = tpu.vector_load %arg7[%swap3A_410] {strides = array<i32>} : memref<4096xf32, #tpu.memory_space<vmem>>, vector<16xf32>,
        tpu.vector_store %arg7[%swap3A_410], %gather3A_385 {strides = array<i32>} : memref<4096xf32, #tpu.memory_space<vmem>>, vector<16xf32>,
        %swap3A_412 = arith.index_cast %add3A_296 : i32 to index
        %swap3A_413 = tpu.vector_load %arg7[%swap3A_412] {strides = array<i32>} : memref<4096xf32, #tpu.memory_space<vmem>>, vector<16xf32>,
        tpu.vector_store %arg7[%swap3A_412], %gather3A_386 {strides = array<i32>} : memref<4096xf32, #tpu.memory_space<vmem>>, vector<16xf32>,
        %swap3A_414 = arith.index_cast %add3A_300 : i32 to index
        %swap3A_415 = tpu.vector_load %arg7[%swap3A_414] {strides = array<i32>} : memref<4096xf32, #tpu.memory_space<vmem>>, vector<16xf32>,
        tpu.vector_store %arg7[%swap3A_414], %gather3A_387 {strides = array<i32>} : memref<4096xf32, #tpu.memory_space<vmem>>, vector<16xf32>,
        %swap3A_416 = arith.index_cast %add3A_304 : i32 to index
        %swap3A_417 = tpu.vector_load %arg7[%swap3A_416] {strides = array<i32>} : memref<4096xf32, #tpu.memory_space<vmem>>, vector<16xf32>,
        tpu.vector_store %arg7[%swap3A_416], %gather3A_388 {strides = array<i32>} : memref<4096xf32, #tpu.memory_space<vmem>>, vector<16xf32>,
        %swap3A_418 = arith.index_cast %add3A_308 : i32 to index
        %swap3A_419 = tpu.vector_load %arg7[%swap3A_418] {strides = array<i32>} : memref<4096xf32, #tpu.memory_space<vmem>>, vector<16xf32>,
        tpu.vector_store %arg7[%swap3A_418], %gather3A_389 {strides = array<i32>} : memref<4096xf32, #tpu.memory_space<vmem>>, vector<16xf32>,
        %swap3A_420 = arith.index_cast %add3A_312 : i32 to index
        %swap3A_421 = tpu.vector_load %arg7[%swap3A_420] {strides = array<i32>} : memref<4096xf32, #tpu.memory_space<vmem>>, vector<16xf32>,
        tpu.vector_store %arg7[%swap3A_420], %gather3A_390 {strides = array<i32>} : memref<4096xf32, #tpu.memory_space<vmem>>, vector<16xf32>,
      }
      %scan3A_176 = arith.constant 16 : i32
      %dma_start3A_177 = arith.constant 0 : i32
      %dma_start3A_178 = tpu.memref_slice %arg4[%add3A_158, %dma_start3A_177] : memref<832x16384xf32, #tpu.memory_space<hbm>> -> memref<1x4096xf32, #tpu.memory_space<hbm>>
      %dma_start3A_179 = tpu.memref_squeeze %dma_start3A_178 : memref<1x4096xf32, #tpu.memory_space<hbm>> -> memref<4096xf32, #tpu.memory_space<hbm>>
      %dma_start3A_180 = arith.constant 0 : i32
      %dma_start3A_181 = tpu.memref_slice %arg4[%add3A_158, %dma_start3A_180] : memref<832x16384xf32, #tpu.memory_space<hbm>> -> memref<1x4096xf32, #tpu.memory_space<hbm>>
      %dma_start3A_182 = tpu.memref_squeeze %dma_start3A_181 : memref<1x4096xf32, #tpu.memory_space<hbm>> -> memref<4096xf32, #tpu.memory_space<hbm>>
      tpu.enqueue_dma source(%arg7 : memref<4096xf32, #tpu.memory_space<vmem>>) target(%dma_start3A_182 : memref<4096xf32, #tpu.memory_space<hbm>>) target_semaphore(%arg10 : memref<!tpu.dma_semaphore, #tpu.memory_space<semaphore_mem>>)
      %dma_wait3A_183 = arith.constant 4096 : i32
      %dma_wait3A_184 = tpu.memref_slice %arg4[%add3A_158, %dma_wait3A_183] : memref<832x16384xf32, #tpu.memory_space<hbm>> -> memref<1x4096xf32, #tpu.memory_space<hbm>>
      %dma_wait3A_185 = tpu.memref_squeeze %dma_wait3A_184 : memref<1x4096xf32, #tpu.memory_space<hbm>> -> memref<4096xf32, #tpu.memory_space<hbm>>
      %dma_wait3A_186 = arith.constant 4096 : i32
      %dma_wait3A_187 = tpu.memref_slice %arg4[%add3A_158, %dma_wait3A_186] : memref<832x16384xf32, #tpu.memory_space<hbm>> -> memref<1x4096xf32, #tpu.memory_space<hbm>>
      %dma_wait3A_188 = tpu.memref_squeeze %dma_wait3A_187 : memref<1x4096xf32, #tpu.memory_space<hbm>> -> memref<4096xf32, #tpu.memory_space<hbm>>
      tpu.wait_dma2 semaphore(%arg11 : memref<!tpu.dma_semaphore, #tpu.memory_space<semaphore_mem>>) src(%arg8 : memref<4096xf32, #tpu.memory_space<vmem>>) dst(%dma_wait3A_188 : memref<4096xf32, #tpu.memory_space<hbm>>)
      %scan3A_189 = arith.constant 0 : i32
      %scan3A_190 = arith.constant 0 : i32
      %scan3A_191 = arith.constant 16 : i32
      %scan3A_192 = arith.addi %scan3A_190, %scan3A_191 : i32
      %scan3A_193 = arith.constant 1 : i32
      scf.for %scan3A_248 = %scan3A_190 to %scan3A_192 step %scan3A_193  : i32 {
        %mul3A_249 = arith.constant 256 : i32
        %mul3A_250 = arith.muli %scan3A_248, %mul3A_249 : i32
        %add3A_251 = arith.constant 0 : i32
        %add3A_252 = arith.addi %mul3A_250, %add3A_251 : i32
        %mul3A_253 = arith.constant 256 : i32
        %mul3A_254 = arith.muli %scan3A_248, %mul3A_253 : i32
        %add3A_255 = arith.constant 16 : i32
        %add3A_256 = arith.addi %mul3A_254, %add3A_255 : i32
        %mul3A_257 = arith.constant 256 : i32
        %mul3A_258 = arith.muli %scan3A_248, %mul3A_257 : i32
        %add3A_259 = arith.constant 32 : i32
        %add3A_260 = arith.addi %mul3A_258, %add3A_259 : i32
        %mul3A_261 = arith.constant 256 : i32
        %mul3A_262 = arith.muli %scan3A_248, %mul3A_261 : i32
        %add3A_263 = arith.constant 48 : i32
        %add3A_264 = arith.addi %mul3A_262, %add3A_263 : i32
        %mul3A_265 = arith.constant 256 : i32
        %mul3A_266 = arith.muli %scan3A_248, %mul3A_265 : i32
        %add3A_267 = arith.constant 64 : i32
        %add3A_268 = arith.addi %mul3A_266, %add3A_267 : i32
        %mul3A_269 = arith.constant 256 : i32
        %mul3A_270 = arith.muli %scan3A_248, %mul3A_269 : i32
        %add3A_271 = arith.constant 80 : i32
        %add3A_272 = arith.addi %mul3A_270, %add3A_271 : i32
        %mul3A_273 = arith.constant 256 : i32
        %mul3A_274 = arith.muli %scan3A_248, %mul3A_273 : i32
        %add3A_275 = arith.constant 96 : i32
        %add3A_276 = arith.addi %mul3A_274, %add3A_275 : i32
        %mul3A_277 = arith.constant 256 : i32
        %mul3A_278 = arith.muli %scan3A_248, %mul3A_277 : i32
        %add3A_279 = arith.constant 112 : i32
        %add3A_280 = arith.addi %mul3A_278, %add3A_279 : i32
        %mul3A_281 = arith.constant 256 : i32
        %mul3A_282 = arith.muli %scan3A_248, %mul3A_281 : i32
        %add3A_283 = arith.constant 128 : i32
        %add3A_284 = arith.addi %mul3A_282, %add3A_283 : i32
        %mul3A_285 = arith.constant 256 : i32
        %mul3A_286 = arith.muli %scan3A_248, %mul3A_285 : i32
        %add3A_287 = arith.constant 144 : i32
        %add3A_288 = arith.addi %mul3A_286, %add3A_287 : i32
        %mul3A_289 = arith.constant 256 : i32
        %mul3A_290 = arith.muli %scan3A_248, %mul3A_289 : i32
        %add3A_291 = arith.constant 160 : i32
        %add3A_292 = arith.addi %mul3A_290, %add3A_291 : i32
        %mul3A_293 = arith.constant 256 : i32
        %mul3A_294 = arith.muli %scan3A_248, %mul3A_293 : i32
        %add3A_295 = arith.constant 176 : i32
        %add3A_296 = arith.addi %mul3A_294, %add3A_295 : i32
        %mul3A_297 = arith.constant 256 : i32
        %mul3A_298 = arith.muli %scan3A_248, %mul3A_297 : i32
        %add3A_299 = arith.constant 192 : i32
        %add3A_300 = arith.addi %mul3A_298, %add3A_299 : i32
        %mul3A_301 = arith.constant 256 : i32
        %mul3A_302 = arith.muli %scan3A_248, %mul3A_301 : i32
        %add3A_303 = arith.constant 208 : i32
        %add3A_304 = arith.addi %mul3A_302, %add3A_303 : i32
        %mul3A_305 = arith.constant 256 : i32
        %mul3A_306 = arith.muli %scan3A_248, %mul3A_305 : i32
        %add3A_307 = arith.constant 224 : i32
        %add3A_308 = arith.addi %mul3A_306, %add3A_307 : i32
        %mul3A_309 = arith.constant 256 : i32
        %mul3A_310 = arith.muli %scan3A_248, %mul3A_309 : i32
        %add3A_311 = arith.constant 240 : i32
        %add3A_312 = arith.addi %mul3A_310, %add3A_311 : i32
        %add3A_313 = arith.constant 4096 : i32
        %add3A_314 = arith.addi %add3A_313, %add3A_252 : i32
        %get3A = arith.index_cast %add3A_314 : i32 to index
        %get3A_315 = tpu.vector_load %arg5[%get3A] {strides = array<i32>} : memref<16384xi32, #tpu.memory_space<vmem>>, vector<16xi32>,
        %add3A_316 = arith.constant 4096 : i32
        %add3A_317 = arith.addi %add3A_316, %add3A_256 : i32
        %get3A_318 = arith.index_cast %add3A_317 : i32 to index
        %get3A_319 = tpu.vector_load %arg5[%get3A_318] {strides = array<i32>} : memref<16384xi32, #tpu.memory_space<vmem>>, vector<16xi32>,
        %add3A_320 = arith.constant 4096 : i32
        %add3A_321 = arith.addi %add3A_320, %add3A_260 : i32
        %get3A_322 = arith.index_cast %add3A_321 : i32 to index
        %get3A_323 = tpu.vector_load %arg5[%get3A_322] {strides = array<i32>} : memref<16384xi32, #tpu.memory_space<vmem>>, vector<16xi32>,
        %add3A_324 = arith.constant 4096 : i32
        %add3A_325 = arith.addi %add3A_324, %add3A_264 : i32
        %get3A_326 = arith.index_cast %add3A_325 : i32 to index
        %get3A_327 = tpu.vector_load %arg5[%get3A_326] {strides = array<i32>} : memref<16384xi32, #tpu.memory_space<vmem>>, vector<16xi32>,
        %add3A_328 = arith.constant 4096 : i32
        %add3A_329 = arith.addi %add3A_328, %add3A_268 : i32
        %get3A_330 = arith.index_cast %add3A_329 : i32 to index
        %get3A_331 = tpu.vector_load %arg5[%get3A_330] {strides = array<i32>} : memref<16384xi32, #tpu.memory_space<vmem>>, vector<16xi32>,
        %add3A_332 = arith.constant 4096 : i32
        %add3A_333 = arith.addi %add3A_332, %add3A_272 : i32
        %get3A_334 = arith.index_cast %add3A_333 : i32 to index
        %get3A_335 = tpu.vector_load %arg5[%get3A_334] {strides = array<i32>} : memref<16384xi32, #tpu.memory_space<vmem>>, vector<16xi32>,
        %add3A_336 = arith.constant 4096 : i32
        %add3A_337 = arith.addi %add3A_336, %add3A_276 : i32
        %get3A_338 = arith.index_cast %add3A_337 : i32 to index
        %get3A_339 = tpu.vector_load %arg5[%get3A_338] {strides = array<i32>} : memref<16384xi32, #tpu.memory_space<vmem>>, vector<16xi32>,
        %add3A_340 = arith.constant 4096 : i32
        %add3A_341 = arith.addi %add3A_340, %add3A_280 : i32
        %get3A_342 = arith.index_cast %add3A_341 : i32 to index
        %get3A_343 = tpu.vector_load %arg5[%get3A_342] {strides = array<i32>} : memref<16384xi32, #tpu.memory_space<vmem>>, vector<16xi32>,
        %add3A_344 = arith.constant 4096 : i32
        %add3A_345 = arith.addi %add3A_344, %add3A_284 : i32
        %get3A_346 = arith.index_cast %add3A_345 : i32 to index
        %get3A_347 = tpu.vector_load %arg5[%get3A_346] {strides = array<i32>} : memref<16384xi32, #tpu.memory_space<vmem>>, vector<16xi32>,
        %add3A_348 = arith.constant 4096 : i32
        %add3A_349 = arith.addi %add3A_348, %add3A_288 : i32
        %get3A_350 = arith.index_cast %add3A_349 : i32 to index
        %get3A_351 = tpu.vector_load %arg5[%get3A_350] {strides = array<i32>} : memref<16384xi32, #tpu.memory_space<vmem>>, vector<16xi32>,
        %add3A_352 = arith.constant 4096 : i32
        %add3A_353 = arith.addi %add3A_352, %add3A_292 : i32
        %get3A_354 = arith.index_cast %add3A_353 : i32 to index
        %get3A_355 = tpu.vector_load %arg5[%get3A_354] {strides = array<i32>} : memref<16384xi32, #tpu.memory_space<vmem>>, vector<16xi32>,
        %add3A_356 = arith.constant 4096 : i32
        %add3A_357 = arith.addi %add3A_356, %add3A_296 : i32
        %get3A_358 = arith.index_cast %add3A_357 : i32 to index
        %get3A_359 = tpu.vector_load %arg5[%get3A_358] {strides = array<i32>} : memref<16384xi32, #tpu.memory_space<vmem>>, vector<16xi32>,
        %add3A_360 = arith.constant 4096 : i32
        %add3A_361 = arith.addi %add3A_360, %add3A_300 : i32
        %get3A_362 = arith.index_cast %add3A_361 : i32 to index
        %get3A_363 = tpu.vector_load %arg5[%get3A_362] {strides = array<i32>} : memref<16384xi32, #tpu.memory_space<vmem>>, vector<16xi32>,
        %add3A_364 = arith.constant 4096 : i32
        %add3A_365 = arith.addi %add3A_364, %add3A_304 : i32
        %get3A_366 = arith.index_cast %add3A_365 : i32 to index
        %get3A_367 = tpu.vector_load %arg5[%get3A_366] {strides = array<i32>} : memref<16384xi32, #tpu.memory_space<vmem>>, vector<16xi32>,
        %add3A_368 = arith.constant 4096 : i32
        %add3A_369 = arith.addi %add3A_368, %add3A_308 : i32
        %get3A_370 = arith.index_cast %add3A_369 : i32 to index
        %get3A_371 = tpu.vector_load %arg5[%get3A_370] {strides = array<i32>} : memref<16384xi32, #tpu.memory_space<vmem>>, vector<16xi32>,
        %add3A_372 = arith.constant 4096 : i32
        %add3A_373 = arith.addi %add3A_372, %add3A_312 : i32
        %get3A_374 = arith.index_cast %add3A_373 : i32 to index
        %get3A_375 = tpu.vector_load %arg5[%get3A_374] {strides = array<i32>} : memref<16384xi32, #tpu.memory_space<vmem>>, vector<16xi32>,
        %gather3A = tpu.vector_load_idx %arg6[%get3A_315] : memref<100000xf32, #tpu.memory_space<vmem>>[vector<16xi32>], vector<16xf32>,
        %gather3A_376 = tpu.vector_load_idx %arg6[%get3A_319] : memref<100000xf32, #tpu.memory_space<vmem>>[vector<16xi32>], vector<16xf32>,
        %gather3A_377 = tpu.vector_load_idx %arg6[%get3A_323] : memref<100000xf32, #tpu.memory_space<vmem>>[vector<16xi32>], vector<16xf32>,
        %gather3A_378 = tpu.vector_load_idx %arg6[%get3A_327] : memref<100000xf32, #tpu.memory_space<vmem>>[vector<16xi32>], vector<16xf32>,
        %gather3A_379 = tpu.vector_load_idx %arg6[%get3A_331] : memref<100000xf32, #tpu.memory_space<vmem>>[vector<16xi32>], vector<16xf32>,
        %gather3A_380 = tpu.vector_load_idx %arg6[%get3A_335] : memref<100000xf32, #tpu.memory_space<vmem>>[vector<16xi32>], vector<16xf32>,
        %gather3A_381 = tpu.vector_load_idx %arg6[%get3A_339] : memref<100000xf32, #tpu.memory_space<vmem>>[vector<16xi32>], vector<16xf32>,
        %gather3A_382 = tpu.vector_load_idx %arg6[%get3A_343] : memref<100000xf32, #tpu.memory_space<vmem>>[vector<16xi32>], vector<16xf32>,
        %gather3A_383 = tpu.vector_load_idx %arg6[%get3A_347] : memref<100000xf32, #tpu.memory_space<vmem>>[vector<16xi32>], vector<16xf32>,
        %gather3A_384 = tpu.vector_load_idx %arg6[%get3A_351] : memref<100000xf32, #tpu.memory_space<vmem>>[vector<16xi32>], vector<16xf32>,
        %gather3A_385 = tpu.vector_load_idx %arg6[%get3A_355] : memref<100000xf32, #tpu.memory_space<vmem>>[vector<16xi32>], vector<16xf32>,
        %gather3A_386 = tpu.vector_load_idx %arg6[%get3A_359] : memref<100000xf32, #tpu.memory_space<vmem>>[vector<16xi32>], vector<16xf32>,
        %gather3A_387 = tpu.vector_load_idx %arg6[%get3A_363] : memref<100000xf32, #tpu.memory_space<vmem>>[vector<16xi32>], vector<16xf32>,
        %gather3A_388 = tpu.vector_load_idx %arg6[%get3A_367] : memref<100000xf32, #tpu.memory_space<vmem>>[vector<16xi32>], vector<16xf32>,
        %gather3A_389 = tpu.vector_load_idx %arg6[%get3A_371] : memref<100000xf32, #tpu.memory_space<vmem>>[vector<16xi32>], vector<16xf32>,
        %gather3A_390 = tpu.vector_load_idx %arg6[%get3A_375] : memref<100000xf32, #tpu.memory_space<vmem>>[vector<16xi32>], vector<16xf32>,
        %swap3A = arith.index_cast %add3A_252 : i32 to index
        %swap3A_391 = tpu.vector_load %arg8[%swap3A] {strides = array<i32>} : memref<4096xf32, #tpu.memory_space<vmem>>, vector<16xf32>,
        tpu.vector_store %arg8[%swap3A], %gather3A {strides = array<i32>} : memref<4096xf32, #tpu.memory_space<vmem>>, vector<16xf32>,
        %swap3A_392 = arith.index_cast %add3A_256 : i32 to index
        %swap3A_393 = tpu.vector_load %arg8[%swap3A_392] {strides = array<i32>} : memref<4096xf32, #tpu.memory_space<vmem>>, vector<16xf32>,
        tpu.vector_store %arg8[%swap3A_392], %gather3A_376 {strides = array<i32>} : memref<4096xf32, #tpu.memory_space<vmem>>, vector<16xf32>,
        %swap3A_394 = arith.index_cast %add3A_260 : i32 to index
        %swap3A_395 = tpu.vector_load %arg8[%swap3A_394] {strides = array<i32>} : memref<4096xf32, #tpu.memory_space<vmem>>, vector<16xf32>,
        tpu.vector_store %arg8[%swap3A_394], %gather3A_377 {strides = array<i32>} : memref<4096xf32, #tpu.memory_space<vmem>>, vector<16xf32>,
        %swap3A_396 = arith.index_cast %add3A_264 : i32 to index
        %swap3A_397 = tpu.vector_load %arg8[%swap3A_396] {strides = array<i32>} : memref<4096xf32, #tpu.memory_space<vmem>>, vector<16xf32>,
        tpu.vector_store %arg8[%swap3A_396], %gather3A_378 {strides = array<i32>} : memref<4096xf32, #tpu.memory_space<vmem>>, vector<16xf32>,
        %swap3A_398 = arith.index_cast %add3A_268 : i32 to index
        %swap3A_399 = tpu.vector_load %arg8[%swap3A_398] {strides = array<i32>} : memref<4096xf32, #tpu.memory_space<vmem>>, vector<16xf32>,
        tpu.vector_store %arg8[%swap3A_398], %gather3A_379 {strides = array<i32>} : memref<4096xf32, #tpu.memory_space<vmem>>, vector<16xf32>,
        %swap3A_400 = arith.index_cast %add3A_272 : i32 to index
        %swap3A_401 = tpu.vector_load %arg8[%swap3A_400] {strides = array<i32>} : memref<4096xf32, #tpu.memory_space<vmem>>, vector<16xf32>,
        tpu.vector_store %arg8[%swap3A_400], %gather3A_380 {strides = array<i32>} : memref<4096xf32, #tpu.memory_space<vmem>>, vector<16xf32>,
        %swap3A_402 = arith.index_cast %add3A_276 : i32 to index
        %swap3A_403 = tpu.vector_load %arg8[%swap3A_402] {strides = array<i32>} : memref<4096xf32, #tpu.memory_space<vmem>>, vector<16xf32>,
        tpu.vector_store %arg8[%swap3A_402], %gather3A_381 {strides = array<i32>} : memref<4096xf32, #tpu.memory_space<vmem>>, vector<16xf32>,
        %swap3A_404 = arith.index_cast %add3A_280 : i32 to index
        %swap3A_405 = tpu.vector_load %arg8[%swap3A_404] {strides = array<i32>} : memref<4096xf32, #tpu.memory_space<vmem>>, vector<16xf32>,
        tpu.vector_store %arg8[%swap3A_404], %gather3A_382 {strides = array<i32>} : memref<4096xf32, #tpu.memory_space<vmem>>, vector<16xf32>,
        %swap3A_406 = arith.index_cast %add3A_284 : i32 to index
        %swap3A_407 = tpu.vector_load %arg8[%swap3A_406] {strides = array<i32>} : memref<4096xf32, #tpu.memory_space<vmem>>, vector<16xf32>,
        tpu.vector_store %arg8[%swap3A_406], %gather3A_383 {strides = array<i32>} : memref<4096xf32, #tpu.memory_space<vmem>>, vector<16xf32>,
        %swap3A_408 = arith.index_cast %add3A_288 : i32 to index
        %swap3A_409 = tpu.vector_load %arg8[%swap3A_408] {strides = array<i32>} : memref<4096xf32, #tpu.memory_space<vmem>>, vector<16xf32>,
        tpu.vector_store %arg8[%swap3A_408], %gather3A_384 {strides = array<i32>} : memref<4096xf32, #tpu.memory_space<vmem>>, vector<16xf32>,
        %swap3A_410 = arith.index_cast %add3A_292 : i32 to index
        %swap3A_411 = tpu.vector_load %arg8[%swap3A_410] {strides = array<i32>} : memref<4096xf32, #tpu.memory_space<vmem>>, vector<16xf32>,
        tpu.vector_store %arg8[%swap3A_410], %gather3A_385 {strides = array<i32>} : memref<4096xf32, #tpu.memory_space<vmem>>, vector<16xf32>,
        %swap3A_412 = arith.index_cast %add3A_296 : i32 to index
        %swap3A_413 = tpu.vector_load %arg8[%swap3A_412] {strides = array<i32>} : memref<4096xf32, #tpu.memory_space<vmem>>, vector<16xf32>,
        tpu.vector_store %arg8[%swap3A_412], %gather3A_386 {strides = array<i32>} : memref<4096xf32, #tpu.memory_space<vmem>>, vector<16xf32>,
        %swap3A_414 = arith.index_cast %add3A_300 : i32 to index
        %swap3A_415 = tpu.vector_load %arg8[%swap3A_414] {strides = array<i32>} : memref<4096xf32, #tpu.memory_space<vmem>>, vector<16xf32>,
        tpu.vector_store %arg8[%swap3A_414], %gather3A_387 {strides = array<i32>} : memref<4096xf32, #tpu.memory_space<vmem>>, vector<16xf32>,
        %swap3A_416 = arith.index_cast %add3A_304 : i32 to index
        %swap3A_417 = tpu.vector_load %arg8[%swap3A_416] {strides = array<i32>} : memref<4096xf32, #tpu.memory_space<vmem>>, vector<16xf32>,
        tpu.vector_store %arg8[%swap3A_416], %gather3A_388 {strides = array<i32>} : memref<4096xf32, #tpu.memory_space<vmem>>, vector<16xf32>,
        %swap3A_418 = arith.index_cast %add3A_308 : i32 to index
        %swap3A_419 = tpu.vector_load %arg8[%swap3A_418] {strides = array<i32>} : memref<4096xf32, #tpu.memory_space<vmem>>, vector<16xf32>,
        tpu.vector_store %arg8[%swap3A_418], %gather3A_389 {strides = array<i32>} : memref<4096xf32, #tpu.memory_space<vmem>>, vector<16xf32>,
        %swap3A_420 = arith.index_cast %add3A_312 : i32 to index
        %swap3A_421 = tpu.vector_load %arg8[%swap3A_420] {strides = array<i32>} : memref<4096xf32, #tpu.memory_space<vmem>>, vector<16xf32>,
        tpu.vector_store %arg8[%swap3A_420], %gather3A_390 {strides = array<i32>} : memref<4096xf32, #tpu.memory_space<vmem>>, vector<16xf32>,
      }
      %scan3A_194 = arith.constant 16 : i32
      %dma_start3A_195 = arith.constant 4096 : i32
      %dma_start3A_196 = tpu.memref_slice %arg4[%add3A_158, %dma_start3A_195] : memref<832x16384xf32, #tpu.memory_space<hbm>> -> memref<1x4096xf32, #tpu.memory_space<hbm>>
      %dma_start3A_197 = tpu.memref_squeeze %dma_start3A_196 : memref<1x4096xf32, #tpu.memory_space<hbm>> -> memref<4096xf32, #tpu.memory_space<hbm>>
      %dma_start3A_198 = arith.constant 4096 : i32
      %dma_start3A_199 = tpu.memref_slice %arg4[%add3A_158, %dma_start3A_198] : memref<832x16384xf32, #tpu.memory_space<hbm>> -> memref<1x4096xf32, #tpu.memory_space<hbm>>
      %dma_start3A_200 = tpu.memref_squeeze %dma_start3A_199 : memref<1x4096xf32, #tpu.memory_space<hbm>> -> memref<4096xf32, #tpu.memory_space<hbm>>
      tpu.enqueue_dma source(%arg8 : memref<4096xf32, #tpu.memory_space<vmem>>) target(%dma_start3A_200 : memref<4096xf32, #tpu.memory_space<hbm>>) target_semaphore(%arg11 : memref<!tpu.dma_semaphore, #tpu.memory_space<semaphore_mem>>)
      %dma_wait3A_201 = arith.constant 8192 : i32
      %dma_wait3A_202 = tpu.memref_slice %arg4[%add3A_158, %dma_wait3A_201] : memref<832x16384xf32, #tpu.memory_space<hbm>> -> memref<1x4096xf32, #tpu.memory_space<hbm>>
      %dma_wait3A_203 = tpu.memref_squeeze %dma_wait3A_202 : memref<1x4096xf32, #tpu.memory_space<hbm>> -> memref<4096xf32, #tpu.memory_space<hbm>>
      %dma_wait3A_204 = arith.constant 8192 : i32
      %dma_wait3A_205 = tpu.memref_slice %arg4[%add3A_158, %dma_wait3A_204] : memref<832x16384xf32, #tpu.memory_space<hbm>> -> memref<1x4096xf32, #tpu.memory_space<hbm>>
      %dma_wait3A_206 = tpu.memref_squeeze %dma_wait3A_205 : memref<1x4096xf32, #tpu.memory_space<hbm>> -> memref<4096xf32, #tpu.memory_space<hbm>>
      tpu.wait_dma2 semaphore(%arg10 : memref<!tpu.dma_semaphore, #tpu.memory_space<semaphore_mem>>) src(%arg7 : memref<4096xf32, #tpu.memory_space<vmem>>) dst(%dma_wait3A_206 : memref<4096xf32, #tpu.memory_space<hbm>>)
      %scan3A_207 = arith.constant 0 : i32
      %scan3A_208 = arith.constant 0 : i32
      %scan3A_209 = arith.constant 16 : i32
      %scan3A_210 = arith.addi %scan3A_208, %scan3A_209 : i32
      %scan3A_211 = arith.constant 1 : i32
      scf.for %scan3A_248 = %scan3A_208 to %scan3A_210 step %scan3A_211  : i32 {
        %mul3A_249 = arith.constant 256 : i32
        %mul3A_250 = arith.muli %scan3A_248, %mul3A_249 : i32
        %add3A_251 = arith.constant 0 : i32
        %add3A_252 = arith.addi %mul3A_250, %add3A_251 : i32
        %mul3A_253 = arith.constant 256 : i32
        %mul3A_254 = arith.muli %scan3A_248, %mul3A_253 : i32
        %add3A_255 = arith.constant 16 : i32
        %add3A_256 = arith.addi %mul3A_254, %add3A_255 : i32
        %mul3A_257 = arith.constant 256 : i32
        %mul3A_258 = arith.muli %scan3A_248, %mul3A_257 : i32
        %add3A_259 = arith.constant 32 : i32
        %add3A_260 = arith.addi %mul3A_258, %add3A_259 : i32
        %mul3A_261 = arith.constant 256 : i32
        %mul3A_262 = arith.muli %scan3A_248, %mul3A_261 : i32
        %add3A_263 = arith.constant 48 : i32
        %add3A_264 = arith.addi %mul3A_262, %add3A_263 : i32
        %mul3A_265 = arith.constant 256 : i32
        %mul3A_266 = arith.muli %scan3A_248, %mul3A_265 : i32
        %add3A_267 = arith.constant 64 : i32
        %add3A_268 = arith.addi %mul3A_266, %add3A_267 : i32
        %mul3A_269 = arith.constant 256 : i32
        %mul3A_270 = arith.muli %scan3A_248, %mul3A_269 : i32
        %add3A_271 = arith.constant 80 : i32
        %add3A_272 = arith.addi %mul3A_270, %add3A_271 : i32
        %mul3A_273 = arith.constant 256 : i32
        %mul3A_274 = arith.muli %scan3A_248, %mul3A_273 : i32
        %add3A_275 = arith.constant 96 : i32
        %add3A_276 = arith.addi %mul3A_274, %add3A_275 : i32
        %mul3A_277 = arith.constant 256 : i32
        %mul3A_278 = arith.muli %scan3A_248, %mul3A_277 : i32
        %add3A_279 = arith.constant 112 : i32
        %add3A_280 = arith.addi %mul3A_278, %add3A_279 : i32
        %mul3A_281 = arith.constant 256 : i32
        %mul3A_282 = arith.muli %scan3A_248, %mul3A_281 : i32
        %add3A_283 = arith.constant 128 : i32
        %add3A_284 = arith.addi %mul3A_282, %add3A_283 : i32
        %mul3A_285 = arith.constant 256 : i32
        %mul3A_286 = arith.muli %scan3A_248, %mul3A_285 : i32
        %add3A_287 = arith.constant 144 : i32
        %add3A_288 = arith.addi %mul3A_286, %add3A_287 : i32
        %mul3A_289 = arith.constant 256 : i32
        %mul3A_290 = arith.muli %scan3A_248, %mul3A_289 : i32
        %add3A_291 = arith.constant 160 : i32
        %add3A_292 = arith.addi %mul3A_290, %add3A_291 : i32
        %mul3A_293 = arith.constant 256 : i32
        %mul3A_294 = arith.muli %scan3A_248, %mul3A_293 : i32
        %add3A_295 = arith.constant 176 : i32
        %add3A_296 = arith.addi %mul3A_294, %add3A_295 : i32
        %mul3A_297 = arith.constant 256 : i32
        %mul3A_298 = arith.muli %scan3A_248, %mul3A_297 : i32
        %add3A_299 = arith.constant 192 : i32
        %add3A_300 = arith.addi %mul3A_298, %add3A_299 : i32
        %mul3A_301 = arith.constant 256 : i32
        %mul3A_302 = arith.muli %scan3A_248, %mul3A_301 : i32
        %add3A_303 = arith.constant 208 : i32
        %add3A_304 = arith.addi %mul3A_302, %add3A_303 : i32
        %mul3A_305 = arith.constant 256 : i32
        %mul3A_306 = arith.muli %scan3A_248, %mul3A_305 : i32
        %add3A_307 = arith.constant 224 : i32
        %add3A_308 = arith.addi %mul3A_306, %add3A_307 : i32
        %mul3A_309 = arith.constant 256 : i32
        %mul3A_310 = arith.muli %scan3A_248, %mul3A_309 : i32
        %add3A_311 = arith.constant 240 : i32
        %add3A_312 = arith.addi %mul3A_310, %add3A_311 : i32
        %add3A_313 = arith.constant 8192 : i32
        %add3A_314 = arith.addi %add3A_313, %add3A_252 : i32
        %get3A = arith.index_cast %add3A_314 : i32 to index
        %get3A_315 = tpu.vector_load %arg5[%get3A] {strides = array<i32>} : memref<16384xi32, #tpu.memory_space<vmem>>, vector<16xi32>,
        %add3A_316 = arith.constant 8192 : i32
        %add3A_317 = arith.addi %add3A_316, %add3A_256 : i32
        %get3A_318 = arith.index_cast %add3A_317 : i32 to index
        %get3A_319 = tpu.vector_load %arg5[%get3A_318] {strides = array<i32>} : memref<16384xi32, #tpu.memory_space<vmem>>, vector<16xi32>,
        %add3A_320 = arith.constant 8192 : i32
        %add3A_321 = arith.addi %add3A_320, %add3A_260 : i32
        %get3A_322 = arith.index_cast %add3A_321 : i32 to index
        %get3A_323 = tpu.vector_load %arg5[%get3A_322] {strides = array<i32>} : memref<16384xi32, #tpu.memory_space<vmem>>, vector<16xi32>,
        %add3A_324 = arith.constant 8192 : i32
        %add3A_325 = arith.addi %add3A_324, %add3A_264 : i32
        %get3A_326 = arith.index_cast %add3A_325 : i32 to index
        %get3A_327 = tpu.vector_load %arg5[%get3A_326] {strides = array<i32>} : memref<16384xi32, #tpu.memory_space<vmem>>, vector<16xi32>,
        %add3A_328 = arith.constant 8192 : i32
        %add3A_329 = arith.addi %add3A_328, %add3A_268 : i32
        %get3A_330 = arith.index_cast %add3A_329 : i32 to index
        %get3A_331 = tpu.vector_load %arg5[%get3A_330] {strides = array<i32>} : memref<16384xi32, #tpu.memory_space<vmem>>, vector<16xi32>,
        %add3A_332 = arith.constant 8192 : i32
        %add3A_333 = arith.addi %add3A_332, %add3A_272 : i32
        %get3A_334 = arith.index_cast %add3A_333 : i32 to index
        %get3A_335 = tpu.vector_load %arg5[%get3A_334] {strides = array<i32>} : memref<16384xi32, #tpu.memory_space<vmem>>, vector<16xi32>,
        %add3A_336 = arith.constant 8192 : i32
        %add3A_337 = arith.addi %add3A_336, %add3A_276 : i32
        %get3A_338 = arith.index_cast %add3A_337 : i32 to index
        %get3A_339 = tpu.vector_load %arg5[%get3A_338] {strides = array<i32>} : memref<16384xi32, #tpu.memory_space<vmem>>, vector<16xi32>,
        %add3A_340 = arith.constant 8192 : i32
        %add3A_341 = arith.addi %add3A_340, %add3A_280 : i32
        %get3A_342 = arith.index_cast %add3A_341 : i32 to index
        %get3A_343 = tpu.vector_load %arg5[%get3A_342] {strides = array<i32>} : memref<16384xi32, #tpu.memory_space<vmem>>, vector<16xi32>,
        %add3A_344 = arith.constant 8192 : i32
        %add3A_345 = arith.addi %add3A_344, %add3A_284 : i32
        %get3A_346 = arith.index_cast %add3A_345 : i32 to index
        %get3A_347 = tpu.vector_load %arg5[%get3A_346] {strides = array<i32>} : memref<16384xi32, #tpu.memory_space<vmem>>, vector<16xi32>,
        %add3A_348 = arith.constant 8192 : i32
        %add3A_349 = arith.addi %add3A_348, %add3A_288 : i32
        %get3A_350 = arith.index_cast %add3A_349 : i32 to index
        %get3A_351 = tpu.vector_load %arg5[%get3A_350] {strides = array<i32>} : memref<16384xi32, #tpu.memory_space<vmem>>, vector<16xi32>,
        %add3A_352 = arith.constant 8192 : i32
        %add3A_353 = arith.addi %add3A_352, %add3A_292 : i32
        %get3A_354 = arith.index_cast %add3A_353 : i32 to index
        %get3A_355 = tpu.vector_load %arg5[%get3A_354] {strides = array<i32>} : memref<16384xi32, #tpu.memory_space<vmem>>, vector<16xi32>,
        %add3A_356 = arith.constant 8192 : i32
        %add3A_357 = arith.addi %add3A_356, %add3A_296 : i32
        %get3A_358 = arith.index_cast %add3A_357 : i32 to index
        %get3A_359 = tpu.vector_load %arg5[%get3A_358] {strides = array<i32>} : memref<16384xi32, #tpu.memory_space<vmem>>, vector<16xi32>,
        %add3A_360 = arith.constant 8192 : i32
        %add3A_361 = arith.addi %add3A_360, %add3A_300 : i32
        %get3A_362 = arith.index_cast %add3A_361 : i32 to index
        %get3A_363 = tpu.vector_load %arg5[%get3A_362] {strides = array<i32>} : memref<16384xi32, #tpu.memory_space<vmem>>, vector<16xi32>,
        %add3A_364 = arith.constant 8192 : i32
        %add3A_365 = arith.addi %add3A_364, %add3A_304 : i32
        %get3A_366 = arith.index_cast %add3A_365 : i32 to index
        %get3A_367 = tpu.vector_load %arg5[%get3A_366] {strides = array<i32>} : memref<16384xi32, #tpu.memory_space<vmem>>, vector<16xi32>,
        %add3A_368 = arith.constant 8192 : i32
        %add3A_369 = arith.addi %add3A_368, %add3A_308 : i32
        %get3A_370 = arith.index_cast %add3A_369 : i32 to index
        %get3A_371 = tpu.vector_load %arg5[%get3A_370] {strides = array<i32>} : memref<16384xi32, #tpu.memory_space<vmem>>, vector<16xi32>,
        %add3A_372 = arith.constant 8192 : i32
        %add3A_373 = arith.addi %add3A_372, %add3A_312 : i32
        %get3A_374 = arith.index_cast %add3A_373 : i32 to index
        %get3A_375 = tpu.vector_load %arg5[%get3A_374] {strides = array<i32>} : memref<16384xi32, #tpu.memory_space<vmem>>, vector<16xi32>,
        %gather3A = tpu.vector_load_idx %arg6[%get3A_315] : memref<100000xf32, #tpu.memory_space<vmem>>[vector<16xi32>], vector<16xf32>,
        %gather3A_376 = tpu.vector_load_idx %arg6[%get3A_319] : memref<100000xf32, #tpu.memory_space<vmem>>[vector<16xi32>], vector<16xf32>,
        %gather3A_377 = tpu.vector_load_idx %arg6[%get3A_323] : memref<100000xf32, #tpu.memory_space<vmem>>[vector<16xi32>], vector<16xf32>,
        %gather3A_378 = tpu.vector_load_idx %arg6[%get3A_327] : memref<100000xf32, #tpu.memory_space<vmem>>[vector<16xi32>], vector<16xf32>,
        %gather3A_379 = tpu.vector_load_idx %arg6[%get3A_331] : memref<100000xf32, #tpu.memory_space<vmem>>[vector<16xi32>], vector<16xf32>,
        %gather3A_380 = tpu.vector_load_idx %arg6[%get3A_335] : memref<100000xf32, #tpu.memory_space<vmem>>[vector<16xi32>], vector<16xf32>,
        %gather3A_381 = tpu.vector_load_idx %arg6[%get3A_339] : memref<100000xf32, #tpu.memory_space<vmem>>[vector<16xi32>], vector<16xf32>,
        %gather3A_382 = tpu.vector_load_idx %arg6[%get3A_343] : memref<100000xf32, #tpu.memory_space<vmem>>[vector<16xi32>], vector<16xf32>,
        %gather3A_383 = tpu.vector_load_idx %arg6[%get3A_347] : memref<100000xf32, #tpu.memory_space<vmem>>[vector<16xi32>], vector<16xf32>,
        %gather3A_384 = tpu.vector_load_idx %arg6[%get3A_351] : memref<100000xf32, #tpu.memory_space<vmem>>[vector<16xi32>], vector<16xf32>,
        %gather3A_385 = tpu.vector_load_idx %arg6[%get3A_355] : memref<100000xf32, #tpu.memory_space<vmem>>[vector<16xi32>], vector<16xf32>,
        %gather3A_386 = tpu.vector_load_idx %arg6[%get3A_359] : memref<100000xf32, #tpu.memory_space<vmem>>[vector<16xi32>], vector<16xf32>,
        %gather3A_387 = tpu.vector_load_idx %arg6[%get3A_363] : memref<100000xf32, #tpu.memory_space<vmem>>[vector<16xi32>], vector<16xf32>,
        %gather3A_388 = tpu.vector_load_idx %arg6[%get3A_367] : memref<100000xf32, #tpu.memory_space<vmem>>[vector<16xi32>], vector<16xf32>,
        %gather3A_389 = tpu.vector_load_idx %arg6[%get3A_371] : memref<100000xf32, #tpu.memory_space<vmem>>[vector<16xi32>], vector<16xf32>,
        %gather3A_390 = tpu.vector_load_idx %arg6[%get3A_375] : memref<100000xf32, #tpu.memory_space<vmem>>[vector<16xi32>], vector<16xf32>,
        %swap3A = arith.index_cast %add3A_252 : i32 to index
        %swap3A_391 = tpu.vector_load %arg7[%swap3A] {strides = array<i32>} : memref<4096xf32, #tpu.memory_space<vmem>>, vector<16xf32>,
        tpu.vector_store %arg7[%swap3A], %gather3A {strides = array<i32>} : memref<4096xf32, #tpu.memory_space<vmem>>, vector<16xf32>,
        %swap3A_392 = arith.index_cast %add3A_256 : i32 to index
        %swap3A_393 = tpu.vector_load %arg7[%swap3A_392] {strides = array<i32>} : memref<4096xf32, #tpu.memory_space<vmem>>, vector<16xf32>,
        tpu.vector_store %arg7[%swap3A_392], %gather3A_376 {strides = array<i32>} : memref<4096xf32, #tpu.memory_space<vmem>>, vector<16xf32>,
        %swap3A_394 = arith.index_cast %add3A_260 : i32 to index
        %swap3A_395 = tpu.vector_load %arg7[%swap3A_394] {strides = array<i32>} : memref<4096xf32, #tpu.memory_space<vmem>>, vector<16xf32>,
        tpu.vector_store %arg7[%swap3A_394], %gather3A_377 {strides = array<i32>} : memref<4096xf32, #tpu.memory_space<vmem>>, vector<16xf32>,
        %swap3A_396 = arith.index_cast %add3A_264 : i32 to index
        %swap3A_397 = tpu.vector_load %arg7[%swap3A_396] {strides = array<i32>} : memref<4096xf32, #tpu.memory_space<vmem>>, vector<16xf32>,
        tpu.vector_store %arg7[%swap3A_396], %gather3A_378 {strides = array<i32>} : memref<4096xf32, #tpu.memory_space<vmem>>, vector<16xf32>,
        %swap3A_398 = arith.index_cast %add3A_268 : i32 to index
        %swap3A_399 = tpu.vector_load %arg7[%swap3A_398] {strides = array<i32>} : memref<4096xf32, #tpu.memory_space<vmem>>, vector<16xf32>,
        tpu.vector_store %arg7[%swap3A_398], %gather3A_379 {strides = array<i32>} : memref<4096xf32, #tpu.memory_space<vmem>>, vector<16xf32>,
        %swap3A_400 = arith.index_cast %add3A_272 : i32 to index
        %swap3A_401 = tpu.vector_load %arg7[%swap3A_400] {strides = array<i32>} : memref<4096xf32, #tpu.memory_space<vmem>>, vector<16xf32>,
        tpu.vector_store %arg7[%swap3A_400], %gather3A_380 {strides = array<i32>} : memref<4096xf32, #tpu.memory_space<vmem>>, vector<16xf32>,
        %swap3A_402 = arith.index_cast %add3A_276 : i32 to index
        %swap3A_403 = tpu.vector_load %arg7[%swap3A_402] {strides = array<i32>} : memref<4096xf32, #tpu.memory_space<vmem>>, vector<16xf32>,
        tpu.vector_store %arg7[%swap3A_402], %gather3A_381 {strides = array<i32>} : memref<4096xf32, #tpu.memory_space<vmem>>, vector<16xf32>,
        %swap3A_404 = arith.index_cast %add3A_280 : i32 to index
        %swap3A_405 = tpu.vector_load %arg7[%swap3A_404] {strides = array<i32>} : memref<4096xf32, #tpu.memory_space<vmem>>, vector<16xf32>,
        tpu.vector_store %arg7[%swap3A_404], %gather3A_382 {strides = array<i32>} : memref<4096xf32, #tpu.memory_space<vmem>>, vector<16xf32>,
        %swap3A_406 = arith.index_cast %add3A_284 : i32 to index
        %swap3A_407 = tpu.vector_load %arg7[%swap3A_406] {strides = array<i32>} : memref<4096xf32, #tpu.memory_space<vmem>>, vector<16xf32>,
        tpu.vector_store %arg7[%swap3A_406], %gather3A_383 {strides = array<i32>} : memref<4096xf32, #tpu.memory_space<vmem>>, vector<16xf32>,
        %swap3A_408 = arith.index_cast %add3A_288 : i32 to index
        %swap3A_409 = tpu.vector_load %arg7[%swap3A_408] {strides = array<i32>} : memref<4096xf32, #tpu.memory_space<vmem>>, vector<16xf32>,
        tpu.vector_store %arg7[%swap3A_408], %gather3A_384 {strides = array<i32>} : memref<4096xf32, #tpu.memory_space<vmem>>, vector<16xf32>,
        %swap3A_410 = arith.index_cast %add3A_292 : i32 to index
        %swap3A_411 = tpu.vector_load %arg7[%swap3A_410] {strides = array<i32>} : memref<4096xf32, #tpu.memory_space<vmem>>, vector<16xf32>,
        tpu.vector_store %arg7[%swap3A_410], %gather3A_385 {strides = array<i32>} : memref<4096xf32, #tpu.memory_space<vmem>>, vector<16xf32>,
        %swap3A_412 = arith.index_cast %add3A_296 : i32 to index
        %swap3A_413 = tpu.vector_load %arg7[%swap3A_412] {strides = array<i32>} : memref<4096xf32, #tpu.memory_space<vmem>>, vector<16xf32>,
        tpu.vector_store %arg7[%swap3A_412], %gather3A_386 {strides = array<i32>} : memref<4096xf32, #tpu.memory_space<vmem>>, vector<16xf32>,
        %swap3A_414 = arith.index_cast %add3A_300 : i32 to index
        %swap3A_415 = tpu.vector_load %arg7[%swap3A_414] {strides = array<i32>} : memref<4096xf32, #tpu.memory_space<vmem>>, vector<16xf32>,
        tpu.vector_store %arg7[%swap3A_414], %gather3A_387 {strides = array<i32>} : memref<4096xf32, #tpu.memory_space<vmem>>, vector<16xf32>,
        %swap3A_416 = arith.index_cast %add3A_304 : i32 to index
        %swap3A_417 = tpu.vector_load %arg7[%swap3A_416] {strides = array<i32>} : memref<4096xf32, #tpu.memory_space<vmem>>, vector<16xf32>,
        tpu.vector_store %arg7[%swap3A_416], %gather3A_388 {strides = array<i32>} : memref<4096xf32, #tpu.memory_space<vmem>>, vector<16xf32>,
        %swap3A_418 = arith.index_cast %add3A_308 : i32 to index
        %swap3A_419 = tpu.vector_load %arg7[%swap3A_418] {strides = array<i32>} : memref<4096xf32, #tpu.memory_space<vmem>>, vector<16xf32>,
        tpu.vector_store %arg7[%swap3A_418], %gather3A_389 {strides = array<i32>} : memref<4096xf32, #tpu.memory_space<vmem>>, vector<16xf32>,
        %swap3A_420 = arith.index_cast %add3A_312 : i32 to index
        %swap3A_421 = tpu.vector_load %arg7[%swap3A_420] {strides = array<i32>} : memref<4096xf32, #tpu.memory_space<vmem>>, vector<16xf32>,
        tpu.vector_store %arg7[%swap3A_420], %gather3A_390 {strides = array<i32>} : memref<4096xf32, #tpu.memory_space<vmem>>, vector<16xf32>,
      }
      %scan3A_212 = arith.constant 16 : i32
      %dma_start3A_213 = arith.constant 8192 : i32
      %dma_start3A_214 = tpu.memref_slice %arg4[%add3A_158, %dma_start3A_213] : memref<832x16384xf32, #tpu.memory_space<hbm>> -> memref<1x4096xf32, #tpu.memory_space<hbm>>
      %dma_start3A_215 = tpu.memref_squeeze %dma_start3A_214 : memref<1x4096xf32, #tpu.memory_space<hbm>> -> memref<4096xf32, #tpu.memory_space<hbm>>
      %dma_start3A_216 = arith.constant 8192 : i32
      %dma_start3A_217 = tpu.memref_slice %arg4[%add3A_158, %dma_start3A_216] : memref<832x16384xf32, #tpu.memory_space<hbm>> -> memref<1x4096xf32, #tpu.memory_space<hbm>>
      %dma_start3A_218 = tpu.memref_squeeze %dma_start3A_217 : memref<1x4096xf32, #tpu.memory_space<hbm>> -> memref<4096xf32, #tpu.memory_space<hbm>>
      tpu.enqueue_dma source(%arg7 : memref<4096xf32, #tpu.memory_space<vmem>>) target(%dma_start3A_218 : memref<4096xf32, #tpu.memory_space<hbm>>) target_semaphore(%arg10 : memref<!tpu.dma_semaphore, #tpu.memory_space<semaphore_mem>>)
      %dma_wait3A_219 = arith.constant 12288 : i32
      %dma_wait3A_220 = tpu.memref_slice %arg4[%add3A_158, %dma_wait3A_219] : memref<832x16384xf32, #tpu.memory_space<hbm>> -> memref<1x4096xf32, #tpu.memory_space<hbm>>
      %dma_wait3A_221 = tpu.memref_squeeze %dma_wait3A_220 : memref<1x4096xf32, #tpu.memory_space<hbm>> -> memref<4096xf32, #tpu.memory_space<hbm>>
      %dma_wait3A_222 = arith.constant 12288 : i32
      %dma_wait3A_223 = tpu.memref_slice %arg4[%add3A_158, %dma_wait3A_222] : memref<832x16384xf32, #tpu.memory_space<hbm>> -> memref<1x4096xf32, #tpu.memory_space<hbm>>
      %dma_wait3A_224 = tpu.memref_squeeze %dma_wait3A_223 : memref<1x4096xf32, #tpu.memory_space<hbm>> -> memref<4096xf32, #tpu.memory_space<hbm>>
      tpu.wait_dma2 semaphore(%arg11 : memref<!tpu.dma_semaphore, #tpu.memory_space<semaphore_mem>>) src(%arg8 : memref<4096xf32, #tpu.memory_space<vmem>>) dst(%dma_wait3A_224 : memref<4096xf32, #tpu.memory_space<hbm>>)
      %scan3A_225 = arith.constant 0 : i32
      %scan3A_226 = arith.constant 0 : i32
      %scan3A_227 = arith.constant 16 : i32
      %scan3A_228 = arith.addi %scan3A_226, %scan3A_227 : i32
      %scan3A_229 = arith.constant 1 : i32
      scf.for %scan3A_248 = %scan3A_226 to %scan3A_228 step %scan3A_229  : i32 {
        %mul3A_249 = arith.constant 256 : i32
        %mul3A_250 = arith.muli %scan3A_248, %mul3A_249 : i32
        %add3A_251 = arith.constant 0 : i32
        %add3A_252 = arith.addi %mul3A_250, %add3A_251 : i32
        %mul3A_253 = arith.constant 256 : i32
        %mul3A_254 = arith.muli %scan3A_248, %mul3A_253 : i32
        %add3A_255 = arith.constant 16 : i32
        %add3A_256 = arith.addi %mul3A_254, %add3A_255 : i32
        %mul3A_257 = arith.constant 256 : i32
        %mul3A_258 = arith.muli %scan3A_248, %mul3A_257 : i32
        %add3A_259 = arith.constant 32 : i32
        %add3A_260 = arith.addi %mul3A_258, %add3A_259 : i32
        %mul3A_261 = arith.constant 256 : i32
        %mul3A_262 = arith.muli %scan3A_248, %mul3A_261 : i32
        %add3A_263 = arith.constant 48 : i32
        %add3A_264 = arith.addi %mul3A_262, %add3A_263 : i32
        %mul3A_265 = arith.constant 256 : i32
        %mul3A_266 = arith.muli %scan3A_248, %mul3A_265 : i32
        %add3A_267 = arith.constant 64 : i32
        %add3A_268 = arith.addi %mul3A_266, %add3A_267 : i32
        %mul3A_269 = arith.constant 256 : i32
        %mul3A_270 = arith.muli %scan3A_248, %mul3A_269 : i32
        %add3A_271 = arith.constant 80 : i32
        %add3A_272 = arith.addi %mul3A_270, %add3A_271 : i32
        %mul3A_273 = arith.constant 256 : i32
        %mul3A_274 = arith.muli %scan3A_248, %mul3A_273 : i32
        %add3A_275 = arith.constant 96 : i32
        %add3A_276 = arith.addi %mul3A_274, %add3A_275 : i32
        %mul3A_277 = arith.constant 256 : i32
        %mul3A_278 = arith.muli %scan3A_248, %mul3A_277 : i32
        %add3A_279 = arith.constant 112 : i32
        %add3A_280 = arith.addi %mul3A_278, %add3A_279 : i32
        %mul3A_281 = arith.constant 256 : i32
        %mul3A_282 = arith.muli %scan3A_248, %mul3A_281 : i32
        %add3A_283 = arith.constant 128 : i32
        %add3A_284 = arith.addi %mul3A_282, %add3A_283 : i32
        %mul3A_285 = arith.constant 256 : i32
        %mul3A_286 = arith.muli %scan3A_248, %mul3A_285 : i32
        %add3A_287 = arith.constant 144 : i32
        %add3A_288 = arith.addi %mul3A_286, %add3A_287 : i32
        %mul3A_289 = arith.constant 256 : i32
        %mul3A_290 = arith.muli %scan3A_248, %mul3A_289 : i32
        %add3A_291 = arith.constant 160 : i32
        %add3A_292 = arith.addi %mul3A_290, %add3A_291 : i32
        %mul3A_293 = arith.constant 256 : i32
        %mul3A_294 = arith.muli %scan3A_248, %mul3A_293 : i32
        %add3A_295 = arith.constant 176 : i32
        %add3A_296 = arith.addi %mul3A_294, %add3A_295 : i32
        %mul3A_297 = arith.constant 256 : i32
        %mul3A_298 = arith.muli %scan3A_248, %mul3A_297 : i32
        %add3A_299 = arith.constant 192 : i32
        %add3A_300 = arith.addi %mul3A_298, %add3A_299 : i32
        %mul3A_301 = arith.constant 256 : i32
        %mul3A_302 = arith.muli %scan3A_248, %mul3A_301 : i32
        %add3A_303 = arith.constant 208 : i32
        %add3A_304 = arith.addi %mul3A_302, %add3A_303 : i32
        %mul3A_305 = arith.constant 256 : i32
        %mul3A_306 = arith.muli %scan3A_248, %mul3A_305 : i32
        %add3A_307 = arith.constant 224 : i32
        %add3A_308 = arith.addi %mul3A_306, %add3A_307 : i32
        %mul3A_309 = arith.constant 256 : i32
        %mul3A_310 = arith.muli %scan3A_248, %mul3A_309 : i32
        %add3A_311 = arith.constant 240 : i32
        %add3A_312 = arith.addi %mul3A_310, %add3A_311 : i32
        %add3A_313 = arith.constant 12288 : i32
        %add3A_314 = arith.addi %add3A_313, %add3A_252 : i32
        %get3A = arith.index_cast %add3A_314 : i32 to index
        %get3A_315 = tpu.vector_load %arg5[%get3A] {strides = array<i32>} : memref<16384xi32, #tpu.memory_space<vmem>>, vector<16xi32>,
        %add3A_316 = arith.constant 12288 : i32
        %add3A_317 = arith.addi %add3A_316, %add3A_256 : i32
        %get3A_318 = arith.index_cast %add3A_317 : i32 to index
        %get3A_319 = tpu.vector_load %arg5[%get3A_318] {strides = array<i32>} : memref<16384xi32, #tpu.memory_space<vmem>>, vector<16xi32>,
        %add3A_320 = arith.constant 12288 : i32
        %add3A_321 = arith.addi %add3A_320, %add3A_260 : i32
        %get3A_322 = arith.index_cast %add3A_321 : i32 to index
        %get3A_323 = tpu.vector_load %arg5[%get3A_322] {strides = array<i32>} : memref<16384xi32, #tpu.memory_space<vmem>>, vector<16xi32>,
        %add3A_324 = arith.constant 12288 : i32
        %add3A_325 = arith.addi %add3A_324, %add3A_264 : i32
        %get3A_326 = arith.index_cast %add3A_325 : i32 to index
        %get3A_327 = tpu.vector_load %arg5[%get3A_326] {strides = array<i32>} : memref<16384xi32, #tpu.memory_space<vmem>>, vector<16xi32>,
        %add3A_328 = arith.constant 12288 : i32
        %add3A_329 = arith.addi %add3A_328, %add3A_268 : i32
        %get3A_330 = arith.index_cast %add3A_329 : i32 to index
        %get3A_331 = tpu.vector_load %arg5[%get3A_330] {strides = array<i32>} : memref<16384xi32, #tpu.memory_space<vmem>>, vector<16xi32>,
        %add3A_332 = arith.constant 12288 : i32
        %add3A_333 = arith.addi %add3A_332, %add3A_272 : i32
        %get3A_334 = arith.index_cast %add3A_333 : i32 to index
        %get3A_335 = tpu.vector_load %arg5[%get3A_334] {strides = array<i32>} : memref<16384xi32, #tpu.memory_space<vmem>>, vector<16xi32>,
        %add3A_336 = arith.constant 12288 : i32
        %add3A_337 = arith.addi %add3A_336, %add3A_276 : i32
        %get3A_338 = arith.index_cast %add3A_337 : i32 to index
        %get3A_339 = tpu.vector_load %arg5[%get3A_338] {strides = array<i32>} : memref<16384xi32, #tpu.memory_space<vmem>>, vector<16xi32>,
        %add3A_340 = arith.constant 12288 : i32
        %add3A_341 = arith.addi %add3A_340, %add3A_280 : i32
        %get3A_342 = arith.index_cast %add3A_341 : i32 to index
        %get3A_343 = tpu.vector_load %arg5[%get3A_342] {strides = array<i32>} : memref<16384xi32, #tpu.memory_space<vmem>>, vector<16xi32>,
        %add3A_344 = arith.constant 12288 : i32
        %add3A_345 = arith.addi %add3A_344, %add3A_284 : i32
        %get3A_346 = arith.index_cast %add3A_345 : i32 to index
        %get3A_347 = tpu.vector_load %arg5[%get3A_346] {strides = array<i32>} : memref<16384xi32, #tpu.memory_space<vmem>>, vector<16xi32>,
        %add3A_348 = arith.constant 12288 : i32
        %add3A_349 = arith.addi %add3A_348, %add3A_288 : i32
        %get3A_350 = arith.index_cast %add3A_349 : i32 to index
        %get3A_351 = tpu.vector_load %arg5[%get3A_350] {strides = array<i32>} : memref<16384xi32, #tpu.memory_space<vmem>>, vector<16xi32>,
        %add3A_352 = arith.constant 12288 : i32
        %add3A_353 = arith.addi %add3A_352, %add3A_292 : i32
        %get3A_354 = arith.index_cast %add3A_353 : i32 to index
        %get3A_355 = tpu.vector_load %arg5[%get3A_354] {strides = array<i32>} : memref<16384xi32, #tpu.memory_space<vmem>>, vector<16xi32>,
        %add3A_356 = arith.constant 12288 : i32
        %add3A_357 = arith.addi %add3A_356, %add3A_296 : i32
        %get3A_358 = arith.index_cast %add3A_357 : i32 to index
        %get3A_359 = tpu.vector_load %arg5[%get3A_358] {strides = array<i32>} : memref<16384xi32, #tpu.memory_space<vmem>>, vector<16xi32>,
        %add3A_360 = arith.constant 12288 : i32
        %add3A_361 = arith.addi %add3A_360, %add3A_300 : i32
        %get3A_362 = arith.index_cast %add3A_361 : i32 to index
        %get3A_363 = tpu.vector_load %arg5[%get3A_362] {strides = array<i32>} : memref<16384xi32, #tpu.memory_space<vmem>>, vector<16xi32>,
        %add3A_364 = arith.constant 12288 : i32
        %add3A_365 = arith.addi %add3A_364, %add3A_304 : i32
        %get3A_366 = arith.index_cast %add3A_365 : i32 to index
        %get3A_367 = tpu.vector_load %arg5[%get3A_366] {strides = array<i32>} : memref<16384xi32, #tpu.memory_space<vmem>>, vector<16xi32>,
        %add3A_368 = arith.constant 12288 : i32
        %add3A_369 = arith.addi %add3A_368, %add3A_308 : i32
        %get3A_370 = arith.index_cast %add3A_369 : i32 to index
        %get3A_371 = tpu.vector_load %arg5[%get3A_370] {strides = array<i32>} : memref<16384xi32, #tpu.memory_space<vmem>>, vector<16xi32>,
        %add3A_372 = arith.constant 12288 : i32
        %add3A_373 = arith.addi %add3A_372, %add3A_312 : i32
        %get3A_374 = arith.index_cast %add3A_373 : i32 to index
        %get3A_375 = tpu.vector_load %arg5[%get3A_374] {strides = array<i32>} : memref<16384xi32, #tpu.memory_space<vmem>>, vector<16xi32>,
        %gather3A = tpu.vector_load_idx %arg6[%get3A_315] : memref<100000xf32, #tpu.memory_space<vmem>>[vector<16xi32>], vector<16xf32>,
        %gather3A_376 = tpu.vector_load_idx %arg6[%get3A_319] : memref<100000xf32, #tpu.memory_space<vmem>>[vector<16xi32>], vector<16xf32>,
        %gather3A_377 = tpu.vector_load_idx %arg6[%get3A_323] : memref<100000xf32, #tpu.memory_space<vmem>>[vector<16xi32>], vector<16xf32>,
        %gather3A_378 = tpu.vector_load_idx %arg6[%get3A_327] : memref<100000xf32, #tpu.memory_space<vmem>>[vector<16xi32>], vector<16xf32>,
        %gather3A_379 = tpu.vector_load_idx %arg6[%get3A_331] : memref<100000xf32, #tpu.memory_space<vmem>>[vector<16xi32>], vector<16xf32>,
        %gather3A_380 = tpu.vector_load_idx %arg6[%get3A_335] : memref<100000xf32, #tpu.memory_space<vmem>>[vector<16xi32>], vector<16xf32>,
        %gather3A_381 = tpu.vector_load_idx %arg6[%get3A_339] : memref<100000xf32, #tpu.memory_space<vmem>>[vector<16xi32>], vector<16xf32>,
        %gather3A_382 = tpu.vector_load_idx %arg6[%get3A_343] : memref<100000xf32, #tpu.memory_space<vmem>>[vector<16xi32>], vector<16xf32>,
        %gather3A_383 = tpu.vector_load_idx %arg6[%get3A_347] : memref<100000xf32, #tpu.memory_space<vmem>>[vector<16xi32>], vector<16xf32>,
        %gather3A_384 = tpu.vector_load_idx %arg6[%get3A_351] : memref<100000xf32, #tpu.memory_space<vmem>>[vector<16xi32>], vector<16xf32>,
        %gather3A_385 = tpu.vector_load_idx %arg6[%get3A_355] : memref<100000xf32, #tpu.memory_space<vmem>>[vector<16xi32>], vector<16xf32>,
        %gather3A_386 = tpu.vector_load_idx %arg6[%get3A_359] : memref<100000xf32, #tpu.memory_space<vmem>>[vector<16xi32>], vector<16xf32>,
        %gather3A_387 = tpu.vector_load_idx %arg6[%get3A_363] : memref<100000xf32, #tpu.memory_space<vmem>>[vector<16xi32>], vector<16xf32>,
        %gather3A_388 = tpu.vector_load_idx %arg6[%get3A_367] : memref<100000xf32, #tpu.memory_space<vmem>>[vector<16xi32>], vector<16xf32>,
        %gather3A_389 = tpu.vector_load_idx %arg6[%get3A_371] : memref<100000xf32, #tpu.memory_space<vmem>>[vector<16xi32>], vector<16xf32>,
        %gather3A_390 = tpu.vector_load_idx %arg6[%get3A_375] : memref<100000xf32, #tpu.memory_space<vmem>>[vector<16xi32>], vector<16xf32>,
        %swap3A = arith.index_cast %add3A_252 : i32 to index
        %swap3A_391 = tpu.vector_load %arg8[%swap3A] {strides = array<i32>} : memref<4096xf32, #tpu.memory_space<vmem>>, vector<16xf32>,
        tpu.vector_store %arg8[%swap3A], %gather3A {strides = array<i32>} : memref<4096xf32, #tpu.memory_space<vmem>>, vector<16xf32>,
        %swap3A_392 = arith.index_cast %add3A_256 : i32 to index
        %swap3A_393 = tpu.vector_load %arg8[%swap3A_392] {strides = array<i32>} : memref<4096xf32, #tpu.memory_space<vmem>>, vector<16xf32>,
        tpu.vector_store %arg8[%swap3A_392], %gather3A_376 {strides = array<i32>} : memref<4096xf32, #tpu.memory_space<vmem>>, vector<16xf32>,
        %swap3A_394 = arith.index_cast %add3A_260 : i32 to index
        %swap3A_395 = tpu.vector_load %arg8[%swap3A_394] {strides = array<i32>} : memref<4096xf32, #tpu.memory_space<vmem>>, vector<16xf32>,
        tpu.vector_store %arg8[%swap3A_394], %gather3A_377 {strides = array<i32>} : memref<4096xf32, #tpu.memory_space<vmem>>, vector<16xf32>,
        %swap3A_396 = arith.index_cast %add3A_264 : i32 to index
        %swap3A_397 = tpu.vector_load %arg8[%swap3A_396] {strides = array<i32>} : memref<4096xf32, #tpu.memory_space<vmem>>, vector<16xf32>,
        tpu.vector_store %arg8[%swap3A_396], %gather3A_378 {strides = array<i32>} : memref<4096xf32, #tpu.memory_space<vmem>>, vector<16xf32>,
        %swap3A_398 = arith.index_cast %add3A_268 : i32 to index
        %swap3A_399 = tpu.vector_load %arg8[%swap3A_398] {strides = array<i32>} : memref<4096xf32, #tpu.memory_space<vmem>>, vector<16xf32>,
        tpu.vector_store %arg8[%swap3A_398], %gather3A_379 {strides = array<i32>} : memref<4096xf32, #tpu.memory_space<vmem>>, vector<16xf32>,
        %swap3A_400 = arith.index_cast %add3A_272 : i32 to index
        %swap3A_401 = tpu.vector_load %arg8[%swap3A_400] {strides = array<i32>} : memref<4096xf32, #tpu.memory_space<vmem>>, vector<16xf32>,
        tpu.vector_store %arg8[%swap3A_400], %gather3A_380 {strides = array<i32>} : memref<4096xf32, #tpu.memory_space<vmem>>, vector<16xf32>,
        %swap3A_402 = arith.index_cast %add3A_276 : i32 to index
        %swap3A_403 = tpu.vector_load %arg8[%swap3A_402] {strides = array<i32>} : memref<4096xf32, #tpu.memory_space<vmem>>, vector<16xf32>,
        tpu.vector_store %arg8[%swap3A_402], %gather3A_381 {strides = array<i32>} : memref<4096xf32, #tpu.memory_space<vmem>>, vector<16xf32>,
        %swap3A_404 = arith.index_cast %add3A_280 : i32 to index
        %swap3A_405 = tpu.vector_load %arg8[%swap3A_404] {strides = array<i32>} : memref<4096xf32, #tpu.memory_space<vmem>>, vector<16xf32>,
        tpu.vector_store %arg8[%swap3A_404], %gather3A_382 {strides = array<i32>} : memref<4096xf32, #tpu.memory_space<vmem>>, vector<16xf32>,
        %swap3A_406 = arith.index_cast %add3A_284 : i32 to index
        %swap3A_407 = tpu.vector_load %arg8[%swap3A_406] {strides = array<i32>} : memref<4096xf32, #tpu.memory_space<vmem>>, vector<16xf32>,
        tpu.vector_store %arg8[%swap3A_406], %gather3A_383 {strides = array<i32>} : memref<4096xf32, #tpu.memory_space<vmem>>, vector<16xf32>,
        %swap3A_408 = arith.index_cast %add3A_288 : i32 to index
        %swap3A_409 = tpu.vector_load %arg8[%swap3A_408] {strides = array<i32>} : memref<4096xf32, #tpu.memory_space<vmem>>, vector<16xf32>,
        tpu.vector_store %arg8[%swap3A_408], %gather3A_384 {strides = array<i32>} : memref<4096xf32, #tpu.memory_space<vmem>>, vector<16xf32>,
        %swap3A_410 = arith.index_cast %add3A_292 : i32 to index
        %swap3A_411 = tpu.vector_load %arg8[%swap3A_410] {strides = array<i32>} : memref<4096xf32, #tpu.memory_space<vmem>>, vector<16xf32>,
        tpu.vector_store %arg8[%swap3A_410], %gather3A_385 {strides = array<i32>} : memref<4096xf32, #tpu.memory_space<vmem>>, vector<16xf32>,
        %swap3A_412 = arith.index_cast %add3A_296 : i32 to index
        %swap3A_413 = tpu.vector_load %arg8[%swap3A_412] {strides = array<i32>} : memref<4096xf32, #tpu.memory_space<vmem>>, vector<16xf32>,
        tpu.vector_store %arg8[%swap3A_412], %gather3A_386 {strides = array<i32>} : memref<4096xf32, #tpu.memory_space<vmem>>, vector<16xf32>,
        %swap3A_414 = arith.index_cast %add3A_300 : i32 to index
        %swap3A_415 = tpu.vector_load %arg8[%swap3A_414] {strides = array<i32>} : memref<4096xf32, #tpu.memory_space<vmem>>, vector<16xf32>,
        tpu.vector_store %arg8[%swap3A_414], %gather3A_387 {strides = array<i32>} : memref<4096xf32, #tpu.memory_space<vmem>>, vector<16xf32>,
        %swap3A_416 = arith.index_cast %add3A_304 : i32 to index
        %swap3A_417 = tpu.vector_load %arg8[%swap3A_416] {strides = array<i32>} : memref<4096xf32, #tpu.memory_space<vmem>>, vector<16xf32>,
        tpu.vector_store %arg8[%swap3A_416], %gather3A_388 {strides = array<i32>} : memref<4096xf32, #tpu.memory_space<vmem>>, vector<16xf32>,
        %swap3A_418 = arith.index_cast %add3A_308 : i32 to index
        %swap3A_419 = tpu.vector_load %arg8[%swap3A_418] {strides = array<i32>} : memref<4096xf32, #tpu.memory_space<vmem>>, vector<16xf32>,
        tpu.vector_store %arg8[%swap3A_418], %gather3A_389 {strides = array<i32>} : memref<4096xf32, #tpu.memory_space<vmem>>, vector<16xf32>,
        %swap3A_420 = arith.index_cast %add3A_312 : i32 to index
        %swap3A_421 = tpu.vector_load %arg8[%swap3A_420] {strides = array<i32>} : memref<4096xf32, #tpu.memory_space<vmem>>, vector<16xf32>,
        tpu.vector_store %arg8[%swap3A_420], %gather3A_390 {strides = array<i32>} : memref<4096xf32, #tpu.memory_space<vmem>>, vector<16xf32>,
      }
      %scan3A_230 = arith.constant 16 : i32
      %dma_start3A_231 = arith.constant 12288 : i32
      %dma_start3A_232 = tpu.memref_slice %arg4[%add3A_158, %dma_start3A_231] : memref<832x16384xf32, #tpu.memory_space<hbm>> -> memref<1x4096xf32, #tpu.memory_space<hbm>>
      %dma_start3A_233 = tpu.memref_squeeze %dma_start3A_232 : memref<1x4096xf32, #tpu.memory_space<hbm>> -> memref<4096xf32, #tpu.memory_space<hbm>>
      %dma_start3A_234 = arith.constant 12288 : i32
      %dma_start3A_235 = tpu.memref_slice %arg4[%add3A_158, %dma_start3A_234] : memref<832x16384xf32, #tpu.memory_space<hbm>> -> memref<1x4096xf32, #tpu.memory_space<hbm>>
      %dma_start3A_236 = tpu.memref_squeeze %dma_start3A_235 : memref<1x4096xf32, #tpu.memory_space<hbm>> -> memref<4096xf32, #tpu.memory_space<hbm>>
      tpu.enqueue_dma source(%arg8 : memref<4096xf32, #tpu.memory_space<vmem>>) target(%dma_start3A_236 : memref<4096xf32, #tpu.memory_space<hbm>>) target_semaphore(%arg11 : memref<!tpu.dma_semaphore, #tpu.memory_space<semaphore_mem>>)
      %add3A_237 = arith.constant 13 : i32
      %add3A_238 = arith.addi %add3A_237, %min3A_52 : i32
      %mul3A_239 = arith.constant 64 : i32
      %mul3A_240 = arith.muli %add3A_238, %mul3A_239 : i32
      %add3A_241 = arith.addi %mul3A_240, %mul3A_2 : i32
      %dma_start3A_242 = arith.constant 0 : i32
      %dma_start3A_243 = tpu.memref_slice %arg3[%add3A_241, %dma_start3A_242] : memref<1664x100000xf32, #tpu.memory_space<hbm>> -> memref<1x100000xf32, #tpu.memory_space<hbm>>
      %dma_start3A_244 = tpu.memref_squeeze %dma_start3A_243 : memref<1x100000xf32, #tpu.memory_space<hbm>> -> memref<100000xf32, #tpu.memory_space<hbm>>
      %dma_start3A_245 = arith.constant 0 : i32
      %dma_start3A_246 = tpu.memref_slice %arg3[%add3A_241, %dma_start3A_245] : memref<1664x100000xf32, #tpu.memory_space<hbm>> -> memref<1x100000xf32, #tpu.memory_space<hbm>>
      %dma_start3A_247 = tpu.memref_squeeze %dma_start3A_246 : memref<1x100000xf32, #tpu.memory_space<hbm>> -> memref<100000xf32, #tpu.memory_space<hbm>>
      tpu.enqueue_dma source(%dma_start3A_247 : memref<100000xf32, #tpu.memory_space<hbm>>) target(%arg6 : memref<100000xf32, #tpu.memory_space<vmem>>) target_semaphore(%arg9 : memref<!tpu.dma_semaphore, #tpu.memory_space<semaphore_mem>>)
    }
    %scan3A_26 = arith.constant 13 : i32
    %dma_wait3A = arith.constant 0 : i32
    %dma_wait3A_27 = arith.constant 0 : i32
    %dma_wait3A_28 = tpu.memref_slice %arg3[%dma_wait3A, %dma_wait3A_27] : memref<1664x100000xf32, #tpu.memory_space<hbm>> -> memref<1x100000xf32, #tpu.memory_space<hbm>>
    %dma_wait3A_29 = tpu.memref_squeeze %dma_wait3A_28 : memref<1x100000xf32, #tpu.memory_space<hbm>> -> memref<100000xf32, #tpu.memory_space<hbm>>
    %dma_wait3A_30 = arith.constant 0 : i32
    %dma_wait3A_31 = tpu.memref_slice %arg3[%dma_wait3A, %dma_wait3A_30] : memref<1664x100000xf32, #tpu.memory_space<hbm>> -> memref<1x100000xf32, #tpu.memory_space<hbm>>
    %dma_wait3A_32 = tpu.memref_squeeze %dma_wait3A_31 : memref<1x100000xf32, #tpu.memory_space<hbm>> -> memref<100000xf32, #tpu.memory_space<hbm>>
    tpu.wait_dma2 semaphore(%arg9 : memref<!tpu.dma_semaphore, #tpu.memory_space<semaphore_mem>>) src(%dma_wait3A_32 : memref<100000xf32, #tpu.memory_space<hbm>>) dst(%arg6 : memref<100000xf32, #tpu.memory_space<vmem>>)
    %dma_wait3A_33 = arith.constant 0 : i32
    %dma_wait3A_34 = arith.constant 0 : i32
    %dma_wait3A_35 = tpu.memref_slice %arg4[%dma_wait3A_33, %dma_wait3A_34] : memref<832x16384xf32, #tpu.memory_space<hbm>> -> memref<1x4096xf32, #tpu.memory_space<hbm>>
    %dma_wait3A_36 = tpu.memref_squeeze %dma_wait3A_35 : memref<1x4096xf32, #tpu.memory_space<hbm>> -> memref<4096xf32, #tpu.memory_space<hbm>>
    %dma_wait3A_37 = arith.constant 0 : i32
    %dma_wait3A_38 = tpu.memref_slice %arg4[%dma_wait3A_33, %dma_wait3A_37] : memref<832x16384xf32, #tpu.memory_space<hbm>> -> memref<1x4096xf32, #tpu.memory_space<hbm>>
    %dma_wait3A_39 = tpu.memref_squeeze %dma_wait3A_38 : memref<1x4096xf32, #tpu.memory_space<hbm>> -> memref<4096xf32, #tpu.memory_space<hbm>>
    tpu.wait_dma2 semaphore(%arg10 : memref<!tpu.dma_semaphore, #tpu.memory_space<semaphore_mem>>) src(%arg7 : memref<4096xf32, #tpu.memory_space<vmem>>) dst(%dma_wait3A_39 : memref<4096xf32, #tpu.memory_space<hbm>>)
    %dma_wait3A_40 = arith.constant 0 : i32
    %dma_wait3A_41 = arith.constant 0 : i32
    %dma_wait3A_42 = tpu.memref_slice %arg4[%dma_wait3A_40, %dma_wait3A_41] : memref<832x16384xf32, #tpu.memory_space<hbm>> -> memref<1x4096xf32, #tpu.memory_space<hbm>>
    %dma_wait3A_43 = tpu.memref_squeeze %dma_wait3A_42 : memref<1x4096xf32, #tpu.memory_space<hbm>> -> memref<4096xf32, #tpu.memory_space<hbm>>
    %dma_wait3A_44 = arith.constant 0 : i32
    %dma_wait3A_45 = tpu.memref_slice %arg4[%dma_wait3A_40, %dma_wait3A_44] : memref<832x16384xf32, #tpu.memory_space<hbm>> -> memref<1x4096xf32, #tpu.memory_space<hbm>>
    %dma_wait3A_46 = tpu.memref_squeeze %dma_wait3A_45 : memref<1x4096xf32, #tpu.memory_space<hbm>> -> memref<4096xf32, #tpu.memory_space<hbm>>
    tpu.wait_dma2 semaphore(%arg11 : memref<!tpu.dma_semaphore, #tpu.memory_space<semaphore_mem>>) src(%arg8 : memref<4096xf32, #tpu.memory_space<vmem>>) dst(%dma_wait3A_46 : memref<4096xf32, #tpu.memory_space<hbm>>)
    return
  }
}

module attributes {stable_mosaic.version = 14 : i64} {
  func.func @_tc_body_first(%arg0: i32, %arg1: i32, %arg2: memref<1x64x16384xf32, #tpu.memory_space<vmem>>, %arg3: memref<64x64xf32, #tpu.memory_space<vmem>>, %arg4: memref<1x64x1xf32, #tpu.memory_space<vmem>>, %arg5: memref<1x64x16384xf32, #tpu.memory_space<vmem>>) attributes {dimension_semantics = [#tpu.dimension_semantics<arbitrary>, #tpu.dimension_semantics<arbitrary>], iteration_bounds = array<i64: 13, 1>, scalar_prefetch = 0 : i64, scratch_operands = 0 : i64, tpu.core_type = #tpu.core_type<tc>, window_params = [{transform_indices = @transform_0, window_bounds = array<i64: 1, 64, 16384>}, {pipeline_mode = #tpu.pipeline_mode<synchronous>, transform_indices = @transform_1, window_bounds = array<i64: 64, 64>}, {transform_indices = @transform_2, window_bounds = array<i64: 1, 64, 1>}, {transform_indices = @transform_3, window_bounds = array<i64: 1, 64, 16384>}]} {
    %get3A = arith.constant 0 : index
    %get3A_0 = arith.constant 0 : index
    %get3A_1 = arith.constant 0 : index
    %get3A_2 = vector.load %arg2[%get3A, %get3A_0, %get3A_1] : memref<1x64x16384xf32, #tpu.memory_space<vmem>>, vector<1x64x16384xf32>
    %get3A_3 = vector.shape_cast %get3A_2 : vector<1x64x16384xf32> to vector<64x16384xf32>
    %max3A = arith.constant 0.000000e+00 : f32
    %max3A_4 = vector.broadcast %max3A : f32 to vector<64x16384xf32>
    %max3A_5 = arith.maximumf %get3A_3, %max3A_4 : vector<64x16384xf32>
    %get3A_6 = arith.constant 0 : index
    %get3A_7 = arith.constant 0 : index
    %get3A_8 = vector.load %arg3[%get3A_6, %get3A_7] : memref<64x64xf32, #tpu.memory_space<vmem>>, vector<64x64xf32>
    %dot_general3A = arith.constant dense<0.000000e+00> : vector<64x16384xf32>
    %dot_general3A_9 = tpu.matmul %get3A_8, %max3A_5, %dot_general3A {dimension_numbers = #tpu.dot_dimension_numbers<[1], [0], [0], [1], [0, 0, 1, 1], [], []>, transpose_lhs_hint = false} : vector<64x64xf32>, vector<64x16384xf32>, vector<64x16384xf32> -> vector<64x16384xf32>
    %get3A_10 = arith.constant 0 : index
    %get3A_11 = arith.constant 0 : index
    %get3A_12 = arith.constant 0 : index
    %get3A_13 = vector.load %arg4[%get3A_10, %get3A_11, %get3A_12] : memref<1x64x1xf32, #tpu.memory_space<vmem>>, vector<1x64x1xf32>
    %get3A_14 = vector.shape_cast %get3A_13 : vector<1x64x1xf32> to vector<64x1xf32>
    %add3A = vector.broadcast %get3A_14 : vector<64x1xf32> to vector<64x16384xf32>
    %add3A_15 = arith.addf %dot_general3A_9, %add3A : vector<64x16384xf32>
    %swap3A = arith.constant 0 : index
    %swap3A_16 = arith.constant 0 : index
    %swap3A_17 = arith.constant 0 : index
    %swap3A_18 = vector.load %arg5[%swap3A, %swap3A_16, %swap3A_17] : memref<1x64x16384xf32, #tpu.memory_space<vmem>>, vector<1x64x16384xf32>
    %swap3A_19 = vector.shape_cast %swap3A_18 : vector<1x64x16384xf32> to vector<64x16384xf32>
    %swap3A_20 = vector.shape_cast %add3A_15 : vector<64x16384xf32> to vector<1x64x16384xf32>
    tpu.vector_store %arg5[%swap3A, %swap3A_16, %swap3A_17], %swap3A_20 {strides = array<i32>} : memref<1x64x16384xf32, #tpu.memory_space<vmem>>, vector<1x64x16384xf32>,
    return
  }
  func.func @transform_0(%arg0: i32, %arg1: i32) -> (i32, i32, i32) {
    %c0_i32 = arith.constant 0 : i32
    %c0_i32_0 = arith.constant 0 : i32
    return %arg0, %c0_i32, %arg1 : i32, i32, i32
  }
  func.func @transform_1(%arg0: i32, %arg1: i32) -> (i32, i32) {
    %c0_i32 = arith.constant 0 : i32
    %c0_i32_0 = arith.constant 0 : i32
    %c0_i32_1 = arith.constant 0 : i32
    return %c0_i32, %c0_i32_0 : i32, i32
  }
  func.func @transform_2(%arg0: i32, %arg1: i32) -> (i32, i32, i32) {
    %c0_i32 = arith.constant 0 : i32
    %c0_i32_0 = arith.constant 0 : i32
    %c0_i32_1 = arith.constant 0 : i32
    return %arg0, %c0_i32, %c0_i32_0 : i32, i32, i32
  }
  func.func @transform_3(%arg0: i32, %arg1: i32) -> (i32, i32, i32) {
    %c0_i32 = arith.constant 0 : i32
    %c0_i32_0 = arith.constant 0 : i32
    return %arg0, %c0_i32, %arg1 : i32, i32, i32
  }
}

module attributes {stable_mosaic.version = 14 : i64} {
  func.func @_tc_body_second(%arg0: i32, %arg1: i32, %arg2: memref<1x64x16384xf32, #tpu.memory_space<vmem>>, %arg3: memref<64x64xf32, #tpu.memory_space<vmem>>, %arg4: memref<1x64x1xf32, #tpu.memory_space<vmem>>, %arg5: memref<26x64x16384xf32, #tpu.memory_space<any>>, %arg6: memref<1x64x16384xf32, #tpu.memory_space<vmem>>) attributes {dimension_semantics = [#tpu.dimension_semantics<arbitrary>, #tpu.dimension_semantics<arbitrary>], iteration_bounds = array<i64: 13, 1>, scalar_prefetch = 0 : i64, scratch_operands = 0 : i64, tpu.core_type = #tpu.core_type<tc>, window_params = [{transform_indices = @transform_0, window_bounds = array<i64: 1, 64, 16384>}, {pipeline_mode = #tpu.pipeline_mode<synchronous>, transform_indices = @transform_1, window_bounds = array<i64: 64, 64>}, {transform_indices = @transform_2, window_bounds = array<i64: 1, 64, 1>}, {}, {transform_indices = @transform_4, window_bounds = array<i64: 1, 64, 16384>}]} {
    %get3A = arith.constant 0 : index
    %get3A_0 = arith.constant 0 : index
    %get3A_1 = arith.constant 0 : index
    %get3A_2 = vector.load %arg2[%get3A, %get3A_0, %get3A_1] : memref<1x64x16384xf32, #tpu.memory_space<vmem>>, vector<1x64x16384xf32>
    %get3A_3 = vector.shape_cast %get3A_2 : vector<1x64x16384xf32> to vector<64x16384xf32>
    %max3A = arith.constant 0.000000e+00 : f32
    %max3A_4 = vector.broadcast %max3A : f32 to vector<64x16384xf32>
    %max3A_5 = arith.maximumf %get3A_3, %max3A_4 : vector<64x16384xf32>
    %get3A_6 = arith.constant 0 : index
    %get3A_7 = arith.constant 0 : index
    %get3A_8 = vector.load %arg3[%get3A_6, %get3A_7] : memref<64x64xf32, #tpu.memory_space<vmem>>, vector<64x64xf32>
    %dot_general3A = arith.constant dense<0.000000e+00> : vector<64x16384xf32>
    %dot_general3A_9 = tpu.matmul %get3A_8, %max3A_5, %dot_general3A {dimension_numbers = #tpu.dot_dimension_numbers<[1], [0], [0], [1], [0, 0, 1, 1], [], []>, transpose_lhs_hint = false} : vector<64x64xf32>, vector<64x16384xf32>, vector<64x16384xf32> -> vector<64x16384xf32>
    %get3A_10 = arith.constant 0 : index
    %get3A_11 = arith.constant 0 : index
    %get3A_12 = arith.constant 0 : index
    %get3A_13 = vector.load %arg4[%get3A_10, %get3A_11, %get3A_12] : memref<1x64x1xf32, #tpu.memory_space<vmem>>, vector<1x64x1xf32>
    %get3A_14 = vector.shape_cast %get3A_13 : vector<1x64x1xf32> to vector<64x1xf32>
    %add3A = vector.broadcast %get3A_14 : vector<64x1xf32> to vector<64x16384xf32>
    %add3A_15 = arith.addf %dot_general3A_9, %add3A : vector<64x16384xf32>
    %swap3A = arith.constant 0 : index
    %swap3A_16 = arith.constant 0 : index
    %swap3A_17 = arith.constant 0 : index
    %swap3A_18 = vector.load %arg6[%swap3A, %swap3A_16, %swap3A_17] : memref<1x64x16384xf32, #tpu.memory_space<vmem>>, vector<1x64x16384xf32>
    %swap3A_19 = vector.shape_cast %swap3A_18 : vector<1x64x16384xf32> to vector<64x16384xf32>
    %swap3A_20 = vector.shape_cast %add3A_15 : vector<64x16384xf32> to vector<1x64x16384xf32>
    tpu.vector_store %arg6[%swap3A, %swap3A_16, %swap3A_17], %swap3A_20 {strides = array<i32>} : memref<1x64x16384xf32, #tpu.memory_space<vmem>>, vector<1x64x16384xf32>,
    return
  }
  func.func @transform_0(%arg0: i32, %arg1: i32) -> (i32, i32, i32) {
    %c0_i32 = arith.constant 0 : i32
    %c0_i32_0 = arith.constant 0 : i32
    return %arg0, %c0_i32, %arg1 : i32, i32, i32
  }
  func.func @transform_1(%arg0: i32, %arg1: i32) -> (i32, i32) {
    %c0_i32 = arith.constant 0 : i32
    %c0_i32_0 = arith.constant 0 : i32
    %c0_i32_1 = arith.constant 0 : i32
    return %c0_i32, %c0_i32_0 : i32, i32
  }
  func.func @transform_2(%arg0: i32, %arg1: i32) -> (i32, i32, i32) {
    %c0_i32 = arith.constant 0 : i32
    %c0_i32_0 = arith.constant 0 : i32
    %c0_i32_1 = arith.constant 0 : i32
    return %arg0, %c0_i32, %c0_i32_0 : i32, i32, i32
  }
  func.func @transform_4(%arg0: i32, %arg1: i32) -> (i32, i32, i32) {
    %add3A = arith.constant 13 : i32
    %add3A_0 = arith.addi %arg0, %add3A : i32
    %c0_i32 = arith.constant 0 : i32
    %c0_i32_1 = arith.constant 0 : i32
    return %add3A_0, %c0_i32, %arg1 : i32, i32, i32
  }
}

</mosaic_0001>

<sc_bundles>
// kernel: kernel.6.cloned.1.call-start
scs
__scs_entry_jumppad:
0x0: {  	(pc) =	sbr.rel $0x88, $3  }
0x1: {  	(tag) =	ssettag $0x0;
	lr =	simm.s32 $0x1  }
0x2: {  	[smem:$0x3F9D] =	sst lr;
	_ =	strace $0xD0000000  }
0x3: {  	_ = 	snop  }
0x4: {  	_ = 	snop  }
0x5: {  	_ = 	snop  }
0x6: {  	_ = 	snop  }
0x7: {  	_ = 	snop  }
__scs_overlays_trampoline_lowered:
0x8: {  	[smem:$0x3FAC] =	sst s0  }
0x9: {  	[smem:$0x3FAD] =	sst s1  }
0xa: {  	[smem:$0x3FAE] =	sst s2  }
0xb: {  	[smem:$0x3FAF] =	sst s3  }
0xc: {  	[smem:$0x3FB0] =	sst s4  }
0xd: {  	[smem:$0x3FB1] =	sst s5  }
0xe: {  	[smem:$0x3FB2] =	sst s6  }
0xf: {  	[smem:$0x3FB3] =	sst s7  }
0x10: {  	[smem:$0x3FB4] =	sst s8  }
0x11: {  	[smem:$0x3FB5] =	sst s9;
	s0 =	simm.s32 @!p0 $0x0  }
0x12: {  	s1 =	sld [smem:$0x3F9B];
	s0 =	simm.s32 @p0 $0x1  }
0x13: {  	[smem:$0x3FB6] =	sst s0;
	s0 =	simm.s32 @!p1 $0x0  }
0x14: {  	s2 =	sld [smem:$0x3F9A];
	s0 =	simm.s32 @p1 $0x1  }
0x15: {  	[smem:$0x3FB7] =	sst s0;
	s0 =	simm.s32 @!p2 $0x0  }
0x16: {  	s3 =	sld [smem:$0x3FDB];
	s0 =	simm.s32 @p2 $0x1  }
0x17: {  	s4 =	simm.s32 $0x1BF5;
	[smem:$0x3FB9] =	sst s0  }
0x18: {  	s0 =	sld [smem:$0x3F9C];
	_ =	swait.ge [sflag:s4], $0x0  }
0x19: {  	s7 =	sld [smem:$0x3F9D]  }
0x1a: {  	s8 =	sadd.s32 $0xFFFFE003, lr  }
0x1b: {  	s9 =	sadd.s32 $0xFFFFFEF7, lr;
	s5 =	simm.s32 $0xFFFFFFFF;
	p2 =	slt.u32 s8, $0xFFFFF086  }
0x1c: {  	p1 =	slt.u32 s9, $0xF7A;
	s5 =	simm.s32 @!p2 $0x0  }
0x1d: {  	s5 =	simm.s32 @p1 $0x1;
	p0 =	seq.s32 s7, s2  }
0x1e: {  	s7 =	smul.u32 @!p0 $0xF7A, s2;
	p2 =	seq.s32 @!p0 s5, $0x0  }
0x1f: {  	s9 =	smul.u32 $0xF7A, s1;
	s8 =	simm.s32 @!p0 $0x1BF5;
	p2 =	por !p2, p0  }
0x20: {  	[sflag:s8] =	ssyncset.s32 @!p0 $0xFFFFF086;
	s6 =	sadd.s32 @!p0 s3, s7;
	s7 =	simm.s32 @!p0 $0x108  }
0x21: {  	s3 =	sadd.s32 s3, s9;
	s6 =	sadd.s32 @!p0 $0x88, s6;
	s7 =	simm.s32 @p2 $0x1082  }
0x22: {  	[simem:s7], [sflag:s8] =	dma.local @!p0 [hbm:s6], $0xF7A  }
0x23: {  	s9 =	sor.u32 $0xD0000000, s2;
	s6 =	simm.s32 $0x108;
	_ =	swait.ge @!p0 [sflag:s8], $0x0  }
0x24: {  	s3 =	sadd.s32 $0x88, s3;
	s6 =	simm.s32 @!p1 $0x1082;
	[sflag:s4] =	ssyncset.s32 $0xFFFFF086  }
0x25: {  	[simem:s6], [sflag:s4] =	dma.local [hbm:s3], $0xF7A  }
0x26: {  	[smem:$0x3F9D] =	sst s1;
	(tag) =	ssettag s2;
	_ =	strace s9  }
0x27: {  	s1 =	sld [smem:$0x3FAD]  }
0x28: {  	s2 =	sld [smem:$0x3FAE]  }
0x29: {  	s4 =	sld [smem:$0x3FB0]  }
0x2a: {  	p0 =	seq.s32 s5, $0x0;
	s5 =	sld [smem:$0x3FB1]  }
0x2b: {  	s6 =	sld [smem:$0x3FB2]  }
0x2c: {  	s7 =	sld [smem:$0x3FB3]  }
0x2d: {  	s3 =	simm.s32 $0x108;
	s8 =	sld [smem:$0x3FB4]  }
0x2e: {  	s3 =	simm.s32 @!p0 $0x1082;
	s9 =	sld [smem:$0x3FB5]  }
0x2f: {  	lr =	sadd.s32 s0, s3;
	s0 =	sld [smem:$0x3FAC]  }
0x30: {  	s3 =	sld [smem:$0x3FAF]  }
0x31: {  	[smem:$0x3FB8] =	sst s10  }
0x32: {  	s10 =	sld [smem:$0x3FB6];
	_ =	sdelay $0x3  }
0x33: {  	p0 =	seq.s32 s10, $0x1;
	s10 =	sld [smem:$0x3FB8];
	_ =	sdelay $0x3  }
0x34: {  	[smem:$0x3FB8] =	sst s10  }
0x35: {  	s10 =	sld [smem:$0x3FB7];
	_ =	sdelay $0x3  }
0x36: {  	p1 =	seq.s32 s10, $0x1;
	s10 =	sld [smem:$0x3FB8];
	_ =	sdelay $0x3  }
0x37: {  	[smem:$0x3FB8] =	sst s10  }
0x38: {  	s10 =	sld [smem:$0x3FB9]  }
0x39: {  	_ = 	snop;
	(pc) =	sbr.ind lr, $3  }
0x3a: {  	_ = 	snop  }
0x3b: {  	_ = 	snop  }
0x3c: {  	p2 =	seq.s32 s10, $0x1;
	s10 =	sld [smem:$0x3FB8]  }
0x3d: {  	_ =	shalt  }
0x3e: {  	_ =	shalt  }
0x3f: {  	_ =	shalt  }
0x40: {  	_ =	shalt  }
0x41: {  	_ =	shalt  }
0x42: {  	_ =	shalt  }
0x43: {  	_ =	shalt  }
0x44: {  	_ =	shalt  }
0x45: {  	_ =	shalt  }
0x46: {  	_ =	shalt  }
0x47: {  	_ =	shalt  }
0x48: {  	_ =	shalt  }
0x49: {  	_ =	shalt  }
0x4a: {  	_ =	shalt  }
0x4b: {  	_ =	shalt  }
0x4c: {  	_ =	shalt  }
0x4d: {  	_ =	shalt  }
0x4e: {  	_ =	shalt  }
0x4f: {  	_ =	shalt  }
0x50: {  	_ =	shalt  }
0x51: {  	_ =	shalt  }
0x52: {  	_ =	shalt  }
0x53: {  	_ =	shalt  }
0x54: {  	_ =	shalt  }
0x55: {  	_ =	shalt  }
0x56: {  	_ =	shalt  }
0x57: {  	_ =	shalt  }
0x58: {  	_ =	shalt  }
0x59: {  	_ =	shalt  }
0x5a: {  	_ =	shalt  }
0x5b: {  	_ =	shalt  }
0x5c: {  	_ =	shalt  }
0x5d: {  	_ =	shalt  }
0x5e: {  	_ =	shalt  }
0x5f: {  	_ =	shalt  }
0x60: {  	_ =	shalt  }
0x61: {  	_ =	shalt  }
0x62: {  	_ =	shalt  }
0x63: {  	_ =	shalt  }
0x64: {  	_ =	shalt  }
0x65: {  	_ =	shalt  }
0x66: {  	_ =	shalt  }
0x67: {  	_ =	shalt  }
0x68: {  	_ =	shalt  }
0x69: {  	_ =	shalt  }
0x6a: {  	_ =	shalt  }
0x6b: {  	_ =	shalt  }
0x6c: {  	_ =	shalt  }
0x6d: {  	_ =	shalt  }
0x6e: {  	_ =	shalt  }
0x6f: {  	_ =	shalt  }
0x70: {  	_ =	shalt  }
0x71: {  	_ =	shalt  }
0x72: {  	_ =	shalt  }
0x73: {  	_ =	shalt  }
0x74: {  	_ =	shalt  }
0x75: {  	_ =	shalt  }
0x76: {  	_ =	shalt  }
0x77: {  	_ =	shalt  }
0x78: {  	_ =	shalt  }
0x79: {  	_ =	shalt  }
0x7a: {  	_ =	shalt  }
0x7b: {  	_ =	shalt  }
0x7c: {  	_ =	shalt  }
0x7d: {  	_ =	shalt  }
0x7e: {  	_ =	shalt  }
0x7f: {  	_ =	shalt  }
0x80: {  	_ =	shalt  }
0x81: {  	_ =	shalt  }
0x82: {  	_ =	shalt  }
0x83: {  	_ =	shalt  }
0x84: {  	_ =	shalt  }
0x85: {  	_ =	shalt  }
0x86: {  	_ =	shalt  }
0x87: {  	_ =	shalt  }
.Lfunc_end0:
.L_simem_size_0:
called_computation_lowered:
.L_overlay_start_0:
0x88: {  	s2 =	sld [smem:$0x3FD9]  }
0x89: {  	s3 =	sld [smem:$0x3FFE];
	_ =	sdelay $0x1  }
0x8a: {  	s1 =	srdreg.scid  }
0x8b: {  	s0 =	sand.u32 $0x1, s1  }
0x8c: {  	s17 =	sshll.u32 s0, $0xA;
	s2 =	sadd.s32 s3, s2  }
0x8d: {  	s2 =	sadd.s32 s2, s17  }
0x8e: {  	[smem:$0x3FC4] =	sst s2  }
0x8f: {  	_ = 	snop  }
0x90: {  	s2 =	sld [smem:$0x3FC8];
	(tm) =	ssettm $0x1  }
0x91: {  	s18 =	sld [smem:$0x3FFB];
	_ =	sdelay $0x3  }
0x92: {  	_ =	strace s18  }
0x93: {  	s3 =	sld [smem:$0x3FFC];
	_ =	sdelay $0x3  }
0x94: {  	_ =	strace s3  }
0x95: {  	s3 =	sld [smem:$0x3FFD];
	_ =	sdelay $0x3  }
0x96: {  	_ =	strace s3  }
0x97: {  	_ =	strace $0x8FFFFFFF  }
0x98: {  	s19 =	sld [smem:$0x3FDB];
	_ =	sdelay $0x1  }
0x99: {  	s4 =	simm.s32 $_scs_section_size  }
0x9a: {  	s5 =	simm.s32 $_size__tile_overlayer_lowered;
	s6 =	simm.s32 $_tile_overlayer_lowered  }
0x9b: {  	s22 =	simm.s32 $0x1BFF;
	s21 =	sshll.u32 s6, $0x1;
	s3 =	sadd.s32 s4, s19  }
0x9c: {  	s7 =	simm.s32 $0x0;
	s20 =	sshll.u32 s5, $0x1;
	s5 =	sadd.s32 s21, s3  }
0x9d: {  	[timem:s7], [sflag:s22] =	dma.local [hbm:s5], s20  }
0x9e: {  	_ =	swait.ge [sflag:s22], s20  }
0x9f: {  	s4 =	ssub.s32 $0x0, s20;
	[sflag:s22] =	ssyncset.done $0x0  }
0xa0: {  	[sflag:s22] =	ssyncadd.s32 s4;
	_ =	sdelay $0x1  }
0xa1: {  	s23 =	simm.s32 $0x1B8B  }
0xa2: {  	_ =	swait.ge [sflag:s23], $0x1  }
0xa3: {  	[sflag:s23] =	ssyncset.done $0x0  }
0xa4: {  	s25 =	simm.s32 $0x1B8E;
	s24 =	sld [smem:$0x3FFE];
	[sflag:s23] =	ssyncadd.s32 $0xFFFFFFFF  }
0xa5: {  	s26 =	simm.s32 $execute0_lowered;
	[smem:$0x3FD2] =	sst s25  }
0xa6: {  	s5 =	sshll.u32 s26, $0x1;
	_ =	strace $0x80000046;
	[dreg:$0x1] =	wrdreg $0xFFFFFFFF  }
0xa7: {  	s28 =	simm.s32 $_size_execute0_lowered;
	s3 =	sadd.s32 s3, s5;
	[dreg:$0x0] =	wrdreg $0x0  }
0xa8: {  	s5 =	sshll.u32 s28, $0x1;
	[dreg:$0x2] =	wrdreg s3  }
0xa9: {  	[dreg:$0x3] =	wrdreg s5  }
0xaa: {  	[dreg:$0x4] =	wrdreg $0xC0  }
0xab: {  	_ =	task [dreg:s7], $0x5FFFF  }
0xac: {  	[dreg:$0x1] =	wrdreg $0xFFFFFFFF  }
0xad: {  	[dreg:$0x0] =	wrdreg $0x60  }
0xae: {  	[dreg:$0x2] =	wrdreg s24  }
0xaf: {  	[dreg:$0x3] =	wrdreg s2  }
0xb0: {  	[dreg:$0x4] =	wrdreg $0x9  }
0xb1: {  	_ =	task.clear_ibuf [dreg:s7], $0x5FFFF;
	_ =	strace $0x90000046  }
0xb2: {  	s29 =	simm.s32 $0x9;
	_ =	strace $0x80000048  }
0xb3: {  	_ =	swait.ge [sflag:s29], $0x1  }
0xb4: {  	[sflag:s29] =	ssyncadd.s32 $0xFFFFFFFF  }
0xb5: {  	_ =	strace $0x90000048  }
0xb6: {  	_ =	sfence  }
0xb7: {  	s30 =	sld [smem:$0x0];
	_ =	sdelay $0x2  }
0xb8: {  	s31 =	sshll.u32 s1, $0xD;
	s1 =	sshrl.u32 s1, $0x2  }
0xb9: {  	s3 =	sand.u32 $0x4000, s31;
	s1 =	sadd.s32 s1, s30  }
0xba: {  	s0 =	sor.u32 s3, s0;
	s1 =	sshll.u32 s1, $0x11  }
0xbb: {  	s0 =	sor.u32 s1, s0  }
0xbc: {  	s0 =	sadd.s32 $0x8F2B, s0  }
0xbd: {  	[sflag:s0] =	ssyncadd.remote.s32 $0x1  }
0xbe: {  	_ =	sfence.sel $0xFFFF  }
0xbf: {  	[dreg:$0x0] =	wrdreg $0xFFFFFFFF;
	(pc) =	sbr.abs _section_cstart, $3  }
0xc0: {  	[dreg:$0x1] =	wrdreg $0xFFFFFFFF  }
0xc1: {  	_ =	task.clear_ibuf [dreg:s7], $0x2FFFF;
	_ =	strace $0x9FFFFFFF  }
0xc2: {  	(tm) =	ssettm $0x7FFFFFFF  }
0xc3: {  	_ =	shalt  }
tec
execute0_lowered:
.L_overlay_start_1:
0x0: {  	(tag) =	ssettag $0x1  }
0x1: {  	s0 =	rddreg [dreg:$0x0]  }
0x2: {  	s2 =	rddreg [dreg:$0x1];
	s1 =	srdreg.scid;
	s3 =	simm.s32 $0x0  }
0x3: {  	s7 =	stileid.u32;
	s17 =	simm.s32 $0x80;
	s18 =	simm.s32 $0x400  }
0x4: {  	s19 =	simm.s32 $0x1C700;
	s20 =	simm.s32 $0x1D700;
	s21 =	simm.s32 $0x4000  }
0x5: {  	s22 =	simm.s32 $0x4;
	s23 =	simm.s32 $0x1;
	s24 =	simm.s32 $0x2  }
0x6: {  	s25 =	simm.s32 $0x3;
	s1 =	sand.u32 $0x1, s1;
	[smem:$0x7FF] =	sst s3  }
0x7: {  	s4 =	sshll.u32 s7, $0x2;
	s5 =	sadd.s32 $0x1000, s0;
	s8 =	sshrl.u32 s7, $0x1  }
0x8: {  	s13 =	sadd.s32 $0x13000, s0;
	s15 =	sadd.s32 $0x14000, s0;
	s6 =	sshll.u32 s1, $0x1  }
0x9: {  	_ =	strace $0x80000047;
	s1 =	ssub.s32 $0x2, s1;
	s6 =	sor.u32 s6, s4  }
0xa: {  	s9 =	sshll.u32 s8, $0x11;
	s11 =	sshrl.u32 s1, $0x1;
	s30 =	sshll.u32 s6, $0x7  }
0xb: {  	s10 =	smul.u32 $0xC3800, s8;
	s1 =	ssub.s32 s1, s11;
	s7 =	sand.u32 $0x300, s30  }
0xc: {  	s8 =	sadd.s32 $0x11000, s0;
	s16 =	smax.u32 s1, $0x1;
	s9 =	sor.u32 s9, s7  }
0xd: {  	s12 =	sor.u32 s10, s7;
	s10 =	sadd.s32 $0x12000, s0;
	s31 =	sshrl.u32 s9, $0x3  }
0xe: {  	s14 =	sor.u32 $0x80, s7;
	s12 =	sshrl.u32 s12, $0x3;
	s9 =	sadd.s32 s8, s31  }
0xf: {  	s11 =	sadd.s32 s31, s10;
	s12 =	sadd.s32 s2, s12;
	[dreg:$0x3] =	wrdreg s9  }
.LBB2_1:
0x10: {  	s0 =	rddreg [dreg:$0x3]  }
0x11: {  	[hbm4b:s0+s17] =	stream.strided.scatter [tilespmem:s19], [sflag:$0x2], $0x1000, s18, s17, $0x38;
	[tilespmem:$0x1E700] =	vst v63  }
0x12: {  	_ = 	snop  }
0x13: {  	[hbm4b:s11+s17] =	stream.strided.scatter [tilespmem:s20], [sflag:$0x3], $0x1000, s18, s17, $0x38;
	[tilespmem:$0x1E700] =	vst v63  }
0x14: {  	s26 =	simm.s32 $0x0  }
0x15: {  	[tilespmem:s21], [sflag:$0x1] =	stream.strided.gather [hbm4b:s12+s17], $0x18700, s18, s17, $0x38;
	[tilespmem:$0x1E700] =	vst v63  }
.LBB2_2:
0x16: {  	s0 =	sshll.u32 s26, $0x4  }
0x17: {  	s1 =	sshll.u32 s26, $0xB;
	s0 =	sand.u32 $0x70, s0  }
0x18: {  	s1 =	sand.u32 $0x4000, s1;
	s0 =	sadd.s32 s5, s0  }
0x19: {  	s9 =	simm.s32 $0x0;
	s0 =	sadd.s32 s1, s0  }
0x1a: {  	[tilespmem:s9], [sflag:$0x4] =	stream.strided.gather [hbm4b:s0+s17], $0x4000, s18, s17, $0x38;
	[tilespmem:$0x1E700] =	vst v63  }
0x1b: {  	_ =	swait.ge [sflag:s22], $0x4000  }
0x1c: {  	[sflag:s22] =	ssyncset.done $0x0  }
0x1d: {  	[sflag:s22] =	ssyncadd.s32 $0xFFFFC000  }
0x1e: {  	_ =	swait.ge [sflag:s23], $0x18700  }
0x1f: {  	[sflag:s23] =	ssyncset.done $0x0  }
0x20: {  	[sflag:s23] =	ssyncadd.s32 $0xFFFE7900  }
0x21: {  	_ =	swait.ge [sflag:s24], $0x1000  }
0x22: {  	[sflag:s24] =	ssyncset.done $0x0  }
0x23: {  	s31 =	simm.s32 $0x0;
	[sflag:s24] =	ssyncadd.s32 $0xFFFFF000  }
0x24: {  	v14 =	vld [tilespmem:s31+$0x0]  }
0x25: {  	v0 =	vld [tilespmem:s31+$0x10]  }
0x26: {  	v1 =	vld [tilespmem:s31+$0x20]  }
0x27: {  	v2 =	vld [tilespmem:s31+$0x30]  }
0x28: {  	v3 =	vld [tilespmem:s31+$0x40]  }
0x29: {  	v4 =	vld [tilespmem:s31+$0x50]  }
0x2a: {  	v5 =	vld [tilespmem:s31+$0x60]  }
0x2b: {  	v7 =	vld [tilespmem:s31+$0x70]  }
0x2c: {  	v8 =	vld [tilespmem:s31+$0x80]  }
0x2d: {  	v6 =	vld [tilespmem:s31+$0x90]  }
0x2e: {  	s1 =	sshll.u32 s26, $0x6;
	v9 =	vld [tilespmem:s31+$0xA0]  }
0x2f: {  	s28 =	sor.u32 s6, s1;
	v10 =	vld [tilespmem:s31+$0xB0]  }
0x30: {  	s29 =	sshll.u32 s28, $0xE;
	v11 =	vld [tilespmem:s31+$0xC0]  }
0x31: {  	s9 =	sand.u32 $0xFE0000, s29;
	v12 =	vld [tilespmem:s31+$0xD0]  }
0x32: {  	s0 =	sor.u32 s7, s9;
	v13 =	vld [tilespmem:s31+$0xE0]  }
0x33: {  	s30 =	sshrl.u32 s0, $0x3;
	v15 =	vld [tilespmem:s31+$0xF0]  }
0x34: {  	s1 =	simm.s32 $0x400;
	s0 =	sadd.s32 s8, s30;
	v14 =	vld.idx.msk [tilespmem:v14+s21+$0x0], $0xffff  }
.LBB2_3:
0x35: {  	p0 =	sne.s32 s1, $0x3C00;
	v16 =	vld.idx.msk [tilespmem:v0+s21+$0x0], $0xffff  }
0x36: {  	v17 =	vld.idx.msk [tilespmem:v1+s21+$0x0], $0xffff  }
0x37: {  	v18 =	vld.idx.msk [tilespmem:v2+s21+$0x0], $0xffff  }
0x38: {  	v19 =	vld.idx.msk [tilespmem:v3+s21+$0x0], $0xffff  }
0x39: {  	v20 =	vld.idx.msk [tilespmem:v4+s21+$0x0], $0xffff  }
0x3a: {  	v21 =	vld.idx.msk [tilespmem:v5+s21+$0x0], $0xffff  }
0x3b: {  	v22 =	vld.idx.msk [tilespmem:v7+s21+$0x0], $0xffff  }
0x3c: {  	v23 =	vld.idx.msk [tilespmem:v8+s21+$0x0], $0xffff  }
0x3d: {  	v0 =	vld.idx.msk [tilespmem:v15+s21+$0x0], $0xffff  }
0x3e: {  	v15 =	vld.idx.msk [tilespmem:v6+s21+$0x0], $0xffff  }
0x3f: {  	v24 =	vld.idx.msk [tilespmem:v9+s21+$0x0], $0xffff  }
0x40: {  	v25 =	vld.idx.msk [tilespmem:v10+s21+$0x0], $0xffff  }
0x41: {  	v26 =	vld.idx.msk [tilespmem:v11+s21+$0x0], $0xffff  }
0x42: {  	v27 =	vld.idx.msk [tilespmem:v12+s21+$0x0], $0xffff  }
0x43: {  	s9 =	sshra.s32 s1, $0x2;
	v28 =	vld.idx.msk [tilespmem:v13+s21+$0x0], $0xffff;
	[tilespmem:s31+$0x1C7F0] =	vst v0  }
0x44: {  	v29 =	vld [tilespmem:s9+$0x0];
	[tilespmem:s31+$0x1C700] =	vst v14  }
0x45: {  	v0 =	vld [tilespmem:s9+$0x10];
	[tilespmem:s31+$0x1C710] =	vst v16  }
0x46: {  	v1 =	vld [tilespmem:s9+$0x20];
	[tilespmem:s31+$0x1C720] =	vst v17  }
0x47: {  	v2 =	vld [tilespmem:s9+$0x30];
	[tilespmem:s31+$0x1C730] =	vst v18  }
0x48: {  	v3 =	vld [tilespmem:s9+$0x40];
	[tilespmem:s31+$0x1C740] =	vst v19  }
0x49: {  	v4 =	vld [tilespmem:s9+$0x50];
	[tilespmem:s31+$0x1C750] =	vst v20  }
0x4a: {  	v5 =	vld [tilespmem:s9+$0x60];
	[tilespmem:s31+$0x1C760] =	vst v21  }
0x4b: {  	v7 =	vld [tilespmem:s9+$0x70];
	[tilespmem:s31+$0x1C770] =	vst v22  }
0x4c: {  	v8 =	vld [tilespmem:s9+$0x80];
	[tilespmem:s31+$0x1C780] =	vst v23  }
0x4d: {  	v6 =	vld [tilespmem:s9+$0x90];
	[tilespmem:s31+$0x1C790] =	vst v15  }
0x4e: {  	v9 =	vld [tilespmem:s9+$0xA0];
	[tilespmem:s31+$0x1C7A0] =	vst v24  }
0x4f: {  	v10 =	vld [tilespmem:s9+$0xB0];
	[tilespmem:s31+$0x1C7B0] =	vst v25  }
.Ltmp0:
0x50: {  	v11 =	vld [tilespmem:s9+$0xC0];
	[tilespmem:s31+$0x1C7C0] =	vst v26;
	(pc) =	sbr.rel @p0 .LBB2_3-.Ltmp0, $4  }
0x51: {  	v12 =	vld [tilespmem:s9+$0xD0];
	[tilespmem:s31+$0x1C7D0] =	vst v27  }
0x52: {  	v13 =	vld [tilespmem:s9+$0xE0];
	[tilespmem:s31+$0x1C7E0] =	vst v28;
	s31 =	smov.u32 s9  }
0x53: {  	v15 =	vld [tilespmem:s31+$0xF0]  }
0x54: {  	s1 =	sadd.s32 $0x400, s1;
	v14 =	vld.idx.msk [tilespmem:v29+s21+$0x0], $0xffff  }
0x55: {  	_ =	sdelay $0x3  }
0x56: {  	v0 =	vld.idx.msk [tilespmem:v0+s21+$0x0], $0xffff  }
0x57: {  	v1 =	vld.idx.msk [tilespmem:v1+s21+$0x0], $0xffff  }
0x58: {  	v2 =	vld.idx.msk [tilespmem:v2+s21+$0x0], $0xffff  }
0x59: {  	v3 =	vld.idx.msk [tilespmem:v3+s21+$0x0], $0xffff  }
0x5a: {  	v4 =	vld.idx.msk [tilespmem:v4+s21+$0x0], $0xffff  }
0x5b: {  	v5 =	vld.idx.msk [tilespmem:v5+s21+$0x0], $0xffff  }
0x5c: {  	v7 =	vld.idx.msk [tilespmem:v7+s21+$0x0], $0xffff  }
0x5d: {  	v8 =	vld.idx.msk [tilespmem:v8+s21+$0x0], $0xffff  }
0x5e: {  	v6 =	vld.idx.msk [tilespmem:v6+s21+$0x0], $0xffff  }
0x5f: {  	v9 =	vld.idx.msk [tilespmem:v9+s21+$0x0], $0xffff  }
0x60: {  	v10 =	vld.idx.msk [tilespmem:v10+s21+$0x0], $0xffff  }
0x61: {  	v11 =	vld.idx.msk [tilespmem:v11+s21+$0x0], $0xffff  }
0x62: {  	v12 =	vld.idx.msk [tilespmem:v12+s21+$0x0], $0xffff  }
0x63: {  	v13 =	vld.idx.msk [tilespmem:v13+s21+$0x0], $0xffff  }
0x64: {  	v15 =	vld.idx.msk [tilespmem:v15+s21+$0x0], $0xffff;
	[tilespmem:s31+$0x1C700] =	vst v14  }
0x65: {  	[tilespmem:s31+$0x1C710] =	vst v0  }
0x66: {  	[tilespmem:s31+$0x1C720] =	vst v1  }
0x67: {  	[tilespmem:s31+$0x1C730] =	vst v2  }
0x68: {  	[tilespmem:s31+$0x1C740] =	vst v3  }
0x69: {  	[tilespmem:s31+$0x1C750] =	vst v4  }
0x6a: {  	[tilespmem:s31+$0x1C760] =	vst v5  }
0x6b: {  	[tilespmem:s31+$0x1C770] =	vst v7  }
0x6c: {  	[tilespmem:s31+$0x1C780] =	vst v8  }
0x6d: {  	[tilespmem:s31+$0x1C790] =	vst v6  }
0x6e: {  	[tilespmem:s31+$0x1C7A0] =	vst v9  }
0x6f: {  	[tilespmem:s31+$0x1C7B0] =	vst v10  }
0x70: {  	[tilespmem:s31+$0x1C7C0] =	vst v11  }
0x71: {  	[tilespmem:s31+$0x1C7D0] =	vst v12  }
0x72: {  	[tilespmem:s31+$0x1C7E0] =	vst v13  }
0x73: {  	[tilespmem:s31+$0x1C7F0] =	vst v15  }
0x74: {  	[hbm4b:s0+s17] =	stream.strided.scatter [tilespmem:s19], [sflag:$0x2], $0x1000, s18, s17, $0x38;
	[tilespmem:$0x1E700] =	vst v63  }
0x75: {  	_ =	swait.ge [sflag:s25], $0x1000  }
0x76: {  	[sflag:s25] =	ssyncset.done $0x0  }
0x77: {  	s31 =	simm.s32 $0x0;
	[sflag:s25] =	ssyncadd.s32 $0xFFFFF000  }
0x78: {  	v14 =	vld [tilespmem:s31+$0x1000]  }
0x79: {  	v0 =	vld [tilespmem:s31+$0x1010]  }
0x7a: {  	v1 =	vld [tilespmem:s31+$0x1020]  }
0x7b: {  	v2 =	vld [tilespmem:s31+$0x1030]  }
0x7c: {  	v3 =	vld [tilespmem:s31+$0x1040]  }
0x7d: {  	v4 =	vld [tilespmem:s31+$0x1050]  }
0x7e: {  	v5 =	vld [tilespmem:s31+$0x1060]  }
0x7f: {  	v7 =	vld [tilespmem:s31+$0x1070]  }
0x80: {  	v9 =	vld [tilespmem:s31+$0x1080]  }
0x81: {  	v6 =	vld [tilespmem:s31+$0x1090]  }
0x82: {  	v8 =	vld [tilespmem:s31+$0x10A0]  }
0x83: {  	v10 =	vld [tilespmem:s31+$0x10B0]  }
0x84: {  	v11 =	vld [tilespmem:s31+$0x10C0]  }
0x85: {  	v12 =	vld [tilespmem:s31+$0x10D0]  }
0x86: {  	v13 =	vld [tilespmem:s31+$0x10E0]  }
0x87: {  	v15 =	vld [tilespmem:s31+$0x10F0]  }
0x88: {  	s1 =	simm.s32 $0x400;
	s0 =	sadd.s32 s30, s10;
	v14 =	vld.idx.msk [tilespmem:v14+s21+$0x0], $0xffff  }
.LBB2_5:
0x89: {  	p0 =	sne.s32 s1, $0x3C00;
	v16 =	vld.idx.msk [tilespmem:v0+s21+$0x0], $0xffff  }
0x8a: {  	v17 =	vld.idx.msk [tilespmem:v1+s21+$0x0], $0xffff  }
0x8b: {  	v18 =	vld.idx.msk [tilespmem:v2+s21+$0x0], $0xffff  }
0x8c: {  	v19 =	vld.idx.msk [tilespmem:v3+s21+$0x0], $0xffff  }
0x8d: {  	v20 =	vld.idx.msk [tilespmem:v4+s21+$0x0], $0xffff  }
0x8e: {  	v21 =	vld.idx.msk [tilespmem:v5+s21+$0x0], $0xffff  }
0x8f: {  	v22 =	vld.idx.msk [tilespmem:v7+s21+$0x0], $0xffff  }
0x90: {  	v23 =	vld.idx.msk [tilespmem:v9+s21+$0x0], $0xffff  }
0x91: {  	v0 =	vld.idx.msk [tilespmem:v15+s21+$0x0], $0xffff  }
0x92: {  	v15 =	vld.idx.msk [tilespmem:v6+s21+$0x0], $0xffff  }
0x93: {  	v24 =	vld.idx.msk [tilespmem:v8+s21+$0x0], $0xffff  }
0x94: {  	v25 =	vld.idx.msk [tilespmem:v10+s21+$0x0], $0xffff  }
0x95: {  	v26 =	vld.idx.msk [tilespmem:v11+s21+$0x0], $0xffff  }
0x96: {  	v27 =	vld.idx.msk [tilespmem:v12+s21+$0x0], $0xffff  }
0x97: {  	s9 =	sshra.s32 s1, $0x2;
	v28 =	vld.idx.msk [tilespmem:v13+s21+$0x0], $0xffff;
	[tilespmem:s31+$0x1D7F0] =	vst v0  }
0x98: {  	v29 =	vld [tilespmem:s9+$0x1000];
	[tilespmem:s31+$0x1D700] =	vst v14  }
0x99: {  	v0 =	vld [tilespmem:s9+$0x1010];
	[tilespmem:s31+$0x1D710] =	vst v16  }
0x9a: {  	v1 =	vld [tilespmem:s9+$0x1020];
	[tilespmem:s31+$0x1D720] =	vst v17  }
0x9b: {  	v2 =	vld [tilespmem:s9+$0x1030];
	[tilespmem:s31+$0x1D730] =	vst v18  }
0x9c: {  	v3 =	vld [tilespmem:s9+$0x1040];
	[tilespmem:s31+$0x1D740] =	vst v19  }
0x9d: {  	v4 =	vld [tilespmem:s9+$0x1050];
	[tilespmem:s31+$0x1D750] =	vst v20  }
0x9e: {  	v5 =	vld [tilespmem:s9+$0x1060];
	[tilespmem:s31+$0x1D760] =	vst v21  }
0x9f: {  	v7 =	vld [tilespmem:s9+$0x1070];
	[tilespmem:s31+$0x1D770] =	vst v22  }
0xa0: {  	v9 =	vld [tilespmem:s9+$0x1080];
	[tilespmem:s31+$0x1D780] =	vst v23  }
0xa1: {  	v6 =	vld [tilespmem:s9+$0x1090];
	[tilespmem:s31+$0x1D790] =	vst v15  }
0xa2: {  	v8 =	vld [tilespmem:s9+$0x10A0];
	[tilespmem:s31+$0x1D7A0] =	vst v24  }
0xa3: {  	v10 =	vld [tilespmem:s9+$0x10B0];
	[tilespmem:s31+$0x1D7B0] =	vst v25  }
.Ltmp1:
0xa4: {  	v11 =	vld [tilespmem:s9+$0x10C0];
	[tilespmem:s31+$0x1D7C0] =	vst v26;
	(pc) =	sbr.rel @p0 .LBB2_5-.Ltmp1, $4  }
0xa5: {  	v12 =	vld [tilespmem:s9+$0x10D0];
	[tilespmem:s31+$0x1D7D0] =	vst v27  }
0xa6: {  	v13 =	vld [tilespmem:s9+$0x10E0];
	[tilespmem:s31+$0x1D7E0] =	vst v28;
	s31 =	smov.u32 s9  }
0xa7: {  	v15 =	vld [tilespmem:s31+$0x10F0]  }
0xa8: {  	s1 =	sadd.s32 $0x400, s1;
	v14 =	vld.idx.msk [tilespmem:v29+s21+$0x0], $0xffff  }
0xa9: {  	_ =	sdelay $0x3  }
0xaa: {  	v0 =	vld.idx.msk [tilespmem:v0+s21+$0x0], $0xffff  }
0xab: {  	v1 =	vld.idx.msk [tilespmem:v1+s21+$0x0], $0xffff  }
0xac: {  	v2 =	vld.idx.msk [tilespmem:v2+s21+$0x0], $0xffff  }
0xad: {  	v3 =	vld.idx.msk [tilespmem:v3+s21+$0x0], $0xffff  }
0xae: {  	v4 =	vld.idx.msk [tilespmem:v4+s21+$0x0], $0xffff  }
0xaf: {  	v5 =	vld.idx.msk [tilespmem:v5+s21+$0x0], $0xffff  }
0xb0: {  	v7 =	vld.idx.msk [tilespmem:v7+s21+$0x0], $0xffff  }
0xb1: {  	v9 =	vld.idx.msk [tilespmem:v9+s21+$0x0], $0xffff  }
0xb2: {  	v6 =	vld.idx.msk [tilespmem:v6+s21+$0x0], $0xffff  }
0xb3: {  	v8 =	vld.idx.msk [tilespmem:v8+s21+$0x0], $0xffff  }
0xb4: {  	v10 =	vld.idx.msk [tilespmem:v10+s21+$0x0], $0xffff  }
0xb5: {  	v11 =	vld.idx.msk [tilespmem:v11+s21+$0x0], $0xffff  }
0xb6: {  	v12 =	vld.idx.msk [tilespmem:v12+s21+$0x0], $0xffff  }
0xb7: {  	v13 =	vld.idx.msk [tilespmem:v13+s21+$0x0], $0xffff  }
0xb8: {  	v15 =	vld.idx.msk [tilespmem:v15+s21+$0x0], $0xffff;
	[tilespmem:s31+$0x1D700] =	vst v14  }
0xb9: {  	[tilespmem:s31+$0x1D710] =	vst v0  }
0xba: {  	[tilespmem:s31+$0x1D720] =	vst v1  }
0xbb: {  	[tilespmem:s31+$0x1D730] =	vst v2  }
0xbc: {  	[tilespmem:s31+$0x1D740] =	vst v3  }
0xbd: {  	[tilespmem:s31+$0x1D750] =	vst v4  }
0xbe: {  	[tilespmem:s31+$0x1D760] =	vst v5  }
0xbf: {  	[tilespmem:s31+$0x1D770] =	vst v7  }
0xc0: {  	[tilespmem:s31+$0x1D780] =	vst v9  }
0xc1: {  	[tilespmem:s31+$0x1D790] =	vst v6  }
0xc2: {  	[tilespmem:s31+$0x1D7A0] =	vst v8  }
0xc3: {  	[tilespmem:s31+$0x1D7B0] =	vst v10  }
0xc4: {  	[tilespmem:s31+$0x1D7C0] =	vst v11  }
0xc5: {  	[tilespmem:s31+$0x1D7D0] =	vst v12  }
0xc6: {  	[tilespmem:s31+$0x1D7E0] =	vst v13  }
0xc7: {  	[tilespmem:s31+$0x1D7F0] =	vst v15  }
0xc8: {  	[hbm4b:s0+s17] =	stream.strided.scatter [tilespmem:s20], [sflag:$0x3], $0x1000, s18, s17, $0x38;
	[tilespmem:$0x1E700] =	vst v63  }
0xc9: {  	_ =	swait.ge [sflag:s24], $0x1000  }
0xca: {  	[sflag:s24] =	ssyncset.done $0x0  }
0xcb: {  	s31 =	simm.s32 $0x0;
	[sflag:s24] =	ssyncadd.s32 $0xFFFFF000  }
0xcc: {  	v14 =	vld [tilespmem:s31+$0x2000]  }
0xcd: {  	v0 =	vld [tilespmem:s31+$0x2010]  }
0xce: {  	v1 =	vld [tilespmem:s31+$0x2020]  }
0xcf: {  	v2 =	vld [tilespmem:s31+$0x2030]  }
0xd0: {  	v3 =	vld [tilespmem:s31+$0x2040]  }
0xd1: {  	v4 =	vld [tilespmem:s31+$0x2050]  }
0xd2: {  	v5 =	vld [tilespmem:s31+$0x2060]  }
0xd3: {  	v7 =	vld [tilespmem:s31+$0x2070]  }
0xd4: {  	v9 =	vld [tilespmem:s31+$0x2080]  }
0xd5: {  	v6 =	vld [tilespmem:s31+$0x2090]  }
0xd6: {  	v8 =	vld [tilespmem:s31+$0x20A0]  }
0xd7: {  	v10 =	vld [tilespmem:s31+$0x20B0]  }
0xd8: {  	v11 =	vld [tilespmem:s31+$0x20C0]  }
0xd9: {  	v12 =	vld [tilespmem:s31+$0x20D0]  }
0xda: {  	v13 =	vld [tilespmem:s31+$0x20E0]  }
0xdb: {  	v15 =	vld [tilespmem:s31+$0x20F0]  }
0xdc: {  	s1 =	simm.s32 $0x400;
	s0 =	sadd.s32 s30, s13;
	v14 =	vld.idx.msk [tilespmem:v14+s21+$0x0], $0xffff  }
.LBB2_7:
0xdd: {  	p0 =	sne.s32 s1, $0x3C00;
	v16 =	vld.idx.msk [tilespmem:v0+s21+$0x0], $0xffff  }
0xde: {  	v17 =	vld.idx.msk [tilespmem:v1+s21+$0x0], $0xffff  }
0xdf: {  	v18 =	vld.idx.msk [tilespmem:v2+s21+$0x0], $0xffff  }
0xe0: {  	v19 =	vld.idx.msk [tilespmem:v3+s21+$0x0], $0xffff  }
0xe1: {  	v20 =	vld.idx.msk [tilespmem:v4+s21+$0x0], $0xffff  }
0xe2: {  	v21 =	vld.idx.msk [tilespmem:v5+s21+$0x0], $0xffff  }
0xe3: {  	v22 =	vld.idx.msk [tilespmem:v7+s21+$0x0], $0xffff  }
0xe4: {  	v23 =	vld.idx.msk [tilespmem:v9+s21+$0x0], $0xffff  }
0xe5: {  	v0 =	vld.idx.msk [tilespmem:v15+s21+$0x0], $0xffff  }
0xe6: {  	v15 =	vld.idx.msk [tilespmem:v6+s21+$0x0], $0xffff  }
0xe7: {  	v24 =	vld.idx.msk [tilespmem:v8+s21+$0x0], $0xffff  }
0xe8: {  	v25 =	vld.idx.msk [tilespmem:v10+s21+$0x0], $0xffff  }
0xe9: {  	v26 =	vld.idx.msk [tilespmem:v11+s21+$0x0], $0xffff  }
0xea: {  	v27 =	vld.idx.msk [tilespmem:v12+s21+$0x0], $0xffff  }
0xeb: {  	s9 =	sshra.s32 s1, $0x2;
	v28 =	vld.idx.msk [tilespmem:v13+s21+$0x0], $0xffff;
	[tilespmem:s31+$0x1C7F0] =	vst v0  }
0xec: {  	v29 =	vld [tilespmem:s9+$0x2000];
	[tilespmem:s31+$0x1C700] =	vst v14  }
0xed: {  	v0 =	vld [tilespmem:s9+$0x2010];
	[tilespmem:s31+$0x1C710] =	vst v16  }
0xee: {  	v1 =	vld [tilespmem:s9+$0x2020];
	[tilespmem:s31+$0x1C720] =	vst v17  }
0xef: {  	v2 =	vld [tilespmem:s9+$0x2030];
	[tilespmem:s31+$0x1C730] =	vst v18  }
0xf0: {  	v3 =	vld [tilespmem:s9+$0x2040];
	[tilespmem:s31+$0x1C740] =	vst v19  }
0xf1: {  	v4 =	vld [tilespmem:s9+$0x2050];
	[tilespmem:s31+$0x1C750] =	vst v20  }
0xf2: {  	v5 =	vld [tilespmem:s9+$0x2060];
	[tilespmem:s31+$0x1C760] =	vst v21  }
0xf3: {  	v7 =	vld [tilespmem:s9+$0x2070];
	[tilespmem:s31+$0x1C770] =	vst v22  }
0xf4: {  	v9 =	vld [tilespmem:s9+$0x2080];
	[tilespmem:s31+$0x1C780] =	vst v23  }
0xf5: {  	v6 =	vld [tilespmem:s9+$0x2090];
	[tilespmem:s31+$0x1C790] =	vst v15  }
0xf6: {  	v8 =	vld [tilespmem:s9+$0x20A0];
	[tilespmem:s31+$0x1C7A0] =	vst v24  }
0xf7: {  	v10 =	vld [tilespmem:s9+$0x20B0];
	[tilespmem:s31+$0x1C7B0] =	vst v25  }
.Ltmp2:
0xf8: {  	v11 =	vld [tilespmem:s9+$0x20C0];
	[tilespmem:s31+$0x1C7C0] =	vst v26;
	(pc) =	sbr.rel @p0 .LBB2_7-.Ltmp2, $4  }
0xf9: {  	v12 =	vld [tilespmem:s9+$0x20D0];
	[tilespmem:s31+$0x1C7D0] =	vst v27  }
0xfa: {  	v13 =	vld [tilespmem:s9+$0x20E0];
	[tilespmem:s31+$0x1C7E0] =	vst v28;
	s31 =	smov.u32 s9  }
0xfb: {  	v15 =	vld [tilespmem:s31+$0x20F0]  }
0xfc: {  	s1 =	sadd.s32 $0x400, s1;
	v14 =	vld.idx.msk [tilespmem:v29+s21+$0x0], $0xffff  }
0xfd: {  	_ =	sdelay $0x3  }
0xfe: {  	v0 =	vld.idx.msk [tilespmem:v0+s21+$0x0], $0xffff  }
0xff: {  	v1 =	vld.idx.msk [tilespmem:v1+s21+$0x0], $0xffff  }
0x100: {  	v2 =	vld.idx.msk [tilespmem:v2+s21+$0x0], $0xffff  }
0x101: {  	v3 =	vld.idx.msk [tilespmem:v3+s21+$0x0], $0xffff  }
0x102: {  	v4 =	vld.idx.msk [tilespmem:v4+s21+$0x0], $0xffff  }
0x103: {  	v5 =	vld.idx.msk [tilespmem:v5+s21+$0x0], $0xffff  }
0x104: {  	v7 =	vld.idx.msk [tilespmem:v7+s21+$0x0], $0xffff  }
0x105: {  	v9 =	vld.idx.msk [tilespmem:v9+s21+$0x0], $0xffff  }
0x106: {  	v6 =	vld.idx.msk [tilespmem:v6+s21+$0x0], $0xffff  }
0x107: {  	v8 =	vld.idx.msk [tilespmem:v8+s21+$0x0], $0xffff  }
0x108: {  	v10 =	vld.idx.msk [tilespmem:v10+s21+$0x0], $0xffff  }
0x109: {  	v11 =	vld.idx.msk [tilespmem:v11+s21+$0x0], $0xffff  }
0x10a: {  	v12 =	vld.idx.msk [tilespmem:v12+s21+$0x0], $0xffff  }
0x10b: {  	v13 =	vld.idx.msk [tilespmem:v13+s21+$0x0], $0xffff  }
0x10c: {  	v15 =	vld.idx.msk [tilespmem:v15+s21+$0x0], $0xffff;
	[tilespmem:s31+$0x1C700] =	vst v14  }
0x10d: {  	[tilespmem:s31+$0x1C710] =	vst v0  }
0x10e: {  	[tilespmem:s31+$0x1C720] =	vst v1  }
0x10f: {  	[tilespmem:s31+$0x1C730] =	vst v2  }
0x110: {  	[tilespmem:s31+$0x1C740] =	vst v3  }
0x111: {  	[tilespmem:s31+$0x1C750] =	vst v4  }
0x112: {  	[tilespmem:s31+$0x1C760] =	vst v5  }
0x113: {  	[tilespmem:s31+$0x1C770] =	vst v7  }
0x114: {  	[tilespmem:s31+$0x1C780] =	vst v9  }
0x115: {  	[tilespmem:s31+$0x1C790] =	vst v6  }
0x116: {  	[tilespmem:s31+$0x1C7A0] =	vst v8  }
0x117: {  	[tilespmem:s31+$0x1C7B0] =	vst v10  }
0x118: {  	[tilespmem:s31+$0x1C7C0] =	vst v11  }
0x119: {  	[tilespmem:s31+$0x1C7D0] =	vst v12  }
0x11a: {  	[tilespmem:s31+$0x1C7E0] =	vst v13  }
0x11b: {  	[tilespmem:s31+$0x1C7F0] =	vst v15  }
0x11c: {  	[hbm4b:s0+s17] =	stream.strided.scatter [tilespmem:s19], [sflag:$0x2], $0x1000, s18, s17, $0x38;
	[tilespmem:$0x1E700] =	vst v63  }
0x11d: {  	_ =	swait.ge [sflag:s25], $0x1000  }
0x11e: {  	[sflag:s25] =	ssyncset.done $0x0  }
0x11f: {  	s30 =	simm.s32 $0x0;
	[sflag:s25] =	ssyncadd.s32 $0xFFFFF000  }
0x120: {  	v14 =	vld [tilespmem:s30+$0x3000]  }
0x121: {  	v0 =	vld [tilespmem:s30+$0x3010]  }
0x122: {  	v1 =	vld [tilespmem:s30+$0x3020]  }
0x123: {  	v2 =	vld [tilespmem:s30+$0x3030]  }
0x124: {  	v3 =	vld [tilespmem:s30+$0x3040]  }
0x125: {  	v4 =	vld [tilespmem:s30+$0x3050]  }
0x126: {  	v5 =	vld [tilespmem:s30+$0x3060]  }
0x127: {  	v7 =	vld [tilespmem:s30+$0x3070]  }
0x128: {  	v9 =	vld [tilespmem:s30+$0x3080]  }
0x129: {  	v6 =	vld [tilespmem:s30+$0x3090]  }
0x12a: {  	v8 =	vld [tilespmem:s30+$0x30A0]  }
0x12b: {  	v10 =	vld [tilespmem:s30+$0x30B0]  }
0x12c: {  	v11 =	vld [tilespmem:s30+$0x30C0]  }
0x12d: {  	s31 =	sor.u32 s7, s29;
	v12 =	vld [tilespmem:s30+$0x30D0]  }
0x12e: {  	s0 =	sshrl.u32 s31, $0x3;
	v13 =	vld [tilespmem:s30+$0x30E0]  }
0x12f: {  	s0 =	sor.u32 $0x3000, s0;
	v15 =	vld [tilespmem:s30+$0x30F0]  }
0x130: {  	s29 =	sadd.s32 s8, s0;
	s0 =	simm.s32 $0x400;
	v14 =	vld.idx.msk [tilespmem:v14+s21+$0x0], $0xffff  }
.LBB2_9:
0x131: {  	p0 =	sne.s32 s0, $0x3C00;
	v16 =	vld.idx.msk [tilespmem:v0+s21+$0x0], $0xffff  }
0x132: {  	v17 =	vld.idx.msk [tilespmem:v1+s21+$0x0], $0xffff  }
0x133: {  	v18 =	vld.idx.msk [tilespmem:v2+s21+$0x0], $0xffff  }
0x134: {  	v19 =	vld.idx.msk [tilespmem:v3+s21+$0x0], $0xffff  }
0x135: {  	v20 =	vld.idx.msk [tilespmem:v4+s21+$0x0], $0xffff  }
0x136: {  	v21 =	vld.idx.msk [tilespmem:v5+s21+$0x0], $0xffff  }
0x137: {  	v22 =	vld.idx.msk [tilespmem:v7+s21+$0x0], $0xffff  }
0x138: {  	v23 =	vld.idx.msk [tilespmem:v9+s21+$0x0], $0xffff  }
0x139: {  	v0 =	vld.idx.msk [tilespmem:v15+s21+$0x0], $0xffff  }
0x13a: {  	v15 =	vld.idx.msk [tilespmem:v6+s21+$0x0], $0xffff  }
0x13b: {  	v24 =	vld.idx.msk [tilespmem:v8+s21+$0x0], $0xffff  }
0x13c: {  	v25 =	vld.idx.msk [tilespmem:v10+s21+$0x0], $0xffff  }
0x13d: {  	v26 =	vld.idx.msk [tilespmem:v11+s21+$0x0], $0xffff  }
0x13e: {  	v27 =	vld.idx.msk [tilespmem:v12+s21+$0x0], $0xffff  }
0x13f: {  	s1 =	sshra.s32 s0, $0x2;
	v28 =	vld.idx.msk [tilespmem:v13+s21+$0x0], $0xffff;
	[tilespmem:s30+$0x1D7F0] =	vst v0  }
0x140: {  	v29 =	vld [tilespmem:s1+$0x3000];
	[tilespmem:s30+$0x1D700] =	vst v14  }
0x141: {  	v0 =	vld [tilespmem:s1+$0x3010];
	[tilespmem:s30+$0x1D710] =	vst v16  }
0x142: {  	v1 =	vld [tilespmem:s1+$0x3020];
	[tilespmem:s30+$0x1D720] =	vst v17  }
0x143: {  	v2 =	vld [tilespmem:s1+$0x3030];
	[tilespmem:s30+$0x1D730] =	vst v18  }
0x144: {  	v3 =	vld [tilespmem:s1+$0x3040];
	[tilespmem:s30+$0x1D740] =	vst v19  }
0x145: {  	v4 =	vld [tilespmem:s1+$0x3050];
	[tilespmem:s30+$0x1D750] =	vst v20  }
0x146: {  	v5 =	vld [tilespmem:s1+$0x3060];
	[tilespmem:s30+$0x1D760] =	vst v21  }
0x147: {  	v7 =	vld [tilespmem:s1+$0x3070];
	[tilespmem:s30+$0x1D770] =	vst v22  }
0x148: {  	v9 =	vld [tilespmem:s1+$0x3080];
	[tilespmem:s30+$0x1D780] =	vst v23  }
0x149: {  	v6 =	vld [tilespmem:s1+$0x3090];
	[tilespmem:s30+$0x1D790] =	vst v15  }
0x14a: {  	v8 =	vld [tilespmem:s1+$0x30A0];
	[tilespmem:s30+$0x1D7A0] =	vst v24  }
0x14b: {  	v10 =	vld [tilespmem:s1+$0x30B0];
	[tilespmem:s30+$0x1D7B0] =	vst v25  }
.Ltmp3:
0x14c: {  	v11 =	vld [tilespmem:s1+$0x30C0];
	[tilespmem:s30+$0x1D7C0] =	vst v26;
	(pc) =	sbr.rel @p0 .LBB2_9-.Ltmp3, $4  }
0x14d: {  	v12 =	vld [tilespmem:s1+$0x30D0];
	[tilespmem:s30+$0x1D7D0] =	vst v27  }
0x14e: {  	v13 =	vld [tilespmem:s1+$0x30E0];
	[tilespmem:s30+$0x1D7E0] =	vst v28;
	s30 =	smov.u32 s1  }
0x14f: {  	v15 =	vld [tilespmem:s30+$0x30F0]  }
0x150: {  	s0 =	sadd.s32 $0x400, s0;
	v14 =	vld.idx.msk [tilespmem:v29+s21+$0x0], $0xffff  }
0x151: {  	_ =	sdelay $0x3  }
0x152: {  	v0 =	vld.idx.msk [tilespmem:v0+s21+$0x0], $0xffff  }
0x153: {  	v1 =	vld.idx.msk [tilespmem:v1+s21+$0x0], $0xffff  }
0x154: {  	v2 =	vld.idx.msk [tilespmem:v2+s21+$0x0], $0xffff  }
0x155: {  	v3 =	vld.idx.msk [tilespmem:v3+s21+$0x0], $0xffff  }
0x156: {  	v4 =	vld.idx.msk [tilespmem:v4+s21+$0x0], $0xffff  }
0x157: {  	v5 =	vld.idx.msk [tilespmem:v5+s21+$0x0], $0xffff  }
0x158: {  	v7 =	vld.idx.msk [tilespmem:v7+s21+$0x0], $0xffff  }
0x159: {  	v9 =	vld.idx.msk [tilespmem:v9+s21+$0x0], $0xffff  }
0x15a: {  	v6 =	vld.idx.msk [tilespmem:v6+s21+$0x0], $0xffff  }
0x15b: {  	v8 =	vld.idx.msk [tilespmem:v8+s21+$0x0], $0xffff  }
0x15c: {  	v10 =	vld.idx.msk [tilespmem:v10+s21+$0x0], $0xffff  }
0x15d: {  	v11 =	vld.idx.msk [tilespmem:v11+s21+$0x0], $0xffff  }
0x15e: {  	v12 =	vld.idx.msk [tilespmem:v12+s21+$0x0], $0xffff  }
0x15f: {  	v13 =	vld.idx.msk [tilespmem:v13+s21+$0x0], $0xffff  }
0x160: {  	v15 =	vld.idx.msk [tilespmem:v15+s21+$0x0], $0xffff;
	[tilespmem:s30+$0x1D700] =	vst v14  }
0x161: {  	[tilespmem:s30+$0x1D710] =	vst v0  }
0x162: {  	[tilespmem:s30+$0x1D720] =	vst v1  }
0x163: {  	[tilespmem:s30+$0x1D730] =	vst v2  }
0x164: {  	[tilespmem:s30+$0x1D740] =	vst v3  }
0x165: {  	[tilespmem:s30+$0x1D750] =	vst v4  }
0x166: {  	[tilespmem:s30+$0x1D760] =	vst v5  }
0x167: {  	[tilespmem:s30+$0x1D770] =	vst v7  }
0x168: {  	[tilespmem:s30+$0x1D780] =	vst v9  }
0x169: {  	[tilespmem:s30+$0x1D790] =	vst v6  }
0x16a: {  	[tilespmem:s30+$0x1D7A0] =	vst v8  }
0x16b: {  	s0 =	sshrl.u32 s28, $0x3;
	[tilespmem:s30+$0x1D7B0] =	vst v10  }
0x16c: {  	s1 =	smul.u32 $0xC3800, s0;
	[tilespmem:s30+$0x1D7C0] =	vst v11  }
0x16d: {  	[tilespmem:s30+$0x1D7D0] =	vst v12  }
0x16e: {  	s1 =	sor.u32 s14, s1;
	[tilespmem:s30+$0x1D7E0] =	vst v13  }
0x16f: {  	s1 =	sshrl.u32 s1, $0x3;
	[tilespmem:s30+$0x1D7F0] =	vst v15  }
0x170: {  	[hbm4b:s29+s17] =	stream.strided.scatter [tilespmem:s20], [sflag:$0x3], $0x1000, s18, s17, $0x38;
	[tilespmem:$0x1E700] =	vst v63  }
0x171: {  	s1 =	sadd.s32 s2, s1  }
0x172: {  	[tilespmem:s21], [sflag:$0x1] =	stream.strided.gather [hbm4b:s1+s17], $0x18700, s18, s17, $0x38;
	[tilespmem:$0x1E700] =	vst v63  }
0x173: {  	_ =	swait.ge [sflag:s23], $0x18700  }
0x174: {  	[sflag:s23] =	ssyncset.done $0x0  }
0x175: {  	[sflag:s23] =	ssyncadd.s32 $0xFFFE7900  }
0x176: {  	_ =	swait.ge [sflag:s24], $0x1000  }
0x177: {  	[sflag:s24] =	ssyncset.done $0x0  }
0x178: {  	s29 =	simm.s32 $0x0;
	[sflag:s24] =	ssyncadd.s32 $0xFFFFF000  }
0x179: {  	v14 =	vld [tilespmem:s29+$0x0]  }
0x17a: {  	v0 =	vld [tilespmem:s29+$0x10]  }
0x17b: {  	v1 =	vld [tilespmem:s29+$0x20]  }
0x17c: {  	v2 =	vld [tilespmem:s29+$0x30]  }
0x17d: {  	v3 =	vld [tilespmem:s29+$0x40]  }
0x17e: {  	v4 =	vld [tilespmem:s29+$0x50]  }
0x17f: {  	v5 =	vld [tilespmem:s29+$0x60]  }
0x180: {  	v7 =	vld [tilespmem:s29+$0x70]  }
0x181: {  	v9 =	vld [tilespmem:s29+$0x80]  }
0x182: {  	v6 =	vld [tilespmem:s29+$0x90]  }
0x183: {  	v8 =	vld [tilespmem:s29+$0xA0]  }
0x184: {  	v10 =	vld [tilespmem:s29+$0xB0]  }
0x185: {  	v11 =	vld [tilespmem:s29+$0xC0]  }
0x186: {  	s0 =	sshll.u32 s0, $0x11;
	v12 =	vld [tilespmem:s29+$0xD0]  }
0x187: {  	s0 =	sor.u32 s14, s0;
	v13 =	vld [tilespmem:s29+$0xE0]  }
0x188: {  	s28 =	sshrl.u32 s0, $0x3;
	v15 =	vld [tilespmem:s29+$0xF0]  }
0x189: {  	s0 =	sadd.s32 s8, s28;
	s1 =	simm.s32 $0x400;
	v14 =	vld.idx.msk [tilespmem:v14+s21+$0x0], $0xffff  }
.LBB2_11:
0x18a: {  	p0 =	sne.s32 s1, $0x3C00;
	v16 =	vld.idx.msk [tilespmem:v0+s21+$0x0], $0xffff  }
0x18b: {  	v17 =	vld.idx.msk [tilespmem:v1+s21+$0x0], $0xffff  }
0x18c: {  	v18 =	vld.idx.msk [tilespmem:v2+s21+$0x0], $0xffff  }
0x18d: {  	v19 =	vld.idx.msk [tilespmem:v3+s21+$0x0], $0xffff  }
0x18e: {  	v20 =	vld.idx.msk [tilespmem:v4+s21+$0x0], $0xffff  }
0x18f: {  	v21 =	vld.idx.msk [tilespmem:v5+s21+$0x0], $0xffff  }
0x190: {  	v22 =	vld.idx.msk [tilespmem:v7+s21+$0x0], $0xffff  }
0x191: {  	v23 =	vld.idx.msk [tilespmem:v9+s21+$0x0], $0xffff  }
0x192: {  	v0 =	vld.idx.msk [tilespmem:v15+s21+$0x0], $0xffff  }
0x193: {  	v15 =	vld.idx.msk [tilespmem:v6+s21+$0x0], $0xffff  }
0x194: {  	v24 =	vld.idx.msk [tilespmem:v8+s21+$0x0], $0xffff  }
0x195: {  	v25 =	vld.idx.msk [tilespmem:v10+s21+$0x0], $0xffff  }
0x196: {  	v26 =	vld.idx.msk [tilespmem:v11+s21+$0x0], $0xffff  }
0x197: {  	v27 =	vld.idx.msk [tilespmem:v12+s21+$0x0], $0xffff  }
0x198: {  	s9 =	sshra.s32 s1, $0x2;
	v28 =	vld.idx.msk [tilespmem:v13+s21+$0x0], $0xffff;
	[tilespmem:s29+$0x1C7F0] =	vst v0  }
0x199: {  	v29 =	vld [tilespmem:s9+$0x0];
	[tilespmem:s29+$0x1C700] =	vst v14  }
0x19a: {  	v0 =	vld [tilespmem:s9+$0x10];
	[tilespmem:s29+$0x1C710] =	vst v16  }
0x19b: {  	v1 =	vld [tilespmem:s9+$0x20];
	[tilespmem:s29+$0x1C720] =	vst v17  }
0x19c: {  	v2 =	vld [tilespmem:s9+$0x30];
	[tilespmem:s29+$0x1C730] =	vst v18  }
0x19d: {  	v3 =	vld [tilespmem:s9+$0x40];
	[tilespmem:s29+$0x1C740] =	vst v19  }
0x19e: {  	v4 =	vld [tilespmem:s9+$0x50];
	[tilespmem:s29+$0x1C750] =	vst v20  }
0x19f: {  	v5 =	vld [tilespmem:s9+$0x60];
	[tilespmem:s29+$0x1C760] =	vst v21  }
0x1a0: {  	v7 =	vld [tilespmem:s9+$0x70];
	[tilespmem:s29+$0x1C770] =	vst v22  }
0x1a1: {  	v9 =	vld [tilespmem:s9+$0x80];
	[tilespmem:s29+$0x1C780] =	vst v23  }
0x1a2: {  	v6 =	vld [tilespmem:s9+$0x90];
	[tilespmem:s29+$0x1C790] =	vst v15  }
0x1a3: {  	v8 =	vld [tilespmem:s9+$0xA0];
	[tilespmem:s29+$0x1C7A0] =	vst v24  }
0x1a4: {  	v10 =	vld [tilespmem:s9+$0xB0];
	[tilespmem:s29+$0x1C7B0] =	vst v25  }
.Ltmp4:
0x1a5: {  	v11 =	vld [tilespmem:s9+$0xC0];
	[tilespmem:s29+$0x1C7C0] =	vst v26;
	(pc) =	sbr.rel @p0 .LBB2_11-.Ltmp4, $4  }
0x1a6: {  	v12 =	vld [tilespmem:s9+$0xD0];
	[tilespmem:s29+$0x1C7D0] =	vst v27  }
0x1a7: {  	v13 =	vld [tilespmem:s9+$0xE0];
	[tilespmem:s29+$0x1C7E0] =	vst v28;
	s29 =	smov.u32 s9  }
0x1a8: {  	v15 =	vld [tilespmem:s29+$0xF0]  }
0x1a9: {  	s1 =	sadd.s32 $0x400, s1;
	v14 =	vld.idx.msk [tilespmem:v29+s21+$0x0], $0xffff  }
0x1aa: {  	_ =	sdelay $0x3  }
0x1ab: {  	v0 =	vld.idx.msk [tilespmem:v0+s21+$0x0], $0xffff  }
0x1ac: {  	v1 =	vld.idx.msk [tilespmem:v1+s21+$0x0], $0xffff  }
0x1ad: {  	v2 =	vld.idx.msk [tilespmem:v2+s21+$0x0], $0xffff  }
0x1ae: {  	v3 =	vld.idx.msk [tilespmem:v3+s21+$0x0], $0xffff  }
0x1af: {  	v4 =	vld.idx.msk [tilespmem:v4+s21+$0x0], $0xffff  }
0x1b0: {  	v5 =	vld.idx.msk [tilespmem:v5+s21+$0x0], $0xffff  }
0x1b1: {  	v7 =	vld.idx.msk [tilespmem:v7+s21+$0x0], $0xffff  }
0x1b2: {  	v9 =	vld.idx.msk [tilespmem:v9+s21+$0x0], $0xffff  }
0x1b3: {  	v6 =	vld.idx.msk [tilespmem:v6+s21+$0x0], $0xffff  }
0x1b4: {  	v8 =	vld.idx.msk [tilespmem:v8+s21+$0x0], $0xffff  }
0x1b5: {  	v10 =	vld.idx.msk [tilespmem:v10+s21+$0x0], $0xffff  }
0x1b6: {  	v11 =	vld.idx.msk [tilespmem:v11+s21+$0x0], $0xffff  }
0x1b7: {  	v12 =	vld.idx.msk [tilespmem:v12+s21+$0x0], $0xffff  }
0x1b8: {  	v13 =	vld.idx.msk [tilespmem:v13+s21+$0x0], $0xffff  }
0x1b9: {  	v15 =	vld.idx.msk [tilespmem:v15+s21+$0x0], $0xffff;
	[tilespmem:s29+$0x1C700] =	vst v14  }
0x1ba: {  	[tilespmem:s29+$0x1C710] =	vst v0  }
0x1bb: {  	[tilespmem:s29+$0x1C720] =	vst v1  }
0x1bc: {  	[tilespmem:s29+$0x1C730] =	vst v2  }
0x1bd: {  	[tilespmem:s29+$0x1C740] =	vst v3  }
0x1be: {  	[tilespmem:s29+$0x1C750] =	vst v4  }
0x1bf: {  	[tilespmem:s29+$0x1C760] =	vst v5  }
0x1c0: {  	[tilespmem:s29+$0x1C770] =	vst v7  }
0x1c1: {  	[tilespmem:s29+$0x1C780] =	vst v9  }
0x1c2: {  	[tilespmem:s29+$0x1C790] =	vst v6  }
0x1c3: {  	[tilespmem:s29+$0x1C7A0] =	vst v8  }
0x1c4: {  	[tilespmem:s29+$0x1C7B0] =	vst v10  }
0x1c5: {  	[tilespmem:s29+$0x1C7C0] =	vst v11  }
0x1c6: {  	[tilespmem:s29+$0x1C7D0] =	vst v12  }
0x1c7: {  	[tilespmem:s29+$0x1C7E0] =	vst v13  }
0x1c8: {  	[tilespmem:s29+$0x1C7F0] =	vst v15  }
0x1c9: {  	[hbm4b:s0+s17] =	stream.strided.scatter [tilespmem:s19], [sflag:$0x2], $0x1000, s18, s17, $0x38;
	[tilespmem:$0x1E700] =	vst v63  }
0x1ca: {  	_ =	swait.ge [sflag:s25], $0x1000  }
0x1cb: {  	[sflag:s25] =	ssyncset.done $0x0  }
0x1cc: {  	s29 =	simm.s32 $0x0;
	[sflag:s25] =	ssyncadd.s32 $0xFFFFF000  }
0x1cd: {  	v14 =	vld [tilespmem:s29+$0x1000]  }
0x1ce: {  	v0 =	vld [tilespmem:s29+$0x1010]  }
0x1cf: {  	v1 =	vld [tilespmem:s29+$0x1020]  }
0x1d0: {  	v2 =	vld [tilespmem:s29+$0x1030]  }
0x1d1: {  	v3 =	vld [tilespmem:s29+$0x1040]  }
0x1d2: {  	v4 =	vld [tilespmem:s29+$0x1050]  }
0x1d3: {  	v5 =	vld [tilespmem:s29+$0x1060]  }
0x1d4: {  	v7 =	vld [tilespmem:s29+$0x1070]  }
0x1d5: {  	v9 =	vld [tilespmem:s29+$0x1080]  }
0x1d6: {  	v6 =	vld [tilespmem:s29+$0x1090]  }
0x1d7: {  	v8 =	vld [tilespmem:s29+$0x10A0]  }
0x1d8: {  	v10 =	vld [tilespmem:s29+$0x10B0]  }
0x1d9: {  	v11 =	vld [tilespmem:s29+$0x10C0]  }
0x1da: {  	v12 =	vld [tilespmem:s29+$0x10D0]  }
0x1db: {  	v13 =	vld [tilespmem:s29+$0x10E0]  }
0x1dc: {  	v15 =	vld [tilespmem:s29+$0x10F0]  }
0x1dd: {  	s1 =	simm.s32 $0x400;
	s0 =	sadd.s32 s28, s10;
	v14 =	vld.idx.msk [tilespmem:v14+s21+$0x0], $0xffff  }
.LBB2_13:
0x1de: {  	p0 =	sne.s32 s1, $0x3C00;
	v16 =	vld.idx.msk [tilespmem:v0+s21+$0x0], $0xffff  }
0x1df: {  	v17 =	vld.idx.msk [tilespmem:v1+s21+$0x0], $0xffff  }
0x1e0: {  	v18 =	vld.idx.msk [tilespmem:v2+s21+$0x0], $0xffff  }
0x1e1: {  	v19 =	vld.idx.msk [tilespmem:v3+s21+$0x0], $0xffff  }
0x1e2: {  	v20 =	vld.idx.msk [tilespmem:v4+s21+$0x0], $0xffff  }
0x1e3: {  	v21 =	vld.idx.msk [tilespmem:v5+s21+$0x0], $0xffff  }
0x1e4: {  	v22 =	vld.idx.msk [tilespmem:v7+s21+$0x0], $0xffff  }
0x1e5: {  	v23 =	vld.idx.msk [tilespmem:v9+s21+$0x0], $0xffff  }
0x1e6: {  	v0 =	vld.idx.msk [tilespmem:v15+s21+$0x0], $0xffff  }
0x1e7: {  	v15 =	vld.idx.msk [tilespmem:v6+s21+$0x0], $0xffff  }
0x1e8: {  	v24 =	vld.idx.msk [tilespmem:v8+s21+$0x0], $0xffff  }
0x1e9: {  	v25 =	vld.idx.msk [tilespmem:v10+s21+$0x0], $0xffff  }
0x1ea: {  	v26 =	vld.idx.msk [tilespmem:v11+s21+$0x0], $0xffff  }
0x1eb: {  	v27 =	vld.idx.msk [tilespmem:v12+s21+$0x0], $0xffff  }
0x1ec: {  	s9 =	sshra.s32 s1, $0x2;
	v28 =	vld.idx.msk [tilespmem:v13+s21+$0x0], $0xffff;
	[tilespmem:s29+$0x1D7F0] =	vst v0  }
0x1ed: {  	v29 =	vld [tilespmem:s9+$0x1000];
	[tilespmem:s29+$0x1D700] =	vst v14  }
0x1ee: {  	v0 =	vld [tilespmem:s9+$0x1010];
	[tilespmem:s29+$0x1D710] =	vst v16  }
0x1ef: {  	v1 =	vld [tilespmem:s9+$0x1020];
	[tilespmem:s29+$0x1D720] =	vst v17  }
0x1f0: {  	v2 =	vld [tilespmem:s9+$0x1030];
	[tilespmem:s29+$0x1D730] =	vst v18  }
0x1f1: {  	v3 =	vld [tilespmem:s9+$0x1040];
	[tilespmem:s29+$0x1D740] =	vst v19  }
0x1f2: {  	v4 =	vld [tilespmem:s9+$0x1050];
	[tilespmem:s29+$0x1D750] =	vst v20  }
0x1f3: {  	v5 =	vld [tilespmem:s9+$0x1060];
	[tilespmem:s29+$0x1D760] =	vst v21  }
0x1f4: {  	v7 =	vld [tilespmem:s9+$0x1070];
	[tilespmem:s29+$0x1D770] =	vst v22  }
0x1f5: {  	v9 =	vld [tilespmem:s9+$0x1080];
	[tilespmem:s29+$0x1D780] =	vst v23  }
0x1f6: {  	v6 =	vld [tilespmem:s9+$0x1090];
	[tilespmem:s29+$0x1D790] =	vst v15  }
0x1f7: {  	v8 =	vld [tilespmem:s9+$0x10A0];
	[tilespmem:s29+$0x1D7A0] =	vst v24  }
0x1f8: {  	v10 =	vld [tilespmem:s9+$0x10B0];
	[tilespmem:s29+$0x1D7B0] =	vst v25  }
.Ltmp5:
0x1f9: {  	v11 =	vld [tilespmem:s9+$0x10C0];
	[tilespmem:s29+$0x1D7C0] =	vst v26;
	(pc) =	sbr.rel @p0 .LBB2_13-.Ltmp5, $4  }
0x1fa: {  	v12 =	vld [tilespmem:s9+$0x10D0];
	[tilespmem:s29+$0x1D7D0] =	vst v27  }
0x1fb: {  	v13 =	vld [tilespmem:s9+$0x10E0];
	[tilespmem:s29+$0x1D7E0] =	vst v28;
	s29 =	smov.u32 s9  }
0x1fc: {  	v15 =	vld [tilespmem:s29+$0x10F0]  }
0x1fd: {  	s1 =	sadd.s32 $0x400, s1;
	v14 =	vld.idx.msk [tilespmem:v29+s21+$0x0], $0xffff  }
0x1fe: {  	_ =	sdelay $0x3  }
0x1ff: {  	v0 =	vld.idx.msk [tilespmem:v0+s21+$0x0], $0xffff  }
0x200: {  	v1 =	vld.idx.msk [tilespmem:v1+s21+$0x0], $0xffff  }
0x201: {  	v2 =	vld.idx.msk [tilespmem:v2+s21+$0x0], $0xffff  }
0x202: {  	v3 =	vld.idx.msk [tilespmem:v3+s21+$0x0], $0xffff  }
0x203: {  	v4 =	vld.idx.msk [tilespmem:v4+s21+$0x0], $0xffff  }
0x204: {  	v5 =	vld.idx.msk [tilespmem:v5+s21+$0x0], $0xffff  }
0x205: {  	v7 =	vld.idx.msk [tilespmem:v7+s21+$0x0], $0xffff  }
0x206: {  	v9 =	vld.idx.msk [tilespmem:v9+s21+$0x0], $0xffff  }
0x207: {  	v6 =	vld.idx.msk [tilespmem:v6+s21+$0x0], $0xffff  }
0x208: {  	v8 =	vld.idx.msk [tilespmem:v8+s21+$0x0], $0xffff  }
0x209: {  	v10 =	vld.idx.msk [tilespmem:v10+s21+$0x0], $0xffff  }
0x20a: {  	v11 =	vld.idx.msk [tilespmem:v11+s21+$0x0], $0xffff  }
0x20b: {  	v12 =	vld.idx.msk [tilespmem:v12+s21+$0x0], $0xffff  }
0x20c: {  	v13 =	vld.idx.msk [tilespmem:v13+s21+$0x0], $0xffff  }
0x20d: {  	v15 =	vld.idx.msk [tilespmem:v15+s21+$0x0], $0xffff;
	[tilespmem:s29+$0x1D700] =	vst v14  }
0x20e: {  	[tilespmem:s29+$0x1D710] =	vst v0  }
0x20f: {  	[tilespmem:s29+$0x1D720] =	vst v1  }
0x210: {  	[tilespmem:s29+$0x1D730] =	vst v2  }
0x211: {  	[tilespmem:s29+$0x1D740] =	vst v3  }
0x212: {  	[tilespmem:s29+$0x1D750] =	vst v4  }
0x213: {  	[tilespmem:s29+$0x1D760] =	vst v5  }
0x214: {  	[tilespmem:s29+$0x1D770] =	vst v7  }
0x215: {  	[tilespmem:s29+$0x1D780] =	vst v9  }
0x216: {  	[tilespmem:s29+$0x1D790] =	vst v6  }
0x217: {  	[tilespmem:s29+$0x1D7A0] =	vst v8  }
0x218: {  	[tilespmem:s29+$0x1D7B0] =	vst v10  }
0x219: {  	[tilespmem:s29+$0x1D7C0] =	vst v11  }
0x21a: {  	[tilespmem:s29+$0x1D7D0] =	vst v12  }
0x21b: {  	[tilespmem:s29+$0x1D7E0] =	vst v13  }
0x21c: {  	[tilespmem:s29+$0x1D7F0] =	vst v15  }
0x21d: {  	[hbm4b:s0+s17] =	stream.strided.scatter [tilespmem:s20], [sflag:$0x3], $0x1000, s18, s17, $0x38;
	[tilespmem:$0x1E700] =	vst v63  }
0x21e: {  	_ =	swait.ge [sflag:s24], $0x1000  }
0x21f: {  	[sflag:s24] =	ssyncset.done $0x0  }
0x220: {  	s29 =	simm.s32 $0x0;
	[sflag:s24] =	ssyncadd.s32 $0xFFFFF000  }
0x221: {  	v14 =	vld [tilespmem:s29+$0x2000]  }
0x222: {  	v0 =	vld [tilespmem:s29+$0x2010]  }
0x223: {  	v1 =	vld [tilespmem:s29+$0x2020]  }
0x224: {  	v2 =	vld [tilespmem:s29+$0x2030]  }
0x225: {  	v3 =	vld [tilespmem:s29+$0x2040]  }
0x226: {  	v4 =	vld [tilespmem:s29+$0x2050]  }
0x227: {  	v5 =	vld [tilespmem:s29+$0x2060]  }
0x228: {  	v7 =	vld [tilespmem:s29+$0x2070]  }
0x229: {  	v9 =	vld [tilespmem:s29+$0x2080]  }
0x22a: {  	v6 =	vld [tilespmem:s29+$0x2090]  }
0x22b: {  	v8 =	vld [tilespmem:s29+$0x20A0]  }
0x22c: {  	v10 =	vld [tilespmem:s29+$0x20B0]  }
0x22d: {  	v11 =	vld [tilespmem:s29+$0x20C0]  }
0x22e: {  	v12 =	vld [tilespmem:s29+$0x20D0]  }
0x22f: {  	v13 =	vld [tilespmem:s29+$0x20E0]  }
0x230: {  	v15 =	vld [tilespmem:s29+$0x20F0]  }
0x231: {  	s1 =	simm.s32 $0x400;
	s0 =	sadd.s32 s28, s13;
	v14 =	vld.idx.msk [tilespmem:v14+s21+$0x0], $0xffff  }
.LBB2_15:
0x232: {  	p0 =	sne.s32 s1, $0x3C00;
	v16 =	vld.idx.msk [tilespmem:v0+s21+$0x0], $0xffff  }
0x233: {  	v17 =	vld.idx.msk [tilespmem:v1+s21+$0x0], $0xffff  }
0x234: {  	v18 =	vld.idx.msk [tilespmem:v2+s21+$0x0], $0xffff  }
0x235: {  	v19 =	vld.idx.msk [tilespmem:v3+s21+$0x0], $0xffff  }
0x236: {  	v20 =	vld.idx.msk [tilespmem:v4+s21+$0x0], $0xffff  }
0x237: {  	v21 =	vld.idx.msk [tilespmem:v5+s21+$0x0], $0xffff  }
0x238: {  	v22 =	vld.idx.msk [tilespmem:v7+s21+$0x0], $0xffff  }
0x239: {  	v23 =	vld.idx.msk [tilespmem:v9+s21+$0x0], $0xffff  }
0x23a: {  	v0 =	vld.idx.msk [tilespmem:v15+s21+$0x0], $0xffff  }
0x23b: {  	v15 =	vld.idx.msk [tilespmem:v6+s21+$0x0], $0xffff  }
0x23c: {  	v24 =	vld.idx.msk [tilespmem:v8+s21+$0x0], $0xffff  }
0x23d: {  	v25 =	vld.idx.msk [tilespmem:v10+s21+$0x0], $0xffff  }
0x23e: {  	v26 =	vld.idx.msk [tilespmem:v11+s21+$0x0], $0xffff  }
0x23f: {  	v27 =	vld.idx.msk [tilespmem:v12+s21+$0x0], $0xffff  }
0x240: {  	s9 =	sshra.s32 s1, $0x2;
	v28 =	vld.idx.msk [tilespmem:v13+s21+$0x0], $0xffff;
	[tilespmem:s29+$0x1C7F0] =	vst v0  }
0x241: {  	v29 =	vld [tilespmem:s9+$0x2000];
	[tilespmem:s29+$0x1C700] =	vst v14  }
0x242: {  	v0 =	vld [tilespmem:s9+$0x2010];
	[tilespmem:s29+$0x1C710] =	vst v16  }
0x243: {  	v1 =	vld [tilespmem:s9+$0x2020];
	[tilespmem:s29+$0x1C720] =	vst v17  }
0x244: {  	v2 =	vld [tilespmem:s9+$0x2030];
	[tilespmem:s29+$0x1C730] =	vst v18  }
0x245: {  	v3 =	vld [tilespmem:s9+$0x2040];
	[tilespmem:s29+$0x1C740] =	vst v19  }
0x246: {  	v4 =	vld [tilespmem:s9+$0x2050];
	[tilespmem:s29+$0x1C750] =	vst v20  }
0x247: {  	v5 =	vld [tilespmem:s9+$0x2060];
	[tilespmem:s29+$0x1C760] =	vst v21  }
0x248: {  	v7 =	vld [tilespmem:s9+$0x2070];
	[tilespmem:s29+$0x1C770] =	vst v22  }
0x249: {  	v9 =	vld [tilespmem:s9+$0x2080];
	[tilespmem:s29+$0x1C780] =	vst v23  }
0x24a: {  	v6 =	vld [tilespmem:s9+$0x2090];
	[tilespmem:s29+$0x1C790] =	vst v15  }
0x24b: {  	v8 =	vld [tilespmem:s9+$0x20A0];
	[tilespmem:s29+$0x1C7A0] =	vst v24  }
0x24c: {  	v10 =	vld [tilespmem:s9+$0x20B0];
	[tilespmem:s29+$0x1C7B0] =	vst v25  }
.Ltmp6:
0x24d: {  	v11 =	vld [tilespmem:s9+$0x20C0];
	[tilespmem:s29+$0x1C7C0] =	vst v26;
	(pc) =	sbr.rel @p0 .LBB2_15-.Ltmp6, $4  }
0x24e: {  	v12 =	vld [tilespmem:s9+$0x20D0];
	[tilespmem:s29+$0x1C7D0] =	vst v27  }
0x24f: {  	v13 =	vld [tilespmem:s9+$0x20E0];
	[tilespmem:s29+$0x1C7E0] =	vst v28;
	s29 =	smov.u32 s9  }
0x250: {  	v15 =	vld [tilespmem:s29+$0x20F0]  }
0x251: {  	s1 =	sadd.s32 $0x400, s1;
	v14 =	vld.idx.msk [tilespmem:v29+s21+$0x0], $0xffff  }
0x252: {  	_ =	sdelay $0x3  }
0x253: {  	v0 =	vld.idx.msk [tilespmem:v0+s21+$0x0], $0xffff  }
0x254: {  	v1 =	vld.idx.msk [tilespmem:v1+s21+$0x0], $0xffff  }
0x255: {  	v2 =	vld.idx.msk [tilespmem:v2+s21+$0x0], $0xffff  }
0x256: {  	v3 =	vld.idx.msk [tilespmem:v3+s21+$0x0], $0xffff  }
0x257: {  	v4 =	vld.idx.msk [tilespmem:v4+s21+$0x0], $0xffff  }
0x258: {  	v5 =	vld.idx.msk [tilespmem:v5+s21+$0x0], $0xffff  }
0x259: {  	v7 =	vld.idx.msk [tilespmem:v7+s21+$0x0], $0xffff  }
0x25a: {  	v9 =	vld.idx.msk [tilespmem:v9+s21+$0x0], $0xffff  }
0x25b: {  	v6 =	vld.idx.msk [tilespmem:v6+s21+$0x0], $0xffff  }
0x25c: {  	v8 =	vld.idx.msk [tilespmem:v8+s21+$0x0], $0xffff  }
0x25d: {  	v10 =	vld.idx.msk [tilespmem:v10+s21+$0x0], $0xffff  }
0x25e: {  	v11 =	vld.idx.msk [tilespmem:v11+s21+$0x0], $0xffff  }
0x25f: {  	v12 =	vld.idx.msk [tilespmem:v12+s21+$0x0], $0xffff  }
0x260: {  	v13 =	vld.idx.msk [tilespmem:v13+s21+$0x0], $0xffff  }
0x261: {  	v15 =	vld.idx.msk [tilespmem:v15+s21+$0x0], $0xffff;
	[tilespmem:s29+$0x1C700] =	vst v14  }
0x262: {  	[tilespmem:s29+$0x1C710] =	vst v0  }
0x263: {  	[tilespmem:s29+$0x1C720] =	vst v1  }
0x264: {  	[tilespmem:s29+$0x1C730] =	vst v2  }
0x265: {  	[tilespmem:s29+$0x1C740] =	vst v3  }
0x266: {  	[tilespmem:s29+$0x1C750] =	vst v4  }
0x267: {  	[tilespmem:s29+$0x1C760] =	vst v5  }
0x268: {  	[tilespmem:s29+$0x1C770] =	vst v7  }
0x269: {  	[tilespmem:s29+$0x1C780] =	vst v9  }
0x26a: {  	[tilespmem:s29+$0x1C790] =	vst v6  }
0x26b: {  	[tilespmem:s29+$0x1C7A0] =	vst v8  }
0x26c: {  	[tilespmem:s29+$0x1C7B0] =	vst v10  }
0x26d: {  	[tilespmem:s29+$0x1C7C0] =	vst v11  }
0x26e: {  	[tilespmem:s29+$0x1C7D0] =	vst v12  }
0x26f: {  	[tilespmem:s29+$0x1C7E0] =	vst v13  }
0x270: {  	[tilespmem:s29+$0x1C7F0] =	vst v15  }
0x271: {  	[hbm4b:s0+s17] =	stream.strided.scatter [tilespmem:s19], [sflag:$0x2], $0x1000, s18, s17, $0x38;
	[tilespmem:$0x1E700] =	vst v63  }
0x272: {  	_ =	swait.ge [sflag:s25], $0x1000  }
0x273: {  	[sflag:s25] =	ssyncset.done $0x0  }
0x274: {  	s29 =	simm.s32 $0x0;
	[sflag:s25] =	ssyncadd.s32 $0xFFFFF000  }
0x275: {  	v14 =	vld [tilespmem:s29+$0x3000]  }
0x276: {  	v0 =	vld [tilespmem:s29+$0x3010]  }
0x277: {  	v1 =	vld [tilespmem:s29+$0x3020]  }
0x278: {  	v2 =	vld [tilespmem:s29+$0x3030]  }
0x279: {  	v3 =	vld [tilespmem:s29+$0x3040]  }
0x27a: {  	v4 =	vld [tilespmem:s29+$0x3050]  }
0x27b: {  	v5 =	vld [tilespmem:s29+$0x3060]  }
0x27c: {  	v7 =	vld [tilespmem:s29+$0x3070]  }
0x27d: {  	v9 =	vld [tilespmem:s29+$0x3080]  }
0x27e: {  	v6 =	vld [tilespmem:s29+$0x3090]  }
0x27f: {  	v8 =	vld [tilespmem:s29+$0x30A0]  }
0x280: {  	v10 =	vld [tilespmem:s29+$0x30B0]  }
0x281: {  	v11 =	vld [tilespmem:s29+$0x30C0]  }
0x282: {  	v12 =	vld [tilespmem:s29+$0x30D0]  }
0x283: {  	v13 =	vld [tilespmem:s29+$0x30E0]  }
0x284: {  	v15 =	vld [tilespmem:s29+$0x30F0]  }
0x285: {  	s28 =	sadd.s32 s28, s15;
	s0 =	simm.s32 $0x400;
	v14 =	vld.idx.msk [tilespmem:v14+s21+$0x0], $0xffff  }
.LBB2_17:
0x286: {  	p0 =	sne.s32 s0, $0x3C00;
	v16 =	vld.idx.msk [tilespmem:v0+s21+$0x0], $0xffff  }
0x287: {  	v17 =	vld.idx.msk [tilespmem:v1+s21+$0x0], $0xffff  }
0x288: {  	v18 =	vld.idx.msk [tilespmem:v2+s21+$0x0], $0xffff  }
0x289: {  	v19 =	vld.idx.msk [tilespmem:v3+s21+$0x0], $0xffff  }
0x28a: {  	v20 =	vld.idx.msk [tilespmem:v4+s21+$0x0], $0xffff  }
0x28b: {  	v21 =	vld.idx.msk [tilespmem:v5+s21+$0x0], $0xffff  }
0x28c: {  	v22 =	vld.idx.msk [tilespmem:v7+s21+$0x0], $0xffff  }
0x28d: {  	v23 =	vld.idx.msk [tilespmem:v9+s21+$0x0], $0xffff  }
0x28e: {  	v0 =	vld.idx.msk [tilespmem:v15+s21+$0x0], $0xffff  }
0x28f: {  	v15 =	vld.idx.msk [tilespmem:v6+s21+$0x0], $0xffff  }
0x290: {  	v24 =	vld.idx.msk [tilespmem:v8+s21+$0x0], $0xffff  }
0x291: {  	v25 =	vld.idx.msk [tilespmem:v10+s21+$0x0], $0xffff  }
0x292: {  	v26 =	vld.idx.msk [tilespmem:v11+s21+$0x0], $0xffff  }
0x293: {  	v27 =	vld.idx.msk [tilespmem:v12+s21+$0x0], $0xffff  }
0x294: {  	s1 =	sshra.s32 s0, $0x2;
	v28 =	vld.idx.msk [tilespmem:v13+s21+$0x0], $0xffff;
	[tilespmem:s29+$0x1D7F0] =	vst v0  }
0x295: {  	v29 =	vld [tilespmem:s1+$0x3000];
	[tilespmem:s29+$0x1D700] =	vst v14  }
0x296: {  	v0 =	vld [tilespmem:s1+$0x3010];
	[tilespmem:s29+$0x1D710] =	vst v16  }
0x297: {  	v1 =	vld [tilespmem:s1+$0x3020];
	[tilespmem:s29+$0x1D720] =	vst v17  }
0x298: {  	v2 =	vld [tilespmem:s1+$0x3030];
	[tilespmem:s29+$0x1D730] =	vst v18  }
0x299: {  	v3 =	vld [tilespmem:s1+$0x3040];
	[tilespmem:s29+$0x1D740] =	vst v19  }
0x29a: {  	v4 =	vld [tilespmem:s1+$0x3050];
	[tilespmem:s29+$0x1D750] =	vst v20  }
0x29b: {  	v5 =	vld [tilespmem:s1+$0x3060];
	[tilespmem:s29+$0x1D760] =	vst v21  }
0x29c: {  	v7 =	vld [tilespmem:s1+$0x3070];
	[tilespmem:s29+$0x1D770] =	vst v22  }
0x29d: {  	v9 =	vld [tilespmem:s1+$0x3080];
	[tilespmem:s29+$0x1D780] =	vst v23  }
0x29e: {  	v6 =	vld [tilespmem:s1+$0x3090];
	[tilespmem:s29+$0x1D790] =	vst v15  }
0x29f: {  	v8 =	vld [tilespmem:s1+$0x30A0];
	[tilespmem:s29+$0x1D7A0] =	vst v24  }
0x2a0: {  	v10 =	vld [tilespmem:s1+$0x30B0];
	[tilespmem:s29+$0x1D7B0] =	vst v25  }
.Ltmp7:
0x2a1: {  	v11 =	vld [tilespmem:s1+$0x30C0];
	[tilespmem:s29+$0x1D7C0] =	vst v26;
	(pc) =	sbr.rel @p0 .LBB2_17-.Ltmp7, $4  }
0x2a2: {  	v12 =	vld [tilespmem:s1+$0x30D0];
	[tilespmem:s29+$0x1D7D0] =	vst v27  }
0x2a3: {  	v13 =	vld [tilespmem:s1+$0x30E0];
	[tilespmem:s29+$0x1D7E0] =	vst v28;
	s29 =	smov.u32 s1  }
0x2a4: {  	v15 =	vld [tilespmem:s29+$0x30F0]  }
0x2a5: {  	s0 =	sadd.s32 $0x400, s0;
	v14 =	vld.idx.msk [tilespmem:v29+s21+$0x0], $0xffff  }
0x2a6: {  	_ =	sdelay $0x3  }
0x2a7: {  	v0 =	vld.idx.msk [tilespmem:v0+s21+$0x0], $0xffff  }
0x2a8: {  	v1 =	vld.idx.msk [tilespmem:v1+s21+$0x0], $0xffff  }
0x2a9: {  	v2 =	vld.idx.msk [tilespmem:v2+s21+$0x0], $0xffff  }
0x2aa: {  	v3 =	vld.idx.msk [tilespmem:v3+s21+$0x0], $0xffff  }
0x2ab: {  	v4 =	vld.idx.msk [tilespmem:v4+s21+$0x0], $0xffff  }
0x2ac: {  	v5 =	vld.idx.msk [tilespmem:v5+s21+$0x0], $0xffff  }
0x2ad: {  	v7 =	vld.idx.msk [tilespmem:v7+s21+$0x0], $0xffff  }
0x2ae: {  	v9 =	vld.idx.msk [tilespmem:v9+s21+$0x0], $0xffff  }
0x2af: {  	v6 =	vld.idx.msk [tilespmem:v6+s21+$0x0], $0xffff  }
0x2b0: {  	v8 =	vld.idx.msk [tilespmem:v8+s21+$0x0], $0xffff  }
0x2b1: {  	v10 =	vld.idx.msk [tilespmem:v10+s21+$0x0], $0xffff  }
0x2b2: {  	v11 =	vld.idx.msk [tilespmem:v11+s21+$0x0], $0xffff  }
0x2b3: {  	v12 =	vld.idx.msk [tilespmem:v12+s21+$0x0], $0xffff  }
0x2b4: {  	v13 =	vld.idx.msk [tilespmem:v13+s21+$0x0], $0xffff  }
0x2b5: {  	v15 =	vld.idx.msk [tilespmem:v15+s21+$0x0], $0xffff;
	[tilespmem:s29+$0x1D700] =	vst v14  }
0x2b6: {  	[tilespmem:s29+$0x1D710] =	vst v0  }
0x2b7: {  	[tilespmem:s29+$0x1D720] =	vst v1  }
0x2b8: {  	[tilespmem:s29+$0x1D730] =	vst v2  }
0x2b9: {  	[tilespmem:s29+$0x1D740] =	vst v3  }
0x2ba: {  	[tilespmem:s29+$0x1D750] =	vst v4  }
0x2bb: {  	[tilespmem:s29+$0x1D760] =	vst v5  }
0x2bc: {  	s26 =	sadd.s32 $0x1, s26;
	[tilespmem:s29+$0x1D770] =	vst v7  }
0x2bd: {  	s0 =	smin.u32 s26, $0xC;
	[tilespmem:s29+$0x1D780] =	vst v9  }
0x2be: {  	s0 =	sshll.u32 s0, $0x6;
	[tilespmem:s29+$0x1D790] =	vst v6  }
0x2bf: {  	s0 =	sor.u32 s4, s0;
	[tilespmem:s29+$0x1D7A0] =	vst v8  }
0x2c0: {  	s0 =	sshrl.u32 s0, $0x3;
	[tilespmem:s29+$0x1D7B0] =	vst v10  }
0x2c1: {  	[tilespmem:s29+$0x1D7C0] =	vst v11;
	s0 =	smul.u32 $0xC3800, s0  }
0x2c2: {  	p0 =	sne.s32 s26, $0xD;
	[tilespmem:s29+$0x1D7D0] =	vst v12  }
.Ltmp8:
0x2c3: {  	[tilespmem:s29+$0x1D7E0] =	vst v13;
	s0 =	sor.u32 s7, s0;
	(pc) =	sbr.rel @p0 .LBB2_2-.Ltmp8, $4  }
0x2c4: {  	[tilespmem:s29+$0x1D7F0] =	vst v15;
	s0 =	sshrl.u32 s0, $0x3  }
0x2c5: {  	[hbm4b:s28+s17] =	stream.strided.scatter [tilespmem:s20], [sflag:$0x3], $0x1000, s18, s17, $0x38;
	[tilespmem:$0x1E700] =	vst v63  }
0x2c6: {  	s0 =	sadd.s32 s2, s0  }
0x2c7: {  	[tilespmem:s21], [sflag:$0x1] =	stream.strided.gather [hbm4b:s0+s17], $0x18700, s18, s17, $0x38;
	[tilespmem:$0x1E700] =	vst v63  }
0x2c8: {  	_ =	swait.ge [sflag:s23], $0x18700  }
0x2c9: {  	[sflag:s23] =	ssyncset.done $0x0  }
0x2ca: {  	s3 =	sadd.s32 $0x1, s3;
	[sflag:s23] =	ssyncadd.s32 $0xFFFE7900  }
0x2cb: {  	p0 =	sne.s32 s3, s16;
	_ =	swait.ge [sflag:s24], $0x1000  }
.Ltmp9:
0x2cc: {  	[sflag:s24] =	ssyncset.done $0x0;
	(pc) =	sbr.rel @p0 .LBB2_1-.Ltmp9, $4  }
0x2cd: {  	[sflag:s24] =	ssyncadd.s32 $0xFFFFF000  }
0x2ce: {  	_ =	swait.ge [sflag:s25], $0x1000  }
0x2cf: {  	[sflag:s25] =	ssyncset.done $0x0  }
0x2d0: {  	[sflag:s25] =	ssyncadd.s32 $0xFFFFF000  }
0x2d1: {  	_ =	sfence.sel $0x180000  }
0x2d2: {  	[bflag:$0x0] =	sbarrier.arrive $0xFFFF  }
0x2d3: {  	_ =	strace $0x90000047  }
0x2d4: {  	s0 =	stileid.u32;
	[bflag:$0x2] =	sbarrier.arrive $0xFFFF  }
0x2d5: {  	p0 =	sne.s32 s0, $0x0;
	s0 =	rddreg [dreg:$0x2]  }
0x2d6: {  	s0 =	sadd.s32 @!p0 $0x100000, s0  }
0x2d7: {  	[sflag:s0] =	ssyncadd.tile.s32 @!p0 $0x1;
	_ =	shalt  }
.Lfunc_end2:
_tile_overlayer_lowered:
.L_overlay_start_2:
0x2d8: {  	(tag) =	ssettag $0x2  }
0x2d9: {  	s0 =	rddreg [dreg:$0x0];
	s2 =	stileid.u32  }
0x2da: {  	s1 =	rddreg [dreg:$0x1];
	p0 =	sne.s32 s2, $0x0  }
0x2db: {  	s3 =	rddreg [dreg:$0x2];
	[bflag:$0x3] =	sbarrier.arrive $0xFFFF;
	s2 =	simm.s32 @!p0 $0x1C04  }
0x2dc: {  	[timem:s3], [sflag:s2] =	dma.local @!p0 [hbm:s0], s1  }
0x2dd: {  	s0 =	simm.s32 @!p0 $0x4  }
0x2de: {  	_ =	swait.ge @!p0 [sflag:s0], s1  }
0x2df: {  	s1 =	ssub.s32 @!p0 $0x0, s1;
	[sflag:s0] =	ssyncset.done @!p0 $0x0  }
0x2e0: {  	[sflag:s0] =	ssyncadd.s32 @!p0 s1  }
0x2e1: {  	[bflag:$0x3] =	sbarrier.arrive $0xFFFF  }
0x2e2: {  	_ =	shalt  }

// kernel: kernel.9.cloned.1.call-start
scs
__scs_entry_jumppad:
0x0: {  	(pc) =	sbr.rel $0x88, $3  }
0x1: {  	(tag) =	ssettag $0x0;
	lr =	simm.s32 $0x1  }
0x2: {  	[smem:$0x3F9D] =	sst lr;
	_ =	strace $0xD0000000  }
0x3: {  	_ = 	snop  }
0x4: {  	_ = 	snop  }
0x5: {  	_ = 	snop  }
0x6: {  	_ = 	snop  }
0x7: {  	_ = 	snop  }
__scs_overlays_trampoline_lowered:
0x8: {  	[smem:$0x3FAC] =	sst s0  }
0x9: {  	[smem:$0x3FAD] =	sst s1  }
0xa: {  	[smem:$0x3FAE] =	sst s2  }
0xb: {  	[smem:$0x3FAF] =	sst s3  }
0xc: {  	[smem:$0x3FB0] =	sst s4  }
0xd: {  	[smem:$0x3FB1] =	sst s5  }
0xe: {  	[smem:$0x3FB2] =	sst s6  }
0xf: {  	[smem:$0x3FB3] =	sst s7  }
0x10: {  	[smem:$0x3FB4] =	sst s8  }
0x11: {  	[smem:$0x3FB5] =	sst s9;
	s0 =	simm.s32 @!p0 $0x0  }
0x12: {  	s1 =	sld [smem:$0x3F9B];
	s0 =	simm.s32 @p0 $0x1  }
0x13: {  	[smem:$0x3FB6] =	sst s0;
	s0 =	simm.s32 @!p1 $0x0  }
0x14: {  	s2 =	sld [smem:$0x3F9A];
	s0 =	simm.s32 @p1 $0x1  }
0x15: {  	[smem:$0x3FB7] =	sst s0;
	s0 =	simm.s32 @!p2 $0x0  }
0x16: {  	s3 =	sld [smem:$0x3FDB];
	s0 =	simm.s32 @p2 $0x1  }
0x17: {  	s4 =	simm.s32 $0x1BF5;
	[smem:$0x3FB9] =	sst s0  }
0x18: {  	s0 =	sld [smem:$0x3F9C];
	_ =	swait.ge [sflag:s4], $0x0  }
0x19: {  	s7 =	sld [smem:$0x3F9D]  }
0x1a: {  	s8 =	sadd.s32 $0xFFFFE003, lr  }
0x1b: {  	s9 =	sadd.s32 $0xFFFFFEF7, lr;
	s5 =	simm.s32 $0xFFFFFFFF;
	p2 =	slt.u32 s8, $0xFFFFF086  }
0x1c: {  	p1 =	slt.u32 s9, $0xF7A;
	s5 =	simm.s32 @!p2 $0x0  }
0x1d: {  	s5 =	simm.s32 @p1 $0x1;
	p0 =	seq.s32 s7, s2  }
0x1e: {  	s7 =	smul.u32 @!p0 $0xF7A, s2;
	p2 =	seq.s32 @!p0 s5, $0x0  }
0x1f: {  	s9 =	smul.u32 $0xF7A, s1;
	s8 =	simm.s32 @!p0 $0x1BF5;
	p2 =	por !p2, p0  }
0x20: {  	[sflag:s8] =	ssyncset.s32 @!p0 $0xFFFFF086;
	s6 =	sadd.s32 @!p0 s3, s7;
	s7 =	simm.s32 @!p0 $0x108  }
0x21: {  	s3 =	sadd.s32 s3, s9;
	s6 =	sadd.s32 @!p0 $0x88, s6;
	s7 =	simm.s32 @p2 $0x1082  }
0x22: {  	[simem:s7], [sflag:s8] =	dma.local @!p0 [hbm:s6], $0xF7A  }
0x23: {  	s9 =	sor.u32 $0xD0000000, s2;
	s6 =	simm.s32 $0x108;
	_ =	swait.ge @!p0 [sflag:s8], $0x0  }
0x24: {  	s3 =	sadd.s32 $0x88, s3;
	s6 =	simm.s32 @!p1 $0x1082;
	[sflag:s4] =	ssyncset.s32 $0xFFFFF086  }
0x25: {  	[simem:s6], [sflag:s4] =	dma.local [hbm:s3], $0xF7A  }
0x26: {  	[smem:$0x3F9D] =	sst s1;
	(tag) =	ssettag s2;
	_ =	strace s9  }
0x27: {  	s1 =	sld [smem:$0x3FAD]  }
0x28: {  	s2 =	sld [smem:$0x3FAE]  }
0x29: {  	s4 =	sld [smem:$0x3FB0]  }
0x2a: {  	p0 =	seq.s32 s5, $0x0;
	s5 =	sld [smem:$0x3FB1]  }
0x2b: {  	s6 =	sld [smem:$0x3FB2]  }
0x2c: {  	s7 =	sld [smem:$0x3FB3]  }
0x2d: {  	s3 =	simm.s32 $0x108;
	s8 =	sld [smem:$0x3FB4]  }
0x2e: {  	s3 =	simm.s32 @!p0 $0x1082;
	s9 =	sld [smem:$0x3FB5]  }
0x2f: {  	lr =	sadd.s32 s0, s3;
	s0 =	sld [smem:$0x3FAC]  }
0x30: {  	s3 =	sld [smem:$0x3FAF]  }
0x31: {  	[smem:$0x3FB8] =	sst s10  }
0x32: {  	s10 =	sld [smem:$0x3FB6];
	_ =	sdelay $0x3  }
0x33: {  	p0 =	seq.s32 s10, $0x1;
	s10 =	sld [smem:$0x3FB8];
	_ =	sdelay $0x3  }
0x34: {  	[smem:$0x3FB8] =	sst s10  }
0x35: {  	s10 =	sld [smem:$0x3FB7];
	_ =	sdelay $0x3  }
0x36: {  	p1 =	seq.s32 s10, $0x1;
	s10 =	sld [smem:$0x3FB8];
	_ =	sdelay $0x3  }
0x37: {  	[smem:$0x3FB8] =	sst s10  }
0x38: {  	s10 =	sld [smem:$0x3FB9]  }
0x39: {  	_ = 	snop;
	(pc) =	sbr.ind lr, $3  }
0x3a: {  	_ = 	snop  }
0x3b: {  	_ = 	snop  }
0x3c: {  	p2 =	seq.s32 s10, $0x1;
	s10 =	sld [smem:$0x3FB8]  }
0x3d: {  	_ =	shalt  }
0x3e: {  	_ =	shalt  }
0x3f: {  	_ =	shalt  }
0x40: {  	_ =	shalt  }
0x41: {  	_ =	shalt  }
0x42: {  	_ =	shalt  }
0x43: {  	_ =	shalt  }
0x44: {  	_ =	shalt  }
0x45: {  	_ =	shalt  }
0x46: {  	_ =	shalt  }
0x47: {  	_ =	shalt  }
0x48: {  	_ =	shalt  }
0x49: {  	_ =	shalt  }
0x4a: {  	_ =	shalt  }
0x4b: {  	_ =	shalt  }
0x4c: {  	_ =	shalt  }
0x4d: {  	_ =	shalt  }
0x4e: {  	_ =	shalt  }
0x4f: {  	_ =	shalt  }
0x50: {  	_ =	shalt  }
0x51: {  	_ =	shalt  }
0x52: {  	_ =	shalt  }
0x53: {  	_ =	shalt  }
0x54: {  	_ =	shalt  }
0x55: {  	_ =	shalt  }
0x56: {  	_ =	shalt  }
0x57: {  	_ =	shalt  }
0x58: {  	_ =	shalt  }
0x59: {  	_ =	shalt  }
0x5a: {  	_ =	shalt  }
0x5b: {  	_ =	shalt  }
0x5c: {  	_ =	shalt  }
0x5d: {  	_ =	shalt  }
0x5e: {  	_ =	shalt  }
0x5f: {  	_ =	shalt  }
0x60: {  	_ =	shalt  }
0x61: {  	_ =	shalt  }
0x62: {  	_ =	shalt  }
0x63: {  	_ =	shalt  }
0x64: {  	_ =	shalt  }
0x65: {  	_ =	shalt  }
0x66: {  	_ =	shalt  }
0x67: {  	_ =	shalt  }
0x68: {  	_ =	shalt  }
0x69: {  	_ =	shalt  }
0x6a: {  	_ =	shalt  }
0x6b: {  	_ =	shalt  }
0x6c: {  	_ =	shalt  }
0x6d: {  	_ =	shalt  }
0x6e: {  	_ =	shalt  }
0x6f: {  	_ =	shalt  }
0x70: {  	_ =	shalt  }
0x71: {  	_ =	shalt  }
0x72: {  	_ =	shalt  }
0x73: {  	_ =	shalt  }
0x74: {  	_ =	shalt  }
0x75: {  	_ =	shalt  }
0x76: {  	_ =	shalt  }
0x77: {  	_ =	shalt  }
0x78: {  	_ =	shalt  }
0x79: {  	_ =	shalt  }
0x7a: {  	_ =	shalt  }
0x7b: {  	_ =	shalt  }
0x7c: {  	_ =	shalt  }
0x7d: {  	_ =	shalt  }
0x7e: {  	_ =	shalt  }
0x7f: {  	_ =	shalt  }
0x80: {  	_ =	shalt  }
0x81: {  	_ =	shalt  }
0x82: {  	_ =	shalt  }
0x83: {  	_ =	shalt  }
0x84: {  	_ =	shalt  }
0x85: {  	_ =	shalt  }
0x86: {  	_ =	shalt  }
0x87: {  	_ =	shalt  }
.Lfunc_end0:
.L_simem_size_0:
called_computation.1_lowered:
.L_overlay_start_0:
0x88: {  	s2 =	sld [smem:$0x3FD9]  }
0x89: {  	s3 =	sld [smem:$0x3FFE];
	_ =	sdelay $0x1  }
0x8a: {  	s1 =	srdreg.scid  }
0x8b: {  	s0 =	sand.u32 $0x1, s1  }
0x8c: {  	s17 =	sshll.u32 s0, $0xA;
	s2 =	sadd.s32 s3, s2  }
0x8d: {  	s2 =	sadd.s32 s2, s17  }
0x8e: {  	[smem:$0x3FC4] =	sst s2  }
0x8f: {  	_ = 	snop  }
0x90: {  	s18 =	sld [smem:$0x3FC8];
	(tm) =	ssettm $0x1  }
0x91: {  	s19 =	sld [smem:$0x3FFB];
	_ =	sdelay $0x3  }
0x92: {  	_ =	strace s19  }
0x93: {  	s2 =	sld [smem:$0x3FFC];
	_ =	sdelay $0x3  }
0x94: {  	_ =	strace s2  }
0x95: {  	s2 =	sld [smem:$0x3FFD];
	_ =	sdelay $0x3  }
0x96: {  	_ =	strace s2  }
0x97: {  	_ =	strace $0x8FFFFFFF  }
0x98: {  	s20 =	sld [smem:$0x3FDB];
	_ =	sdelay $0x1  }
0x99: {  	s4 =	simm.s32 $_scs_section_size  }
0x9a: {  	s5 =	simm.s32 $_size__tile_overlayer_lowered;
	s6 =	simm.s32 $_tile_overlayer_lowered  }
0x9b: {  	s7 =	simm.s32 $0x1BFF;
	s21 =	sshll.u32 s6, $0x1;
	s4 =	sadd.s32 s4, s20  }
0x9c: {  	s22 =	simm.s32 $0x0;
	s5 =	sshll.u32 s5, $0x1;
	s6 =	sadd.s32 s21, s4  }
0x9d: {  	[timem:s22], [sflag:s7] =	dma.local [hbm:s6], s5  }
0x9e: {  	_ =	swait.ge [sflag:s7], s5  }
0x9f: {  	s5 =	ssub.s32 $0x0, s5;
	[sflag:s7] =	ssyncset.done $0x0  }
0xa0: {  	[sflag:s7] =	ssyncadd.s32 s5;
	_ =	sdelay $0x1  }
0xa1: {  	s23 =	simm.s32 $0x1B8B  }
0xa2: {  	_ =	swait.ge [sflag:s23], $0x1  }
0xa3: {  	[sflag:s23] =	ssyncset.done $0x0  }
0xa4: {  	[sflag:s23] =	ssyncadd.s32 $0xFFFFFFFF  }
0xa5: {  	s5 =	sld [smem:$0x0]  }
0xa6: {  	s6 =	sand.u32 $0xFFFFFFFE, s1  }
0xa7: {  	p0 =	sne.s32 s1, s6  }
0xa8: {  	s6 =	sshll.u32 @p0 s6, $0xE  }
0xa9: {  	s6 =	sadd.s32 @p0 $0x11B8D, s6;
	s7 =	sshll.u32 @p0 s5, $0x11  }
0xaa: {  	s6 =	sor.u32 @p0 s7, s6  }
0xab: {  	[sflag:s6] =	ssyncadd.remote.s32 @p0 $0x1;
	_ =	sdelay $0x1  }
0xac: {  	s6 =	simm.s32 @p0 $0x1B8D  }
0xad: {  	_ =	swait.eq @p0 [sflag:s6], $0x1  }
0xae: {  	[sflag:s6] =	ssyncadd.s32 @p0 $0xFFFFFFFF  }
0xaf: {  	s7 =	sshll.u32 @!p0 s1, $0xE  }
0xb0: {  	s7 =	sor.u32 @!p0 $0x4000, s7;
	s6 =	simm.s32 @!p0 $0x1B8D  }
0xb1: {  	s5 =	sshll.u32 @!p0 s5, $0x11;
	s7 =	sadd.s32 @!p0 $0x11B8D, s7;
	_ =	swait.eq @!p0 [sflag:s6], $0x1  }
0xb2: {  	s5 =	sor.u32 @!p0 s5, s7;
	[sflag:s6] =	ssyncadd.s32 @!p0 $0xFFFFFFFF  }
0xb3: {  	s25 =	simm.s32 $0x1B8E;
	s24 =	sld [smem:$0x3FFE];
	[sflag:s5] =	ssyncadd.remote.s32 @!p0 $0x1  }
0xb4: {  	s26 =	simm.s32 $execute0_lowered;
	[smem:$0x3FD2] =	sst s25  }
0xb5: {  	s6 =	sshll.u32 s26, $0x1;
	_ =	strace $0x80000049;
	[dreg:$0x1] =	wrdreg $0xFFFFFFFF  }
0xb6: {  	s28 =	simm.s32 $_size_execute0_lowered;
	s4 =	sadd.s32 s4, s6;
	[dreg:$0x0] =	wrdreg $0x0  }
0xb7: {  	s6 =	sshll.u32 s28, $0x1;
	[dreg:$0x2] =	wrdreg s4  }
0xb8: {  	[dreg:$0x3] =	wrdreg s6  }
0xb9: {  	[dreg:$0x4] =	wrdreg $0xC0  }
0xba: {  	_ =	task [dreg:s22], $0x5FFFF  }
0xbb: {  	[dreg:$0x1] =	wrdreg $0xFFFFFFFF  }
0xbc: {  	[dreg:$0x0] =	wrdreg $0x60  }
0xbd: {  	[dreg:$0x2] =	wrdreg s24  }
0xbe: {  	[dreg:$0x3] =	wrdreg s18  }
0xbf: {  	[dreg:$0x4] =	wrdreg $0xA  }
0xc0: {  	_ =	task.clear_ibuf [dreg:s22], $0x5FFFF;
	_ =	strace $0x90000049  }
0xc1: {  	s29 =	simm.s32 $0xA;
	_ =	strace $0x8000004B  }
0xc2: {  	_ =	swait.ge [sflag:s29], $0x1  }
0xc3: {  	[sflag:s29] =	ssyncadd.s32 $0xFFFFFFFF  }
0xc4: {  	_ =	strace $0x9000004B  }
0xc5: {  	_ =	sfence  }
0xc6: {  	s30 =	sld [smem:$0x0];
	_ =	sdelay $0x2  }
0xc7: {  	s31 =	sshll.u32 s1, $0xD;
	s1 =	sshrl.u32 s1, $0x2  }
0xc8: {  	s4 =	sand.u32 $0x4000, s31;
	s1 =	sadd.s32 s1, s30  }
0xc9: {  	s0 =	sor.u32 s4, s0;
	s1 =	sshll.u32 s1, $0x11  }
0xca: {  	s0 =	sor.u32 s1, s0  }
0xcb: {  	s0 =	sadd.s32 $0x8F2B, s0  }
0xcc: {  	[sflag:s0] =	ssyncadd.remote.s32 $0x1  }
0xcd: {  	_ =	sfence.sel $0xFFFF  }
0xce: {  	[dreg:$0x0] =	wrdreg $0xFFFFFFFF;
	(pc) =	sbr.abs _section_cstart, $3  }
0xcf: {  	[dreg:$0x1] =	wrdreg $0xFFFFFFFF  }
0xd0: {  	_ =	task.clear_ibuf [dreg:s22], $0x2FFFF;
	_ =	strace $0x9FFFFFFF  }
0xd1: {  	(tm) =	ssettm $0x7FFFFFFF  }
tec
execute0_lowered:
.L_overlay_start_1:
0x0: {  	(tag) =	ssettag $0x1  }
0x1: {  	s0 =	rddreg [dreg:$0x0]  }
0x2: {  	s1 =	rddreg [dreg:$0x1]  }
0x3: {  	s2 =	simm.s32 $0x0;
	s3 =	srdreg.scid;
	s8 =	stileid.u32  }
0x4: {  	s17 =	simm.s32 $0x80;
	s18 =	simm.s32 $0x400;
	s19 =	simm.s32 $0x1C700  }
0x5: {  	s20 =	simm.s32 $0x1D700;
	s21 =	simm.s32 $0x4000;
	s22 =	simm.s32 $0x4  }
0x6: {  	s23 =	simm.s32 $0x1;
	[smem:$0x7FF] =	sst s2;
	s4 =	sadd.s32 $0x1000, s0  }
0x7: {  	s3 =	sand.u32 $0x1, s3;
	s5 =	sadd.s32 $0x1B1000, s0;
	s6 =	sshll.u32 s8, $0x2  }
0x8: {  	s24 =	sshrl.u32 s8, $0x1;
	s8 =	sshll.u32 s8, $0x10;
	s14 =	sadd.s32 $0x1B3000, s0  }
0x9: {  	_ =	strace $0x8000004A;
	s7 =	sshll.u32 s3, $0x1;
	s3 =	ssub.s32 $0x2, s3  }
0xa: {  	s11 =	smul.u32 $0xC3800, s24;
	s9 =	sor.u32 s7, s6;
	s12 =	sshrl.u32 s3, $0x1  }
0xb: {  	s24 =	simm.s32 $0x2;
	s10 =	sshll.u32 s9, $0x7;
	s3 =	ssub.s32 s3, s12  }
0xc: {  	s12 =	sor.u32 $0x340, s6;
	s13 =	sshll.u32 s9, $0xE;
	s8 =	sor.u32 s8, s10  }
0xd: {  	s7 =	sand.u32 $0x300, s10;
	s16 =	smax.u32 s3, $0x1;
	s8 =	sand.u32 $0xE0300, s8  }
0xe: {  	s25 =	sor.u32 s7, s11;
	s15 =	sor.u32 $0x80, s7;
	s26 =	sshrl.u32 s8, $0x3  }
0xf: {  	s8 =	sadd.s32 $0x1B2000, s0;
	s28 =	sadd.s32 $0x4F6C000, s25;
	s29 =	sadd.s32 s5, s26  }
0x10: {  	s30 =	sadd.s32 s26, s8;
	s31 =	sshrl.u32 s28, $0x3;
	[dreg:$0x3] =	wrdreg s29  }
0x11: {  	s25 =	simm.s32 $0x3;
	[dreg:$0x4] =	wrdreg s30;
	s11 =	sadd.s32 s1, s31  }
.LBB2_1:
0x12: {  	s0 =	rddreg [dreg:$0x3]  }
0x13: {  	[hbm4b:s0+s17] =	stream.strided.scatter [tilespmem:s19], [sflag:$0x2], $0x1000, s18, s17, $0x38;
	[tilespmem:$0x1E700] =	vst v63  }
0x14: {  	s31 =	rddreg [dreg:$0x4]  }
0x15: {  	[hbm4b:s31+s17] =	stream.strided.scatter [tilespmem:s20], [sflag:$0x3], $0x1000, s18, s17, $0x38;
	[tilespmem:$0x1E700] =	vst v63  }
0x16: {  	s26 =	simm.s32 $0x0  }
0x17: {  	[tilespmem:s21], [sflag:$0x1] =	stream.strided.gather [hbm4b:s11+s17], $0x18700, s18, s17, $0x38;
	[tilespmem:$0x1E700] =	vst v63  }
.LBB2_2:
0x18: {  	s29 =	sadd.s32 $0xD, s26  }
0x19: {  	s0 =	sshll.u32 s29, $0x4  }
0x1a: {  	s3 =	sshll.u32 s29, $0xB;
	s0 =	sand.u32 $0x70, s0  }
0x1b: {  	s3 =	sand.u32 $0xC000, s3;
	s0 =	sadd.s32 s4, s0  }
0x1c: {  	s10 =	simm.s32 $0x0;
	s0 =	sadd.s32 s3, s0  }
0x1d: {  	[tilespmem:s10], [sflag:$0x4] =	stream.strided.gather [hbm4b:s0+s17], $0x4000, s18, s17, $0x38;
	[tilespmem:$0x1E700] =	vst v63  }
0x1e: {  	_ =	swait.ge [sflag:s22], $0x4000  }
0x1f: {  	[sflag:s22] =	ssyncset.done $0x0  }
0x20: {  	[sflag:s22] =	ssyncadd.s32 $0xFFFFC000  }
0x21: {  	_ =	swait.ge [sflag:s23], $0x18700  }
0x22: {  	[sflag:s23] =	ssyncset.done $0x0  }
0x23: {  	[sflag:s23] =	ssyncadd.s32 $0xFFFE7900  }
0x24: {  	_ =	swait.ge [sflag:s24], $0x1000  }
0x25: {  	[sflag:s24] =	ssyncset.done $0x0  }
0x26: {  	s0 =	simm.s32 $0x0;
	[sflag:s24] =	ssyncadd.s32 $0xFFFFF000  }
0x27: {  	v14 =	vld [tilespmem:s0+$0x0]  }
0x28: {  	v0 =	vld [tilespmem:s0+$0x10]  }
0x29: {  	v1 =	vld [tilespmem:s0+$0x20]  }
0x2a: {  	v2 =	vld [tilespmem:s0+$0x30]  }
0x2b: {  	v3 =	vld [tilespmem:s0+$0x40]  }
0x2c: {  	v4 =	vld [tilespmem:s0+$0x50]  }
0x2d: {  	v5 =	vld [tilespmem:s0+$0x60]  }
0x2e: {  	v7 =	vld [tilespmem:s0+$0x70]  }
0x2f: {  	v9 =	vld [tilespmem:s0+$0x80]  }
0x30: {  	v6 =	vld [tilespmem:s0+$0x90]  }
0x31: {  	v8 =	vld [tilespmem:s0+$0xA0]  }
0x32: {  	s9 =	sshll.u32 s26, $0x14;
	v10 =	vld [tilespmem:s0+$0xB0]  }
0x33: {  	s28 =	sor.u32 s13, s9;
	v11 =	vld [tilespmem:s0+$0xC0]  }
0x34: {  	s30 =	sand.u32 $0xFE0000, s28;
	v12 =	vld [tilespmem:s0+$0xD0]  }
0x35: {  	s10 =	sor.u32 s7, s30;
	v13 =	vld [tilespmem:s0+$0xE0]  }
0x36: {  	s31 =	sshrl.u32 s10, $0x3;
	v15 =	vld [tilespmem:s0+$0xF0]  }
0x37: {  	s9 =	simm.s32 $0x400;
	s3 =	sadd.s32 s5, s31;
	v14 =	vld.idx.msk [tilespmem:v14+s21+$0x0], $0xffff  }
.LBB2_3:
0x38: {  	p0 =	sne.s32 s9, $0x3C00;
	v16 =	vld.idx.msk [tilespmem:v0+s21+$0x0], $0xffff  }
0x39: {  	v17 =	vld.idx.msk [tilespmem:v1+s21+$0x0], $0xffff  }
0x3a: {  	v18 =	vld.idx.msk [tilespmem:v2+s21+$0x0], $0xffff  }
0x3b: {  	v19 =	vld.idx.msk [tilespmem:v3+s21+$0x0], $0xffff  }
0x3c: {  	v20 =	vld.idx.msk [tilespmem:v4+s21+$0x0], $0xffff  }
0x3d: {  	v21 =	vld.idx.msk [tilespmem:v5+s21+$0x0], $0xffff  }
0x3e: {  	v22 =	vld.idx.msk [tilespmem:v7+s21+$0x0], $0xffff  }
0x3f: {  	v23 =	vld.idx.msk [tilespmem:v9+s21+$0x0], $0xffff  }
0x40: {  	v0 =	vld.idx.msk [tilespmem:v15+s21+$0x0], $0xffff  }
0x41: {  	v15 =	vld.idx.msk [tilespmem:v6+s21+$0x0], $0xffff  }
0x42: {  	v24 =	vld.idx.msk [tilespmem:v8+s21+$0x0], $0xffff  }
0x43: {  	v25 =	vld.idx.msk [tilespmem:v10+s21+$0x0], $0xffff  }
0x44: {  	v26 =	vld.idx.msk [tilespmem:v11+s21+$0x0], $0xffff  }
0x45: {  	v27 =	vld.idx.msk [tilespmem:v12+s21+$0x0], $0xffff  }
0x46: {  	s10 =	sshra.s32 s9, $0x2;
	v28 =	vld.idx.msk [tilespmem:v13+s21+$0x0], $0xffff;
	[tilespmem:s0+$0x1C7F0] =	vst v0  }
0x47: {  	v29 =	vld [tilespmem:s10+$0x0];
	[tilespmem:s0+$0x1C700] =	vst v14  }
0x48: {  	v0 =	vld [tilespmem:s10+$0x10];
	[tilespmem:s0+$0x1C710] =	vst v16  }
0x49: {  	v1 =	vld [tilespmem:s10+$0x20];
	[tilespmem:s0+$0x1C720] =	vst v17  }
0x4a: {  	v2 =	vld [tilespmem:s10+$0x30];
	[tilespmem:s0+$0x1C730] =	vst v18  }
0x4b: {  	v3 =	vld [tilespmem:s10+$0x40];
	[tilespmem:s0+$0x1C740] =	vst v19  }
0x4c: {  	v4 =	vld [tilespmem:s10+$0x50];
	[tilespmem:s0+$0x1C750] =	vst v20  }
0x4d: {  	v5 =	vld [tilespmem:s10+$0x60];
	[tilespmem:s0+$0x1C760] =	vst v21  }
0x4e: {  	v7 =	vld [tilespmem:s10+$0x70];
	[tilespmem:s0+$0x1C770] =	vst v22  }
0x4f: {  	v9 =	vld [tilespmem:s10+$0x80];
	[tilespmem:s0+$0x1C780] =	vst v23  }
0x50: {  	v6 =	vld [tilespmem:s10+$0x90];
	[tilespmem:s0+$0x1C790] =	vst v15  }
0x51: {  	v8 =	vld [tilespmem:s10+$0xA0];
	[tilespmem:s0+$0x1C7A0] =	vst v24  }
0x52: {  	v10 =	vld [tilespmem:s10+$0xB0];
	[tilespmem:s0+$0x1C7B0] =	vst v25  }
.Ltmp0:
0x53: {  	v11 =	vld [tilespmem:s10+$0xC0];
	[tilespmem:s0+$0x1C7C0] =	vst v26;
	(pc) =	sbr.rel @p0 .LBB2_3-.Ltmp0, $4  }
0x54: {  	v12 =	vld [tilespmem:s10+$0xD0];
	[tilespmem:s0+$0x1C7D0] =	vst v27  }
0x55: {  	v13 =	vld [tilespmem:s10+$0xE0];
	[tilespmem:s0+$0x1C7E0] =	vst v28;
	s0 =	smov.u32 s10  }
0x56: {  	v15 =	vld [tilespmem:s0+$0xF0]  }
0x57: {  	s9 =	sadd.s32 $0x400, s9;
	v14 =	vld.idx.msk [tilespmem:v29+s21+$0x0], $0xffff  }
0x58: {  	_ =	sdelay $0x3  }
0x59: {  	v0 =	vld.idx.msk [tilespmem:v0+s21+$0x0], $0xffff  }
0x5a: {  	v1 =	vld.idx.msk [tilespmem:v1+s21+$0x0], $0xffff  }
0x5b: {  	v2 =	vld.idx.msk [tilespmem:v2+s21+$0x0], $0xffff  }
0x5c: {  	v3 =	vld.idx.msk [tilespmem:v3+s21+$0x0], $0xffff  }
0x5d: {  	v4 =	vld.idx.msk [tilespmem:v4+s21+$0x0], $0xffff  }
0x5e: {  	v5 =	vld.idx.msk [tilespmem:v5+s21+$0x0], $0xffff  }
0x5f: {  	v7 =	vld.idx.msk [tilespmem:v7+s21+$0x0], $0xffff  }
0x60: {  	v9 =	vld.idx.msk [tilespmem:v9+s21+$0x0], $0xffff  }
0x61: {  	v6 =	vld.idx.msk [tilespmem:v6+s21+$0x0], $0xffff  }
0x62: {  	v8 =	vld.idx.msk [tilespmem:v8+s21+$0x0], $0xffff  }
0x63: {  	v10 =	vld.idx.msk [tilespmem:v10+s21+$0x0], $0xffff  }
0x64: {  	v11 =	vld.idx.msk [tilespmem:v11+s21+$0x0], $0xffff  }
0x65: {  	v12 =	vld.idx.msk [tilespmem:v12+s21+$0x0], $0xffff  }
0x66: {  	v13 =	vld.idx.msk [tilespmem:v13+s21+$0x0], $0xffff  }
0x67: {  	v15 =	vld.idx.msk [tilespmem:v15+s21+$0x0], $0xffff;
	[tilespmem:s0+$0x1C700] =	vst v14  }
0x68: {  	[tilespmem:s0+$0x1C710] =	vst v0  }
0x69: {  	[tilespmem:s0+$0x1C720] =	vst v1  }
0x6a: {  	[tilespmem:s0+$0x1C730] =	vst v2  }
0x6b: {  	[tilespmem:s0+$0x1C740] =	vst v3  }
0x6c: {  	[tilespmem:s0+$0x1C750] =	vst v4  }
0x6d: {  	[tilespmem:s0+$0x1C760] =	vst v5  }
0x6e: {  	[tilespmem:s0+$0x1C770] =	vst v7  }
0x6f: {  	[tilespmem:s0+$0x1C780] =	vst v9  }
0x70: {  	[tilespmem:s0+$0x1C790] =	vst v6  }
0x71: {  	[tilespmem:s0+$0x1C7A0] =	vst v8  }
0x72: {  	[tilespmem:s0+$0x1C7B0] =	vst v10  }
0x73: {  	[tilespmem:s0+$0x1C7C0] =	vst v11  }
0x74: {  	[tilespmem:s0+$0x1C7D0] =	vst v12  }
0x75: {  	[tilespmem:s0+$0x1C7E0] =	vst v13  }
0x76: {  	[tilespmem:s0+$0x1C7F0] =	vst v15  }
0x77: {  	[hbm4b:s3+s17] =	stream.strided.scatter [tilespmem:s19], [sflag:$0x2], $0x1000, s18, s17, $0x38;
	[tilespmem:$0x1E700] =	vst v63  }
0x78: {  	_ =	swait.ge [sflag:s25], $0x1000  }
0x79: {  	[sflag:s25] =	ssyncset.done $0x0  }
0x7a: {  	s0 =	simm.s32 $0x0;
	[sflag:s25] =	ssyncadd.s32 $0xFFFFF000  }
0x7b: {  	v14 =	vld [tilespmem:s0+$0x1000]  }
0x7c: {  	v0 =	vld [tilespmem:s0+$0x1010]  }
0x7d: {  	v1 =	vld [tilespmem:s0+$0x1020]  }
0x7e: {  	v2 =	vld [tilespmem:s0+$0x1030]  }
0x7f: {  	v3 =	vld [tilespmem:s0+$0x1040]  }
0x80: {  	v4 =	vld [tilespmem:s0+$0x1050]  }
0x81: {  	v5 =	vld [tilespmem:s0+$0x1060]  }
0x82: {  	v7 =	vld [tilespmem:s0+$0x1070]  }
0x83: {  	v9 =	vld [tilespmem:s0+$0x1080]  }
0x84: {  	v6 =	vld [tilespmem:s0+$0x1090]  }
0x85: {  	v8 =	vld [tilespmem:s0+$0x10A0]  }
0x86: {  	v10 =	vld [tilespmem:s0+$0x10B0]  }
0x87: {  	v11 =	vld [tilespmem:s0+$0x10C0]  }
0x88: {  	v12 =	vld [tilespmem:s0+$0x10D0]  }
0x89: {  	v13 =	vld [tilespmem:s0+$0x10E0]  }
0x8a: {  	v15 =	vld [tilespmem:s0+$0x10F0]  }
0x8b: {  	s9 =	simm.s32 $0x400;
	s3 =	sadd.s32 s31, s8;
	v14 =	vld.idx.msk [tilespmem:v14+s21+$0x0], $0xffff  }
.LBB2_5:
0x8c: {  	p0 =	sne.s32 s9, $0x3C00;
	v16 =	vld.idx.msk [tilespmem:v0+s21+$0x0], $0xffff  }
0x8d: {  	v17 =	vld.idx.msk [tilespmem:v1+s21+$0x0], $0xffff  }
0x8e: {  	v18 =	vld.idx.msk [tilespmem:v2+s21+$0x0], $0xffff  }
0x8f: {  	v19 =	vld.idx.msk [tilespmem:v3+s21+$0x0], $0xffff  }
0x90: {  	v20 =	vld.idx.msk [tilespmem:v4+s21+$0x0], $0xffff  }
0x91: {  	v21 =	vld.idx.msk [tilespmem:v5+s21+$0x0], $0xffff  }
0x92: {  	v22 =	vld.idx.msk [tilespmem:v7+s21+$0x0], $0xffff  }
0x93: {  	v23 =	vld.idx.msk [tilespmem:v9+s21+$0x0], $0xffff  }
0x94: {  	v0 =	vld.idx.msk [tilespmem:v15+s21+$0x0], $0xffff  }
0x95: {  	v15 =	vld.idx.msk [tilespmem:v6+s21+$0x0], $0xffff  }
0x96: {  	v24 =	vld.idx.msk [tilespmem:v8+s21+$0x0], $0xffff  }
0x97: {  	v25 =	vld.idx.msk [tilespmem:v10+s21+$0x0], $0xffff  }
0x98: {  	v26 =	vld.idx.msk [tilespmem:v11+s21+$0x0], $0xffff  }
0x99: {  	v27 =	vld.idx.msk [tilespmem:v12+s21+$0x0], $0xffff  }
0x9a: {  	s10 =	sshra.s32 s9, $0x2;
	v28 =	vld.idx.msk [tilespmem:v13+s21+$0x0], $0xffff;
	[tilespmem:s0+$0x1D7F0] =	vst v0  }
0x9b: {  	v29 =	vld [tilespmem:s10+$0x1000];
	[tilespmem:s0+$0x1D700] =	vst v14  }
0x9c: {  	v0 =	vld [tilespmem:s10+$0x1010];
	[tilespmem:s0+$0x1D710] =	vst v16  }
0x9d: {  	v1 =	vld [tilespmem:s10+$0x1020];
	[tilespmem:s0+$0x1D720] =	vst v17  }
0x9e: {  	v2 =	vld [tilespmem:s10+$0x1030];
	[tilespmem:s0+$0x1D730] =	vst v18  }
0x9f: {  	v3 =	vld [tilespmem:s10+$0x1040];
	[tilespmem:s0+$0x1D740] =	vst v19  }
0xa0: {  	v4 =	vld [tilespmem:s10+$0x1050];
	[tilespmem:s0+$0x1D750] =	vst v20  }
0xa1: {  	v5 =	vld [tilespmem:s10+$0x1060];
	[tilespmem:s0+$0x1D760] =	vst v21  }
0xa2: {  	v7 =	vld [tilespmem:s10+$0x1070];
	[tilespmem:s0+$0x1D770] =	vst v22  }
0xa3: {  	v9 =	vld [tilespmem:s10+$0x1080];
	[tilespmem:s0+$0x1D780] =	vst v23  }
0xa4: {  	v6 =	vld [tilespmem:s10+$0x1090];
	[tilespmem:s0+$0x1D790] =	vst v15  }
0xa5: {  	v8 =	vld [tilespmem:s10+$0x10A0];
	[tilespmem:s0+$0x1D7A0] =	vst v24  }
0xa6: {  	v10 =	vld [tilespmem:s10+$0x10B0];
	[tilespmem:s0+$0x1D7B0] =	vst v25  }
.Ltmp1:
0xa7: {  	v11 =	vld [tilespmem:s10+$0x10C0];
	[tilespmem:s0+$0x1D7C0] =	vst v26;
	(pc) =	sbr.rel @p0 .LBB2_5-.Ltmp1, $4  }
0xa8: {  	v12 =	vld [tilespmem:s10+$0x10D0];
	[tilespmem:s0+$0x1D7D0] =	vst v27  }
0xa9: {  	v13 =	vld [tilespmem:s10+$0x10E0];
	[tilespmem:s0+$0x1D7E0] =	vst v28;
	s0 =	smov.u32 s10  }
0xaa: {  	v15 =	vld [tilespmem:s0+$0x10F0]  }
0xab: {  	s9 =	sadd.s32 $0x400, s9;
	v14 =	vld.idx.msk [tilespmem:v29+s21+$0x0], $0xffff  }
0xac: {  	_ =	sdelay $0x3  }
0xad: {  	v0 =	vld.idx.msk [tilespmem:v0+s21+$0x0], $0xffff  }
0xae: {  	v1 =	vld.idx.msk [tilespmem:v1+s21+$0x0], $0xffff  }
0xaf: {  	v2 =	vld.idx.msk [tilespmem:v2+s21+$0x0], $0xffff  }
0xb0: {  	v3 =	vld.idx.msk [tilespmem:v3+s21+$0x0], $0xffff  }
0xb1: {  	v4 =	vld.idx.msk [tilespmem:v4+s21+$0x0], $0xffff  }
0xb2: {  	v5 =	vld.idx.msk [tilespmem:v5+s21+$0x0], $0xffff  }
0xb3: {  	v7 =	vld.idx.msk [tilespmem:v7+s21+$0x0], $0xffff  }
0xb4: {  	v9 =	vld.idx.msk [tilespmem:v9+s21+$0x0], $0xffff  }
0xb5: {  	v6 =	vld.idx.msk [tilespmem:v6+s21+$0x0], $0xffff  }
0xb6: {  	v8 =	vld.idx.msk [tilespmem:v8+s21+$0x0], $0xffff  }
0xb7: {  	v10 =	vld.idx.msk [tilespmem:v10+s21+$0x0], $0xffff  }
0xb8: {  	v11 =	vld.idx.msk [tilespmem:v11+s21+$0x0], $0xffff  }
0xb9: {  	v12 =	vld.idx.msk [tilespmem:v12+s21+$0x0], $0xffff  }
0xba: {  	v13 =	vld.idx.msk [tilespmem:v13+s21+$0x0], $0xffff  }
0xbb: {  	v15 =	vld.idx.msk [tilespmem:v15+s21+$0x0], $0xffff;
	[tilespmem:s0+$0x1D700] =	vst v14  }
0xbc: {  	[tilespmem:s0+$0x1D710] =	vst v0  }
0xbd: {  	[tilespmem:s0+$0x1D720] =	vst v1  }
0xbe: {  	[tilespmem:s0+$0x1D730] =	vst v2  }
0xbf: {  	[tilespmem:s0+$0x1D740] =	vst v3  }
0xc0: {  	[tilespmem:s0+$0x1D750] =	vst v4  }
0xc1: {  	[tilespmem:s0+$0x1D760] =	vst v5  }
0xc2: {  	[tilespmem:s0+$0x1D770] =	vst v7  }
0xc3: {  	[tilespmem:s0+$0x1D780] =	vst v9  }
0xc4: {  	[tilespmem:s0+$0x1D790] =	vst v6  }
0xc5: {  	[tilespmem:s0+$0x1D7A0] =	vst v8  }
0xc6: {  	[tilespmem:s0+$0x1D7B0] =	vst v10  }
0xc7: {  	[tilespmem:s0+$0x1D7C0] =	vst v11  }
0xc8: {  	[tilespmem:s0+$0x1D7D0] =	vst v12  }
0xc9: {  	[tilespmem:s0+$0x1D7E0] =	vst v13  }
0xca: {  	[tilespmem:s0+$0x1D7F0] =	vst v15  }
0xcb: {  	[hbm4b:s3+s17] =	stream.strided.scatter [tilespmem:s20], [sflag:$0x3], $0x1000, s18, s17, $0x38;
	[tilespmem:$0x1E700] =	vst v63  }
0xcc: {  	_ =	swait.ge [sflag:s24], $0x1000  }
0xcd: {  	[sflag:s24] =	ssyncset.done $0x0  }
0xce: {  	s0 =	simm.s32 $0x0;
	[sflag:s24] =	ssyncadd.s32 $0xFFFFF000  }
0xcf: {  	v14 =	vld [tilespmem:s0+$0x2000]  }
0xd0: {  	v0 =	vld [tilespmem:s0+$0x2010]  }
0xd1: {  	v1 =	vld [tilespmem:s0+$0x2020]  }
0xd2: {  	v2 =	vld [tilespmem:s0+$0x2030]  }
0xd3: {  	v3 =	vld [tilespmem:s0+$0x2040]  }
0xd4: {  	v4 =	vld [tilespmem:s0+$0x2050]  }
0xd5: {  	v5 =	vld [tilespmem:s0+$0x2060]  }
0xd6: {  	v7 =	vld [tilespmem:s0+$0x2070]  }
0xd7: {  	v9 =	vld [tilespmem:s0+$0x2080]  }
0xd8: {  	v6 =	vld [tilespmem:s0+$0x2090]  }
0xd9: {  	v8 =	vld [tilespmem:s0+$0x20A0]  }
0xda: {  	v10 =	vld [tilespmem:s0+$0x20B0]  }
0xdb: {  	v11 =	vld [tilespmem:s0+$0x20C0]  }
0xdc: {  	v12 =	vld [tilespmem:s0+$0x20D0]  }
0xdd: {  	v13 =	vld [tilespmem:s0+$0x20E0]  }
0xde: {  	v15 =	vld [tilespmem:s0+$0x20F0]  }
0xdf: {  	s9 =	simm.s32 $0x400;
	s3 =	sadd.s32 s31, s14;
	v14 =	vld.idx.msk [tilespmem:v14+s21+$0x0], $0xffff  }
.LBB2_7:
0xe0: {  	p0 =	sne.s32 s9, $0x3C00;
	v16 =	vld.idx.msk [tilespmem:v0+s21+$0x0], $0xffff  }
0xe1: {  	v17 =	vld.idx.msk [tilespmem:v1+s21+$0x0], $0xffff  }
0xe2: {  	v18 =	vld.idx.msk [tilespmem:v2+s21+$0x0], $0xffff  }
0xe3: {  	v19 =	vld.idx.msk [tilespmem:v3+s21+$0x0], $0xffff  }
0xe4: {  	v20 =	vld.idx.msk [tilespmem:v4+s21+$0x0], $0xffff  }
0xe5: {  	v21 =	vld.idx.msk [tilespmem:v5+s21+$0x0], $0xffff  }
0xe6: {  	v22 =	vld.idx.msk [tilespmem:v7+s21+$0x0], $0xffff  }
0xe7: {  	v23 =	vld.idx.msk [tilespmem:v9+s21+$0x0], $0xffff  }
0xe8: {  	v0 =	vld.idx.msk [tilespmem:v15+s21+$0x0], $0xffff  }
0xe9: {  	v15 =	vld.idx.msk [tilespmem:v6+s21+$0x0], $0xffff  }
0xea: {  	v24 =	vld.idx.msk [tilespmem:v8+s21+$0x0], $0xffff  }
0xeb: {  	v25 =	vld.idx.msk [tilespmem:v10+s21+$0x0], $0xffff  }
0xec: {  	v26 =	vld.idx.msk [tilespmem:v11+s21+$0x0], $0xffff  }
0xed: {  	v27 =	vld.idx.msk [tilespmem:v12+s21+$0x0], $0xffff  }
0xee: {  	s10 =	sshra.s32 s9, $0x2;
	v28 =	vld.idx.msk [tilespmem:v13+s21+$0x0], $0xffff;
	[tilespmem:s0+$0x1C7F0] =	vst v0  }
0xef: {  	v29 =	vld [tilespmem:s10+$0x2000];
	[tilespmem:s0+$0x1C700] =	vst v14  }
0xf0: {  	v0 =	vld [tilespmem:s10+$0x2010];
	[tilespmem:s0+$0x1C710] =	vst v16  }
0xf1: {  	v1 =	vld [tilespmem:s10+$0x2020];
	[tilespmem:s0+$0x1C720] =	vst v17  }
0xf2: {  	v2 =	vld [tilespmem:s10+$0x2030];
	[tilespmem:s0+$0x1C730] =	vst v18  }
0xf3: {  	v3 =	vld [tilespmem:s10+$0x2040];
	[tilespmem:s0+$0x1C740] =	vst v19  }
0xf4: {  	v4 =	vld [tilespmem:s10+$0x2050];
	[tilespmem:s0+$0x1C750] =	vst v20  }
0xf5: {  	v5 =	vld [tilespmem:s10+$0x2060];
	[tilespmem:s0+$0x1C760] =	vst v21  }
0xf6: {  	v7 =	vld [tilespmem:s10+$0x2070];
	[tilespmem:s0+$0x1C770] =	vst v22  }
0xf7: {  	v9 =	vld [tilespmem:s10+$0x2080];
	[tilespmem:s0+$0x1C780] =	vst v23  }
0xf8: {  	v6 =	vld [tilespmem:s10+$0x2090];
	[tilespmem:s0+$0x1C790] =	vst v15  }
0xf9: {  	v8 =	vld [tilespmem:s10+$0x20A0];
	[tilespmem:s0+$0x1C7A0] =	vst v24  }
0xfa: {  	v10 =	vld [tilespmem:s10+$0x20B0];
	[tilespmem:s0+$0x1C7B0] =	vst v25  }
.Ltmp2:
0xfb: {  	v11 =	vld [tilespmem:s10+$0x20C0];
	[tilespmem:s0+$0x1C7C0] =	vst v26;
	(pc) =	sbr.rel @p0 .LBB2_7-.Ltmp2, $4  }
0xfc: {  	v12 =	vld [tilespmem:s10+$0x20D0];
	[tilespmem:s0+$0x1C7D0] =	vst v27  }
0xfd: {  	v13 =	vld [tilespmem:s10+$0x20E0];
	[tilespmem:s0+$0x1C7E0] =	vst v28;
	s0 =	smov.u32 s10  }
0xfe: {  	v15 =	vld [tilespmem:s0+$0x20F0]  }
0xff: {  	s9 =	sadd.s32 $0x400, s9;
	v14 =	vld.idx.msk [tilespmem:v29+s21+$0x0], $0xffff  }
0x100: {  	_ =	sdelay $0x3  }
0x101: {  	v0 =	vld.idx.msk [tilespmem:v0+s21+$0x0], $0xffff  }
0x102: {  	v1 =	vld.idx.msk [tilespmem:v1+s21+$0x0], $0xffff  }
0x103: {  	v2 =	vld.idx.msk [tilespmem:v2+s21+$0x0], $0xffff  }
0x104: {  	v3 =	vld.idx.msk [tilespmem:v3+s21+$0x0], $0xffff  }
0x105: {  	v4 =	vld.idx.msk [tilespmem:v4+s21+$0x0], $0xffff  }
0x106: {  	v5 =	vld.idx.msk [tilespmem:v5+s21+$0x0], $0xffff  }
0x107: {  	v7 =	vld.idx.msk [tilespmem:v7+s21+$0x0], $0xffff  }
0x108: {  	v9 =	vld.idx.msk [tilespmem:v9+s21+$0x0], $0xffff  }
0x109: {  	v6 =	vld.idx.msk [tilespmem:v6+s21+$0x0], $0xffff  }
0x10a: {  	v8 =	vld.idx.msk [tilespmem:v8+s21+$0x0], $0xffff  }
0x10b: {  	v10 =	vld.idx.msk [tilespmem:v10+s21+$0x0], $0xffff  }
0x10c: {  	v11 =	vld.idx.msk [tilespmem:v11+s21+$0x0], $0xffff  }
0x10d: {  	v12 =	vld.idx.msk [tilespmem:v12+s21+$0x0], $0xffff  }
0x10e: {  	v13 =	vld.idx.msk [tilespmem:v13+s21+$0x0], $0xffff  }
0x10f: {  	v15 =	vld.idx.msk [tilespmem:v15+s21+$0x0], $0xffff;
	[tilespmem:s0+$0x1C700] =	vst v14  }
0x110: {  	[tilespmem:s0+$0x1C710] =	vst v0  }
0x111: {  	[tilespmem:s0+$0x1C720] =	vst v1  }
0x112: {  	[tilespmem:s0+$0x1C730] =	vst v2  }
0x113: {  	[tilespmem:s0+$0x1C740] =	vst v3  }
0x114: {  	[tilespmem:s0+$0x1C750] =	vst v4  }
0x115: {  	[tilespmem:s0+$0x1C760] =	vst v5  }
0x116: {  	[tilespmem:s0+$0x1C770] =	vst v7  }
0x117: {  	[tilespmem:s0+$0x1C780] =	vst v9  }
0x118: {  	[tilespmem:s0+$0x1C790] =	vst v6  }
0x119: {  	[tilespmem:s0+$0x1C7A0] =	vst v8  }
0x11a: {  	[tilespmem:s0+$0x1C7B0] =	vst v10  }
0x11b: {  	[tilespmem:s0+$0x1C7C0] =	vst v11  }
0x11c: {  	[tilespmem:s0+$0x1C7D0] =	vst v12  }
0x11d: {  	[tilespmem:s0+$0x1C7E0] =	vst v13  }
0x11e: {  	[tilespmem:s0+$0x1C7F0] =	vst v15  }
0x11f: {  	[hbm4b:s3+s17] =	stream.strided.scatter [tilespmem:s19], [sflag:$0x2], $0x1000, s18, s17, $0x38;
	[tilespmem:$0x1E700] =	vst v63  }
0x120: {  	_ =	swait.ge [sflag:s25], $0x1000  }
0x121: {  	[sflag:s25] =	ssyncset.done $0x0  }
0x122: {  	s31 =	simm.s32 $0x0;
	[sflag:s25] =	ssyncadd.s32 $0xFFFFF000  }
0x123: {  	v14 =	vld [tilespmem:s31+$0x3000]  }
0x124: {  	v0 =	vld [tilespmem:s31+$0x3010]  }
0x125: {  	v1 =	vld [tilespmem:s31+$0x3020]  }
0x126: {  	v2 =	vld [tilespmem:s31+$0x3030]  }
0x127: {  	v3 =	vld [tilespmem:s31+$0x3040]  }
0x128: {  	v4 =	vld [tilespmem:s31+$0x3050]  }
0x129: {  	v5 =	vld [tilespmem:s31+$0x3060]  }
0x12a: {  	v7 =	vld [tilespmem:s31+$0x3070]  }
0x12b: {  	v9 =	vld [tilespmem:s31+$0x3080]  }
0x12c: {  	v6 =	vld [tilespmem:s31+$0x3090]  }
0x12d: {  	v8 =	vld [tilespmem:s31+$0x30A0]  }
0x12e: {  	v10 =	vld [tilespmem:s31+$0x30B0]  }
0x12f: {  	v11 =	vld [tilespmem:s31+$0x30C0]  }
0x130: {  	s10 =	sor.u32 s7, s28;
	v12 =	vld [tilespmem:s31+$0x30D0]  }
0x131: {  	s0 =	sshrl.u32 s10, $0x3;
	v13 =	vld [tilespmem:s31+$0x30E0]  }
0x132: {  	s0 =	sor.u32 $0x3000, s0;
	v15 =	vld [tilespmem:s31+$0x30F0]  }
0x133: {  	s3 =	simm.s32 $0x400;
	s0 =	sadd.s32 s5, s0;
	v14 =	vld.idx.msk [tilespmem:v14+s21+$0x0], $0xffff  }
.LBB2_9:
0x134: {  	p0 =	sne.s32 s3, $0x3C00;
	v16 =	vld.idx.msk [tilespmem:v0+s21+$0x0], $0xffff  }
0x135: {  	v17 =	vld.idx.msk [tilespmem:v1+s21+$0x0], $0xffff  }
0x136: {  	v18 =	vld.idx.msk [tilespmem:v2+s21+$0x0], $0xffff  }
0x137: {  	v19 =	vld.idx.msk [tilespmem:v3+s21+$0x0], $0xffff  }
0x138: {  	v20 =	vld.idx.msk [tilespmem:v4+s21+$0x0], $0xffff  }
0x139: {  	v21 =	vld.idx.msk [tilespmem:v5+s21+$0x0], $0xffff  }
0x13a: {  	v22 =	vld.idx.msk [tilespmem:v7+s21+$0x0], $0xffff  }
0x13b: {  	v23 =	vld.idx.msk [tilespmem:v9+s21+$0x0], $0xffff  }
0x13c: {  	v0 =	vld.idx.msk [tilespmem:v15+s21+$0x0], $0xffff  }
0x13d: {  	v15 =	vld.idx.msk [tilespmem:v6+s21+$0x0], $0xffff  }
0x13e: {  	v24 =	vld.idx.msk [tilespmem:v8+s21+$0x0], $0xffff  }
0x13f: {  	v25 =	vld.idx.msk [tilespmem:v10+s21+$0x0], $0xffff  }
0x140: {  	v26 =	vld.idx.msk [tilespmem:v11+s21+$0x0], $0xffff  }
0x141: {  	v27 =	vld.idx.msk [tilespmem:v12+s21+$0x0], $0xffff  }
0x142: {  	s9 =	sshra.s32 s3, $0x2;
	v28 =	vld.idx.msk [tilespmem:v13+s21+$0x0], $0xffff;
	[tilespmem:s31+$0x1D7F0] =	vst v0  }
0x143: {  	v29 =	vld [tilespmem:s9+$0x3000];
	[tilespmem:s31+$0x1D700] =	vst v14  }
0x144: {  	v0 =	vld [tilespmem:s9+$0x3010];
	[tilespmem:s31+$0x1D710] =	vst v16  }
0x145: {  	v1 =	vld [tilespmem:s9+$0x3020];
	[tilespmem:s31+$0x1D720] =	vst v17  }
0x146: {  	v2 =	vld [tilespmem:s9+$0x3030];
	[tilespmem:s31+$0x1D730] =	vst v18  }
0x147: {  	v3 =	vld [tilespmem:s9+$0x3040];
	[tilespmem:s31+$0x1D740] =	vst v19  }
0x148: {  	v4 =	vld [tilespmem:s9+$0x3050];
	[tilespmem:s31+$0x1D750] =	vst v20  }
0x149: {  	v5 =	vld [tilespmem:s9+$0x3060];
	[tilespmem:s31+$0x1D760] =	vst v21  }
0x14a: {  	v7 =	vld [tilespmem:s9+$0x3070];
	[tilespmem:s31+$0x1D770] =	vst v22  }
0x14b: {  	v9 =	vld [tilespmem:s9+$0x3080];
	[tilespmem:s31+$0x1D780] =	vst v23  }
0x14c: {  	v6 =	vld [tilespmem:s9+$0x3090];
	[tilespmem:s31+$0x1D790] =	vst v15  }
0x14d: {  	v8 =	vld [tilespmem:s9+$0x30A0];
	[tilespmem:s31+$0x1D7A0] =	vst v24  }
0x14e: {  	v10 =	vld [tilespmem:s9+$0x30B0];
	[tilespmem:s31+$0x1D7B0] =	vst v25  }
.Ltmp3:
0x14f: {  	v11 =	vld [tilespmem:s9+$0x30C0];
	[tilespmem:s31+$0x1D7C0] =	vst v26;
	(pc) =	sbr.rel @p0 .LBB2_9-.Ltmp3, $4  }
0x150: {  	v12 =	vld [tilespmem:s9+$0x30D0];
	[tilespmem:s31+$0x1D7D0] =	vst v27  }
0x151: {  	v13 =	vld [tilespmem:s9+$0x30E0];
	[tilespmem:s31+$0x1D7E0] =	vst v28;
	s31 =	smov.u32 s9  }
0x152: {  	v15 =	vld [tilespmem:s31+$0x30F0]  }
0x153: {  	s3 =	sadd.s32 $0x400, s3;
	v14 =	vld.idx.msk [tilespmem:v29+s21+$0x0], $0xffff  }
0x154: {  	_ =	sdelay $0x3  }
0x155: {  	v0 =	vld.idx.msk [tilespmem:v0+s21+$0x0], $0xffff  }
0x156: {  	v1 =	vld.idx.msk [tilespmem:v1+s21+$0x0], $0xffff  }
0x157: {  	v2 =	vld.idx.msk [tilespmem:v2+s21+$0x0], $0xffff  }
0x158: {  	v3 =	vld.idx.msk [tilespmem:v3+s21+$0x0], $0xffff  }
0x159: {  	v4 =	vld.idx.msk [tilespmem:v4+s21+$0x0], $0xffff  }
0x15a: {  	v5 =	vld.idx.msk [tilespmem:v5+s21+$0x0], $0xffff  }
0x15b: {  	v7 =	vld.idx.msk [tilespmem:v7+s21+$0x0], $0xffff  }
0x15c: {  	v9 =	vld.idx.msk [tilespmem:v9+s21+$0x0], $0xffff  }
0x15d: {  	v6 =	vld.idx.msk [tilespmem:v6+s21+$0x0], $0xffff  }
0x15e: {  	v8 =	vld.idx.msk [tilespmem:v8+s21+$0x0], $0xffff  }
0x15f: {  	v10 =	vld.idx.msk [tilespmem:v10+s21+$0x0], $0xffff  }
0x160: {  	v11 =	vld.idx.msk [tilespmem:v11+s21+$0x0], $0xffff  }
0x161: {  	v12 =	vld.idx.msk [tilespmem:v12+s21+$0x0], $0xffff  }
0x162: {  	v13 =	vld.idx.msk [tilespmem:v13+s21+$0x0], $0xffff  }
0x163: {  	v15 =	vld.idx.msk [tilespmem:v15+s21+$0x0], $0xffff;
	[tilespmem:s31+$0x1D700] =	vst v14  }
0x164: {  	[tilespmem:s31+$0x1D710] =	vst v0  }
0x165: {  	[tilespmem:s31+$0x1D720] =	vst v1  }
0x166: {  	[tilespmem:s31+$0x1D730] =	vst v2  }
0x167: {  	[tilespmem:s31+$0x1D740] =	vst v3  }
0x168: {  	[tilespmem:s31+$0x1D750] =	vst v4  }
0x169: {  	[tilespmem:s31+$0x1D760] =	vst v5  }
0x16a: {  	[tilespmem:s31+$0x1D770] =	vst v7  }
0x16b: {  	[tilespmem:s31+$0x1D780] =	vst v9  }
0x16c: {  	[tilespmem:s31+$0x1D790] =	vst v6  }
0x16d: {  	s3 =	sshll.u32 s29, $0x6;
	[tilespmem:s31+$0x1D7A0] =	vst v8  }
0x16e: {  	s3 =	sor.u32 s6, s3;
	[tilespmem:s31+$0x1D7B0] =	vst v10  }
0x16f: {  	s3 =	sshrl.u32 s3, $0x3;
	[tilespmem:s31+$0x1D7C0] =	vst v11  }
0x170: {  	s3 =	smul.u32 $0xC3800, s3;
	[tilespmem:s31+$0x1D7D0] =	vst v12  }
0x171: {  	[tilespmem:s31+$0x1D7E0] =	vst v13  }
0x172: {  	s10 =	sor.u32 s15, s3;
	[tilespmem:s31+$0x1D7F0] =	vst v15  }
0x173: {  	[hbm4b:s0+s17] =	stream.strided.scatter [tilespmem:s20], [sflag:$0x3], $0x1000, s18, s17, $0x38;
	[tilespmem:$0x1E700] =	vst v63  }
0x174: {  	s0 =	sshrl.u32 s10, $0x3  }
0x175: {  	s0 =	sadd.s32 s1, s0  }
0x176: {  	[tilespmem:s21], [sflag:$0x1] =	stream.strided.gather [hbm4b:s0+s17], $0x18700, s18, s17, $0x38;
	[tilespmem:$0x1E700] =	vst v63  }
0x177: {  	_ =	swait.ge [sflag:s23], $0x18700  }
0x178: {  	[sflag:s23] =	ssyncset.done $0x0  }
0x179: {  	[sflag:s23] =	ssyncadd.s32 $0xFFFE7900  }
0x17a: {  	_ =	swait.ge [sflag:s24], $0x1000  }
0x17b: {  	[sflag:s24] =	ssyncset.done $0x0  }
0x17c: {  	s0 =	simm.s32 $0x0;
	[sflag:s24] =	ssyncadd.s32 $0xFFFFF000  }
0x17d: {  	v14 =	vld [tilespmem:s0+$0x0]  }
0x17e: {  	v0 =	vld [tilespmem:s0+$0x10]  }
0x17f: {  	v1 =	vld [tilespmem:s0+$0x20]  }
0x180: {  	v2 =	vld [tilespmem:s0+$0x30]  }
0x181: {  	v3 =	vld [tilespmem:s0+$0x40]  }
0x182: {  	v4 =	vld [tilespmem:s0+$0x50]  }
0x183: {  	v5 =	vld [tilespmem:s0+$0x60]  }
0x184: {  	v7 =	vld [tilespmem:s0+$0x70]  }
0x185: {  	v9 =	vld [tilespmem:s0+$0x80]  }
0x186: {  	v6 =	vld [tilespmem:s0+$0x90]  }
0x187: {  	v8 =	vld [tilespmem:s0+$0xA0]  }
0x188: {  	v10 =	vld [tilespmem:s0+$0xB0]  }
0x189: {  	v11 =	vld [tilespmem:s0+$0xC0]  }
0x18a: {  	v12 =	vld [tilespmem:s0+$0xD0]  }
0x18b: {  	s31 =	sor.u32 s15, s30;
	v13 =	vld [tilespmem:s0+$0xE0]  }
0x18c: {  	s29 =	sshrl.u32 s31, $0x3;
	v15 =	vld [tilespmem:s0+$0xF0]  }
0x18d: {  	s9 =	simm.s32 $0x400;
	s3 =	sadd.s32 s5, s29;
	v14 =	vld.idx.msk [tilespmem:v14+s21+$0x0], $0xffff  }
.LBB2_11:
0x18e: {  	p0 =	sne.s32 s9, $0x3C00;
	v16 =	vld.idx.msk [tilespmem:v0+s21+$0x0], $0xffff  }
0x18f: {  	v17 =	vld.idx.msk [tilespmem:v1+s21+$0x0], $0xffff  }
0x190: {  	v18 =	vld.idx.msk [tilespmem:v2+s21+$0x0], $0xffff  }
0x191: {  	v19 =	vld.idx.msk [tilespmem:v3+s21+$0x0], $0xffff  }
0x192: {  	v20 =	vld.idx.msk [tilespmem:v4+s21+$0x0], $0xffff  }
0x193: {  	v21 =	vld.idx.msk [tilespmem:v5+s21+$0x0], $0xffff  }
0x194: {  	v22 =	vld.idx.msk [tilespmem:v7+s21+$0x0], $0xffff  }
0x195: {  	v23 =	vld.idx.msk [tilespmem:v9+s21+$0x0], $0xffff  }
0x196: {  	v0 =	vld.idx.msk [tilespmem:v15+s21+$0x0], $0xffff  }
0x197: {  	v15 =	vld.idx.msk [tilespmem:v6+s21+$0x0], $0xffff  }
0x198: {  	v24 =	vld.idx.msk [tilespmem:v8+s21+$0x0], $0xffff  }
0x199: {  	v25 =	vld.idx.msk [tilespmem:v10+s21+$0x0], $0xffff  }
0x19a: {  	v26 =	vld.idx.msk [tilespmem:v11+s21+$0x0], $0xffff  }
0x19b: {  	v27 =	vld.idx.msk [tilespmem:v12+s21+$0x0], $0xffff  }
0x19c: {  	s10 =	sshra.s32 s9, $0x2;
	v28 =	vld.idx.msk [tilespmem:v13+s21+$0x0], $0xffff;
	[tilespmem:s0+$0x1C7F0] =	vst v0  }
0x19d: {  	v29 =	vld [tilespmem:s10+$0x0];
	[tilespmem:s0+$0x1C700] =	vst v14  }
0x19e: {  	v0 =	vld [tilespmem:s10+$0x10];
	[tilespmem:s0+$0x1C710] =	vst v16  }
0x19f: {  	v1 =	vld [tilespmem:s10+$0x20];
	[tilespmem:s0+$0x1C720] =	vst v17  }
0x1a0: {  	v2 =	vld [tilespmem:s10+$0x30];
	[tilespmem:s0+$0x1C730] =	vst v18  }
0x1a1: {  	v3 =	vld [tilespmem:s10+$0x40];
	[tilespmem:s0+$0x1C740] =	vst v19  }
0x1a2: {  	v4 =	vld [tilespmem:s10+$0x50];
	[tilespmem:s0+$0x1C750] =	vst v20  }
0x1a3: {  	v5 =	vld [tilespmem:s10+$0x60];
	[tilespmem:s0+$0x1C760] =	vst v21  }
0x1a4: {  	v7 =	vld [tilespmem:s10+$0x70];
	[tilespmem:s0+$0x1C770] =	vst v22  }
0x1a5: {  	v9 =	vld [tilespmem:s10+$0x80];
	[tilespmem:s0+$0x1C780] =	vst v23  }
0x1a6: {  	v6 =	vld [tilespmem:s10+$0x90];
	[tilespmem:s0+$0x1C790] =	vst v15  }
0x1a7: {  	v8 =	vld [tilespmem:s10+$0xA0];
	[tilespmem:s0+$0x1C7A0] =	vst v24  }
0x1a8: {  	v10 =	vld [tilespmem:s10+$0xB0];
	[tilespmem:s0+$0x1C7B0] =	vst v25  }
.Ltmp4:
0x1a9: {  	v11 =	vld [tilespmem:s10+$0xC0];
	[tilespmem:s0+$0x1C7C0] =	vst v26;
	(pc) =	sbr.rel @p0 .LBB2_11-.Ltmp4, $4  }
0x1aa: {  	v12 =	vld [tilespmem:s10+$0xD0];
	[tilespmem:s0+$0x1C7D0] =	vst v27  }
0x1ab: {  	v13 =	vld [tilespmem:s10+$0xE0];
	[tilespmem:s0+$0x1C7E0] =	vst v28;
	s0 =	smov.u32 s10  }
0x1ac: {  	v15 =	vld [tilespmem:s0+$0xF0]  }
0x1ad: {  	s9 =	sadd.s32 $0x400, s9;
	v14 =	vld.idx.msk [tilespmem:v29+s21+$0x0], $0xffff  }
0x1ae: {  	_ =	sdelay $0x3  }
0x1af: {  	v0 =	vld.idx.msk [tilespmem:v0+s21+$0x0], $0xffff  }
0x1b0: {  	v1 =	vld.idx.msk [tilespmem:v1+s21+$0x0], $0xffff  }
0x1b1: {  	v2 =	vld.idx.msk [tilespmem:v2+s21+$0x0], $0xffff  }
0x1b2: {  	v3 =	vld.idx.msk [tilespmem:v3+s21+$0x0], $0xffff  }
0x1b3: {  	v4 =	vld.idx.msk [tilespmem:v4+s21+$0x0], $0xffff  }
0x1b4: {  	v5 =	vld.idx.msk [tilespmem:v5+s21+$0x0], $0xffff  }
0x1b5: {  	v7 =	vld.idx.msk [tilespmem:v7+s21+$0x0], $0xffff  }
0x1b6: {  	v9 =	vld.idx.msk [tilespmem:v9+s21+$0x0], $0xffff  }
0x1b7: {  	v6 =	vld.idx.msk [tilespmem:v6+s21+$0x0], $0xffff  }
0x1b8: {  	v8 =	vld.idx.msk [tilespmem:v8+s21+$0x0], $0xffff  }
0x1b9: {  	v10 =	vld.idx.msk [tilespmem:v10+s21+$0x0], $0xffff  }
0x1ba: {  	v11 =	vld.idx.msk [tilespmem:v11+s21+$0x0], $0xffff  }
0x1bb: {  	v12 =	vld.idx.msk [tilespmem:v12+s21+$0x0], $0xffff  }
0x1bc: {  	v13 =	vld.idx.msk [tilespmem:v13+s21+$0x0], $0xffff  }
0x1bd: {  	v15 =	vld.idx.msk [tilespmem:v15+s21+$0x0], $0xffff;
	[tilespmem:s0+$0x1C700] =	vst v14  }
0x1be: {  	[tilespmem:s0+$0x1C710] =	vst v0  }
0x1bf: {  	[tilespmem:s0+$0x1C720] =	vst v1  }
0x1c0: {  	[tilespmem:s0+$0x1C730] =	vst v2  }
0x1c1: {  	[tilespmem:s0+$0x1C740] =	vst v3  }
0x1c2: {  	[tilespmem:s0+$0x1C750] =	vst v4  }
0x1c3: {  	[tilespmem:s0+$0x1C760] =	vst v5  }
0x1c4: {  	[tilespmem:s0+$0x1C770] =	vst v7  }
0x1c5: {  	[tilespmem:s0+$0x1C780] =	vst v9  }
0x1c6: {  	[tilespmem:s0+$0x1C790] =	vst v6  }
0x1c7: {  	[tilespmem:s0+$0x1C7A0] =	vst v8  }
0x1c8: {  	[tilespmem:s0+$0x1C7B0] =	vst v10  }
0x1c9: {  	[tilespmem:s0+$0x1C7C0] =	vst v11  }
0x1ca: {  	[tilespmem:s0+$0x1C7D0] =	vst v12  }
0x1cb: {  	[tilespmem:s0+$0x1C7E0] =	vst v13  }
0x1cc: {  	[tilespmem:s0+$0x1C7F0] =	vst v15  }
0x1cd: {  	[hbm4b:s3+s17] =	stream.strided.scatter [tilespmem:s19], [sflag:$0x2], $0x1000, s18, s17, $0x38;
	[tilespmem:$0x1E700] =	vst v63  }
0x1ce: {  	_ =	swait.ge [sflag:s25], $0x1000  }
0x1cf: {  	[sflag:s25] =	ssyncset.done $0x0  }
0x1d0: {  	s0 =	simm.s32 $0x0;
	[sflag:s25] =	ssyncadd.s32 $0xFFFFF000  }
0x1d1: {  	v14 =	vld [tilespmem:s0+$0x1000]  }
0x1d2: {  	v0 =	vld [tilespmem:s0+$0x1010]  }
0x1d3: {  	v1 =	vld [tilespmem:s0+$0x1020]  }
0x1d4: {  	v2 =	vld [tilespmem:s0+$0x1030]  }
0x1d5: {  	v3 =	vld [tilespmem:s0+$0x1040]  }
0x1d6: {  	v4 =	vld [tilespmem:s0+$0x1050]  }
0x1d7: {  	v5 =	vld [tilespmem:s0+$0x1060]  }
0x1d8: {  	v7 =	vld [tilespmem:s0+$0x1070]  }
0x1d9: {  	v9 =	vld [tilespmem:s0+$0x1080]  }
0x1da: {  	v6 =	vld [tilespmem:s0+$0x1090]  }
0x1db: {  	v8 =	vld [tilespmem:s0+$0x10A0]  }
0x1dc: {  	v10 =	vld [tilespmem:s0+$0x10B0]  }
0x1dd: {  	v11 =	vld [tilespmem:s0+$0x10C0]  }
0x1de: {  	v12 =	vld [tilespmem:s0+$0x10D0]  }
0x1df: {  	v13 =	vld [tilespmem:s0+$0x10E0]  }
0x1e0: {  	v15 =	vld [tilespmem:s0+$0x10F0]  }
0x1e1: {  	s9 =	simm.s32 $0x400;
	s3 =	sadd.s32 s29, s8;
	v14 =	vld.idx.msk [tilespmem:v14+s21+$0x0], $0xffff  }
.LBB2_13:
0x1e2: {  	p0 =	sne.s32 s9, $0x3C00;
	v16 =	vld.idx.msk [tilespmem:v0+s21+$0x0], $0xffff  }
0x1e3: {  	v17 =	vld.idx.msk [tilespmem:v1+s21+$0x0], $0xffff  }
0x1e4: {  	v18 =	vld.idx.msk [tilespmem:v2+s21+$0x0], $0xffff  }
0x1e5: {  	v19 =	vld.idx.msk [tilespmem:v3+s21+$0x0], $0xffff  }
0x1e6: {  	v20 =	vld.idx.msk [tilespmem:v4+s21+$0x0], $0xffff  }
0x1e7: {  	v21 =	vld.idx.msk [tilespmem:v5+s21+$0x0], $0xffff  }
0x1e8: {  	v22 =	vld.idx.msk [tilespmem:v7+s21+$0x0], $0xffff  }
0x1e9: {  	v23 =	vld.idx.msk [tilespmem:v9+s21+$0x0], $0xffff  }
0x1ea: {  	v0 =	vld.idx.msk [tilespmem:v15+s21+$0x0], $0xffff  }
0x1eb: {  	v15 =	vld.idx.msk [tilespmem:v6+s21+$0x0], $0xffff  }
0x1ec: {  	v24 =	vld.idx.msk [tilespmem:v8+s21+$0x0], $0xffff  }
0x1ed: {  	v25 =	vld.idx.msk [tilespmem:v10+s21+$0x0], $0xffff  }
0x1ee: {  	v26 =	vld.idx.msk [tilespmem:v11+s21+$0x0], $0xffff  }
0x1ef: {  	v27 =	vld.idx.msk [tilespmem:v12+s21+$0x0], $0xffff  }
0x1f0: {  	s10 =	sshra.s32 s9, $0x2;
	v28 =	vld.idx.msk [tilespmem:v13+s21+$0x0], $0xffff;
	[tilespmem:s0+$0x1D7F0] =	vst v0  }
0x1f1: {  	v29 =	vld [tilespmem:s10+$0x1000];
	[tilespmem:s0+$0x1D700] =	vst v14  }
0x1f2: {  	v0 =	vld [tilespmem:s10+$0x1010];
	[tilespmem:s0+$0x1D710] =	vst v16  }
0x1f3: {  	v1 =	vld [tilespmem:s10+$0x1020];
	[tilespmem:s0+$0x1D720] =	vst v17  }
0x1f4: {  	v2 =	vld [tilespmem:s10+$0x1030];
	[tilespmem:s0+$0x1D730] =	vst v18  }
0x1f5: {  	v3 =	vld [tilespmem:s10+$0x1040];
	[tilespmem:s0+$0x1D740] =	vst v19  }
0x1f6: {  	v4 =	vld [tilespmem:s10+$0x1050];
	[tilespmem:s0+$0x1D750] =	vst v20  }
0x1f7: {  	v5 =	vld [tilespmem:s10+$0x1060];
	[tilespmem:s0+$0x1D760] =	vst v21  }
0x1f8: {  	v7 =	vld [tilespmem:s10+$0x1070];
	[tilespmem:s0+$0x1D770] =	vst v22  }
0x1f9: {  	v9 =	vld [tilespmem:s10+$0x1080];
	[tilespmem:s0+$0x1D780] =	vst v23  }
0x1fa: {  	v6 =	vld [tilespmem:s10+$0x1090];
	[tilespmem:s0+$0x1D790] =	vst v15  }
0x1fb: {  	v8 =	vld [tilespmem:s10+$0x10A0];
	[tilespmem:s0+$0x1D7A0] =	vst v24  }
0x1fc: {  	v10 =	vld [tilespmem:s10+$0x10B0];
	[tilespmem:s0+$0x1D7B0] =	vst v25  }
.Ltmp5:
0x1fd: {  	v11 =	vld [tilespmem:s10+$0x10C0];
	[tilespmem:s0+$0x1D7C0] =	vst v26;
	(pc) =	sbr.rel @p0 .LBB2_13-.Ltmp5, $4  }
0x1fe: {  	v12 =	vld [tilespmem:s10+$0x10D0];
	[tilespmem:s0+$0x1D7D0] =	vst v27  }
0x1ff: {  	v13 =	vld [tilespmem:s10+$0x10E0];
	[tilespmem:s0+$0x1D7E0] =	vst v28;
	s0 =	smov.u32 s10  }
0x200: {  	v15 =	vld [tilespmem:s0+$0x10F0]  }
0x201: {  	s9 =	sadd.s32 $0x400, s9;
	v14 =	vld.idx.msk [tilespmem:v29+s21+$0x0], $0xffff  }
0x202: {  	_ =	sdelay $0x3  }
0x203: {  	v0 =	vld.idx.msk [tilespmem:v0+s21+$0x0], $0xffff  }
0x204: {  	v1 =	vld.idx.msk [tilespmem:v1+s21+$0x0], $0xffff  }
0x205: {  	v2 =	vld.idx.msk [tilespmem:v2+s21+$0x0], $0xffff  }
0x206: {  	v3 =	vld.idx.msk [tilespmem:v3+s21+$0x0], $0xffff  }
0x207: {  	v4 =	vld.idx.msk [tilespmem:v4+s21+$0x0], $0xffff  }
0x208: {  	v5 =	vld.idx.msk [tilespmem:v5+s21+$0x0], $0xffff  }
0x209: {  	v7 =	vld.idx.msk [tilespmem:v7+s21+$0x0], $0xffff  }
0x20a: {  	v9 =	vld.idx.msk [tilespmem:v9+s21+$0x0], $0xffff  }
0x20b: {  	v6 =	vld.idx.msk [tilespmem:v6+s21+$0x0], $0xffff  }
0x20c: {  	v8 =	vld.idx.msk [tilespmem:v8+s21+$0x0], $0xffff  }
0x20d: {  	v10 =	vld.idx.msk [tilespmem:v10+s21+$0x0], $0xffff  }
0x20e: {  	v11 =	vld.idx.msk [tilespmem:v11+s21+$0x0], $0xffff  }
0x20f: {  	v12 =	vld.idx.msk [tilespmem:v12+s21+$0x0], $0xffff  }
0x210: {  	v13 =	vld.idx.msk [tilespmem:v13+s21+$0x0], $0xffff  }
0x211: {  	v15 =	vld.idx.msk [tilespmem:v15+s21+$0x0], $0xffff;
	[tilespmem:s0+$0x1D700] =	vst v14  }
0x212: {  	[tilespmem:s0+$0x1D710] =	vst v0  }
0x213: {  	[tilespmem:s0+$0x1D720] =	vst v1  }
0x214: {  	[tilespmem:s0+$0x1D730] =	vst v2  }
0x215: {  	[tilespmem:s0+$0x1D740] =	vst v3  }
0x216: {  	[tilespmem:s0+$0x1D750] =	vst v4  }
0x217: {  	[tilespmem:s0+$0x1D760] =	vst v5  }
0x218: {  	[tilespmem:s0+$0x1D770] =	vst v7  }
0x219: {  	[tilespmem:s0+$0x1D780] =	vst v9  }
0x21a: {  	[tilespmem:s0+$0x1D790] =	vst v6  }
0x21b: {  	[tilespmem:s0+$0x1D7A0] =	vst v8  }
0x21c: {  	[tilespmem:s0+$0x1D7B0] =	vst v10  }
0x21d: {  	[tilespmem:s0+$0x1D7C0] =	vst v11  }
0x21e: {  	[tilespmem:s0+$0x1D7D0] =	vst v12  }
0x21f: {  	[tilespmem:s0+$0x1D7E0] =	vst v13  }
0x220: {  	[tilespmem:s0+$0x1D7F0] =	vst v15  }
0x221: {  	[hbm4b:s3+s17] =	stream.strided.scatter [tilespmem:s20], [sflag:$0x3], $0x1000, s18, s17, $0x38;
	[tilespmem:$0x1E700] =	vst v63  }
0x222: {  	_ =	swait.ge [sflag:s24], $0x1000  }
0x223: {  	[sflag:s24] =	ssyncset.done $0x0  }
0x224: {  	s0 =	simm.s32 $0x0;
	[sflag:s24] =	ssyncadd.s32 $0xFFFFF000  }
0x225: {  	v14 =	vld [tilespmem:s0+$0x2000]  }
0x226: {  	v0 =	vld [tilespmem:s0+$0x2010]  }
0x227: {  	v1 =	vld [tilespmem:s0+$0x2020]  }
0x228: {  	v2 =	vld [tilespmem:s0+$0x2030]  }
0x229: {  	v3 =	vld [tilespmem:s0+$0x2040]  }
0x22a: {  	v4 =	vld [tilespmem:s0+$0x2050]  }
0x22b: {  	v5 =	vld [tilespmem:s0+$0x2060]  }
0x22c: {  	v7 =	vld [tilespmem:s0+$0x2070]  }
0x22d: {  	v9 =	vld [tilespmem:s0+$0x2080]  }
0x22e: {  	v6 =	vld [tilespmem:s0+$0x2090]  }
0x22f: {  	v8 =	vld [tilespmem:s0+$0x20A0]  }
0x230: {  	v10 =	vld [tilespmem:s0+$0x20B0]  }
0x231: {  	v11 =	vld [tilespmem:s0+$0x20C0]  }
0x232: {  	v12 =	vld [tilespmem:s0+$0x20D0]  }
0x233: {  	v13 =	vld [tilespmem:s0+$0x20E0]  }
0x234: {  	v15 =	vld [tilespmem:s0+$0x20F0]  }
0x235: {  	s9 =	simm.s32 $0x400;
	s3 =	sadd.s32 s29, s14;
	v14 =	vld.idx.msk [tilespmem:v14+s21+$0x0], $0xffff  }
.LBB2_15:
0x236: {  	p0 =	sne.s32 s9, $0x3C00;
	v16 =	vld.idx.msk [tilespmem:v0+s21+$0x0], $0xffff  }
0x237: {  	v17 =	vld.idx.msk [tilespmem:v1+s21+$0x0], $0xffff  }
0x238: {  	v18 =	vld.idx.msk [tilespmem:v2+s21+$0x0], $0xffff  }
0x239: {  	v19 =	vld.idx.msk [tilespmem:v3+s21+$0x0], $0xffff  }
0x23a: {  	v20 =	vld.idx.msk [tilespmem:v4+s21+$0x0], $0xffff  }
0x23b: {  	v21 =	vld.idx.msk [tilespmem:v5+s21+$0x0], $0xffff  }
0x23c: {  	v22 =	vld.idx.msk [tilespmem:v7+s21+$0x0], $0xffff  }
0x23d: {  	v23 =	vld.idx.msk [tilespmem:v9+s21+$0x0], $0xffff  }
0x23e: {  	v0 =	vld.idx.msk [tilespmem:v15+s21+$0x0], $0xffff  }
0x23f: {  	v15 =	vld.idx.msk [tilespmem:v6+s21+$0x0], $0xffff  }
0x240: {  	v24 =	vld.idx.msk [tilespmem:v8+s21+$0x0], $0xffff  }
0x241: {  	v25 =	vld.idx.msk [tilespmem:v10+s21+$0x0], $0xffff  }
0x242: {  	v26 =	vld.idx.msk [tilespmem:v11+s21+$0x0], $0xffff  }
0x243: {  	v27 =	vld.idx.msk [tilespmem:v12+s21+$0x0], $0xffff  }
0x244: {  	s10 =	sshra.s32 s9, $0x2;
	v28 =	vld.idx.msk [tilespmem:v13+s21+$0x0], $0xffff;
	[tilespmem:s0+$0x1C7F0] =	vst v0  }
0x245: {  	v29 =	vld [tilespmem:s10+$0x2000];
	[tilespmem:s0+$0x1C700] =	vst v14  }
0x246: {  	v0 =	vld [tilespmem:s10+$0x2010];
	[tilespmem:s0+$0x1C710] =	vst v16  }
0x247: {  	v1 =	vld [tilespmem:s10+$0x2020];
	[tilespmem:s0+$0x1C720] =	vst v17  }
0x248: {  	v2 =	vld [tilespmem:s10+$0x2030];
	[tilespmem:s0+$0x1C730] =	vst v18  }
0x249: {  	v3 =	vld [tilespmem:s10+$0x2040];
	[tilespmem:s0+$0x1C740] =	vst v19  }
0x24a: {  	v4 =	vld [tilespmem:s10+$0x2050];
	[tilespmem:s0+$0x1C750] =	vst v20  }
0x24b: {  	v5 =	vld [tilespmem:s10+$0x2060];
	[tilespmem:s0+$0x1C760] =	vst v21  }
0x24c: {  	v7 =	vld [tilespmem:s10+$0x2070];
	[tilespmem:s0+$0x1C770] =	vst v22  }
0x24d: {  	v9 =	vld [tilespmem:s10+$0x2080];
	[tilespmem:s0+$0x1C780] =	vst v23  }
0x24e: {  	v6 =	vld [tilespmem:s10+$0x2090];
	[tilespmem:s0+$0x1C790] =	vst v15  }
0x24f: {  	v8 =	vld [tilespmem:s10+$0x20A0];
	[tilespmem:s0+$0x1C7A0] =	vst v24  }
0x250: {  	v10 =	vld [tilespmem:s10+$0x20B0];
	[tilespmem:s0+$0x1C7B0] =	vst v25  }
.Ltmp6:
0x251: {  	v11 =	vld [tilespmem:s10+$0x20C0];
	[tilespmem:s0+$0x1C7C0] =	vst v26;
	(pc) =	sbr.rel @p0 .LBB2_15-.Ltmp6, $4  }
0x252: {  	v12 =	vld [tilespmem:s10+$0x20D0];
	[tilespmem:s0+$0x1C7D0] =	vst v27  }
0x253: {  	v13 =	vld [tilespmem:s10+$0x20E0];
	[tilespmem:s0+$0x1C7E0] =	vst v28;
	s0 =	smov.u32 s10  }
0x254: {  	v15 =	vld [tilespmem:s0+$0x20F0]  }
0x255: {  	s9 =	sadd.s32 $0x400, s9;
	v14 =	vld.idx.msk [tilespmem:v29+s21+$0x0], $0xffff  }
0x256: {  	_ =	sdelay $0x3  }
0x257: {  	v0 =	vld.idx.msk [tilespmem:v0+s21+$0x0], $0xffff  }
0x258: {  	v1 =	vld.idx.msk [tilespmem:v1+s21+$0x0], $0xffff  }
0x259: {  	v2 =	vld.idx.msk [tilespmem:v2+s21+$0x0], $0xffff  }
0x25a: {  	v3 =	vld.idx.msk [tilespmem:v3+s21+$0x0], $0xffff  }
0x25b: {  	v4 =	vld.idx.msk [tilespmem:v4+s21+$0x0], $0xffff  }
0x25c: {  	v5 =	vld.idx.msk [tilespmem:v5+s21+$0x0], $0xffff  }
0x25d: {  	v7 =	vld.idx.msk [tilespmem:v7+s21+$0x0], $0xffff  }
0x25e: {  	v9 =	vld.idx.msk [tilespmem:v9+s21+$0x0], $0xffff  }
0x25f: {  	v6 =	vld.idx.msk [tilespmem:v6+s21+$0x0], $0xffff  }
0x260: {  	v8 =	vld.idx.msk [tilespmem:v8+s21+$0x0], $0xffff  }
0x261: {  	v10 =	vld.idx.msk [tilespmem:v10+s21+$0x0], $0xffff  }
0x262: {  	v11 =	vld.idx.msk [tilespmem:v11+s21+$0x0], $0xffff  }
0x263: {  	v12 =	vld.idx.msk [tilespmem:v12+s21+$0x0], $0xffff  }
0x264: {  	v13 =	vld.idx.msk [tilespmem:v13+s21+$0x0], $0xffff  }
0x265: {  	v15 =	vld.idx.msk [tilespmem:v15+s21+$0x0], $0xffff;
	[tilespmem:s0+$0x1C700] =	vst v14  }
0x266: {  	[tilespmem:s0+$0x1C710] =	vst v0  }
0x267: {  	[tilespmem:s0+$0x1C720] =	vst v1  }
0x268: {  	[tilespmem:s0+$0x1C730] =	vst v2  }
0x269: {  	[tilespmem:s0+$0x1C740] =	vst v3  }
0x26a: {  	[tilespmem:s0+$0x1C750] =	vst v4  }
0x26b: {  	[tilespmem:s0+$0x1C760] =	vst v5  }
0x26c: {  	[tilespmem:s0+$0x1C770] =	vst v7  }
0x26d: {  	[tilespmem:s0+$0x1C780] =	vst v9  }
0x26e: {  	[tilespmem:s0+$0x1C790] =	vst v6  }
0x26f: {  	[tilespmem:s0+$0x1C7A0] =	vst v8  }
0x270: {  	[tilespmem:s0+$0x1C7B0] =	vst v10  }
0x271: {  	[tilespmem:s0+$0x1C7C0] =	vst v11  }
0x272: {  	[tilespmem:s0+$0x1C7D0] =	vst v12  }
0x273: {  	[tilespmem:s0+$0x1C7E0] =	vst v13  }
0x274: {  	[tilespmem:s0+$0x1C7F0] =	vst v15  }
0x275: {  	[hbm4b:s3+s17] =	stream.strided.scatter [tilespmem:s19], [sflag:$0x2], $0x1000, s18, s17, $0x38;
	[tilespmem:$0x1E700] =	vst v63  }
0x276: {  	_ =	swait.ge [sflag:s25], $0x1000  }
0x277: {  	[sflag:s25] =	ssyncset.done $0x0  }
0x278: {  	s29 =	simm.s32 $0x0;
	[sflag:s25] =	ssyncadd.s32 $0xFFFFF000  }
0x279: {  	v14 =	vld [tilespmem:s29+$0x3000]  }
0x27a: {  	v0 =	vld [tilespmem:s29+$0x3010]  }
0x27b: {  	v1 =	vld [tilespmem:s29+$0x3020]  }
0x27c: {  	v2 =	vld [tilespmem:s29+$0x3030]  }
0x27d: {  	v3 =	vld [tilespmem:s29+$0x3040]  }
0x27e: {  	v4 =	vld [tilespmem:s29+$0x3050]  }
0x27f: {  	v5 =	vld [tilespmem:s29+$0x3060]  }
0x280: {  	v7 =	vld [tilespmem:s29+$0x3070]  }
0x281: {  	v9 =	vld [tilespmem:s29+$0x3080]  }
0x282: {  	v6 =	vld [tilespmem:s29+$0x3090]  }
0x283: {  	v8 =	vld [tilespmem:s29+$0x30A0]  }
0x284: {  	v10 =	vld [tilespmem:s29+$0x30B0]  }
0x285: {  	v11 =	vld [tilespmem:s29+$0x30C0]  }
0x286: {  	s31 =	sor.u32 s15, s28;
	v12 =	vld [tilespmem:s29+$0x30D0]  }
0x287: {  	s0 =	sshrl.u32 s31, $0x3;
	v13 =	vld [tilespmem:s29+$0x30E0]  }
0x288: {  	s0 =	sor.u32 $0x3000, s0;
	v15 =	vld [tilespmem:s29+$0x30F0]  }
0x289: {  	s3 =	simm.s32 $0x400;
	s0 =	sadd.s32 s5, s0;
	v14 =	vld.idx.msk [tilespmem:v14+s21+$0x0], $0xffff  }
.LBB2_17:
0x28a: {  	p0 =	sne.s32 s3, $0x3C00;
	v16 =	vld.idx.msk [tilespmem:v0+s21+$0x0], $0xffff  }
0x28b: {  	v17 =	vld.idx.msk [tilespmem:v1+s21+$0x0], $0xffff  }
0x28c: {  	v18 =	vld.idx.msk [tilespmem:v2+s21+$0x0], $0xffff  }
0x28d: {  	v19 =	vld.idx.msk [tilespmem:v3+s21+$0x0], $0xffff  }
0x28e: {  	v20 =	vld.idx.msk [tilespmem:v4+s21+$0x0], $0xffff  }
0x28f: {  	v21 =	vld.idx.msk [tilespmem:v5+s21+$0x0], $0xffff  }
0x290: {  	v22 =	vld.idx.msk [tilespmem:v7+s21+$0x0], $0xffff  }
0x291: {  	v23 =	vld.idx.msk [tilespmem:v9+s21+$0x0], $0xffff  }
0x292: {  	v0 =	vld.idx.msk [tilespmem:v15+s21+$0x0], $0xffff  }
0x293: {  	v15 =	vld.idx.msk [tilespmem:v6+s21+$0x0], $0xffff  }
0x294: {  	v24 =	vld.idx.msk [tilespmem:v8+s21+$0x0], $0xffff  }
0x295: {  	v25 =	vld.idx.msk [tilespmem:v10+s21+$0x0], $0xffff  }
0x296: {  	v26 =	vld.idx.msk [tilespmem:v11+s21+$0x0], $0xffff  }
0x297: {  	v27 =	vld.idx.msk [tilespmem:v12+s21+$0x0], $0xffff  }
0x298: {  	s9 =	sshra.s32 s3, $0x2;
	v28 =	vld.idx.msk [tilespmem:v13+s21+$0x0], $0xffff;
	[tilespmem:s29+$0x1D7F0] =	vst v0  }
0x299: {  	v29 =	vld [tilespmem:s9+$0x3000];
	[tilespmem:s29+$0x1D700] =	vst v14  }
0x29a: {  	v0 =	vld [tilespmem:s9+$0x3010];
	[tilespmem:s29+$0x1D710] =	vst v16  }
0x29b: {  	v1 =	vld [tilespmem:s9+$0x3020];
	[tilespmem:s29+$0x1D720] =	vst v17  }
0x29c: {  	v2 =	vld [tilespmem:s9+$0x3030];
	[tilespmem:s29+$0x1D730] =	vst v18  }
0x29d: {  	v3 =	vld [tilespmem:s9+$0x3040];
	[tilespmem:s29+$0x1D740] =	vst v19  }
0x29e: {  	v4 =	vld [tilespmem:s9+$0x3050];
	[tilespmem:s29+$0x1D750] =	vst v20  }
0x29f: {  	v5 =	vld [tilespmem:s9+$0x3060];
	[tilespmem:s29+$0x1D760] =	vst v21  }
0x2a0: {  	v7 =	vld [tilespmem:s9+$0x3070];
	[tilespmem:s29+$0x1D770] =	vst v22  }
0x2a1: {  	v9 =	vld [tilespmem:s9+$0x3080];
	[tilespmem:s29+$0x1D780] =	vst v23  }
0x2a2: {  	v6 =	vld [tilespmem:s9+$0x3090];
	[tilespmem:s29+$0x1D790] =	vst v15  }
0x2a3: {  	v8 =	vld [tilespmem:s9+$0x30A0];
	[tilespmem:s29+$0x1D7A0] =	vst v24  }
0x2a4: {  	v10 =	vld [tilespmem:s9+$0x30B0];
	[tilespmem:s29+$0x1D7B0] =	vst v25  }
.Ltmp7:
0x2a5: {  	v11 =	vld [tilespmem:s9+$0x30C0];
	[tilespmem:s29+$0x1D7C0] =	vst v26;
	(pc) =	sbr.rel @p0 .LBB2_17-.Ltmp7, $4  }
0x2a6: {  	v12 =	vld [tilespmem:s9+$0x30D0];
	[tilespmem:s29+$0x1D7D0] =	vst v27  }
0x2a7: {  	v13 =	vld [tilespmem:s9+$0x30E0];
	[tilespmem:s29+$0x1D7E0] =	vst v28;
	s29 =	smov.u32 s9  }
0x2a8: {  	v15 =	vld [tilespmem:s29+$0x30F0]  }
0x2a9: {  	s3 =	sadd.s32 $0x400, s3;
	v14 =	vld.idx.msk [tilespmem:v29+s21+$0x0], $0xffff  }
0x2aa: {  	_ =	sdelay $0x3  }
0x2ab: {  	v0 =	vld.idx.msk [tilespmem:v0+s21+$0x0], $0xffff  }
0x2ac: {  	v1 =	vld.idx.msk [tilespmem:v1+s21+$0x0], $0xffff  }
0x2ad: {  	v2 =	vld.idx.msk [tilespmem:v2+s21+$0x0], $0xffff  }
0x2ae: {  	v3 =	vld.idx.msk [tilespmem:v3+s21+$0x0], $0xffff  }
0x2af: {  	v4 =	vld.idx.msk [tilespmem:v4+s21+$0x0], $0xffff  }
0x2b0: {  	v5 =	vld.idx.msk [tilespmem:v5+s21+$0x0], $0xffff  }
0x2b1: {  	v7 =	vld.idx.msk [tilespmem:v7+s21+$0x0], $0xffff  }
0x2b2: {  	v9 =	vld.idx.msk [tilespmem:v9+s21+$0x0], $0xffff  }
0x2b3: {  	v6 =	vld.idx.msk [tilespmem:v6+s21+$0x0], $0xffff  }
0x2b4: {  	v8 =	vld.idx.msk [tilespmem:v8+s21+$0x0], $0xffff  }
0x2b5: {  	v10 =	vld.idx.msk [tilespmem:v10+s21+$0x0], $0xffff  }
0x2b6: {  	v11 =	vld.idx.msk [tilespmem:v11+s21+$0x0], $0xffff  }
0x2b7: {  	v12 =	vld.idx.msk [tilespmem:v12+s21+$0x0], $0xffff  }
0x2b8: {  	v13 =	vld.idx.msk [tilespmem:v13+s21+$0x0], $0xffff  }
0x2b9: {  	v15 =	vld.idx.msk [tilespmem:v15+s21+$0x0], $0xffff;
	[tilespmem:s29+$0x1D700] =	vst v14  }
0x2ba: {  	[tilespmem:s29+$0x1D710] =	vst v0  }
0x2bb: {  	[tilespmem:s29+$0x1D720] =	vst v1  }
0x2bc: {  	[tilespmem:s29+$0x1D730] =	vst v2  }
0x2bd: {  	[tilespmem:s29+$0x1D740] =	vst v3  }
0x2be: {  	[tilespmem:s29+$0x1D750] =	vst v4  }
0x2bf: {  	[tilespmem:s29+$0x1D760] =	vst v5  }
0x2c0: {  	[tilespmem:s29+$0x1D770] =	vst v7  }
0x2c1: {  	s26 =	sadd.s32 $0x1, s26;
	[tilespmem:s29+$0x1D780] =	vst v9  }
0x2c2: {  	s3 =	smin.u32 s26, $0xC;
	[tilespmem:s29+$0x1D790] =	vst v6  }
0x2c3: {  	s3 =	sshll.u32 s3, $0x6;
	[tilespmem:s29+$0x1D7A0] =	vst v8  }
0x2c4: {  	s3 =	sadd.s32 s12, s3;
	[tilespmem:s29+$0x1D7B0] =	vst v10  }
0x2c5: {  	s3 =	sshrl.u32 s3, $0x3;
	[tilespmem:s29+$0x1D7C0] =	vst v11  }
0x2c6: {  	s3 =	smul.u32 $0xC3800, s3;
	[tilespmem:s29+$0x1D7D0] =	vst v12  }
0x2c7: {  	p0 =	sne.s32 s26, $0xD;
	[tilespmem:s29+$0x1D7E0] =	vst v13  }
.Ltmp8:
0x2c8: {  	s31 =	sor.u32 s7, s3;
	[tilespmem:s29+$0x1D7F0] =	vst v15;
	(pc) =	sbr.rel @p0 .LBB2_2-.Ltmp8, $4  }
0x2c9: {  	[hbm4b:s0+s17] =	stream.strided.scatter [tilespmem:s20], [sflag:$0x3], $0x1000, s18, s17, $0x38;
	[tilespmem:$0x1E700] =	vst v63  }
0x2ca: {  	s0 =	sshrl.u32 s31, $0x3  }
0x2cb: {  	s0 =	sadd.s32 s1, s0  }
0x2cc: {  	[tilespmem:s21], [sflag:$0x1] =	stream.strided.gather [hbm4b:s0+s17], $0x18700, s18, s17, $0x38;
	[tilespmem:$0x1E700] =	vst v63  }
0x2cd: {  	_ =	swait.ge [sflag:s23], $0x18700  }
0x2ce: {  	[sflag:s23] =	ssyncset.done $0x0  }
0x2cf: {  	s2 =	sadd.s32 $0x1, s2;
	[sflag:s23] =	ssyncadd.s32 $0xFFFE7900  }
0x2d0: {  	p0 =	sne.s32 s2, s16;
	_ =	swait.ge [sflag:s24], $0x1000  }
.Ltmp9:
0x2d1: {  	[sflag:s24] =	ssyncset.done $0x0;
	(pc) =	sbr.rel @p0 .LBB2_1-.Ltmp9, $4  }
0x2d2: {  	[sflag:s24] =	ssyncadd.s32 $0xFFFFF000  }
0x2d3: {  	_ =	swait.ge [sflag:s25], $0x1000  }
0x2d4: {  	[sflag:s25] =	ssyncset.done $0x0  }
0x2d5: {  	[sflag:s25] =	ssyncadd.s32 $0xFFFFF000  }
0x2d6: {  	_ =	sfence.sel $0x180000  }
0x2d7: {  	[bflag:$0x0] =	sbarrier.arrive $0xFFFF  }
0x2d8: {  	_ =	strace $0x9000004A  }
0x2d9: {  	s0 =	stileid.u32;
	[bflag:$0x2] =	sbarrier.arrive $0xFFFF  }
0x2da: {  	p0 =	sne.s32 s0, $0x0;
	s0 =	rddreg [dreg:$0x2]  }
0x2db: {  	s0 =	sadd.s32 @!p0 $0x100000, s0  }
0x2dc: {  	[sflag:s0] =	ssyncadd.tile.s32 @!p0 $0x1;
	_ =	shalt  }
.Lfunc_end2:
_tile_overlayer_lowered:
.L_overlay_start_2:
0x2dd: {  	(tag) =	ssettag $0x2  }
0x2de: {  	s0 =	rddreg [dreg:$0x0];
	s2 =	stileid.u32  }
0x2df: {  	s1 =	rddreg [dreg:$0x1];
	p0 =	sne.s32 s2, $0x0  }
0x2e0: {  	s3 =	rddreg [dreg:$0x2];
	[bflag:$0x3] =	sbarrier.arrive $0xFFFF;
	s2 =	simm.s32 @!p0 $0x1C04  }
0x2e1: {  	[timem:s3], [sflag:s2] =	dma.local @!p0 [hbm:s0], s1  }
0x2e2: {  	s0 =	simm.s32 @!p0 $0x4  }
0x2e3: {  	_ =	swait.ge @!p0 [sflag:s0], s1  }
0x2e4: {  	s1 =	ssub.s32 @!p0 $0x0, s1;
	[sflag:s0] =	ssyncset.done @!p0 $0x0  }
0x2e5: {  	[sflag:s0] =	ssyncadd.s32 @!p0 s1  }
0x2e6: {  	[bflag:$0x3] =	sbarrier.arrive $0xFFFF  }
0x2e7: {  	_ =	shalt  }

</sc_bundles>
